<compile_context>
chip_gen: v7x
topology: tpu7x:2x2x1
jax: 0.10.2.dev20260603
libtpu: 0.0.44.dev20260713+nightly
codegen_flags: <defaults>
</compile_context>

<pallas_src>
import functools

import jax
import jax.numpy as jnp
from jax import lax
from jax.experimental import pallas as pl
from jax.experimental.pallas import tpu as pltpu
from jax.experimental.pallas import tpu_sc as plsc

N = 10000
E_RAW = 160000
E_REAL = E_RAW + N
NUM_TILES = 16
NUM_CORES = 2
K = 128
STEPS = 84
EPT = K * STEPS
E_PAD = EPT * NUM_TILES
ACC_ROWS = 10112
DUMMY = N
DEGW = 8

_MESH = plsc.VectorSubcoreMesh(core_axis_name="c", subcore_axis_name="s")


NBUF = 2


def _edge_pipeline(table, acc, rows_hbm, cidx, iring, val, sems, steps):
    nbuf = NBUF
    groups = steps // nbuf
    isems, gsems, ssems = sems

    def fetch(g, p):
        pltpu.async_copy(rows_hbm.at[pl.ds(g * nbuf, nbuf)],
                         iring.at[p], isems[p])

    def fetch_wait(g, p):
        pltpu.make_async_copy(rows_hbm.at[pl.ds(g * nbuf, nbuf)],
                              iring.at[p], isems[p]).wait()

    def gstart(p, b):
        pltpu.async_copy(table.at[iring.at[p, b]], val.at[b], gsems[b])

    def gwait(p, b):
        pltpu.make_async_copy(table.at[iring.at[p, b]], val.at[b],
                              gsems[b]).wait()

    def sstart(b, s):
        pltpu.async_copy(val.at[b], acc.at[cidx.at[s]], ssems[b], add=True)

    def swait(b, s):
        pltpu.make_async_copy(val.at[b], acc.at[cidx.at[s]], ssems[b]).wait()

    def steady(g, p):
        pn = 1 - p
        fetch_wait(g + 1, pn)
        for b in range(nbuf):
            gwait(p, b)
            sstart(b, g * nbuf + b)
        for b in range(nbuf):
            swait(b, g * nbuf + b)
            gstart(pn, b)

        cond = g + 2 < groups
        if isinstance(cond, bool):
            if cond:
                fetch(g + 2, p)
        else:
            pl.when(cond)(lambda: fetch(g + 2, p))

    fetch(0, 0)
    fetch(1, 1)
    fetch_wait(0, 0)
    for b in range(nbuf):
        gstart(0, b)

    n_steady = groups - 1
    pairs = n_steady // 2

    def body(g2, carry):
        steady(g2 * 2, 0)
        steady(g2 * 2 + 1, 1)
        return carry

    lax.fori_loop(0, pairs, body, 0)
    for g in range(2 * pairs, n_steady):
        steady(g, g % 2)
    gl = groups - 1
    for b in range(nbuf):
        gwait(gl % 2, b)
        sstart(b, gl * nbuf + b)
    for b in range(nbuf):
        swait(b, gl * nbuf + b)


def _make_prop(C, Fc):
    CPC = C // NUM_CORES

    @functools.partial(
        pl.kernel,
        out_type=jax.ShapeDtypeStruct((C, ACC_ROWS, Fc), jnp.float32),
        mesh=_MESH,
        scratch_types=[
            pltpu.VMEM((2, NBUF, K), jnp.int32),
            pltpu.VMEM((STEPS, K), jnp.int32),
            pltpu.VMEM((NBUF, K, Fc), jnp.float32),
            pltpu.VMEM_SHARED((ACC_ROWS, Fc), jnp.float32),
            pltpu.SemaphoreType.DMA,
            pltpu.SemaphoreType.DMA,
            pltpu.SemaphoreType.DMA,
            pltpu.SemaphoreType.DMA,
            pltpu.SemaphoreType.DMA,
            pltpu.SemaphoreType.DMA,
        ],
    )
    def prop(table, rows3, cols3, zeros, out,
             iring, cidx, val, acc, i0, i1, g0, g1, sc0, sc1):
        cid = lax.axis_index("c")
        sid = lax.axis_index("s")
        sems = ((i0, i1), (g0, g1), (sc0, sc1))
        zr = ACC_ROWS // NUM_TILES
        pltpu.sync_copy(cols3.at[sid], cidx)
        for j in range(CPC):
            c = cid * CPC + j
            rows_hbm = rows3.at[c * NUM_TILES + sid]
            pltpu.sync_copy(zeros.at[pl.ds(sid * zr, zr)],
                            acc.at[pl.ds(sid * zr, zr)])
            plsc.subcore_barrier()
            _edge_pipeline(table, acc, rows_hbm, cidx, iring, val,
                           sems, STEPS)
            plsc.subcore_barrier()
            pltpu.sync_copy(acc.at[pl.ds(sid * zr, zr)],
                            out.at[c, pl.ds(sid * zr, zr)])
            plsc.subcore_barrier()

    return prop


@functools.partial(
    pl.kernel,
    out_type=jax.ShapeDtypeStruct((2, ACC_ROWS, DEGW), jnp.float32),
    mesh=_MESH,
    scratch_types=[
        pltpu.VMEM((K,), jnp.int32),
        pltpu.VMEM((K, DEGW), jnp.float32),
        pltpu.VMEM_SHARED((ACC_ROWS, DEGW), jnp.float32),
        pltpu.SemaphoreType.DMA,
    ],
)
def _deg(idx2, ones_h, zeros_h, out, cidx_v, ones_v, acc, sem):
    cid = lax.axis_index("c")
    sid = lax.axis_index("s")
    zr = ACC_ROWS // NUM_TILES
    pltpu.sync_copy(ones_h, ones_v)
    pltpu.sync_copy(zeros_h.at[pl.ds(sid * zr, zr)],
                    acc.at[pl.ds(sid * zr, zr)])
    plsc.subcore_barrier()

    def step(s, carry):
        pltpu.sync_copy(idx2.at[cid, sid, s], cidx_v)
        pltpu.sync_copy(ones_v, acc.at[cidx_v], add=True)
        return carry

    lax.fori_loop(0, STEPS, step, 0)
    plsc.subcore_barrier()
    pltpu.sync_copy(acc.at[pl.ds(sid * zr, zr)],
                    out.at[cid, pl.ds(sid * zr, zr)])


SPLIT_STEPS = STEPS // 2


@functools.partial(
    pl.kernel,
    out_type=jax.ShapeDtypeStruct((2, ACC_ROWS, DEGW), jnp.float32),
    mesh=_MESH,
    scratch_types=[
        pltpu.VMEM((SPLIT_STEPS, K), jnp.int32),
        pltpu.VMEM((SPLIT_STEPS, K), jnp.int32),
        pltpu.VMEM((2, K, DEGW), jnp.float32),
        pltpu.VMEM_SHARED((ACC_ROWS, DEGW), jnp.float32),
        pltpu.VMEM_SHARED((ACC_ROWS, DEGW), jnp.float32),
        pltpu.SemaphoreType.DMA,
        pltpu.SemaphoreType.DMA,
    ],
)
def _wsum(s8, rows_s, cols_s, zeros_h, out,
          ridx, cidx, val, acc, stab, g0, g1):
    cid = lax.axis_index("c")
    sid = lax.axis_index("s")
    zr = ACC_ROWS // NUM_TILES
    pltpu.sync_copy(zeros_h.at[pl.ds(sid * zr, zr)],
                    acc.at[pl.ds(sid * zr, zr)])
    pltpu.sync_copy(s8.at[pl.ds(sid * zr, zr)],
                    stab.at[pl.ds(sid * zr, zr)])
    w = cid * NUM_TILES + sid
    pltpu.sync_copy(rows_s.at[w], ridx)
    pltpu.sync_copy(cols_s.at[w], cidx)
    plsc.subcore_barrier()
    gsems = (g0, g1)

    def gstart(s, b):
        pltpu.async_copy(stab.at[ridx.at[s]], val.at[b], gsems[b])

    def gwait(s, b):
        pltpu.make_async_copy(stab.at[ridx.at[s]], val.at[b],
                              gsems[b]).wait()

    def scat(s, b):
        pltpu.sync_copy(val.at[b], acc.at[cidx.at[s]], add=True)

    gstart(0, 0)
    gstart(1, 1)
    pairs = SPLIT_STEPS // 2

    def body(g, carry):
        s0 = 2 * g
        gwait(s0, 0)
        scat(s0, 0)
        gstart(s0 + 2, 0)
        gwait(s0 + 1, 1)
        scat(s0 + 1, 1)
        gstart(s0 + 3, 1)
        return carry

    lax.fori_loop(0, pairs - 1, body, 0)
    sl = SPLIT_STEPS - 2
    gwait(sl, 0)
    scat(sl, 0)
    gwait(sl + 1, 1)
    scat(sl + 1, 1)
    plsc.subcore_barrier()
    pltpu.sync_copy(acc.at[pl.ds(sid * zr, zr)],
                    out.at[cid, pl.ds(sid * zr, zr)])


@functools.partial(
    pl.kernel,
    out_type=jax.ShapeDtypeStruct((2, ACC_ROWS, 128), jnp.float32),
    mesh=_MESH,
    scratch_types=[
        pltpu.VMEM((2, NBUF, K), jnp.int32),
        pltpu.VMEM((SPLIT_STEPS, K), jnp.int32),
        pltpu.VMEM((NBUF, K, 128), jnp.float32),
        pltpu.VMEM_SHARED((ACC_ROWS, 128), jnp.float32),
        pltpu.SemaphoreType.DMA,
        pltpu.SemaphoreType.DMA,
        pltpu.SemaphoreType.DMA,
        pltpu.SemaphoreType.DMA,
        pltpu.SemaphoreType.DMA,
        pltpu.SemaphoreType.DMA,
    ],
)
def _prop_split(table, rows3, cols3, zeros, out,
                iring, cidx, val, acc, i0, i1, g0, g1, sc0, sc1):
    cid = lax.axis_index("c")
    sid = lax.axis_index("s")
    zr = ACC_ROWS // NUM_TILES
    w = cid * NUM_TILES + sid
    pltpu.sync_copy(cols3.at[w], cidx)
    pltpu.sync_copy(zeros.at[pl.ds(sid * zr, zr)],
                    acc.at[pl.ds(sid * zr, zr)])
    plsc.subcore_barrier()
    _edge_pipeline(table, acc, rows3.at[w], cidx, iring, val,
                   ((i0, i1), (g0, g1), (sc0, sc1)), SPLIT_STEPS)
    plsc.subcore_barrier()
    pltpu.sync_copy(acc.at[pl.ds(sid * zr, zr)],
                    out.at[cid, pl.ds(sid * zr, zr)])


def _mm(x, Wt, b2d, dcol, drow, a2d, *, prologue):
    n, din = x.shape
    dout = Wt.shape[1]
    BN = 1000

    def body(x_ref, wt_ref, b_ref, dc_ref, dr_ref, a_ref, o_ref):
        xb = x_ref[...]
        if prologue:
            xb = xb * dc_ref[...] ** -1.5
            a = a_ref[0, 0]
            xb = jnp.where(xb >= 0, xb, a * xb)
        y = jnp.dot(xb, wt_ref[...], preferred_element_type=jnp.float32)
        y = (y + b_ref[...]) * lax.rsqrt(dr_ref[...])
        o_ref[...] = y

    return pl.pallas_call(
        body,
        grid=(n // BN,),
        in_specs=[
            pl.BlockSpec((BN, din), lambda i: (i, 0)),
            pl.BlockSpec((din, dout), lambda i: (0, 0)),
            pl.BlockSpec((1, dout), lambda i: (0, 0)),
            pl.BlockSpec((BN, 1), lambda i: (i, 0)),
            pl.BlockSpec((BN, 1), lambda i: (i, 0)),
            pl.BlockSpec((1, 1), lambda i: (0, 0)),
        ],
        out_specs=pl.BlockSpec((BN, dout), lambda i: (i, 0)),
        out_shape=jax.ShapeDtypeStruct((n, dout), jnp.float32),
    )(x, Wt, b2d, dcol, drow, a2d)


def _prep0(x, deg0):
    n, din = x.shape
    BN = 1000

    def body(x_ref, d_ref, xs_ref, s8_ref):
        s = lax.rsqrt(d_ref[...])
        xs_ref[...] = x_ref[...] * s[:, 0:1]
        s8_ref[...] = s

    return pl.pallas_call(
        body,
        grid=(n // BN,),
        in_specs=[
            pl.BlockSpec((BN, din), lambda i: (i, 0)),
            pl.BlockSpec((BN, DEGW), lambda i: (i, 0)),
        ],
        out_specs=[
            pl.BlockSpec((BN, din), lambda i: (i, 0)),
            pl.BlockSpec((BN, DEGW), lambda i: (i, 0)),
        ],
        out_shape=[
            jax.ShapeDtypeStruct((n, din), jnp.float32),
            jax.ShapeDtypeStruct((n, DEGW), jnp.float32),
        ],
    )(x, deg0)


def _mm0(xp, Wt, b2d, dcol, w2, a2d):
    n, din = xp.shape
    dout = Wt.shape[1]
    BN = 1000

    def body(x_ref, wt_ref, b_ref, dc_ref, w_ref, a_ref, o_ref):
        dc = dc_ref[...] ** -1.5
        y = jnp.dot(x_ref[...] * dc, wt_ref[...],
                    preferred_element_type=jnp.float32)
        v = (w_ref[0] + w_ref[1]) * dc
        y = y + v * b_ref[...]
        a = a_ref[0, 0]
        o_ref[...] = jnp.where(y >= 0, y, a * y)

    return pl.pallas_call(
        body,
        grid=(n // BN,),
        in_specs=[
            pl.BlockSpec((BN, din), lambda i: (i, 0)),
            pl.BlockSpec((din, dout), lambda i: (0, 0)),
            pl.BlockSpec((1, dout), lambda i: (0, 0)),
            pl.BlockSpec((BN, 1), lambda i: (i, 0)),
            pl.BlockSpec((2, BN, 1), lambda i: (0, i, 0)),
            pl.BlockSpec((1, 1), lambda i: (0, 0)),
        ],
        out_specs=pl.BlockSpec((BN, dout), lambda i: (i, 0)),
        out_shape=jax.ShapeDtypeStruct((n, dout), jnp.float32),
    )(xp, Wt, b2d, dcol, w2, a2d)


def _scale_sum(p, dcol):
    _, n, f = p.shape
    BN = 1000

    def body(p_ref, dc_ref, o_ref):
        o_ref[...] = (p_ref[0] + p_ref[1]) * dc_ref[...] ** -1.5

    return pl.pallas_call(
        body,
        grid=(n // BN,),
        in_specs=[
            pl.BlockSpec((2, BN, f), lambda i: (0, i, 0)),
            pl.BlockSpec((BN, 1), lambda i: (i, 0)),
        ],
        out_specs=pl.BlockSpec((BN, f), lambda i: (i, 0)),
        out_shape=jax.ShapeDtypeStruct((n, f), jnp.float32),
    )(p, dcol)


_prop4 = _make_prop(4, 128)
_prop2 = _make_prop(2, 128)


def _chunked(y, C, Fc):
    return y.reshape(N, C, Fc).transpose(1, 0, 2).reshape(C * N, Fc)


def _unchunk(t):
    C, _, Fc = t.shape
    return t[:, :N].transpose(1, 0, 2).reshape(N, C * Fc)


def kernel(x, edge_index, W0, b0, W1, b1, W2, b2, prelu_a):
    loop = jnp.arange(N, dtype=jnp.int32)
    row = jnp.concatenate([edge_index[0], loop])
    col = jnp.concatenate([edge_index[1], loop])
    pad = E_PAD - E_REAL
    rows_p = jnp.concatenate([row, jnp.zeros((pad,), jnp.int32)])
    cols_p = jnp.concatenate([col, jnp.full((pad,), DUMMY, jnp.int32)])
    idx2 = jnp.stack([rows_p, cols_p]).reshape(2, NUM_TILES, STEPS, K)

    degs = _deg(idx2,
                jnp.ones((K, DEGW), jnp.float32),
                jnp.zeros((ACC_ROWS, DEGW), jnp.float32))
    drow = degs[0, :N, 0:1]
    dcol = degs[1, :N, 0:1]
    a2d = prelu_a.reshape(1, 1)

    rows4 = (rows_p[None, :]
             + (jnp.arange(4, dtype=jnp.int32) * N)[:, None]
             ).reshape(4 * NUM_TILES, STEPS, K)
    rows2 = (rows_p[None, :]
             + (jnp.arange(2, dtype=jnp.int32) * N)[:, None]
             ).reshape(2 * NUM_TILES, STEPS, K)
    cols4 = cols_p.reshape(NUM_TILES, STEPS, K)
    rows_s = rows_p.reshape(2 * NUM_TILES, SPLIT_STEPS, K)
    cols_s = cols_p.reshape(2 * NUM_TILES, SPLIT_STEPS, K)
    z128 = jnp.zeros((ACC_ROWS, 128), jnp.float32)
    z8 = jnp.zeros((ACC_ROWS, DEGW), jnp.float32)

    xs, s8 = _prep0(x, degs[0, :N, :])
    s8p = jnp.pad(s8, ((0, ACC_ROWS - N), (0, 0)))
    wparts = _wsum(s8p, rows_s, cols_s, z8)
    xp = _unchunk(_prop2(_chunked(xs, 2, 128), rows2, cols4, z128))
    z0 = _mm0(xp, W0.T, b0.reshape(1, -1), dcol, wparts[:, :N, 0:1], a2d)
    y1 = _mm(z0, W1.T, b1.reshape(1, -1), dcol, drow, a2d, prologue=False)
    h1 = _unchunk(_prop4(_chunked(y1, 4, 128), rows4, cols4, z128))
    y2 = _mm(h1, W2.T, b2.reshape(1, -1), dcol, drow, a2d, prologue=True)
    y2p = jnp.pad(y2, ((0, 0), (0, 64)))
    parts = _prop_split(y2p, rows_s, cols_s, z128)
    return _scale_sum(parts[:, :N, :64], dcol)

# --- scband reference (transcript-rebuilt; emitter-appended) ---
"""Pipeline reference for scband-node-net-11828339933585 (READ-ONLY COPY).

The authoritative reference and input builder live on the scoring server;
editing this copy changes nothing except your own understanding.
"""

import jax, jax.numpy as jnp
import numpy as np

N = 10000
E = 160000
NODE_FEAT = 256
HIDDEN = 512
NUM_CLASSES = 64


def setup_inputs(seed: int = 0) -> dict:
    key = jax.random.key(seed)
    ks = jax.random.split(key, 10)
    x = jax.random.normal(ks[0], (N, NODE_FEAT), dtype=jnp.float32)
    edge_index = jax.random.randint(ks[1], (2, E), 0, N, dtype=jnp.int32)
    dims = [(NODE_FEAT, HIDDEN), (HIDDEN, HIDDEN), (HIDDEN, NUM_CLASSES)]
    inp = {"x": x, "edge_index": edge_index}
    for i, (din, dout) in enumerate(dims):
        s = 1.0 / np.sqrt(din)
        inp[f"W{i}"] = jax.random.uniform(ks[2 + 2 * i], (dout, din), minval=-s, maxval=s, dtype=jnp.float32)
        inp[f"b{i}"] = jax.random.uniform(ks[3 + 2 * i], (dout,), minval=-s, maxval=s, dtype=jnp.float32)
    inp["prelu_a"] = jnp.array(0.25, dtype=jnp.float32)
    return inp


def _gcn_conv(x, edge_index, W, b):
    n = x.shape[0]
    # add self loops
    loop = jnp.arange(n, dtype=edge_index.dtype)
    ei = jnp.concatenate([edge_index, jnp.stack([loop, loop], axis=0)], axis=1)
    # linear transform
    x = x @ W.T + b
    row, col = ei[0], ei[1]
    ones = jnp.ones(row.shape[0], dtype=x.dtype)
    col_deg = jnp.zeros(n, dtype=x.dtype).at[col].add(ones)
    row_deg = jnp.zeros(n, dtype=x.dtype).at[row].add(ones)
    norm = (row_deg ** -0.5)[row] * (col_deg ** -0.5)[col]
    msgs = norm[:, None] * x[row]
    # aggr='mean': scatter-mean onto target nodes (col)
    summed = jax.ops.segment_sum(msgs, col, num_segments=n)
    cnt = jax.ops.segment_sum(ones, col, num_segments=n)
    return summed / jnp.clip(cnt, 1.0, None)[:, None]


def reference(x, edge_index, W0, b0, W1, b1, W2, b2, prelu_a):
    layers = [(W0, b0), (W1, b1), (W2, b2)]
    h = x
    for i, (W, b) in enumerate(layers):
        h = _gcn_conv(h, edge_index, W, b)
        if i != len(layers) - 1:
            # PReLU with single learnable parameter
            h = jnp.where(h >= 0, h, prelu_a * h)
    return h

if __name__ == "__main__":
    import jax
    _d = setup_inputs()
    print(jax.jit(kernel)(*tuple(_d.values())))

</pallas_src>

<mosaic_0001>
#map = affine_map<(d0, d1) -> (0, 0, 0, 0)>
#map1 = affine_map<(d0, d1) -> (0, 0)>
#map2 = affine_map<(d0, d1) -> (0, 0, 0)>
module attributes {stable_mosaic.version = 14 : i64} {
  func.func @_deg(%arg0: i32, %arg1: i32, %arg2: memref<2x16x84x128xi32, #tpu.memory_space<hbm>>, %arg3: memref<128x8xf32, #tpu.memory_space<hbm>>, %arg4: memref<10112x8xf32, #tpu.memory_space<hbm>>, %arg5: memref<2x10112x8xf32, #tpu.memory_space<hbm>>, %arg6: memref<128xi32, #tpu.memory_space<vmem>>, %arg7: memref<128x8xf32, #tpu.memory_space<vmem>>, %arg8: memref<10112x8xf32, #tpu.memory_space<vmem_shared>>, %arg9: memref<!tpu.dma_semaphore, #tpu.memory_space<semaphore_mem>>) attributes {dimension_semantics = [#tpu.dimension_semantics<core_parallel>, #tpu.dimension_semantics<subcore_parallel>], iteration_bounds = array<i64: 2, 16>, scalar_prefetch = 0 : i64, scratch_operands = 4 : i64, tpu.core_type = #tpu.core_type<sc_vector_subcore>, window_params = [{transform_indices = #map}, {transform_indices = #map1}, {transform_indices = #map1}, {transform_indices = #map2}]} {
    "tpu.region"() ({
      %run_scoped3A = tpu.sem_alloc : memref<!tpu.dma_semaphore, #tpu.memory_space<semaphore_mem>>
      tpu.enqueue_dma source(%arg3 : memref<128x8xf32, #tpu.memory_space<hbm>>) target(%arg7 : memref<128x8xf32, #tpu.memory_space<vmem>>) target_semaphore(%run_scoped3A : memref<!tpu.dma_semaphore, #tpu.memory_space<semaphore_mem>>)
      tpu.wait_dma2 semaphore(%run_scoped3A : memref<!tpu.dma_semaphore, #tpu.memory_space<semaphore_mem>>) src(%arg3 : memref<128x8xf32, #tpu.memory_space<hbm>>) dst(%arg7 : memref<128x8xf32, #tpu.memory_space<vmem>>)
      tpu.yield
    }) : () -> ()
    %mul3A = arith.constant 632 : i32
    %mul3A_0 = arith.muli %arg1, %mul3A : i32
    %mul3A_1 = arith.constant 632 : i32
    %mul3A_2 = arith.muli %arg1, %mul3A_1 : i32
    "tpu.region"() ({
      %run_scoped3A = tpu.sem_alloc : memref<!tpu.dma_semaphore, #tpu.memory_space<semaphore_mem>>
      %dma_start3A = arith.constant 0 : i32
      %dma_start3A_13 = tpu.memref_slice %arg8[%mul3A_2, %dma_start3A] : memref<10112x8xf32, #tpu.memory_space<vmem_shared>> -> memref<632x8xf32, #tpu.memory_space<vmem_shared>>
      %dma_start3A_14 = arith.constant 0 : i32
      %dma_start3A_15 = tpu.memref_slice %arg4[%mul3A_0, %dma_start3A_14] : memref<10112x8xf32, #tpu.memory_space<hbm>> -> memref<632x8xf32, #tpu.memory_space<hbm>>
      tpu.enqueue_dma source(%dma_start3A_15 : memref<632x8xf32, #tpu.memory_space<hbm>>) target(%dma_start3A_13 : memref<632x8xf32, #tpu.memory_space<vmem_shared>>) target_semaphore(%run_scoped3A : memref<!tpu.dma_semaphore, #tpu.memory_space<semaphore_mem>>)
      %dma_wait3A = arith.constant 0 : i32
      %dma_wait3A_16 = tpu.memref_slice %arg8[%mul3A_2, %dma_wait3A] : memref<10112x8xf32, #tpu.memory_space<vmem_shared>> -> memref<632x8xf32, #tpu.memory_space<vmem_shared>>
      %dma_wait3A_17 = arith.constant 0 : i32
      %dma_wait3A_18 = tpu.memref_slice %arg4[%mul3A_0, %dma_wait3A_17] : memref<10112x8xf32, #tpu.memory_space<hbm>> -> memref<632x8xf32, #tpu.memory_space<hbm>>
      tpu.wait_dma2 semaphore(%run_scoped3A : memref<!tpu.dma_semaphore, #tpu.memory_space<semaphore_mem>>) src(%dma_wait3A_18 : memref<632x8xf32, #tpu.memory_space<hbm>>) dst(%dma_wait3A_16 : memref<632x8xf32, #tpu.memory_space<vmem_shared>>)
      tpu.yield
    }) : () -> ()
    %barrier3A = arith.constant 0 : index
    tpu.barrier barrier_id(%barrier3A)
    %scan3A = arith.constant 0 : i32
    %scan3A_3 = arith.constant 0 : i32
    %scan3A_4 = arith.constant 84 : i32
    %scan3A_5 = arith.addi %scan3A_3, %scan3A_4 : i32
    %scan3A_6 = arith.constant 1 : i32
    scf.for %scan3A_13 = %scan3A_3 to %scan3A_5 step %scan3A_6  : i32 {
      "tpu.region"() ({
        %run_scoped3A = tpu.sem_alloc : memref<!tpu.dma_semaphore, #tpu.memory_space<semaphore_mem>>
        %dma_start3A = arith.constant 0 : i32
        %dma_start3A_14 = tpu.memref_slice %arg2[%arg0, %arg1, %scan3A_13, %dma_start3A] : memref<2x16x84x128xi32, #tpu.memory_space<hbm>> -> memref<1x1x1x128xi32, #tpu.memory_space<hbm>>
        %dma_start3A_15 = tpu.memref_squeeze %dma_start3A_14 : memref<1x1x1x128xi32, #tpu.memory_space<hbm>> -> memref<128xi32, #tpu.memory_space<hbm>>
        %dma_start3A_16 = arith.constant 0 : i32
        %dma_start3A_17 = tpu.memref_slice %arg2[%arg0, %arg1, %scan3A_13, %dma_start3A_16] : memref<2x16x84x128xi32, #tpu.memory_space<hbm>> -> memref<1x1x1x128xi32, #tpu.memory_space<hbm>>
        %dma_start3A_18 = tpu.memref_squeeze %dma_start3A_17 : memref<1x1x1x128xi32, #tpu.memory_space<hbm>> -> memref<128xi32, #tpu.memory_space<hbm>>
        tpu.enqueue_dma source(%dma_start3A_18 : memref<128xi32, #tpu.memory_space<hbm>>) target(%arg6 : memref<128xi32, #tpu.memory_space<vmem>>) target_semaphore(%run_scoped3A : memref<!tpu.dma_semaphore, #tpu.memory_space<semaphore_mem>>)
        %dma_wait3A = arith.constant 0 : i32
        %dma_wait3A_19 = tpu.memref_slice %arg2[%arg0, %arg1, %scan3A_13, %dma_wait3A] : memref<2x16x84x128xi32, #tpu.memory_space<hbm>> -> memref<1x1x1x128xi32, #tpu.memory_space<hbm>>
        %dma_wait3A_20 = tpu.memref_squeeze %dma_wait3A_19 : memref<1x1x1x128xi32, #tpu.memory_space<hbm>> -> memref<128xi32, #tpu.memory_space<hbm>>
        %dma_wait3A_21 = arith.constant 0 : i32
        %dma_wait3A_22 = tpu.memref_slice %arg2[%arg0, %arg1, %scan3A_13, %dma_wait3A_21] : memref<2x16x84x128xi32, #tpu.memory_space<hbm>> -> memref<1x1x1x128xi32, #tpu.memory_space<hbm>>
        %dma_wait3A_23 = tpu.memref_squeeze %dma_wait3A_22 : memref<1x1x1x128xi32, #tpu.memory_space<hbm>> -> memref<128xi32, #tpu.memory_space<hbm>>
        tpu.wait_dma2 semaphore(%run_scoped3A : memref<!tpu.dma_semaphore, #tpu.memory_space<semaphore_mem>>) src(%dma_wait3A_23 : memref<128xi32, #tpu.memory_space<hbm>>) dst(%arg6 : memref<128xi32, #tpu.memory_space<vmem>>)
        tpu.yield
      }) : () -> ()
      "tpu.region"() ({
        %run_scoped3A = tpu.sem_alloc : memref<!tpu.dma_semaphore, #tpu.memory_space<semaphore_mem>>
        %dma_start3A = arith.constant 0 : i32
        %dma_start3A_14 = arith.constant 0 : i32
        %dma_start3A_15 = tpu.memref_slice %arg8[%dma_start3A, %dma_start3A_14] : memref<10112x8xf32, #tpu.memory_space<vmem_shared>> -> memref<10112x8xf32, #tpu.memory_space<vmem_shared>>
        tpu.enqueue_indirect_dma source(%arg7 : memref<128x8xf32, #tpu.memory_space<vmem>>) target(%dma_start3A_15 : memref<10112x8xf32, #tpu.memory_space<vmem_shared>>) offsets(%arg6 : memref<128xi32, #tpu.memory_space<vmem>>) semaphore(%run_scoped3A : memref<!tpu.dma_semaphore, #tpu.memory_space<semaphore_mem>>) {add = true}
        %dma_wait3A = arith.constant 0 : i32
        %dma_wait3A_16 = arith.constant 0 : i32
        %dma_wait3A_17 = tpu.memref_slice %arg8[%dma_wait3A, %dma_wait3A_16] : memref<10112x8xf32, #tpu.memory_space<vmem_shared>> -> memref<10112x8xf32, #tpu.memory_space<vmem_shared>>
        tpu.wait_indirect_dma semaphore(%run_scoped3A : memref<!tpu.dma_semaphore, #tpu.memory_space<semaphore_mem>>) src(%arg7 : memref<128x8xf32, #tpu.memory_space<vmem>>) dst(%dma_wait3A_17 : memref<10112x8xf32, #tpu.memory_space<vmem_shared>>)
        tpu.yield
      }) : () -> ()
    }
    %scan3A_7 = arith.constant 84 : i32
    %barrier3A_8 = arith.constant 0 : index
    tpu.barrier barrier_id(%barrier3A_8)
    %mul3A_9 = arith.constant 632 : i32
    %mul3A_10 = arith.muli %arg1, %mul3A_9 : i32
    %mul3A_11 = arith.constant 632 : i32
    %mul3A_12 = arith.muli %arg1, %mul3A_11 : i32
    "tpu.region"() ({
      %run_scoped3A = tpu.sem_alloc : memref<!tpu.dma_semaphore, #tpu.memory_space<semaphore_mem>>
      %dma_start3A = arith.constant 0 : i32
      %dma_start3A_13 = tpu.memref_slice %arg5[%arg0, %mul3A_12, %dma_start3A] : memref<2x10112x8xf32, #tpu.memory_space<hbm>> -> memref<1x632x8xf32, #tpu.memory_space<hbm>>
      %dma_start3A_14 = tpu.memref_squeeze %dma_start3A_13 : memref<1x632x8xf32, #tpu.memory_space<hbm>> -> memref<632x8xf32, #tpu.memory_space<hbm>>
      %dma_start3A_15 = arith.constant 0 : i32
      %dma_start3A_16 = tpu.memref_slice %arg8[%mul3A_10, %dma_start3A_15] : memref<10112x8xf32, #tpu.memory_space<vmem_shared>> -> memref<632x8xf32, #tpu.memory_space<vmem_shared>>
      tpu.enqueue_dma source(%dma_start3A_16 : memref<632x8xf32, #tpu.memory_space<vmem_shared>>) target(%dma_start3A_14 : memref<632x8xf32, #tpu.memory_space<hbm>>) target_semaphore(%run_scoped3A : memref<!tpu.dma_semaphore, #tpu.memory_space<semaphore_mem>>)
      %dma_wait3A = arith.constant 0 : i32
      %dma_wait3A_17 = tpu.memref_slice %arg5[%arg0, %mul3A_12, %dma_wait3A] : memref<2x10112x8xf32, #tpu.memory_space<hbm>> -> memref<1x632x8xf32, #tpu.memory_space<hbm>>
      %dma_wait3A_18 = tpu.memref_squeeze %dma_wait3A_17 : memref<1x632x8xf32, #tpu.memory_space<hbm>> -> memref<632x8xf32, #tpu.memory_space<hbm>>
      %dma_wait3A_19 = arith.constant 0 : i32
      %dma_wait3A_20 = tpu.memref_slice %arg8[%mul3A_10, %dma_wait3A_19] : memref<10112x8xf32, #tpu.memory_space<vmem_shared>> -> memref<632x8xf32, #tpu.memory_space<vmem_shared>>
      tpu.wait_dma2 semaphore(%run_scoped3A : memref<!tpu.dma_semaphore, #tpu.memory_space<semaphore_mem>>) src(%dma_wait3A_20 : memref<632x8xf32, #tpu.memory_space<vmem_shared>>) dst(%dma_wait3A_18 : memref<632x8xf32, #tpu.memory_space<hbm>>)
      tpu.yield
    }) : () -> ()
    return
  }
}

#map = affine_map<(d0, d1) -> (0, 0)>
#map1 = affine_map<(d0, d1) -> (0, 0, 0)>
module attributes {stable_mosaic.version = 14 : i64} {
  func.func @prop(%arg0: i32, %arg1: i32, %arg2: memref<20000x128xf32, #tpu.memory_space<hbm>>, %arg3: memref<32x84x128xi32, #tpu.memory_space<hbm>>, %arg4: memref<16x84x128xi32, #tpu.memory_space<hbm>>, %arg5: memref<10112x128xf32, #tpu.memory_space<hbm>>, %arg6: memref<2x10112x128xf32, #tpu.memory_space<hbm>>, %arg7: memref<2x2x128xi32, #tpu.memory_space<vmem>>, %arg8: memref<84x128xi32, #tpu.memory_space<vmem>>, %arg9: memref<2x128x128xf32, #tpu.memory_space<vmem>>, %arg10: memref<10112x128xf32, #tpu.memory_space<vmem_shared>>, %arg11: memref<!tpu.dma_semaphore, #tpu.memory_space<semaphore_mem>>, %arg12: memref<!tpu.dma_semaphore, #tpu.memory_space<semaphore_mem>>, %arg13: memref<!tpu.dma_semaphore, #tpu.memory_space<semaphore_mem>>, %arg14: memref<!tpu.dma_semaphore, #tpu.memory_space<semaphore_mem>>, %arg15: memref<!tpu.dma_semaphore, #tpu.memory_space<semaphore_mem>>, %arg16: memref<!tpu.dma_semaphore, #tpu.memory_space<semaphore_mem>>) attributes {dimension_semantics = [#tpu.dimension_semantics<core_parallel>, #tpu.dimension_semantics<subcore_parallel>], iteration_bounds = array<i64: 2, 16>, scalar_prefetch = 0 : i64, scratch_operands = 10 : i64, tpu.core_type = #tpu.core_type<sc_vector_subcore>, window_params = [{transform_indices = #map}, {transform_indices = #map1}, {transform_indices = #map1}, {transform_indices = #map}, {transform_indices = #map1}]} {
    "tpu.region"() ({
      %run_scoped3A = tpu.sem_alloc : memref<!tpu.dma_semaphore, #tpu.memory_space<semaphore_mem>>
      %dma_start3A_310 = arith.constant 0 : i32
      %dma_start3A_311 = arith.constant 0 : i32
      %dma_start3A_312 = tpu.memref_slice %arg4[%arg1, %dma_start3A_310, %dma_start3A_311] : memref<16x84x128xi32, #tpu.memory_space<hbm>> -> memref<1x84x128xi32, #tpu.memory_space<hbm>>
      %dma_start3A_313 = tpu.memref_squeeze %dma_start3A_312 : memref<1x84x128xi32, #tpu.memory_space<hbm>> -> memref<84x128xi32, #tpu.memory_space<hbm>>
      %dma_start3A_314 = arith.constant 0 : i32
      %dma_start3A_315 = arith.constant 0 : i32
      %dma_start3A_316 = tpu.memref_slice %arg4[%arg1, %dma_start3A_314, %dma_start3A_315] : memref<16x84x128xi32, #tpu.memory_space<hbm>> -> memref<1x84x128xi32, #tpu.memory_space<hbm>>
      %dma_start3A_317 = tpu.memref_squeeze %dma_start3A_316 : memref<1x84x128xi32, #tpu.memory_space<hbm>> -> memref<84x128xi32, #tpu.memory_space<hbm>>
      tpu.enqueue_dma source(%dma_start3A_317 : memref<84x128xi32, #tpu.memory_space<hbm>>) target(%arg8 : memref<84x128xi32, #tpu.memory_space<vmem>>) target_semaphore(%run_scoped3A : memref<!tpu.dma_semaphore, #tpu.memory_space<semaphore_mem>>)
      %dma_wait3A_318 = arith.constant 0 : i32
      %dma_wait3A_319 = arith.constant 0 : i32
      %dma_wait3A_320 = tpu.memref_slice %arg4[%arg1, %dma_wait3A_318, %dma_wait3A_319] : memref<16x84x128xi32, #tpu.memory_space<hbm>> -> memref<1x84x128xi32, #tpu.memory_space<hbm>>
      %dma_wait3A_321 = tpu.memref_squeeze %dma_wait3A_320 : memref<1x84x128xi32, #tpu.memory_space<hbm>> -> memref<84x128xi32, #tpu.memory_space<hbm>>
      %dma_wait3A_322 = arith.constant 0 : i32
      %dma_wait3A_323 = arith.constant 0 : i32
      %dma_wait3A_324 = tpu.memref_slice %arg4[%arg1, %dma_wait3A_322, %dma_wait3A_323] : memref<16x84x128xi32, #tpu.memory_space<hbm>> -> memref<1x84x128xi32, #tpu.memory_space<hbm>>
      %dma_wait3A_325 = tpu.memref_squeeze %dma_wait3A_324 : memref<1x84x128xi32, #tpu.memory_space<hbm>> -> memref<84x128xi32, #tpu.memory_space<hbm>>
      tpu.wait_dma2 semaphore(%run_scoped3A : memref<!tpu.dma_semaphore, #tpu.memory_space<semaphore_mem>>) src(%dma_wait3A_325 : memref<84x128xi32, #tpu.memory_space<hbm>>) dst(%arg8 : memref<84x128xi32, #tpu.memory_space<vmem>>)
      tpu.yield
    }) : () -> ()
    %mul3A = arith.constant 1 : i32
    %mul3A_0 = arith.muli %arg0, %mul3A : i32
    %add3A = arith.constant 0 : i32
    %add3A_1 = arith.addi %mul3A_0, %add3A : i32
    %mul3A_2 = arith.constant 16 : i32
    %mul3A_3 = arith.muli %add3A_1, %mul3A_2 : i32
    %add3A_4 = arith.addi %mul3A_3, %arg1 : i32
    %mul3A_5 = arith.constant 632 : i32
    %mul3A_6 = arith.muli %arg1, %mul3A_5 : i32
    %mul3A_7 = arith.constant 632 : i32
    %mul3A_8 = arith.muli %arg1, %mul3A_7 : i32
    "tpu.region"() ({
      %run_scoped3A = tpu.sem_alloc : memref<!tpu.dma_semaphore, #tpu.memory_space<semaphore_mem>>
      %dma_start3A_310 = arith.constant 0 : i32
      %dma_start3A_311 = tpu.memref_slice %arg10[%mul3A_8, %dma_start3A_310] : memref<10112x128xf32, #tpu.memory_space<vmem_shared>> -> memref<632x128xf32, #tpu.memory_space<vmem_shared>>
      %dma_start3A_312 = arith.constant 0 : i32
      %dma_start3A_313 = tpu.memref_slice %arg5[%mul3A_6, %dma_start3A_312] : memref<10112x128xf32, #tpu.memory_space<hbm>> -> memref<632x128xf32, #tpu.memory_space<hbm>>
      tpu.enqueue_dma source(%dma_start3A_313 : memref<632x128xf32, #tpu.memory_space<hbm>>) target(%dma_start3A_311 : memref<632x128xf32, #tpu.memory_space<vmem_shared>>) target_semaphore(%run_scoped3A : memref<!tpu.dma_semaphore, #tpu.memory_space<semaphore_mem>>)
      %dma_wait3A_314 = arith.constant 0 : i32
      %dma_wait3A_315 = tpu.memref_slice %arg10[%mul3A_8, %dma_wait3A_314] : memref<10112x128xf32, #tpu.memory_space<vmem_shared>> -> memref<632x128xf32, #tpu.memory_space<vmem_shared>>
      %dma_wait3A_316 = arith.constant 0 : i32
      %dma_wait3A_317 = tpu.memref_slice %arg5[%mul3A_6, %dma_wait3A_316] : memref<10112x128xf32, #tpu.memory_space<hbm>> -> memref<632x128xf32, #tpu.memory_space<hbm>>
      tpu.wait_dma2 semaphore(%run_scoped3A : memref<!tpu.dma_semaphore, #tpu.memory_space<semaphore_mem>>) src(%dma_wait3A_317 : memref<632x128xf32, #tpu.memory_space<hbm>>) dst(%dma_wait3A_315 : memref<632x128xf32, #tpu.memory_space<vmem_shared>>)
      tpu.yield
    }) : () -> ()
    %barrier3A = arith.constant 0 : index
    tpu.barrier barrier_id(%barrier3A)
    %dma_start3A = arith.constant 0 : i32
    %dma_start3A_9 = arith.constant 0 : i32
    %dma_start3A_10 = arith.constant 0 : i32
    %dma_start3A_11 = tpu.memref_slice %arg7[%dma_start3A, %dma_start3A_9, %dma_start3A_10] : memref<2x2x128xi32, #tpu.memory_space<vmem>> -> memref<1x2x128xi32, #tpu.memory_space<vmem>>
    %dma_start3A_12 = tpu.memref_squeeze %dma_start3A_11 : memref<1x2x128xi32, #tpu.memory_space<vmem>> -> memref<2x128xi32, #tpu.memory_space<vmem>>
    %dma_start3A_13 = arith.constant 0 : i32
    %dma_start3A_14 = arith.constant 0 : i32
    %dma_start3A_15 = tpu.memref_slice %arg3[%add3A_4, %dma_start3A_13, %dma_start3A_14] : memref<32x84x128xi32, #tpu.memory_space<hbm>> -> memref<1x84x128xi32, #tpu.memory_space<hbm>>
    %dma_start3A_16 = tpu.memref_squeeze %dma_start3A_15 : memref<1x84x128xi32, #tpu.memory_space<hbm>> -> memref<84x128xi32, #tpu.memory_space<hbm>>
    %dma_start3A_17 = arith.constant 0 : i32
    %dma_start3A_18 = arith.constant 0 : i32
    %dma_start3A_19 = tpu.memref_slice %dma_start3A_16[%dma_start3A_17, %dma_start3A_18] : memref<84x128xi32, #tpu.memory_space<hbm>> -> memref<2x128xi32, #tpu.memory_space<hbm>>
    %dma_start3A_20 = arith.constant 0 : i32
    %dma_start3A_21 = arith.constant 0 : i32
    %dma_start3A_22 = tpu.memref_slice %arg7[%dma_start3A, %dma_start3A_20, %dma_start3A_21] : memref<2x2x128xi32, #tpu.memory_space<vmem>> -> memref<1x2x128xi32, #tpu.memory_space<vmem>>
    %dma_start3A_23 = tpu.memref_squeeze %dma_start3A_22 : memref<1x2x128xi32, #tpu.memory_space<vmem>> -> memref<2x128xi32, #tpu.memory_space<vmem>>
    %dma_start3A_24 = arith.constant 0 : i32
    %dma_start3A_25 = arith.constant 0 : i32
    %dma_start3A_26 = tpu.memref_slice %arg3[%add3A_4, %dma_start3A_24, %dma_start3A_25] : memref<32x84x128xi32, #tpu.memory_space<hbm>> -> memref<1x84x128xi32, #tpu.memory_space<hbm>>
    %dma_start3A_27 = tpu.memref_squeeze %dma_start3A_26 : memref<1x84x128xi32, #tpu.memory_space<hbm>> -> memref<84x128xi32, #tpu.memory_space<hbm>>
    %dma_start3A_28 = arith.constant 0 : i32
    %dma_start3A_29 = arith.constant 0 : i32
    %dma_start3A_30 = tpu.memref_slice %dma_start3A_27[%dma_start3A_28, %dma_start3A_29] : memref<84x128xi32, #tpu.memory_space<hbm>> -> memref<2x128xi32, #tpu.memory_space<hbm>>
    tpu.enqueue_dma source(%dma_start3A_30 : memref<2x128xi32, #tpu.memory_space<hbm>>) target(%dma_start3A_23 : memref<2x128xi32, #tpu.memory_space<vmem>>) target_semaphore(%arg11 : memref<!tpu.dma_semaphore, #tpu.memory_space<semaphore_mem>>)
    %dma_start3A_31 = arith.constant 1 : i32
    %dma_start3A_32 = arith.constant 0 : i32
    %dma_start3A_33 = arith.constant 0 : i32
    %dma_start3A_34 = tpu.memref_slice %arg7[%dma_start3A_31, %dma_start3A_32, %dma_start3A_33] : memref<2x2x128xi32, #tpu.memory_space<vmem>> -> memref<1x2x128xi32, #tpu.memory_space<vmem>>
    %dma_start3A_35 = tpu.memref_squeeze %dma_start3A_34 : memref<1x2x128xi32, #tpu.memory_space<vmem>> -> memref<2x128xi32, #tpu.memory_space<vmem>>
    %dma_start3A_36 = arith.constant 0 : i32
    %dma_start3A_37 = arith.constant 0 : i32
    %dma_start3A_38 = tpu.memref_slice %arg3[%add3A_4, %dma_start3A_36, %dma_start3A_37] : memref<32x84x128xi32, #tpu.memory_space<hbm>> -> memref<1x84x128xi32, #tpu.memory_space<hbm>>
    %dma_start3A_39 = tpu.memref_squeeze %dma_start3A_38 : memref<1x84x128xi32, #tpu.memory_space<hbm>> -> memref<84x128xi32, #tpu.memory_space<hbm>>
    %dma_start3A_40 = arith.constant 2 : i32
    %dma_start3A_41 = arith.constant 0 : i32
    %dma_start3A_42 = tpu.memref_slice %dma_start3A_39[%dma_start3A_40, %dma_start3A_41] : memref<84x128xi32, #tpu.memory_space<hbm>> -> memref<2x128xi32, #tpu.memory_space<hbm>>
    %dma_start3A_43 = arith.constant 0 : i32
    %dma_start3A_44 = arith.constant 0 : i32
    %dma_start3A_45 = tpu.memref_slice %arg7[%dma_start3A_31, %dma_start3A_43, %dma_start3A_44] : memref<2x2x128xi32, #tpu.memory_space<vmem>> -> memref<1x2x128xi32, #tpu.memory_space<vmem>>
    %dma_start3A_46 = tpu.memref_squeeze %dma_start3A_45 : memref<1x2x128xi32, #tpu.memory_space<vmem>> -> memref<2x128xi32, #tpu.memory_space<vmem>>
    %dma_start3A_47 = arith.constant 0 : i32
    %dma_start3A_48 = arith.constant 0 : i32
    %dma_start3A_49 = tpu.memref_slice %arg3[%add3A_4, %dma_start3A_47, %dma_start3A_48] : memref<32x84x128xi32, #tpu.memory_space<hbm>> -> memref<1x84x128xi32, #tpu.memory_space<hbm>>
    %dma_start3A_50 = tpu.memref_squeeze %dma_start3A_49 : memref<1x84x128xi32, #tpu.memory_space<hbm>> -> memref<84x128xi32, #tpu.memory_space<hbm>>
    %dma_start3A_51 = arith.constant 2 : i32
    %dma_start3A_52 = arith.constant 0 : i32
    %dma_start3A_53 = tpu.memref_slice %dma_start3A_50[%dma_start3A_51, %dma_start3A_52] : memref<84x128xi32, #tpu.memory_space<hbm>> -> memref<2x128xi32, #tpu.memory_space<hbm>>
    tpu.enqueue_dma source(%dma_start3A_53 : memref<2x128xi32, #tpu.memory_space<hbm>>) target(%dma_start3A_46 : memref<2x128xi32, #tpu.memory_space<vmem>>) target_semaphore(%arg12 : memref<!tpu.dma_semaphore, #tpu.memory_space<semaphore_mem>>)
    %dma_wait3A = arith.constant 0 : i32
    %dma_wait3A_54 = arith.constant 0 : i32
    %dma_wait3A_55 = arith.constant 0 : i32
    %dma_wait3A_56 = tpu.memref_slice %arg7[%dma_wait3A, %dma_wait3A_54, %dma_wait3A_55] : memref<2x2x128xi32, #tpu.memory_space<vmem>> -> memref<1x2x128xi32, #tpu.memory_space<vmem>>
    %dma_wait3A_57 = tpu.memref_squeeze %dma_wait3A_56 : memref<1x2x128xi32, #tpu.memory_space<vmem>> -> memref<2x128xi32, #tpu.memory_space<vmem>>
    %dma_wait3A_58 = arith.constant 0 : i32
    %dma_wait3A_59 = arith.constant 0 : i32
    %dma_wait3A_60 = tpu.memref_slice %arg3[%add3A_4, %dma_wait3A_58, %dma_wait3A_59] : memref<32x84x128xi32, #tpu.memory_space<hbm>> -> memref<1x84x128xi32, #tpu.memory_space<hbm>>
    %dma_wait3A_61 = tpu.memref_squeeze %dma_wait3A_60 : memref<1x84x128xi32, #tpu.memory_space<hbm>> -> memref<84x128xi32, #tpu.memory_space<hbm>>
    %dma_wait3A_62 = arith.constant 0 : i32
    %dma_wait3A_63 = arith.constant 0 : i32
    %dma_wait3A_64 = tpu.memref_slice %dma_wait3A_61[%dma_wait3A_62, %dma_wait3A_63] : memref<84x128xi32, #tpu.memory_space<hbm>> -> memref<2x128xi32, #tpu.memory_space<hbm>>
    %dma_wait3A_65 = arith.constant 0 : i32
    %dma_wait3A_66 = arith.constant 0 : i32
    %dma_wait3A_67 = tpu.memref_slice %arg7[%dma_wait3A, %dma_wait3A_65, %dma_wait3A_66] : memref<2x2x128xi32, #tpu.memory_space<vmem>> -> memref<1x2x128xi32, #tpu.memory_space<vmem>>
    %dma_wait3A_68 = tpu.memref_squeeze %dma_wait3A_67 : memref<1x2x128xi32, #tpu.memory_space<vmem>> -> memref<2x128xi32, #tpu.memory_space<vmem>>
    %dma_wait3A_69 = arith.constant 0 : i32
    %dma_wait3A_70 = arith.constant 0 : i32
    %dma_wait3A_71 = tpu.memref_slice %arg3[%add3A_4, %dma_wait3A_69, %dma_wait3A_70] : memref<32x84x128xi32, #tpu.memory_space<hbm>> -> memref<1x84x128xi32, #tpu.memory_space<hbm>>
    %dma_wait3A_72 = tpu.memref_squeeze %dma_wait3A_71 : memref<1x84x128xi32, #tpu.memory_space<hbm>> -> memref<84x128xi32, #tpu.memory_space<hbm>>
    %dma_wait3A_73 = arith.constant 0 : i32
    %dma_wait3A_74 = arith.constant 0 : i32
    %dma_wait3A_75 = tpu.memref_slice %dma_wait3A_72[%dma_wait3A_73, %dma_wait3A_74] : memref<84x128xi32, #tpu.memory_space<hbm>> -> memref<2x128xi32, #tpu.memory_space<hbm>>
    tpu.wait_dma2 semaphore(%arg11 : memref<!tpu.dma_semaphore, #tpu.memory_space<semaphore_mem>>) src(%dma_wait3A_75 : memref<2x128xi32, #tpu.memory_space<hbm>>) dst(%dma_wait3A_68 : memref<2x128xi32, #tpu.memory_space<vmem>>)
    %dma_start3A_76 = arith.constant 0 : i32
    %dma_start3A_77 = arith.constant 0 : i32
    %dma_start3A_78 = arith.constant 0 : i32
    %dma_start3A_79 = arith.constant 0 : i32
    %dma_start3A_80 = arith.constant 0 : i32
    %dma_start3A_81 = tpu.memref_slice %arg9[%dma_start3A_78, %dma_start3A_79, %dma_start3A_80] : memref<2x128x128xf32, #tpu.memory_space<vmem>> -> memref<1x128x128xf32, #tpu.memory_space<vmem>>
    %dma_start3A_82 = tpu.memref_squeeze %dma_start3A_81 : memref<1x128x128xf32, #tpu.memory_space<vmem>> -> memref<128x128xf32, #tpu.memory_space<vmem>>
    %dma_start3A_83 = arith.constant 0 : i32
    %dma_start3A_84 = tpu.memref_slice %arg7[%dma_start3A_76, %dma_start3A_77, %dma_start3A_83] : memref<2x2x128xi32, #tpu.memory_space<vmem>> -> memref<1x1x128xi32, #tpu.memory_space<vmem>>
    %dma_start3A_85 = tpu.memref_squeeze %dma_start3A_84 : memref<1x1x128xi32, #tpu.memory_space<vmem>> -> memref<128xi32, #tpu.memory_space<vmem>>
    %dma_start3A_86 = arith.constant 0 : i32
    %dma_start3A_87 = arith.constant 0 : i32
    %dma_start3A_88 = tpu.memref_slice %arg2[%dma_start3A_86, %dma_start3A_87] : memref<20000x128xf32, #tpu.memory_space<hbm>> -> memref<20000x128xf32, #tpu.memory_space<hbm>>
    tpu.enqueue_indirect_dma source(%dma_start3A_88 : memref<20000x128xf32, #tpu.memory_space<hbm>>) target(%dma_start3A_82 : memref<128x128xf32, #tpu.memory_space<vmem>>) offsets(%dma_start3A_85 : memref<128xi32, #tpu.memory_space<vmem>>) semaphore(%arg13 : memref<!tpu.dma_semaphore, #tpu.memory_space<semaphore_mem>>)
    %dma_start3A_89 = arith.constant 0 : i32
    %dma_start3A_90 = arith.constant 1 : i32
    %dma_start3A_91 = arith.constant 1 : i32
    %dma_start3A_92 = arith.constant 0 : i32
    %dma_start3A_93 = arith.constant 0 : i32
    %dma_start3A_94 = tpu.memref_slice %arg9[%dma_start3A_91, %dma_start3A_92, %dma_start3A_93] : memref<2x128x128xf32, #tpu.memory_space<vmem>> -> memref<1x128x128xf32, #tpu.memory_space<vmem>>
    %dma_start3A_95 = tpu.memref_squeeze %dma_start3A_94 : memref<1x128x128xf32, #tpu.memory_space<vmem>> -> memref<128x128xf32, #tpu.memory_space<vmem>>
    %dma_start3A_96 = arith.constant 0 : i32
    %dma_start3A_97 = tpu.memref_slice %arg7[%dma_start3A_89, %dma_start3A_90, %dma_start3A_96] : memref<2x2x128xi32, #tpu.memory_space<vmem>> -> memref<1x1x128xi32, #tpu.memory_space<vmem>>
    %dma_start3A_98 = tpu.memref_squeeze %dma_start3A_97 : memref<1x1x128xi32, #tpu.memory_space<vmem>> -> memref<128xi32, #tpu.memory_space<vmem>>
    %dma_start3A_99 = arith.constant 0 : i32
    %dma_start3A_100 = arith.constant 0 : i32
    %dma_start3A_101 = tpu.memref_slice %arg2[%dma_start3A_99, %dma_start3A_100] : memref<20000x128xf32, #tpu.memory_space<hbm>> -> memref<20000x128xf32, #tpu.memory_space<hbm>>
    tpu.enqueue_indirect_dma source(%dma_start3A_101 : memref<20000x128xf32, #tpu.memory_space<hbm>>) target(%dma_start3A_95 : memref<128x128xf32, #tpu.memory_space<vmem>>) offsets(%dma_start3A_98 : memref<128xi32, #tpu.memory_space<vmem>>) semaphore(%arg14 : memref<!tpu.dma_semaphore, #tpu.memory_space<semaphore_mem>>)
    %scan3A = arith.constant 0 : i32
    %scan3A_102 = arith.constant 0 : i32
    %scan3A_103 = arith.constant 20 : i32
    %scan3A_104 = arith.addi %scan3A_102, %scan3A_103 : i32
    %scan3A_105 = arith.constant 1 : i32
    scf.for %scan3A_310 = %scan3A_102 to %scan3A_104 step %scan3A_105  : i32 {
      %mul3A_311 = arith.constant 2 : i32
      %mul3A_312 = arith.muli %scan3A_310, %mul3A_311 : i32
      %add3A_313 = arith.constant 1 : i32
      %add3A_314 = arith.addi %mul3A_312, %add3A_313 : i32
      %mul3A_315 = arith.constant 2 : i32
      %mul3A_316 = arith.muli %add3A_314, %mul3A_315 : i32
      %dma_wait3A_317 = arith.constant 1 : i32
      %dma_wait3A_318 = arith.constant 0 : i32
      %dma_wait3A_319 = arith.constant 0 : i32
      %dma_wait3A_320 = tpu.memref_slice %arg7[%dma_wait3A_317, %dma_wait3A_318, %dma_wait3A_319] : memref<2x2x128xi32, #tpu.memory_space<vmem>> -> memref<1x2x128xi32, #tpu.memory_space<vmem>>
      %dma_wait3A_321 = tpu.memref_squeeze %dma_wait3A_320 : memref<1x2x128xi32, #tpu.memory_space<vmem>> -> memref<2x128xi32, #tpu.memory_space<vmem>>
      %dma_wait3A_322 = arith.constant 0 : i32
      %dma_wait3A_323 = arith.constant 0 : i32
      %dma_wait3A_324 = tpu.memref_slice %arg3[%add3A_4, %dma_wait3A_322, %dma_wait3A_323] : memref<32x84x128xi32, #tpu.memory_space<hbm>> -> memref<1x84x128xi32, #tpu.memory_space<hbm>>
      %dma_wait3A_325 = tpu.memref_squeeze %dma_wait3A_324 : memref<1x84x128xi32, #tpu.memory_space<hbm>> -> memref<84x128xi32, #tpu.memory_space<hbm>>
      %dma_wait3A_326 = arith.constant 0 : i32
      %dma_wait3A_327 = tpu.memref_slice %dma_wait3A_325[%mul3A_316, %dma_wait3A_326] : memref<84x128xi32, #tpu.memory_space<hbm>> -> memref<2x128xi32, #tpu.memory_space<hbm>>
      %dma_wait3A_328 = arith.constant 0 : i32
      %dma_wait3A_329 = arith.constant 0 : i32
      %dma_wait3A_330 = tpu.memref_slice %arg7[%dma_wait3A_317, %dma_wait3A_328, %dma_wait3A_329] : memref<2x2x128xi32, #tpu.memory_space<vmem>> -> memref<1x2x128xi32, #tpu.memory_space<vmem>>
      %dma_wait3A_331 = tpu.memref_squeeze %dma_wait3A_330 : memref<1x2x128xi32, #tpu.memory_space<vmem>> -> memref<2x128xi32, #tpu.memory_space<vmem>>
      %dma_wait3A_332 = arith.constant 0 : i32
      %dma_wait3A_333 = arith.constant 0 : i32
      %dma_wait3A_334 = tpu.memref_slice %arg3[%add3A_4, %dma_wait3A_332, %dma_wait3A_333] : memref<32x84x128xi32, #tpu.memory_space<hbm>> -> memref<1x84x128xi32, #tpu.memory_space<hbm>>
      %dma_wait3A_335 = tpu.memref_squeeze %dma_wait3A_334 : memref<1x84x128xi32, #tpu.memory_space<hbm>> -> memref<84x128xi32, #tpu.memory_space<hbm>>
      %dma_wait3A_336 = arith.constant 0 : i32
      %dma_wait3A_337 = tpu.memref_slice %dma_wait3A_335[%mul3A_316, %dma_wait3A_336] : memref<84x128xi32, #tpu.memory_space<hbm>> -> memref<2x128xi32, #tpu.memory_space<hbm>>
      tpu.wait_dma2 semaphore(%arg12 : memref<!tpu.dma_semaphore, #tpu.memory_space<semaphore_mem>>) src(%dma_wait3A_337 : memref<2x128xi32, #tpu.memory_space<hbm>>) dst(%dma_wait3A_331 : memref<2x128xi32, #tpu.memory_space<vmem>>)
      %dma_wait3A_338 = arith.constant 0 : i32
      %dma_wait3A_339 = arith.constant 0 : i32
      %dma_wait3A_340 = arith.constant 0 : i32
      %dma_wait3A_341 = arith.constant 0 : i32
      %dma_wait3A_342 = arith.constant 0 : i32
      %dma_wait3A_343 = tpu.memref_slice %arg9[%dma_wait3A_340, %dma_wait3A_341, %dma_wait3A_342] : memref<2x128x128xf32, #tpu.memory_space<vmem>> -> memref<1x128x128xf32, #tpu.memory_space<vmem>>
      %dma_wait3A_344 = tpu.memref_squeeze %dma_wait3A_343 : memref<1x128x128xf32, #tpu.memory_space<vmem>> -> memref<128x128xf32, #tpu.memory_space<vmem>>
      %dma_wait3A_345 = arith.constant 0 : i32
      %dma_wait3A_346 = tpu.memref_slice %arg7[%dma_wait3A_338, %dma_wait3A_339, %dma_wait3A_345] : memref<2x2x128xi32, #tpu.memory_space<vmem>> -> memref<1x1x128xi32, #tpu.memory_space<vmem>>
      %dma_wait3A_347 = tpu.memref_squeeze %dma_wait3A_346 : memref<1x1x128xi32, #tpu.memory_space<vmem>> -> memref<128xi32, #tpu.memory_space<vmem>>
      %dma_wait3A_348 = arith.constant 0 : i32
      %dma_wait3A_349 = arith.constant 0 : i32
      %dma_wait3A_350 = tpu.memref_slice %arg2[%dma_wait3A_348, %dma_wait3A_349] : memref<20000x128xf32, #tpu.memory_space<hbm>> -> memref<20000x128xf32, #tpu.memory_space<hbm>>
      tpu.wait_indirect_dma semaphore(%arg13 : memref<!tpu.dma_semaphore, #tpu.memory_space<semaphore_mem>>) src(%dma_wait3A_350 : memref<20000x128xf32, #tpu.memory_space<hbm>>) dst(%dma_wait3A_344 : memref<128x128xf32, #tpu.memory_space<vmem>>)
      %mul3A_351 = arith.constant 2 : i32
      %mul3A_352 = arith.muli %mul3A_312, %mul3A_351 : i32
      %add3A_353 = arith.constant 0 : i32
      %add3A_354 = arith.addi %mul3A_352, %add3A_353 : i32
      %dma_start3A_355 = arith.constant 0 : i32
      %dma_start3A_356 = arith.constant 0 : i32
      %dma_start3A_357 = arith.constant 0 : i32
      %dma_start3A_358 = tpu.memref_slice %arg9[%dma_start3A_355, %dma_start3A_356, %dma_start3A_357] : memref<2x128x128xf32, #tpu.memory_space<vmem>> -> memref<1x128x128xf32, #tpu.memory_space<vmem>>
      %dma_start3A_359 = tpu.memref_squeeze %dma_start3A_358 : memref<1x128x128xf32, #tpu.memory_space<vmem>> -> memref<128x128xf32, #tpu.memory_space<vmem>>
      %dma_start3A_360 = arith.constant 0 : i32
      %dma_start3A_361 = tpu.memref_slice %arg8[%add3A_354, %dma_start3A_360] : memref<84x128xi32, #tpu.memory_space<vmem>> -> memref<1x128xi32, #tpu.memory_space<vmem>>
      %dma_start3A_362 = tpu.memref_squeeze %dma_start3A_361 : memref<1x128xi32, #tpu.memory_space<vmem>> -> memref<128xi32, #tpu.memory_space<vmem>>
      %dma_start3A_363 = arith.constant 0 : i32
      %dma_start3A_364 = arith.constant 0 : i32
      %dma_start3A_365 = tpu.memref_slice %arg10[%dma_start3A_363, %dma_start3A_364] : memref<10112x128xf32, #tpu.memory_space<vmem_shared>> -> memref<10112x128xf32, #tpu.memory_space<vmem_shared>>
      tpu.enqueue_indirect_dma source(%dma_start3A_359 : memref<128x128xf32, #tpu.memory_space<vmem>>) target(%dma_start3A_365 : memref<10112x128xf32, #tpu.memory_space<vmem_shared>>) offsets(%dma_start3A_362 : memref<128xi32, #tpu.memory_space<vmem>>) semaphore(%arg15 : memref<!tpu.dma_semaphore, #tpu.memory_space<semaphore_mem>>) {add = true}
      %dma_wait3A_366 = arith.constant 0 : i32
      %dma_wait3A_367 = arith.constant 1 : i32
      %dma_wait3A_368 = arith.constant 1 : i32
      %dma_wait3A_369 = arith.constant 0 : i32
      %dma_wait3A_370 = arith.constant 0 : i32
      %dma_wait3A_371 = tpu.memref_slice %arg9[%dma_wait3A_368, %dma_wait3A_369, %dma_wait3A_370] : memref<2x128x128xf32, #tpu.memory_space<vmem>> -> memref<1x128x128xf32, #tpu.memory_space<vmem>>
      %dma_wait3A_372 = tpu.memref_squeeze %dma_wait3A_371 : memref<1x128x128xf32, #tpu.memory_space<vmem>> -> memref<128x128xf32, #tpu.memory_space<vmem>>
      %dma_wait3A_373 = arith.constant 0 : i32
      %dma_wait3A_374 = tpu.memref_slice %arg7[%dma_wait3A_366, %dma_wait3A_367, %dma_wait3A_373] : memref<2x2x128xi32, #tpu.memory_space<vmem>> -> memref<1x1x128xi32, #tpu.memory_space<vmem>>
      %dma_wait3A_375 = tpu.memref_squeeze %dma_wait3A_374 : memref<1x1x128xi32, #tpu.memory_space<vmem>> -> memref<128xi32, #tpu.memory_space<vmem>>
      %dma_wait3A_376 = arith.constant 0 : i32
      %dma_wait3A_377 = arith.constant 0 : i32
      %dma_wait3A_378 = tpu.memref_slice %arg2[%dma_wait3A_376, %dma_wait3A_377] : memref<20000x128xf32, #tpu.memory_space<hbm>> -> memref<20000x128xf32, #tpu.memory_space<hbm>>
      tpu.wait_indirect_dma semaphore(%arg14 : memref<!tpu.dma_semaphore, #tpu.memory_space<semaphore_mem>>) src(%dma_wait3A_378 : memref<20000x128xf32, #tpu.memory_space<hbm>>) dst(%dma_wait3A_372 : memref<128x128xf32, #tpu.memory_space<vmem>>)
      %mul3A_379 = arith.constant 2 : i32
      %mul3A_380 = arith.muli %mul3A_312, %mul3A_379 : i32
      %add3A_381 = arith.constant 1 : i32
      %add3A_382 = arith.addi %mul3A_380, %add3A_381 : i32
      %dma_start3A_383 = arith.constant 1 : i32
      %dma_start3A_384 = arith.constant 0 : i32
      %dma_start3A_385 = arith.constant 0 : i32
      %dma_start3A_386 = tpu.memref_slice %arg9[%dma_start3A_383, %dma_start3A_384, %dma_start3A_385] : memref<2x128x128xf32, #tpu.memory_space<vmem>> -> memref<1x128x128xf32, #tpu.memory_space<vmem>>
      %dma_start3A_387 = tpu.memref_squeeze %dma_start3A_386 : memref<1x128x128xf32, #tpu.memory_space<vmem>> -> memref<128x128xf32, #tpu.memory_space<vmem>>
      %dma_start3A_388 = arith.constant 0 : i32
      %dma_start3A_389 = tpu.memref_slice %arg8[%add3A_382, %dma_start3A_388] : memref<84x128xi32, #tpu.memory_space<vmem>> -> memref<1x128xi32, #tpu.memory_space<vmem>>
      %dma_start3A_390 = tpu.memref_squeeze %dma_start3A_389 : memref<1x128xi32, #tpu.memory_space<vmem>> -> memref<128xi32, #tpu.memory_space<vmem>>
      %dma_start3A_391 = arith.constant 0 : i32
      %dma_start3A_392 = arith.constant 0 : i32
      %dma_start3A_393 = tpu.memref_slice %arg10[%dma_start3A_391, %dma_start3A_392] : memref<10112x128xf32, #tpu.memory_space<vmem_shared>> -> memref<10112x128xf32, #tpu.memory_space<vmem_shared>>
      tpu.enqueue_indirect_dma source(%dma_start3A_387 : memref<128x128xf32, #tpu.memory_space<vmem>>) target(%dma_start3A_393 : memref<10112x128xf32, #tpu.memory_space<vmem_shared>>) offsets(%dma_start3A_390 : memref<128xi32, #tpu.memory_space<vmem>>) semaphore(%arg16 : memref<!tpu.dma_semaphore, #tpu.memory_space<semaphore_mem>>) {add = true}
      %mul3A_394 = arith.constant 2 : i32
      %mul3A_395 = arith.muli %mul3A_312, %mul3A_394 : i32
      %add3A_396 = arith.constant 0 : i32
      %add3A_397 = arith.addi %mul3A_395, %add3A_396 : i32
      %dma_wait3A_398 = arith.constant 0 : i32
      %dma_wait3A_399 = arith.constant 0 : i32
      %dma_wait3A_400 = arith.constant 0 : i32
      %dma_wait3A_401 = tpu.memref_slice %arg9[%dma_wait3A_398, %dma_wait3A_399, %dma_wait3A_400] : memref<2x128x128xf32, #tpu.memory_space<vmem>> -> memref<1x128x128xf32, #tpu.memory_space<vmem>>
      %dma_wait3A_402 = tpu.memref_squeeze %dma_wait3A_401 : memref<1x128x128xf32, #tpu.memory_space<vmem>> -> memref<128x128xf32, #tpu.memory_space<vmem>>
      %dma_wait3A_403 = arith.constant 0 : i32
      %dma_wait3A_404 = tpu.memref_slice %arg8[%add3A_397, %dma_wait3A_403] : memref<84x128xi32, #tpu.memory_space<vmem>> -> memref<1x128xi32, #tpu.memory_space<vmem>>
      %dma_wait3A_405 = tpu.memref_squeeze %dma_wait3A_404 : memref<1x128xi32, #tpu.memory_space<vmem>> -> memref<128xi32, #tpu.memory_space<vmem>>
      %dma_wait3A_406 = arith.constant 0 : i32
      %dma_wait3A_407 = arith.constant 0 : i32
      %dma_wait3A_408 = tpu.memref_slice %arg10[%dma_wait3A_406, %dma_wait3A_407] : memref<10112x128xf32, #tpu.memory_space<vmem_shared>> -> memref<10112x128xf32, #tpu.memory_space<vmem_shared>>
      tpu.wait_indirect_dma semaphore(%arg15 : memref<!tpu.dma_semaphore, #tpu.memory_space<semaphore_mem>>) src(%dma_wait3A_402 : memref<128x128xf32, #tpu.memory_space<vmem>>) dst(%dma_wait3A_408 : memref<10112x128xf32, #tpu.memory_space<vmem_shared>>)
      %dma_start3A_409 = arith.constant 1 : i32
      %dma_start3A_410 = arith.constant 0 : i32
      %dma_start3A_411 = arith.constant 0 : i32
      %dma_start3A_412 = arith.constant 0 : i32
      %dma_start3A_413 = arith.constant 0 : i32
      %dma_start3A_414 = tpu.memref_slice %arg9[%dma_start3A_411, %dma_start3A_412, %dma_start3A_413] : memref<2x128x128xf32, #tpu.memory_space<vmem>> -> memref<1x128x128xf32, #tpu.memory_space<vmem>>
      %dma_start3A_415 = tpu.memref_squeeze %dma_start3A_414 : memref<1x128x128xf32, #tpu.memory_space<vmem>> -> memref<128x128xf32, #tpu.memory_space<vmem>>
      %dma_start3A_416 = arith.constant 0 : i32
      %dma_start3A_417 = tpu.memref_slice %arg7[%dma_start3A_409, %dma_start3A_410, %dma_start3A_416] : memref<2x2x128xi32, #tpu.memory_space<vmem>> -> memref<1x1x128xi32, #tpu.memory_space<vmem>>
      %dma_start3A_418 = tpu.memref_squeeze %dma_start3A_417 : memref<1x1x128xi32, #tpu.memory_space<vmem>> -> memref<128xi32, #tpu.memory_space<vmem>>
      %dma_start3A_419 = arith.constant 0 : i32
      %dma_start3A_420 = arith.constant 0 : i32
      %dma_start3A_421 = tpu.memref_slice %arg2[%dma_start3A_419, %dma_start3A_420] : memref<20000x128xf32, #tpu.memory_space<hbm>> -> memref<20000x128xf32, #tpu.memory_space<hbm>>
      tpu.enqueue_indirect_dma source(%dma_start3A_421 : memref<20000x128xf32, #tpu.memory_space<hbm>>) target(%dma_start3A_415 : memref<128x128xf32, #tpu.memory_space<vmem>>) offsets(%dma_start3A_418 : memref<128xi32, #tpu.memory_space<vmem>>) semaphore(%arg13 : memref<!tpu.dma_semaphore, #tpu.memory_space<semaphore_mem>>)
      %mul3A_422 = arith.constant 2 : i32
      %mul3A_423 = arith.muli %mul3A_312, %mul3A_422 : i32
      %add3A_424 = arith.constant 1 : i32
      %add3A_425 = arith.addi %mul3A_423, %add3A_424 : i32
      %dma_wait3A_426 = arith.constant 1 : i32
      %dma_wait3A_427 = arith.constant 0 : i32
      %dma_wait3A_428 = arith.constant 0 : i32
      %dma_wait3A_429 = tpu.memref_slice %arg9[%dma_wait3A_426, %dma_wait3A_427, %dma_wait3A_428] : memref<2x128x128xf32, #tpu.memory_space<vmem>> -> memref<1x128x128xf32, #tpu.memory_space<vmem>>
      %dma_wait3A_430 = tpu.memref_squeeze %dma_wait3A_429 : memref<1x128x128xf32, #tpu.memory_space<vmem>> -> memref<128x128xf32, #tpu.memory_space<vmem>>
      %dma_wait3A_431 = arith.constant 0 : i32
      %dma_wait3A_432 = tpu.memref_slice %arg8[%add3A_425, %dma_wait3A_431] : memref<84x128xi32, #tpu.memory_space<vmem>> -> memref<1x128xi32, #tpu.memory_space<vmem>>
      %dma_wait3A_433 = tpu.memref_squeeze %dma_wait3A_432 : memref<1x128xi32, #tpu.memory_space<vmem>> -> memref<128xi32, #tpu.memory_space<vmem>>
      %dma_wait3A_434 = arith.constant 0 : i32
      %dma_wait3A_435 = arith.constant 0 : i32
      %dma_wait3A_436 = tpu.memref_slice %arg10[%dma_wait3A_434, %dma_wait3A_435] : memref<10112x128xf32, #tpu.memory_space<vmem_shared>> -> memref<10112x128xf32, #tpu.memory_space<vmem_shared>>
      tpu.wait_indirect_dma semaphore(%arg16 : memref<!tpu.dma_semaphore, #tpu.memory_space<semaphore_mem>>) src(%dma_wait3A_430 : memref<128x128xf32, #tpu.memory_space<vmem>>) dst(%dma_wait3A_436 : memref<10112x128xf32, #tpu.memory_space<vmem_shared>>)
      %dma_start3A_437 = arith.constant 1 : i32
      %dma_start3A_438 = arith.constant 1 : i32
      %dma_start3A_439 = arith.constant 1 : i32
      %dma_start3A_440 = arith.constant 0 : i32
      %dma_start3A_441 = arith.constant 0 : i32
      %dma_start3A_442 = tpu.memref_slice %arg9[%dma_start3A_439, %dma_start3A_440, %dma_start3A_441] : memref<2x128x128xf32, #tpu.memory_space<vmem>> -> memref<1x128x128xf32, #tpu.memory_space<vmem>>
      %dma_start3A_443 = tpu.memref_squeeze %dma_start3A_442 : memref<1x128x128xf32, #tpu.memory_space<vmem>> -> memref<128x128xf32, #tpu.memory_space<vmem>>
      %dma_start3A_444 = arith.constant 0 : i32
      %dma_start3A_445 = tpu.memref_slice %arg7[%dma_start3A_437, %dma_start3A_438, %dma_start3A_444] : memref<2x2x128xi32, #tpu.memory_space<vmem>> -> memref<1x1x128xi32, #tpu.memory_space<vmem>>
      %dma_start3A_446 = tpu.memref_squeeze %dma_start3A_445 : memref<1x1x128xi32, #tpu.memory_space<vmem>> -> memref<128xi32, #tpu.memory_space<vmem>>
      %dma_start3A_447 = arith.constant 0 : i32
      %dma_start3A_448 = arith.constant 0 : i32
      %dma_start3A_449 = tpu.memref_slice %arg2[%dma_start3A_447, %dma_start3A_448] : memref<20000x128xf32, #tpu.memory_space<hbm>> -> memref<20000x128xf32, #tpu.memory_space<hbm>>
      tpu.enqueue_indirect_dma source(%dma_start3A_449 : memref<20000x128xf32, #tpu.memory_space<hbm>>) target(%dma_start3A_443 : memref<128x128xf32, #tpu.memory_space<vmem>>) offsets(%dma_start3A_446 : memref<128xi32, #tpu.memory_space<vmem>>) semaphore(%arg14 : memref<!tpu.dma_semaphore, #tpu.memory_space<semaphore_mem>>)
      %add3A_450 = arith.constant 2 : i32
      %add3A_451 = arith.addi %mul3A_312, %add3A_450 : i32
      %lt3A = arith.constant 42 : i32
      %lt3A_452 = arith.cmpi slt, %add3A_451, %lt3A : i32
      %convert_element_type3A = arith.extui %lt3A_452 : i1 to i32
      %cond3A = arith.constant 0 : i32
      %cond3A_453 = arith.cmpi ne, %convert_element_type3A, %cond3A : i32
      scf.if %cond3A_453 {
        %add3A_602 = arith.constant 2 : i32
        %add3A_603 = arith.addi %mul3A_312, %add3A_602 : i32
        %mul3A_604 = arith.constant 2 : i32
        %mul3A_605 = arith.muli %add3A_603, %mul3A_604 : i32
        %dma_start3A_606 = arith.constant 0 : i32
        %dma_start3A_607 = arith.constant 0 : i32
        %dma_start3A_608 = arith.constant 0 : i32
        %dma_start3A_609 = tpu.memref_slice %arg7[%dma_start3A_606, %dma_start3A_607, %dma_start3A_608] : memref<2x2x128xi32, #tpu.memory_space<vmem>> -> memref<1x2x128xi32, #tpu.memory_space<vmem>>
        %dma_start3A_610 = tpu.memref_squeeze %dma_start3A_609 : memref<1x2x128xi32, #tpu.memory_space<vmem>> -> memref<2x128xi32, #tpu.memory_space<vmem>>
        %dma_start3A_611 = arith.constant 0 : i32
        %dma_start3A_612 = arith.constant 0 : i32
        %dma_start3A_613 = tpu.memref_slice %arg3[%add3A_4, %dma_start3A_611, %dma_start3A_612] : memref<32x84x128xi32, #tpu.memory_space<hbm>> -> memref<1x84x128xi32, #tpu.memory_space<hbm>>
        %dma_start3A_614 = tpu.memref_squeeze %dma_start3A_613 : memref<1x84x128xi32, #tpu.memory_space<hbm>> -> memref<84x128xi32, #tpu.memory_space<hbm>>
        %dma_start3A_615 = arith.constant 0 : i32
        %dma_start3A_616 = tpu.memref_slice %dma_start3A_614[%mul3A_605, %dma_start3A_615] : memref<84x128xi32, #tpu.memory_space<hbm>> -> memref<2x128xi32, #tpu.memory_space<hbm>>
        %dma_start3A_617 = arith.constant 0 : i32
        %dma_start3A_618 = arith.constant 0 : i32
        %dma_start3A_619 = tpu.memref_slice %arg7[%dma_start3A_606, %dma_start3A_617, %dma_start3A_618] : memref<2x2x128xi32, #tpu.memory_space<vmem>> -> memref<1x2x128xi32, #tpu.memory_space<vmem>>
        %dma_start3A_620 = tpu.memref_squeeze %dma_start3A_619 : memref<1x2x128xi32, #tpu.memory_space<vmem>> -> memref<2x128xi32, #tpu.memory_space<vmem>>
        %dma_start3A_621 = arith.constant 0 : i32
        %dma_start3A_622 = arith.constant 0 : i32
        %dma_start3A_623 = tpu.memref_slice %arg3[%add3A_4, %dma_start3A_621, %dma_start3A_622] : memref<32x84x128xi32, #tpu.memory_space<hbm>> -> memref<1x84x128xi32, #tpu.memory_space<hbm>>
        %dma_start3A_624 = tpu.memref_squeeze %dma_start3A_623 : memref<1x84x128xi32, #tpu.memory_space<hbm>> -> memref<84x128xi32, #tpu.memory_space<hbm>>
        %dma_start3A_625 = arith.constant 0 : i32
        %dma_start3A_626 = tpu.memref_slice %dma_start3A_624[%mul3A_605, %dma_start3A_625] : memref<84x128xi32, #tpu.memory_space<hbm>> -> memref<2x128xi32, #tpu.memory_space<hbm>>
        tpu.enqueue_dma source(%dma_start3A_626 : memref<2x128xi32, #tpu.memory_space<hbm>>) target(%dma_start3A_620 : memref<2x128xi32, #tpu.memory_space<vmem>>) target_semaphore(%arg11 : memref<!tpu.dma_semaphore, #tpu.memory_space<semaphore_mem>>)
      } else {
      }
      %mul3A_454 = arith.constant 2 : i32
      %mul3A_455 = arith.muli %scan3A_310, %mul3A_454 : i32
      %add3A_456 = arith.constant 1 : i32
      %add3A_457 = arith.addi %mul3A_455, %add3A_456 : i32
      %add3A_458 = arith.constant 1 : i32
      %add3A_459 = arith.addi %add3A_457, %add3A_458 : i32
      %mul3A_460 = arith.constant 2 : i32
      %mul3A_461 = arith.muli %add3A_459, %mul3A_460 : i32
      %dma_wait3A_462 = arith.constant 0 : i32
      %dma_wait3A_463 = arith.constant 0 : i32
      %dma_wait3A_464 = arith.constant 0 : i32
      %dma_wait3A_465 = tpu.memref_slice %arg7[%dma_wait3A_462, %dma_wait3A_463, %dma_wait3A_464] : memref<2x2x128xi32, #tpu.memory_space<vmem>> -> memref<1x2x128xi32, #tpu.memory_space<vmem>>
      %dma_wait3A_466 = tpu.memref_squeeze %dma_wait3A_465 : memref<1x2x128xi32, #tpu.memory_space<vmem>> -> memref<2x128xi32, #tpu.memory_space<vmem>>
      %dma_wait3A_467 = arith.constant 0 : i32
      %dma_wait3A_468 = arith.constant 0 : i32
      %dma_wait3A_469 = tpu.memref_slice %arg3[%add3A_4, %dma_wait3A_467, %dma_wait3A_468] : memref<32x84x128xi32, #tpu.memory_space<hbm>> -> memref<1x84x128xi32, #tpu.memory_space<hbm>>
      %dma_wait3A_470 = tpu.memref_squeeze %dma_wait3A_469 : memref<1x84x128xi32, #tpu.memory_space<hbm>> -> memref<84x128xi32, #tpu.memory_space<hbm>>
      %dma_wait3A_471 = arith.constant 0 : i32
      %dma_wait3A_472 = tpu.memref_slice %dma_wait3A_470[%mul3A_461, %dma_wait3A_471] : memref<84x128xi32, #tpu.memory_space<hbm>> -> memref<2x128xi32, #tpu.memory_space<hbm>>
      %dma_wait3A_473 = arith.constant 0 : i32
      %dma_wait3A_474 = arith.constant 0 : i32
      %dma_wait3A_475 = tpu.memref_slice %arg7[%dma_wait3A_462, %dma_wait3A_473, %dma_wait3A_474] : memref<2x2x128xi32, #tpu.memory_space<vmem>> -> memref<1x2x128xi32, #tpu.memory_space<vmem>>
      %dma_wait3A_476 = tpu.memref_squeeze %dma_wait3A_475 : memref<1x2x128xi32, #tpu.memory_space<vmem>> -> memref<2x128xi32, #tpu.memory_space<vmem>>
      %dma_wait3A_477 = arith.constant 0 : i32
      %dma_wait3A_478 = arith.constant 0 : i32
      %dma_wait3A_479 = tpu.memref_slice %arg3[%add3A_4, %dma_wait3A_477, %dma_wait3A_478] : memref<32x84x128xi32, #tpu.memory_space<hbm>> -> memref<1x84x128xi32, #tpu.memory_space<hbm>>
      %dma_wait3A_480 = tpu.memref_squeeze %dma_wait3A_479 : memref<1x84x128xi32, #tpu.memory_space<hbm>> -> memref<84x128xi32, #tpu.memory_space<hbm>>
      %dma_wait3A_481 = arith.constant 0 : i32
      %dma_wait3A_482 = tpu.memref_slice %dma_wait3A_480[%mul3A_461, %dma_wait3A_481] : memref<84x128xi32, #tpu.memory_space<hbm>> -> memref<2x128xi32, #tpu.memory_space<hbm>>
      tpu.wait_dma2 semaphore(%arg11 : memref<!tpu.dma_semaphore, #tpu.memory_space<semaphore_mem>>) src(%dma_wait3A_482 : memref<2x128xi32, #tpu.memory_space<hbm>>) dst(%dma_wait3A_476 : memref<2x128xi32, #tpu.memory_space<vmem>>)
      %dma_wait3A_483 = arith.constant 1 : i32
      %dma_wait3A_484 = arith.constant 0 : i32
      %dma_wait3A_485 = arith.constant 0 : i32
      %dma_wait3A_486 = arith.constant 0 : i32
      %dma_wait3A_487 = arith.constant 0 : i32
      %dma_wait3A_488 = tpu.memref_slice %arg9[%dma_wait3A_485, %dma_wait3A_486, %dma_wait3A_487] : memref<2x128x128xf32, #tpu.memory_space<vmem>> -> memref<1x128x128xf32, #tpu.memory_space<vmem>>
      %dma_wait3A_489 = tpu.memref_squeeze %dma_wait3A_488 : memref<1x128x128xf32, #tpu.memory_space<vmem>> -> memref<128x128xf32, #tpu.memory_space<vmem>>
      %dma_wait3A_490 = arith.constant 0 : i32
      %dma_wait3A_491 = tpu.memref_slice %arg7[%dma_wait3A_483, %dma_wait3A_484, %dma_wait3A_490] : memref<2x2x128xi32, #tpu.memory_space<vmem>> -> memref<1x1x128xi32, #tpu.memory_space<vmem>>
      %dma_wait3A_492 = tpu.memref_squeeze %dma_wait3A_491 : memref<1x1x128xi32, #tpu.memory_space<vmem>> -> memref<128xi32, #tpu.memory_space<vmem>>
      %dma_wait3A_493 = arith.constant 0 : i32
      %dma_wait3A_494 = arith.constant 0 : i32
      %dma_wait3A_495 = tpu.memref_slice %arg2[%dma_wait3A_493, %dma_wait3A_494] : memref<20000x128xf32, #tpu.memory_space<hbm>> -> memref<20000x128xf32, #tpu.memory_space<hbm>>
      tpu.wait_indirect_dma semaphore(%arg13 : memref<!tpu.dma_semaphore, #tpu.memory_space<semaphore_mem>>) src(%dma_wait3A_495 : memref<20000x128xf32, #tpu.memory_space<hbm>>) dst(%dma_wait3A_489 : memref<128x128xf32, #tpu.memory_space<vmem>>)
      %mul3A_496 = arith.constant 2 : i32
      %mul3A_497 = arith.muli %add3A_457, %mul3A_496 : i32
      %add3A_498 = arith.constant 0 : i32
      %add3A_499 = arith.addi %mul3A_497, %add3A_498 : i32
      %dma_start3A_500 = arith.constant 0 : i32
      %dma_start3A_501 = arith.constant 0 : i32
      %dma_start3A_502 = arith.constant 0 : i32
      %dma_start3A_503 = tpu.memref_slice %arg9[%dma_start3A_500, %dma_start3A_501, %dma_start3A_502] : memref<2x128x128xf32, #tpu.memory_space<vmem>> -> memref<1x128x128xf32, #tpu.memory_space<vmem>>
      %dma_start3A_504 = tpu.memref_squeeze %dma_start3A_503 : memref<1x128x128xf32, #tpu.memory_space<vmem>> -> memref<128x128xf32, #tpu.memory_space<vmem>>
      %dma_start3A_505 = arith.constant 0 : i32
      %dma_start3A_506 = tpu.memref_slice %arg8[%add3A_499, %dma_start3A_505] : memref<84x128xi32, #tpu.memory_space<vmem>> -> memref<1x128xi32, #tpu.memory_space<vmem>>
      %dma_start3A_507 = tpu.memref_squeeze %dma_start3A_506 : memref<1x128xi32, #tpu.memory_space<vmem>> -> memref<128xi32, #tpu.memory_space<vmem>>
      %dma_start3A_508 = arith.constant 0 : i32
      %dma_start3A_509 = arith.constant 0 : i32
      %dma_start3A_510 = tpu.memref_slice %arg10[%dma_start3A_508, %dma_start3A_509] : memref<10112x128xf32, #tpu.memory_space<vmem_shared>> -> memref<10112x128xf32, #tpu.memory_space<vmem_shared>>
      tpu.enqueue_indirect_dma source(%dma_start3A_504 : memref<128x128xf32, #tpu.memory_space<vmem>>) target(%dma_start3A_510 : memref<10112x128xf32, #tpu.memory_space<vmem_shared>>) offsets(%dma_start3A_507 : memref<128xi32, #tpu.memory_space<vmem>>) semaphore(%arg15 : memref<!tpu.dma_semaphore, #tpu.memory_space<semaphore_mem>>) {add = true}
      %dma_wait3A_511 = arith.constant 1 : i32
      %dma_wait3A_512 = arith.constant 1 : i32
      %dma_wait3A_513 = arith.constant 1 : i32
      %dma_wait3A_514 = arith.constant 0 : i32
      %dma_wait3A_515 = arith.constant 0 : i32
      %dma_wait3A_516 = tpu.memref_slice %arg9[%dma_wait3A_513, %dma_wait3A_514, %dma_wait3A_515] : memref<2x128x128xf32, #tpu.memory_space<vmem>> -> memref<1x128x128xf32, #tpu.memory_space<vmem>>
      %dma_wait3A_517 = tpu.memref_squeeze %dma_wait3A_516 : memref<1x128x128xf32, #tpu.memory_space<vmem>> -> memref<128x128xf32, #tpu.memory_space<vmem>>
      %dma_wait3A_518 = arith.constant 0 : i32
      %dma_wait3A_519 = tpu.memref_slice %arg7[%dma_wait3A_511, %dma_wait3A_512, %dma_wait3A_518] : memref<2x2x128xi32, #tpu.memory_space<vmem>> -> memref<1x1x128xi32, #tpu.memory_space<vmem>>
      %dma_wait3A_520 = tpu.memref_squeeze %dma_wait3A_519 : memref<1x1x128xi32, #tpu.memory_space<vmem>> -> memref<128xi32, #tpu.memory_space<vmem>>
      %dma_wait3A_521 = arith.constant 0 : i32
      %dma_wait3A_522 = arith.constant 0 : i32
      %dma_wait3A_523 = tpu.memref_slice %arg2[%dma_wait3A_521, %dma_wait3A_522] : memref<20000x128xf32, #tpu.memory_space<hbm>> -> memref<20000x128xf32, #tpu.memory_space<hbm>>
      tpu.wait_indirect_dma semaphore(%arg14 : memref<!tpu.dma_semaphore, #tpu.memory_space<semaphore_mem>>) src(%dma_wait3A_523 : memref<20000x128xf32, #tpu.memory_space<hbm>>) dst(%dma_wait3A_517 : memref<128x128xf32, #tpu.memory_space<vmem>>)
      %mul3A_524 = arith.constant 2 : i32
      %mul3A_525 = arith.muli %add3A_457, %mul3A_524 : i32
      %add3A_526 = arith.constant 1 : i32
      %add3A_527 = arith.addi %mul3A_525, %add3A_526 : i32
      %dma_start3A_528 = arith.constant 1 : i32
      %dma_start3A_529 = arith.constant 0 : i32
      %dma_start3A_530 = arith.constant 0 : i32
      %dma_start3A_531 = tpu.memref_slice %arg9[%dma_start3A_528, %dma_start3A_529, %dma_start3A_530] : memref<2x128x128xf32, #tpu.memory_space<vmem>> -> memref<1x128x128xf32, #tpu.memory_space<vmem>>
      %dma_start3A_532 = tpu.memref_squeeze %dma_start3A_531 : memref<1x128x128xf32, #tpu.memory_space<vmem>> -> memref<128x128xf32, #tpu.memory_space<vmem>>
      %dma_start3A_533 = arith.constant 0 : i32
      %dma_start3A_534 = tpu.memref_slice %arg8[%add3A_527, %dma_start3A_533] : memref<84x128xi32, #tpu.memory_space<vmem>> -> memref<1x128xi32, #tpu.memory_space<vmem>>
      %dma_start3A_535 = tpu.memref_squeeze %dma_start3A_534 : memref<1x128xi32, #tpu.memory_space<vmem>> -> memref<128xi32, #tpu.memory_space<vmem>>
      %dma_start3A_536 = arith.constant 0 : i32
      %dma_start3A_537 = arith.constant 0 : i32
      %dma_start3A_538 = tpu.memref_slice %arg10[%dma_start3A_536, %dma_start3A_537] : memref<10112x128xf32, #tpu.memory_space<vmem_shared>> -> memref<10112x128xf32, #tpu.memory_space<vmem_shared>>
      tpu.enqueue_indirect_dma source(%dma_start3A_532 : memref<128x128xf32, #tpu.memory_space<vmem>>) target(%dma_start3A_538 : memref<10112x128xf32, #tpu.memory_space<vmem_shared>>) offsets(%dma_start3A_535 : memref<128xi32, #tpu.memory_space<vmem>>) semaphore(%arg16 : memref<!tpu.dma_semaphore, #tpu.memory_space<semaphore_mem>>) {add = true}
      %mul3A_539 = arith.constant 2 : i32
      %mul3A_540 = arith.muli %add3A_457, %mul3A_539 : i32
      %add3A_541 = arith.constant 0 : i32
      %add3A_542 = arith.addi %mul3A_540, %add3A_541 : i32
      %dma_wait3A_543 = arith.constant 0 : i32
      %dma_wait3A_544 = arith.constant 0 : i32
      %dma_wait3A_545 = arith.constant 0 : i32
      %dma_wait3A_546 = tpu.memref_slice %arg9[%dma_wait3A_543, %dma_wait3A_544, %dma_wait3A_545] : memref<2x128x128xf32, #tpu.memory_space<vmem>> -> memref<1x128x128xf32, #tpu.memory_space<vmem>>
      %dma_wait3A_547 = tpu.memref_squeeze %dma_wait3A_546 : memref<1x128x128xf32, #tpu.memory_space<vmem>> -> memref<128x128xf32, #tpu.memory_space<vmem>>
      %dma_wait3A_548 = arith.constant 0 : i32
      %dma_wait3A_549 = tpu.memref_slice %arg8[%add3A_542, %dma_wait3A_548] : memref<84x128xi32, #tpu.memory_space<vmem>> -> memref<1x128xi32, #tpu.memory_space<vmem>>
      %dma_wait3A_550 = tpu.memref_squeeze %dma_wait3A_549 : memref<1x128xi32, #tpu.memory_space<vmem>> -> memref<128xi32, #tpu.memory_space<vmem>>
      %dma_wait3A_551 = arith.constant 0 : i32
      %dma_wait3A_552 = arith.constant 0 : i32
      %dma_wait3A_553 = tpu.memref_slice %arg10[%dma_wait3A_551, %dma_wait3A_552] : memref<10112x128xf32, #tpu.memory_space<vmem_shared>> -> memref<10112x128xf32, #tpu.memory_space<vmem_shared>>
      tpu.wait_indirect_dma semaphore(%arg15 : memref<!tpu.dma_semaphore, #tpu.memory_space<semaphore_mem>>) src(%dma_wait3A_547 : memref<128x128xf32, #tpu.memory_space<vmem>>) dst(%dma_wait3A_553 : memref<10112x128xf32, #tpu.memory_space<vmem_shared>>)
      %dma_start3A_554 = arith.constant 0 : i32
      %dma_start3A_555 = arith.constant 0 : i32
      %dma_start3A_556 = arith.constant 0 : i32
      %dma_start3A_557 = arith.constant 0 : i32
      %dma_start3A_558 = arith.constant 0 : i32
      %dma_start3A_559 = tpu.memref_slice %arg9[%dma_start3A_556, %dma_start3A_557, %dma_start3A_558] : memref<2x128x128xf32, #tpu.memory_space<vmem>> -> memref<1x128x128xf32, #tpu.memory_space<vmem>>
      %dma_start3A_560 = tpu.memref_squeeze %dma_start3A_559 : memref<1x128x128xf32, #tpu.memory_space<vmem>> -> memref<128x128xf32, #tpu.memory_space<vmem>>
      %dma_start3A_561 = arith.constant 0 : i32
      %dma_start3A_562 = tpu.memref_slice %arg7[%dma_start3A_554, %dma_start3A_555, %dma_start3A_561] : memref<2x2x128xi32, #tpu.memory_space<vmem>> -> memref<1x1x128xi32, #tpu.memory_space<vmem>>
      %dma_start3A_563 = tpu.memref_squeeze %dma_start3A_562 : memref<1x1x128xi32, #tpu.memory_space<vmem>> -> memref<128xi32, #tpu.memory_space<vmem>>
      %dma_start3A_564 = arith.constant 0 : i32
      %dma_start3A_565 = arith.constant 0 : i32
      %dma_start3A_566 = tpu.memref_slice %arg2[%dma_start3A_564, %dma_start3A_565] : memref<20000x128xf32, #tpu.memory_space<hbm>> -> memref<20000x128xf32, #tpu.memory_space<hbm>>
      tpu.enqueue_indirect_dma source(%dma_start3A_566 : memref<20000x128xf32, #tpu.memory_space<hbm>>) target(%dma_start3A_560 : memref<128x128xf32, #tpu.memory_space<vmem>>) offsets(%dma_start3A_563 : memref<128xi32, #tpu.memory_space<vmem>>) semaphore(%arg13 : memref<!tpu.dma_semaphore, #tpu.memory_space<semaphore_mem>>)
      %mul3A_567 = arith.constant 2 : i32
      %mul3A_568 = arith.muli %add3A_457, %mul3A_567 : i32
      %add3A_569 = arith.constant 1 : i32
      %add3A_570 = arith.addi %mul3A_568, %add3A_569 : i32
      %dma_wait3A_571 = arith.constant 1 : i32
      %dma_wait3A_572 = arith.constant 0 : i32
      %dma_wait3A_573 = arith.constant 0 : i32
      %dma_wait3A_574 = tpu.memref_slice %arg9[%dma_wait3A_571, %dma_wait3A_572, %dma_wait3A_573] : memref<2x128x128xf32, #tpu.memory_space<vmem>> -> memref<1x128x128xf32, #tpu.memory_space<vmem>>
      %dma_wait3A_575 = tpu.memref_squeeze %dma_wait3A_574 : memref<1x128x128xf32, #tpu.memory_space<vmem>> -> memref<128x128xf32, #tpu.memory_space<vmem>>
      %dma_wait3A_576 = arith.constant 0 : i32
      %dma_wait3A_577 = tpu.memref_slice %arg8[%add3A_570, %dma_wait3A_576] : memref<84x128xi32, #tpu.memory_space<vmem>> -> memref<1x128xi32, #tpu.memory_space<vmem>>
      %dma_wait3A_578 = tpu.memref_squeeze %dma_wait3A_577 : memref<1x128xi32, #tpu.memory_space<vmem>> -> memref<128xi32, #tpu.memory_space<vmem>>
      %dma_wait3A_579 = arith.constant 0 : i32
      %dma_wait3A_580 = arith.constant 0 : i32
      %dma_wait3A_581 = tpu.memref_slice %arg10[%dma_wait3A_579, %dma_wait3A_580] : memref<10112x128xf32, #tpu.memory_space<vmem_shared>> -> memref<10112x128xf32, #tpu.memory_space<vmem_shared>>
      tpu.wait_indirect_dma semaphore(%arg16 : memref<!tpu.dma_semaphore, #tpu.memory_space<semaphore_mem>>) src(%dma_wait3A_575 : memref<128x128xf32, #tpu.memory_space<vmem>>) dst(%dma_wait3A_581 : memref<10112x128xf32, #tpu.memory_space<vmem_shared>>)
      %dma_start3A_582 = arith.constant 0 : i32
      %dma_start3A_583 = arith.constant 1 : i32
      %dma_start3A_584 = arith.constant 1 : i32
      %dma_start3A_585 = arith.constant 0 : i32
      %dma_start3A_586 = arith.constant 0 : i32
      %dma_start3A_587 = tpu.memref_slice %arg9[%dma_start3A_584, %dma_start3A_585, %dma_start3A_586] : memref<2x128x128xf32, #tpu.memory_space<vmem>> -> memref<1x128x128xf32, #tpu.memory_space<vmem>>
      %dma_start3A_588 = tpu.memref_squeeze %dma_start3A_587 : memref<1x128x128xf32, #tpu.memory_space<vmem>> -> memref<128x128xf32, #tpu.memory_space<vmem>>
      %dma_start3A_589 = arith.constant 0 : i32
      %dma_start3A_590 = tpu.memref_slice %arg7[%dma_start3A_582, %dma_start3A_583, %dma_start3A_589] : memref<2x2x128xi32, #tpu.memory_space<vmem>> -> memref<1x1x128xi32, #tpu.memory_space<vmem>>
      %dma_start3A_591 = tpu.memref_squeeze %dma_start3A_590 : memref<1x1x128xi32, #tpu.memory_space<vmem>> -> memref<128xi32, #tpu.memory_space<vmem>>
      %dma_start3A_592 = arith.constant 0 : i32
      %dma_start3A_593 = arith.constant 0 : i32
      %dma_start3A_594 = tpu.memref_slice %arg2[%dma_start3A_592, %dma_start3A_593] : memref<20000x128xf32, #tpu.memory_space<hbm>> -> memref<20000x128xf32, #tpu.memory_space<hbm>>
      tpu.enqueue_indirect_dma source(%dma_start3A_594 : memref<20000x128xf32, #tpu.memory_space<hbm>>) target(%dma_start3A_588 : memref<128x128xf32, #tpu.memory_space<vmem>>) offsets(%dma_start3A_591 : memref<128xi32, #tpu.memory_space<vmem>>) semaphore(%arg14 : memref<!tpu.dma_semaphore, #tpu.memory_space<semaphore_mem>>)
      %add3A_595 = arith.constant 2 : i32
      %add3A_596 = arith.addi %add3A_457, %add3A_595 : i32
      %lt3A_597 = arith.constant 42 : i32
      %lt3A_598 = arith.cmpi slt, %add3A_596, %lt3A_597 : i32
      %convert_element_type3A_599 = arith.extui %lt3A_598 : i1 to i32
      %cond3A_600 = arith.constant 0 : i32
      %cond3A_601 = arith.cmpi ne, %convert_element_type3A_599, %cond3A_600 : i32
      scf.if %cond3A_601 {
        %add3A_602 = arith.constant 2 : i32
        %add3A_603 = arith.addi %add3A_457, %add3A_602 : i32
        %mul3A_604 = arith.constant 2 : i32
        %mul3A_605 = arith.muli %add3A_603, %mul3A_604 : i32
        %dma_start3A_606 = arith.constant 1 : i32
        %dma_start3A_607 = arith.constant 0 : i32
        %dma_start3A_608 = arith.constant 0 : i32
        %dma_start3A_609 = tpu.memref_slice %arg7[%dma_start3A_606, %dma_start3A_607, %dma_start3A_608] : memref<2x2x128xi32, #tpu.memory_space<vmem>> -> memref<1x2x128xi32, #tpu.memory_space<vmem>>
        %dma_start3A_610 = tpu.memref_squeeze %dma_start3A_609 : memref<1x2x128xi32, #tpu.memory_space<vmem>> -> memref<2x128xi32, #tpu.memory_space<vmem>>
        %dma_start3A_611 = arith.constant 0 : i32
        %dma_start3A_612 = arith.constant 0 : i32
        %dma_start3A_613 = tpu.memref_slice %arg3[%add3A_4, %dma_start3A_611, %dma_start3A_612] : memref<32x84x128xi32, #tpu.memory_space<hbm>> -> memref<1x84x128xi32, #tpu.memory_space<hbm>>
        %dma_start3A_614 = tpu.memref_squeeze %dma_start3A_613 : memref<1x84x128xi32, #tpu.memory_space<hbm>> -> memref<84x128xi32, #tpu.memory_space<hbm>>
        %dma_start3A_615 = arith.constant 0 : i32
        %dma_start3A_616 = tpu.memref_slice %dma_start3A_614[%mul3A_605, %dma_start3A_615] : memref<84x128xi32, #tpu.memory_space<hbm>> -> memref<2x128xi32, #tpu.memory_space<hbm>>
        %dma_start3A_617 = arith.constant 0 : i32
        %dma_start3A_618 = arith.constant 0 : i32
        %dma_start3A_619 = tpu.memref_slice %arg7[%dma_start3A_606, %dma_start3A_617, %dma_start3A_618] : memref<2x2x128xi32, #tpu.memory_space<vmem>> -> memref<1x2x128xi32, #tpu.memory_space<vmem>>
        %dma_start3A_620 = tpu.memref_squeeze %dma_start3A_619 : memref<1x2x128xi32, #tpu.memory_space<vmem>> -> memref<2x128xi32, #tpu.memory_space<vmem>>
        %dma_start3A_621 = arith.constant 0 : i32
        %dma_start3A_622 = arith.constant 0 : i32
        %dma_start3A_623 = tpu.memref_slice %arg3[%add3A_4, %dma_start3A_621, %dma_start3A_622] : memref<32x84x128xi32, #tpu.memory_space<hbm>> -> memref<1x84x128xi32, #tpu.memory_space<hbm>>
        %dma_start3A_624 = tpu.memref_squeeze %dma_start3A_623 : memref<1x84x128xi32, #tpu.memory_space<hbm>> -> memref<84x128xi32, #tpu.memory_space<hbm>>
        %dma_start3A_625 = arith.constant 0 : i32
        %dma_start3A_626 = tpu.memref_slice %dma_start3A_624[%mul3A_605, %dma_start3A_625] : memref<84x128xi32, #tpu.memory_space<hbm>> -> memref<2x128xi32, #tpu.memory_space<hbm>>
        tpu.enqueue_dma source(%dma_start3A_626 : memref<2x128xi32, #tpu.memory_space<hbm>>) target(%dma_start3A_620 : memref<2x128xi32, #tpu.memory_space<vmem>>) target_semaphore(%arg12 : memref<!tpu.dma_semaphore, #tpu.memory_space<semaphore_mem>>)
      } else {
      }
    }
    %scan3A_106 = arith.constant 20 : i32
    %dma_wait3A_107 = arith.constant 1 : i32
    %dma_wait3A_108 = arith.constant 0 : i32
    %dma_wait3A_109 = arith.constant 0 : i32
    %dma_wait3A_110 = tpu.memref_slice %arg7[%dma_wait3A_107, %dma_wait3A_108, %dma_wait3A_109] : memref<2x2x128xi32, #tpu.memory_space<vmem>> -> memref<1x2x128xi32, #tpu.memory_space<vmem>>
    %dma_wait3A_111 = tpu.memref_squeeze %dma_wait3A_110 : memref<1x2x128xi32, #tpu.memory_space<vmem>> -> memref<2x128xi32, #tpu.memory_space<vmem>>
    %dma_wait3A_112 = arith.constant 0 : i32
    %dma_wait3A_113 = arith.constant 0 : i32
    %dma_wait3A_114 = tpu.memref_slice %arg3[%add3A_4, %dma_wait3A_112, %dma_wait3A_113] : memref<32x84x128xi32, #tpu.memory_space<hbm>> -> memref<1x84x128xi32, #tpu.memory_space<hbm>>
    %dma_wait3A_115 = tpu.memref_squeeze %dma_wait3A_114 : memref<1x84x128xi32, #tpu.memory_space<hbm>> -> memref<84x128xi32, #tpu.memory_space<hbm>>
    %dma_wait3A_116 = arith.constant 82 : i32
    %dma_wait3A_117 = arith.constant 0 : i32
    %dma_wait3A_118 = tpu.memref_slice %dma_wait3A_115[%dma_wait3A_116, %dma_wait3A_117] : memref<84x128xi32, #tpu.memory_space<hbm>> -> memref<2x128xi32, #tpu.memory_space<hbm>>
    %dma_wait3A_119 = arith.constant 0 : i32
    %dma_wait3A_120 = arith.constant 0 : i32
    %dma_wait3A_121 = tpu.memref_slice %arg7[%dma_wait3A_107, %dma_wait3A_119, %dma_wait3A_120] : memref<2x2x128xi32, #tpu.memory_space<vmem>> -> memref<1x2x128xi32, #tpu.memory_space<vmem>>
    %dma_wait3A_122 = tpu.memref_squeeze %dma_wait3A_121 : memref<1x2x128xi32, #tpu.memory_space<vmem>> -> memref<2x128xi32, #tpu.memory_space<vmem>>
    %dma_wait3A_123 = arith.constant 0 : i32
    %dma_wait3A_124 = arith.constant 0 : i32
    %dma_wait3A_125 = tpu.memref_slice %arg3[%add3A_4, %dma_wait3A_123, %dma_wait3A_124] : memref<32x84x128xi32, #tpu.memory_space<hbm>> -> memref<1x84x128xi32, #tpu.memory_space<hbm>>
    %dma_wait3A_126 = tpu.memref_squeeze %dma_wait3A_125 : memref<1x84x128xi32, #tpu.memory_space<hbm>> -> memref<84x128xi32, #tpu.memory_space<hbm>>
    %dma_wait3A_127 = arith.constant 82 : i32
    %dma_wait3A_128 = arith.constant 0 : i32
    %dma_wait3A_129 = tpu.memref_slice %dma_wait3A_126[%dma_wait3A_127, %dma_wait3A_128] : memref<84x128xi32, #tpu.memory_space<hbm>> -> memref<2x128xi32, #tpu.memory_space<hbm>>
    tpu.wait_dma2 semaphore(%arg12 : memref<!tpu.dma_semaphore, #tpu.memory_space<semaphore_mem>>) src(%dma_wait3A_129 : memref<2x128xi32, #tpu.memory_space<hbm>>) dst(%dma_wait3A_122 : memref<2x128xi32, #tpu.memory_space<vmem>>)
    %dma_wait3A_130 = arith.constant 0 : i32
    %dma_wait3A_131 = arith.constant 0 : i32
    %dma_wait3A_132 = arith.constant 0 : i32
    %dma_wait3A_133 = arith.constant 0 : i32
    %dma_wait3A_134 = arith.constant 0 : i32
    %dma_wait3A_135 = tpu.memref_slice %arg9[%dma_wait3A_132, %dma_wait3A_133, %dma_wait3A_134] : memref<2x128x128xf32, #tpu.memory_space<vmem>> -> memref<1x128x128xf32, #tpu.memory_space<vmem>>
    %dma_wait3A_136 = tpu.memref_squeeze %dma_wait3A_135 : memref<1x128x128xf32, #tpu.memory_space<vmem>> -> memref<128x128xf32, #tpu.memory_space<vmem>>
    %dma_wait3A_137 = arith.constant 0 : i32
    %dma_wait3A_138 = tpu.memref_slice %arg7[%dma_wait3A_130, %dma_wait3A_131, %dma_wait3A_137] : memref<2x2x128xi32, #tpu.memory_space<vmem>> -> memref<1x1x128xi32, #tpu.memory_space<vmem>>
    %dma_wait3A_139 = tpu.memref_squeeze %dma_wait3A_138 : memref<1x1x128xi32, #tpu.memory_space<vmem>> -> memref<128xi32, #tpu.memory_space<vmem>>
    %dma_wait3A_140 = arith.constant 0 : i32
    %dma_wait3A_141 = arith.constant 0 : i32
    %dma_wait3A_142 = tpu.memref_slice %arg2[%dma_wait3A_140, %dma_wait3A_141] : memref<20000x128xf32, #tpu.memory_space<hbm>> -> memref<20000x128xf32, #tpu.memory_space<hbm>>
    tpu.wait_indirect_dma semaphore(%arg13 : memref<!tpu.dma_semaphore, #tpu.memory_space<semaphore_mem>>) src(%dma_wait3A_142 : memref<20000x128xf32, #tpu.memory_space<hbm>>) dst(%dma_wait3A_136 : memref<128x128xf32, #tpu.memory_space<vmem>>)
    %dma_start3A_143 = arith.constant 0 : i32
    %dma_start3A_144 = arith.constant 80 : i32
    %dma_start3A_145 = arith.constant 0 : i32
    %dma_start3A_146 = arith.constant 0 : i32
    %dma_start3A_147 = tpu.memref_slice %arg9[%dma_start3A_143, %dma_start3A_145, %dma_start3A_146] : memref<2x128x128xf32, #tpu.memory_space<vmem>> -> memref<1x128x128xf32, #tpu.memory_space<vmem>>
    %dma_start3A_148 = tpu.memref_squeeze %dma_start3A_147 : memref<1x128x128xf32, #tpu.memory_space<vmem>> -> memref<128x128xf32, #tpu.memory_space<vmem>>
    %dma_start3A_149 = arith.constant 0 : i32
    %dma_start3A_150 = tpu.memref_slice %arg8[%dma_start3A_144, %dma_start3A_149] : memref<84x128xi32, #tpu.memory_space<vmem>> -> memref<1x128xi32, #tpu.memory_space<vmem>>
    %dma_start3A_151 = tpu.memref_squeeze %dma_start3A_150 : memref<1x128xi32, #tpu.memory_space<vmem>> -> memref<128xi32, #tpu.memory_space<vmem>>
    %dma_start3A_152 = arith.constant 0 : i32
    %dma_start3A_153 = arith.constant 0 : i32
    %dma_start3A_154 = tpu.memref_slice %arg10[%dma_start3A_152, %dma_start3A_153] : memref<10112x128xf32, #tpu.memory_space<vmem_shared>> -> memref<10112x128xf32, #tpu.memory_space<vmem_shared>>
    tpu.enqueue_indirect_dma source(%dma_start3A_148 : memref<128x128xf32, #tpu.memory_space<vmem>>) target(%dma_start3A_154 : memref<10112x128xf32, #tpu.memory_space<vmem_shared>>) offsets(%dma_start3A_151 : memref<128xi32, #tpu.memory_space<vmem>>) semaphore(%arg15 : memref<!tpu.dma_semaphore, #tpu.memory_space<semaphore_mem>>) {add = true}
    %dma_wait3A_155 = arith.constant 0 : i32
    %dma_wait3A_156 = arith.constant 1 : i32
    %dma_wait3A_157 = arith.constant 1 : i32
    %dma_wait3A_158 = arith.constant 0 : i32
    %dma_wait3A_159 = arith.constant 0 : i32
    %dma_wait3A_160 = tpu.memref_slice %arg9[%dma_wait3A_157, %dma_wait3A_158, %dma_wait3A_159] : memref<2x128x128xf32, #tpu.memory_space<vmem>> -> memref<1x128x128xf32, #tpu.memory_space<vmem>>
    %dma_wait3A_161 = tpu.memref_squeeze %dma_wait3A_160 : memref<1x128x128xf32, #tpu.memory_space<vmem>> -> memref<128x128xf32, #tpu.memory_space<vmem>>
    %dma_wait3A_162 = arith.constant 0 : i32
    %dma_wait3A_163 = tpu.memref_slice %arg7[%dma_wait3A_155, %dma_wait3A_156, %dma_wait3A_162] : memref<2x2x128xi32, #tpu.memory_space<vmem>> -> memref<1x1x128xi32, #tpu.memory_space<vmem>>
    %dma_wait3A_164 = tpu.memref_squeeze %dma_wait3A_163 : memref<1x1x128xi32, #tpu.memory_space<vmem>> -> memref<128xi32, #tpu.memory_space<vmem>>
    %dma_wait3A_165 = arith.constant 0 : i32
    %dma_wait3A_166 = arith.constant 0 : i32
    %dma_wait3A_167 = tpu.memref_slice %arg2[%dma_wait3A_165, %dma_wait3A_166] : memref<20000x128xf32, #tpu.memory_space<hbm>> -> memref<20000x128xf32, #tpu.memory_space<hbm>>
    tpu.wait_indirect_dma semaphore(%arg14 : memref<!tpu.dma_semaphore, #tpu.memory_space<semaphore_mem>>) src(%dma_wait3A_167 : memref<20000x128xf32, #tpu.memory_space<hbm>>) dst(%dma_wait3A_161 : memref<128x128xf32, #tpu.memory_space<vmem>>)
    %dma_start3A_168 = arith.constant 1 : i32
    %dma_start3A_169 = arith.constant 81 : i32
    %dma_start3A_170 = arith.constant 0 : i32
    %dma_start3A_171 = arith.constant 0 : i32
    %dma_start3A_172 = tpu.memref_slice %arg9[%dma_start3A_168, %dma_start3A_170, %dma_start3A_171] : memref<2x128x128xf32, #tpu.memory_space<vmem>> -> memref<1x128x128xf32, #tpu.memory_space<vmem>>
    %dma_start3A_173 = tpu.memref_squeeze %dma_start3A_172 : memref<1x128x128xf32, #tpu.memory_space<vmem>> -> memref<128x128xf32, #tpu.memory_space<vmem>>
    %dma_start3A_174 = arith.constant 0 : i32
    %dma_start3A_175 = tpu.memref_slice %arg8[%dma_start3A_169, %dma_start3A_174] : memref<84x128xi32, #tpu.memory_space<vmem>> -> memref<1x128xi32, #tpu.memory_space<vmem>>
    %dma_start3A_176 = tpu.memref_squeeze %dma_start3A_175 : memref<1x128xi32, #tpu.memory_space<vmem>> -> memref<128xi32, #tpu.memory_space<vmem>>
    %dma_start3A_177 = arith.constant 0 : i32
    %dma_start3A_178 = arith.constant 0 : i32
    %dma_start3A_179 = tpu.memref_slice %arg10[%dma_start3A_177, %dma_start3A_178] : memref<10112x128xf32, #tpu.memory_space<vmem_shared>> -> memref<10112x128xf32, #tpu.memory_space<vmem_shared>>
    tpu.enqueue_indirect_dma source(%dma_start3A_173 : memref<128x128xf32, #tpu.memory_space<vmem>>) target(%dma_start3A_179 : memref<10112x128xf32, #tpu.memory_space<vmem_shared>>) offsets(%dma_start3A_176 : memref<128xi32, #tpu.memory_space<vmem>>) semaphore(%arg16 : memref<!tpu.dma_semaphore, #tpu.memory_space<semaphore_mem>>) {add = true}
    %dma_wait3A_180 = arith.constant 0 : i32
    %dma_wait3A_181 = arith.constant 80 : i32
    %dma_wait3A_182 = arith.constant 0 : i32
    %dma_wait3A_183 = arith.constant 0 : i32
    %dma_wait3A_184 = tpu.memref_slice %arg9[%dma_wait3A_180, %dma_wait3A_182, %dma_wait3A_183] : memref<2x128x128xf32, #tpu.memory_space<vmem>> -> memref<1x128x128xf32, #tpu.memory_space<vmem>>
    %dma_wait3A_185 = tpu.memref_squeeze %dma_wait3A_184 : memref<1x128x128xf32, #tpu.memory_space<vmem>> -> memref<128x128xf32, #tpu.memory_space<vmem>>
    %dma_wait3A_186 = arith.constant 0 : i32
    %dma_wait3A_187 = tpu.memref_slice %arg8[%dma_wait3A_181, %dma_wait3A_186] : memref<84x128xi32, #tpu.memory_space<vmem>> -> memref<1x128xi32, #tpu.memory_space<vmem>>
    %dma_wait3A_188 = tpu.memref_squeeze %dma_wait3A_187 : memref<1x128xi32, #tpu.memory_space<vmem>> -> memref<128xi32, #tpu.memory_space<vmem>>
    %dma_wait3A_189 = arith.constant 0 : i32
    %dma_wait3A_190 = arith.constant 0 : i32
    %dma_wait3A_191 = tpu.memref_slice %arg10[%dma_wait3A_189, %dma_wait3A_190] : memref<10112x128xf32, #tpu.memory_space<vmem_shared>> -> memref<10112x128xf32, #tpu.memory_space<vmem_shared>>
    tpu.wait_indirect_dma semaphore(%arg15 : memref<!tpu.dma_semaphore, #tpu.memory_space<semaphore_mem>>) src(%dma_wait3A_185 : memref<128x128xf32, #tpu.memory_space<vmem>>) dst(%dma_wait3A_191 : memref<10112x128xf32, #tpu.memory_space<vmem_shared>>)
    %dma_start3A_192 = arith.constant 1 : i32
    %dma_start3A_193 = arith.constant 0 : i32
    %dma_start3A_194 = arith.constant 0 : i32
    %dma_start3A_195 = arith.constant 0 : i32
    %dma_start3A_196 = arith.constant 0 : i32
    %dma_start3A_197 = tpu.memref_slice %arg9[%dma_start3A_194, %dma_start3A_195, %dma_start3A_196] : memref<2x128x128xf32, #tpu.memory_space<vmem>> -> memref<1x128x128xf32, #tpu.memory_space<vmem>>
    %dma_start3A_198 = tpu.memref_squeeze %dma_start3A_197 : memref<1x128x128xf32, #tpu.memory_space<vmem>> -> memref<128x128xf32, #tpu.memory_space<vmem>>
    %dma_start3A_199 = arith.constant 0 : i32
    %dma_start3A_200 = tpu.memref_slice %arg7[%dma_start3A_192, %dma_start3A_193, %dma_start3A_199] : memref<2x2x128xi32, #tpu.memory_space<vmem>> -> memref<1x1x128xi32, #tpu.memory_space<vmem>>
    %dma_start3A_201 = tpu.memref_squeeze %dma_start3A_200 : memref<1x1x128xi32, #tpu.memory_space<vmem>> -> memref<128xi32, #tpu.memory_space<vmem>>
    %dma_start3A_202 = arith.constant 0 : i32
    %dma_start3A_203 = arith.constant 0 : i32
    %dma_start3A_204 = tpu.memref_slice %arg2[%dma_start3A_202, %dma_start3A_203] : memref<20000x128xf32, #tpu.memory_space<hbm>> -> memref<20000x128xf32, #tpu.memory_space<hbm>>
    tpu.enqueue_indirect_dma source(%dma_start3A_204 : memref<20000x128xf32, #tpu.memory_space<hbm>>) target(%dma_start3A_198 : memref<128x128xf32, #tpu.memory_space<vmem>>) offsets(%dma_start3A_201 : memref<128xi32, #tpu.memory_space<vmem>>) semaphore(%arg13 : memref<!tpu.dma_semaphore, #tpu.memory_space<semaphore_mem>>)
    %dma_wait3A_205 = arith.constant 1 : i32
    %dma_wait3A_206 = arith.constant 81 : i32
    %dma_wait3A_207 = arith.constant 0 : i32
    %dma_wait3A_208 = arith.constant 0 : i32
    %dma_wait3A_209 = tpu.memref_slice %arg9[%dma_wait3A_205, %dma_wait3A_207, %dma_wait3A_208] : memref<2x128x128xf32, #tpu.memory_space<vmem>> -> memref<1x128x128xf32, #tpu.memory_space<vmem>>
    %dma_wait3A_210 = tpu.memref_squeeze %dma_wait3A_209 : memref<1x128x128xf32, #tpu.memory_space<vmem>> -> memref<128x128xf32, #tpu.memory_space<vmem>>
    %dma_wait3A_211 = arith.constant 0 : i32
    %dma_wait3A_212 = tpu.memref_slice %arg8[%dma_wait3A_206, %dma_wait3A_211] : memref<84x128xi32, #tpu.memory_space<vmem>> -> memref<1x128xi32, #tpu.memory_space<vmem>>
    %dma_wait3A_213 = tpu.memref_squeeze %dma_wait3A_212 : memref<1x128xi32, #tpu.memory_space<vmem>> -> memref<128xi32, #tpu.memory_space<vmem>>
    %dma_wait3A_214 = arith.constant 0 : i32
    %dma_wait3A_215 = arith.constant 0 : i32
    %dma_wait3A_216 = tpu.memref_slice %arg10[%dma_wait3A_214, %dma_wait3A_215] : memref<10112x128xf32, #tpu.memory_space<vmem_shared>> -> memref<10112x128xf32, #tpu.memory_space<vmem_shared>>
    tpu.wait_indirect_dma semaphore(%arg16 : memref<!tpu.dma_semaphore, #tpu.memory_space<semaphore_mem>>) src(%dma_wait3A_210 : memref<128x128xf32, #tpu.memory_space<vmem>>) dst(%dma_wait3A_216 : memref<10112x128xf32, #tpu.memory_space<vmem_shared>>)
    %dma_start3A_217 = arith.constant 1 : i32
    %dma_start3A_218 = arith.constant 1 : i32
    %dma_start3A_219 = arith.constant 1 : i32
    %dma_start3A_220 = arith.constant 0 : i32
    %dma_start3A_221 = arith.constant 0 : i32
    %dma_start3A_222 = tpu.memref_slice %arg9[%dma_start3A_219, %dma_start3A_220, %dma_start3A_221] : memref<2x128x128xf32, #tpu.memory_space<vmem>> -> memref<1x128x128xf32, #tpu.memory_space<vmem>>
    %dma_start3A_223 = tpu.memref_squeeze %dma_start3A_222 : memref<1x128x128xf32, #tpu.memory_space<vmem>> -> memref<128x128xf32, #tpu.memory_space<vmem>>
    %dma_start3A_224 = arith.constant 0 : i32
    %dma_start3A_225 = tpu.memref_slice %arg7[%dma_start3A_217, %dma_start3A_218, %dma_start3A_224] : memref<2x2x128xi32, #tpu.memory_space<vmem>> -> memref<1x1x128xi32, #tpu.memory_space<vmem>>
    %dma_start3A_226 = tpu.memref_squeeze %dma_start3A_225 : memref<1x1x128xi32, #tpu.memory_space<vmem>> -> memref<128xi32, #tpu.memory_space<vmem>>
    %dma_start3A_227 = arith.constant 0 : i32
    %dma_start3A_228 = arith.constant 0 : i32
    %dma_start3A_229 = tpu.memref_slice %arg2[%dma_start3A_227, %dma_start3A_228] : memref<20000x128xf32, #tpu.memory_space<hbm>> -> memref<20000x128xf32, #tpu.memory_space<hbm>>
    tpu.enqueue_indirect_dma source(%dma_start3A_229 : memref<20000x128xf32, #tpu.memory_space<hbm>>) target(%dma_start3A_223 : memref<128x128xf32, #tpu.memory_space<vmem>>) offsets(%dma_start3A_226 : memref<128xi32, #tpu.memory_space<vmem>>) semaphore(%arg14 : memref<!tpu.dma_semaphore, #tpu.memory_space<semaphore_mem>>)
    %dma_wait3A_230 = arith.constant 1 : i32
    %dma_wait3A_231 = arith.constant 0 : i32
    %dma_wait3A_232 = arith.constant 0 : i32
    %dma_wait3A_233 = arith.constant 0 : i32
    %dma_wait3A_234 = arith.constant 0 : i32
    %dma_wait3A_235 = tpu.memref_slice %arg9[%dma_wait3A_232, %dma_wait3A_233, %dma_wait3A_234] : memref<2x128x128xf32, #tpu.memory_space<vmem>> -> memref<1x128x128xf32, #tpu.memory_space<vmem>>
    %dma_wait3A_236 = tpu.memref_squeeze %dma_wait3A_235 : memref<1x128x128xf32, #tpu.memory_space<vmem>> -> memref<128x128xf32, #tpu.memory_space<vmem>>
    %dma_wait3A_237 = arith.constant 0 : i32
    %dma_wait3A_238 = tpu.memref_slice %arg7[%dma_wait3A_230, %dma_wait3A_231, %dma_wait3A_237] : memref<2x2x128xi32, #tpu.memory_space<vmem>> -> memref<1x1x128xi32, #tpu.memory_space<vmem>>
    %dma_wait3A_239 = tpu.memref_squeeze %dma_wait3A_238 : memref<1x1x128xi32, #tpu.memory_space<vmem>> -> memref<128xi32, #tpu.memory_space<vmem>>
    %dma_wait3A_240 = arith.constant 0 : i32
    %dma_wait3A_241 = arith.constant 0 : i32
    %dma_wait3A_242 = tpu.memref_slice %arg2[%dma_wait3A_240, %dma_wait3A_241] : memref<20000x128xf32, #tpu.memory_space<hbm>> -> memref<20000x128xf32, #tpu.memory_space<hbm>>
    tpu.wait_indirect_dma semaphore(%arg13 : memref<!tpu.dma_semaphore, #tpu.memory_space<semaphore_mem>>) src(%dma_wait3A_242 : memref<20000x128xf32, #tpu.memory_space<hbm>>) dst(%dma_wait3A_236 : memref<128x128xf32, #tpu.memory_space<vmem>>)
    %dma_start3A_243 = arith.constant 0 : i32
    %dma_start3A_244 = arith.constant 82 : i32
    %dma_start3A_245 = arith.constant 0 : i32
    %dma_start3A_246 = arith.constant 0 : i32
    %dma_start3A_247 = tpu.memref_slice %arg9[%dma_start3A_243, %dma_start3A_245, %dma_start3A_246] : memref<2x128x128xf32, #tpu.memory_space<vmem>> -> memref<1x128x128xf32, #tpu.memory_space<vmem>>
    %dma_start3A_248 = tpu.memref_squeeze %dma_start3A_247 : memref<1x128x128xf32, #tpu.memory_space<vmem>> -> memref<128x128xf32, #tpu.memory_space<vmem>>
    %dma_start3A_249 = arith.constant 0 : i32
    %dma_start3A_250 = tpu.memref_slice %arg8[%dma_start3A_244, %dma_start3A_249] : memref<84x128xi32, #tpu.memory_space<vmem>> -> memref<1x128xi32, #tpu.memory_space<vmem>>
    %dma_start3A_251 = tpu.memref_squeeze %dma_start3A_250 : memref<1x128xi32, #tpu.memory_space<vmem>> -> memref<128xi32, #tpu.memory_space<vmem>>
    %dma_start3A_252 = arith.constant 0 : i32
    %dma_start3A_253 = arith.constant 0 : i32
    %dma_start3A_254 = tpu.memref_slice %arg10[%dma_start3A_252, %dma_start3A_253] : memref<10112x128xf32, #tpu.memory_space<vmem_shared>> -> memref<10112x128xf32, #tpu.memory_space<vmem_shared>>
    tpu.enqueue_indirect_dma source(%dma_start3A_248 : memref<128x128xf32, #tpu.memory_space<vmem>>) target(%dma_start3A_254 : memref<10112x128xf32, #tpu.memory_space<vmem_shared>>) offsets(%dma_start3A_251 : memref<128xi32, #tpu.memory_space<vmem>>) semaphore(%arg15 : memref<!tpu.dma_semaphore, #tpu.memory_space<semaphore_mem>>) {add = true}
    %dma_wait3A_255 = arith.constant 1 : i32
    %dma_wait3A_256 = arith.constant 1 : i32
    %dma_wait3A_257 = arith.constant 1 : i32
    %dma_wait3A_258 = arith.constant 0 : i32
    %dma_wait3A_259 = arith.constant 0 : i32
    %dma_wait3A_260 = tpu.memref_slice %arg9[%dma_wait3A_257, %dma_wait3A_258, %dma_wait3A_259] : memref<2x128x128xf32, #tpu.memory_space<vmem>> -> memref<1x128x128xf32, #tpu.memory_space<vmem>>
    %dma_wait3A_261 = tpu.memref_squeeze %dma_wait3A_260 : memref<1x128x128xf32, #tpu.memory_space<vmem>> -> memref<128x128xf32, #tpu.memory_space<vmem>>
    %dma_wait3A_262 = arith.constant 0 : i32
    %dma_wait3A_263 = tpu.memref_slice %arg7[%dma_wait3A_255, %dma_wait3A_256, %dma_wait3A_262] : memref<2x2x128xi32, #tpu.memory_space<vmem>> -> memref<1x1x128xi32, #tpu.memory_space<vmem>>
    %dma_wait3A_264 = tpu.memref_squeeze %dma_wait3A_263 : memref<1x1x128xi32, #tpu.memory_space<vmem>> -> memref<128xi32, #tpu.memory_space<vmem>>
    %dma_wait3A_265 = arith.constant 0 : i32
    %dma_wait3A_266 = arith.constant 0 : i32
    %dma_wait3A_267 = tpu.memref_slice %arg2[%dma_wait3A_265, %dma_wait3A_266] : memref<20000x128xf32, #tpu.memory_space<hbm>> -> memref<20000x128xf32, #tpu.memory_space<hbm>>
    tpu.wait_indirect_dma semaphore(%arg14 : memref<!tpu.dma_semaphore, #tpu.memory_space<semaphore_mem>>) src(%dma_wait3A_267 : memref<20000x128xf32, #tpu.memory_space<hbm>>) dst(%dma_wait3A_261 : memref<128x128xf32, #tpu.memory_space<vmem>>)
    %dma_start3A_268 = arith.constant 1 : i32
    %dma_start3A_269 = arith.constant 83 : i32
    %dma_start3A_270 = arith.constant 0 : i32
    %dma_start3A_271 = arith.constant 0 : i32
    %dma_start3A_272 = tpu.memref_slice %arg9[%dma_start3A_268, %dma_start3A_270, %dma_start3A_271] : memref<2x128x128xf32, #tpu.memory_space<vmem>> -> memref<1x128x128xf32, #tpu.memory_space<vmem>>
    %dma_start3A_273 = tpu.memref_squeeze %dma_start3A_272 : memref<1x128x128xf32, #tpu.memory_space<vmem>> -> memref<128x128xf32, #tpu.memory_space<vmem>>
    %dma_start3A_274 = arith.constant 0 : i32
    %dma_start3A_275 = tpu.memref_slice %arg8[%dma_start3A_269, %dma_start3A_274] : memref<84x128xi32, #tpu.memory_space<vmem>> -> memref<1x128xi32, #tpu.memory_space<vmem>>
    %dma_start3A_276 = tpu.memref_squeeze %dma_start3A_275 : memref<1x128xi32, #tpu.memory_space<vmem>> -> memref<128xi32, #tpu.memory_space<vmem>>
    %dma_start3A_277 = arith.constant 0 : i32
    %dma_start3A_278 = arith.constant 0 : i32
    %dma_start3A_279 = tpu.memref_slice %arg10[%dma_start3A_277, %dma_start3A_278] : memref<10112x128xf32, #tpu.memory_space<vmem_shared>> -> memref<10112x128xf32, #tpu.memory_space<vmem_shared>>
    tpu.enqueue_indirect_dma source(%dma_start3A_273 : memref<128x128xf32, #tpu.memory_space<vmem>>) target(%dma_start3A_279 : memref<10112x128xf32, #tpu.memory_space<vmem_shared>>) offsets(%dma_start3A_276 : memref<128xi32, #tpu.memory_space<vmem>>) semaphore(%arg16 : memref<!tpu.dma_semaphore, #tpu.memory_space<semaphore_mem>>) {add = true}
    %dma_wait3A_280 = arith.constant 0 : i32
    %dma_wait3A_281 = arith.constant 82 : i32
    %dma_wait3A_282 = arith.constant 0 : i32
    %dma_wait3A_283 = arith.constant 0 : i32
    %dma_wait3A_284 = tpu.memref_slice %arg9[%dma_wait3A_280, %dma_wait3A_282, %dma_wait3A_283] : memref<2x128x128xf32, #tpu.memory_space<vmem>> -> memref<1x128x128xf32, #tpu.memory_space<vmem>>
    %dma_wait3A_285 = tpu.memref_squeeze %dma_wait3A_284 : memref<1x128x128xf32, #tpu.memory_space<vmem>> -> memref<128x128xf32, #tpu.memory_space<vmem>>
    %dma_wait3A_286 = arith.constant 0 : i32
    %dma_wait3A_287 = tpu.memref_slice %arg8[%dma_wait3A_281, %dma_wait3A_286] : memref<84x128xi32, #tpu.memory_space<vmem>> -> memref<1x128xi32, #tpu.memory_space<vmem>>
    %dma_wait3A_288 = tpu.memref_squeeze %dma_wait3A_287 : memref<1x128xi32, #tpu.memory_space<vmem>> -> memref<128xi32, #tpu.memory_space<vmem>>
    %dma_wait3A_289 = arith.constant 0 : i32
    %dma_wait3A_290 = arith.constant 0 : i32
    %dma_wait3A_291 = tpu.memref_slice %arg10[%dma_wait3A_289, %dma_wait3A_290] : memref<10112x128xf32, #tpu.memory_space<vmem_shared>> -> memref<10112x128xf32, #tpu.memory_space<vmem_shared>>
    tpu.wait_indirect_dma semaphore(%arg15 : memref<!tpu.dma_semaphore, #tpu.memory_space<semaphore_mem>>) src(%dma_wait3A_285 : memref<128x128xf32, #tpu.memory_space<vmem>>) dst(%dma_wait3A_291 : memref<10112x128xf32, #tpu.memory_space<vmem_shared>>)
    %dma_wait3A_292 = arith.constant 1 : i32
    %dma_wait3A_293 = arith.constant 83 : i32
    %dma_wait3A_294 = arith.constant 0 : i32
    %dma_wait3A_295 = arith.constant 0 : i32
    %dma_wait3A_296 = tpu.memref_slice %arg9[%dma_wait3A_292, %dma_wait3A_294, %dma_wait3A_295] : memref<2x128x128xf32, #tpu.memory_space<vmem>> -> memref<1x128x128xf32, #tpu.memory_space<vmem>>
    %dma_wait3A_297 = tpu.memref_squeeze %dma_wait3A_296 : memref<1x128x128xf32, #tpu.memory_space<vmem>> -> memref<128x128xf32, #tpu.memory_space<vmem>>
    %dma_wait3A_298 = arith.constant 0 : i32
    %dma_wait3A_299 = tpu.memref_slice %arg8[%dma_wait3A_293, %dma_wait3A_298] : memref<84x128xi32, #tpu.memory_space<vmem>> -> memref<1x128xi32, #tpu.memory_space<vmem>>
    %dma_wait3A_300 = tpu.memref_squeeze %dma_wait3A_299 : memref<1x128xi32, #tpu.memory_space<vmem>> -> memref<128xi32, #tpu.memory_space<vmem>>
    %dma_wait3A_301 = arith.constant 0 : i32
    %dma_wait3A_302 = arith.constant 0 : i32
    %dma_wait3A_303 = tpu.memref_slice %arg10[%dma_wait3A_301, %dma_wait3A_302] : memref<10112x128xf32, #tpu.memory_space<vmem_shared>> -> memref<10112x128xf32, #tpu.memory_space<vmem_shared>>
    tpu.wait_indirect_dma semaphore(%arg16 : memref<!tpu.dma_semaphore, #tpu.memory_space<semaphore_mem>>) src(%dma_wait3A_297 : memref<128x128xf32, #tpu.memory_space<vmem>>) dst(%dma_wait3A_303 : memref<10112x128xf32, #tpu.memory_space<vmem_shared>>)
    %barrier3A_304 = arith.constant 0 : index
    tpu.barrier barrier_id(%barrier3A_304)
    %mul3A_305 = arith.constant 632 : i32
    %mul3A_306 = arith.muli %arg1, %mul3A_305 : i32
    %mul3A_307 = arith.constant 632 : i32
    %mul3A_308 = arith.muli %arg1, %mul3A_307 : i32
    "tpu.region"() ({
      %run_scoped3A = tpu.sem_alloc : memref<!tpu.dma_semaphore, #tpu.memory_space<semaphore_mem>>
      %dma_start3A_310 = arith.constant 0 : i32
      %dma_start3A_311 = tpu.memref_slice %arg6[%add3A_1, %mul3A_308, %dma_start3A_310] : memref<2x10112x128xf32, #tpu.memory_space<hbm>> -> memref<1x632x128xf32, #tpu.memory_space<hbm>>
      %dma_start3A_312 = tpu.memref_squeeze %dma_start3A_311 : memref<1x632x128xf32, #tpu.memory_space<hbm>> -> memref<632x128xf32, #tpu.memory_space<hbm>>
      %dma_start3A_313 = arith.constant 0 : i32
      %dma_start3A_314 = tpu.memref_slice %arg10[%mul3A_306, %dma_start3A_313] : memref<10112x128xf32, #tpu.memory_space<vmem_shared>> -> memref<632x128xf32, #tpu.memory_space<vmem_shared>>
      tpu.enqueue_dma source(%dma_start3A_314 : memref<632x128xf32, #tpu.memory_space<vmem_shared>>) target(%dma_start3A_312 : memref<632x128xf32, #tpu.memory_space<hbm>>) target_semaphore(%run_scoped3A : memref<!tpu.dma_semaphore, #tpu.memory_space<semaphore_mem>>)
      %dma_wait3A_315 = arith.constant 0 : i32
      %dma_wait3A_316 = tpu.memref_slice %arg6[%add3A_1, %mul3A_308, %dma_wait3A_315] : memref<2x10112x128xf32, #tpu.memory_space<hbm>> -> memref<1x632x128xf32, #tpu.memory_space<hbm>>
      %dma_wait3A_317 = tpu.memref_squeeze %dma_wait3A_316 : memref<1x632x128xf32, #tpu.memory_space<hbm>> -> memref<632x128xf32, #tpu.memory_space<hbm>>
      %dma_wait3A_318 = arith.constant 0 : i32
      %dma_wait3A_319 = tpu.memref_slice %arg10[%mul3A_306, %dma_wait3A_318] : memref<10112x128xf32, #tpu.memory_space<vmem_shared>> -> memref<632x128xf32, #tpu.memory_space<vmem_shared>>
      tpu.wait_dma2 semaphore(%run_scoped3A : memref<!tpu.dma_semaphore, #tpu.memory_space<semaphore_mem>>) src(%dma_wait3A_319 : memref<632x128xf32, #tpu.memory_space<vmem_shared>>) dst(%dma_wait3A_317 : memref<632x128xf32, #tpu.memory_space<hbm>>)
      tpu.yield
    }) : () -> ()
    %barrier3A_309 = arith.constant 0 : index
    tpu.barrier barrier_id(%barrier3A_309)
    return
  }
}

#map = affine_map<(d0, d1) -> (0, 0)>
#map1 = affine_map<(d0, d1) -> (0, 0, 0)>
module attributes {stable_mosaic.version = 14 : i64} {
  func.func @prop(%arg0: i32, %arg1: i32, %arg2: memref<40000x128xf32, #tpu.memory_space<hbm>>, %arg3: memref<64x84x128xi32, #tpu.memory_space<hbm>>, %arg4: memref<16x84x128xi32, #tpu.memory_space<hbm>>, %arg5: memref<10112x128xf32, #tpu.memory_space<hbm>>, %arg6: memref<4x10112x128xf32, #tpu.memory_space<hbm>>, %arg7: memref<2x2x128xi32, #tpu.memory_space<vmem>>, %arg8: memref<84x128xi32, #tpu.memory_space<vmem>>, %arg9: memref<2x128x128xf32, #tpu.memory_space<vmem>>, %arg10: memref<10112x128xf32, #tpu.memory_space<vmem_shared>>, %arg11: memref<!tpu.dma_semaphore, #tpu.memory_space<semaphore_mem>>, %arg12: memref<!tpu.dma_semaphore, #tpu.memory_space<semaphore_mem>>, %arg13: memref<!tpu.dma_semaphore, #tpu.memory_space<semaphore_mem>>, %arg14: memref<!tpu.dma_semaphore, #tpu.memory_space<semaphore_mem>>, %arg15: memref<!tpu.dma_semaphore, #tpu.memory_space<semaphore_mem>>, %arg16: memref<!tpu.dma_semaphore, #tpu.memory_space<semaphore_mem>>) attributes {dimension_semantics = [#tpu.dimension_semantics<core_parallel>, #tpu.dimension_semantics<subcore_parallel>], iteration_bounds = array<i64: 2, 16>, scalar_prefetch = 0 : i64, scratch_operands = 10 : i64, tpu.core_type = #tpu.core_type<sc_vector_subcore>, window_params = [{transform_indices = #map}, {transform_indices = #map1}, {transform_indices = #map1}, {transform_indices = #map}, {transform_indices = #map1}]} {
    "tpu.region"() ({
      %run_scoped3A = tpu.sem_alloc : memref<!tpu.dma_semaphore, #tpu.memory_space<semaphore_mem>>
      %dma_start3A_626 = arith.constant 0 : i32
      %dma_start3A_627 = arith.constant 0 : i32
      %dma_start3A_628 = tpu.memref_slice %arg4[%arg1, %dma_start3A_626, %dma_start3A_627] : memref<16x84x128xi32, #tpu.memory_space<hbm>> -> memref<1x84x128xi32, #tpu.memory_space<hbm>>
      %dma_start3A_629 = tpu.memref_squeeze %dma_start3A_628 : memref<1x84x128xi32, #tpu.memory_space<hbm>> -> memref<84x128xi32, #tpu.memory_space<hbm>>
      %dma_start3A_630 = arith.constant 0 : i32
      %dma_start3A_631 = arith.constant 0 : i32
      %dma_start3A_632 = tpu.memref_slice %arg4[%arg1, %dma_start3A_630, %dma_start3A_631] : memref<16x84x128xi32, #tpu.memory_space<hbm>> -> memref<1x84x128xi32, #tpu.memory_space<hbm>>
      %dma_start3A_633 = tpu.memref_squeeze %dma_start3A_632 : memref<1x84x128xi32, #tpu.memory_space<hbm>> -> memref<84x128xi32, #tpu.memory_space<hbm>>
      tpu.enqueue_dma source(%dma_start3A_633 : memref<84x128xi32, #tpu.memory_space<hbm>>) target(%arg8 : memref<84x128xi32, #tpu.memory_space<vmem>>) target_semaphore(%run_scoped3A : memref<!tpu.dma_semaphore, #tpu.memory_space<semaphore_mem>>)
      %dma_wait3A_634 = arith.constant 0 : i32
      %dma_wait3A_635 = arith.constant 0 : i32
      %dma_wait3A_636 = tpu.memref_slice %arg4[%arg1, %dma_wait3A_634, %dma_wait3A_635] : memref<16x84x128xi32, #tpu.memory_space<hbm>> -> memref<1x84x128xi32, #tpu.memory_space<hbm>>
      %dma_wait3A_637 = tpu.memref_squeeze %dma_wait3A_636 : memref<1x84x128xi32, #tpu.memory_space<hbm>> -> memref<84x128xi32, #tpu.memory_space<hbm>>
      %dma_wait3A_638 = arith.constant 0 : i32
      %dma_wait3A_639 = arith.constant 0 : i32
      %dma_wait3A_640 = tpu.memref_slice %arg4[%arg1, %dma_wait3A_638, %dma_wait3A_639] : memref<16x84x128xi32, #tpu.memory_space<hbm>> -> memref<1x84x128xi32, #tpu.memory_space<hbm>>
      %dma_wait3A_641 = tpu.memref_squeeze %dma_wait3A_640 : memref<1x84x128xi32, #tpu.memory_space<hbm>> -> memref<84x128xi32, #tpu.memory_space<hbm>>
      tpu.wait_dma2 semaphore(%run_scoped3A : memref<!tpu.dma_semaphore, #tpu.memory_space<semaphore_mem>>) src(%dma_wait3A_641 : memref<84x128xi32, #tpu.memory_space<hbm>>) dst(%arg8 : memref<84x128xi32, #tpu.memory_space<vmem>>)
      tpu.yield
    }) : () -> ()
    %mul3A = arith.constant 2 : i32
    %mul3A_0 = arith.muli %arg0, %mul3A : i32
    %add3A = arith.constant 0 : i32
    %add3A_1 = arith.addi %mul3A_0, %add3A : i32
    %mul3A_2 = arith.constant 16 : i32
    %mul3A_3 = arith.muli %add3A_1, %mul3A_2 : i32
    %add3A_4 = arith.addi %mul3A_3, %arg1 : i32
    %mul3A_5 = arith.constant 632 : i32
    %mul3A_6 = arith.muli %arg1, %mul3A_5 : i32
    %mul3A_7 = arith.constant 632 : i32
    %mul3A_8 = arith.muli %arg1, %mul3A_7 : i32
    "tpu.region"() ({
      %run_scoped3A = tpu.sem_alloc : memref<!tpu.dma_semaphore, #tpu.memory_space<semaphore_mem>>
      %dma_start3A_626 = arith.constant 0 : i32
      %dma_start3A_627 = tpu.memref_slice %arg10[%mul3A_8, %dma_start3A_626] : memref<10112x128xf32, #tpu.memory_space<vmem_shared>> -> memref<632x128xf32, #tpu.memory_space<vmem_shared>>
      %dma_start3A_628 = arith.constant 0 : i32
      %dma_start3A_629 = tpu.memref_slice %arg5[%mul3A_6, %dma_start3A_628] : memref<10112x128xf32, #tpu.memory_space<hbm>> -> memref<632x128xf32, #tpu.memory_space<hbm>>
      tpu.enqueue_dma source(%dma_start3A_629 : memref<632x128xf32, #tpu.memory_space<hbm>>) target(%dma_start3A_627 : memref<632x128xf32, #tpu.memory_space<vmem_shared>>) target_semaphore(%run_scoped3A : memref<!tpu.dma_semaphore, #tpu.memory_space<semaphore_mem>>)
      %dma_wait3A_630 = arith.constant 0 : i32
      %dma_wait3A_631 = tpu.memref_slice %arg10[%mul3A_8, %dma_wait3A_630] : memref<10112x128xf32, #tpu.memory_space<vmem_shared>> -> memref<632x128xf32, #tpu.memory_space<vmem_shared>>
      %dma_wait3A_632 = arith.constant 0 : i32
      %dma_wait3A_633 = tpu.memref_slice %arg5[%mul3A_6, %dma_wait3A_632] : memref<10112x128xf32, #tpu.memory_space<hbm>> -> memref<632x128xf32, #tpu.memory_space<hbm>>
      tpu.wait_dma2 semaphore(%run_scoped3A : memref<!tpu.dma_semaphore, #tpu.memory_space<semaphore_mem>>) src(%dma_wait3A_633 : memref<632x128xf32, #tpu.memory_space<hbm>>) dst(%dma_wait3A_631 : memref<632x128xf32, #tpu.memory_space<vmem_shared>>)
      tpu.yield
    }) : () -> ()
    %barrier3A = arith.constant 0 : index
    tpu.barrier barrier_id(%barrier3A)
    %dma_start3A = arith.constant 0 : i32
    %dma_start3A_9 = arith.constant 0 : i32
    %dma_start3A_10 = arith.constant 0 : i32
    %dma_start3A_11 = tpu.memref_slice %arg7[%dma_start3A, %dma_start3A_9, %dma_start3A_10] : memref<2x2x128xi32, #tpu.memory_space<vmem>> -> memref<1x2x128xi32, #tpu.memory_space<vmem>>
    %dma_start3A_12 = tpu.memref_squeeze %dma_start3A_11 : memref<1x2x128xi32, #tpu.memory_space<vmem>> -> memref<2x128xi32, #tpu.memory_space<vmem>>
    %dma_start3A_13 = arith.constant 0 : i32
    %dma_start3A_14 = arith.constant 0 : i32
    %dma_start3A_15 = tpu.memref_slice %arg3[%add3A_4, %dma_start3A_13, %dma_start3A_14] : memref<64x84x128xi32, #tpu.memory_space<hbm>> -> memref<1x84x128xi32, #tpu.memory_space<hbm>>
    %dma_start3A_16 = tpu.memref_squeeze %dma_start3A_15 : memref<1x84x128xi32, #tpu.memory_space<hbm>> -> memref<84x128xi32, #tpu.memory_space<hbm>>
    %dma_start3A_17 = arith.constant 0 : i32
    %dma_start3A_18 = arith.constant 0 : i32
    %dma_start3A_19 = tpu.memref_slice %dma_start3A_16[%dma_start3A_17, %dma_start3A_18] : memref<84x128xi32, #tpu.memory_space<hbm>> -> memref<2x128xi32, #tpu.memory_space<hbm>>
    %dma_start3A_20 = arith.constant 0 : i32
    %dma_start3A_21 = arith.constant 0 : i32
    %dma_start3A_22 = tpu.memref_slice %arg7[%dma_start3A, %dma_start3A_20, %dma_start3A_21] : memref<2x2x128xi32, #tpu.memory_space<vmem>> -> memref<1x2x128xi32, #tpu.memory_space<vmem>>
    %dma_start3A_23 = tpu.memref_squeeze %dma_start3A_22 : memref<1x2x128xi32, #tpu.memory_space<vmem>> -> memref<2x128xi32, #tpu.memory_space<vmem>>
    %dma_start3A_24 = arith.constant 0 : i32
    %dma_start3A_25 = arith.constant 0 : i32
    %dma_start3A_26 = tpu.memref_slice %arg3[%add3A_4, %dma_start3A_24, %dma_start3A_25] : memref<64x84x128xi32, #tpu.memory_space<hbm>> -> memref<1x84x128xi32, #tpu.memory_space<hbm>>
    %dma_start3A_27 = tpu.memref_squeeze %dma_start3A_26 : memref<1x84x128xi32, #tpu.memory_space<hbm>> -> memref<84x128xi32, #tpu.memory_space<hbm>>
    %dma_start3A_28 = arith.constant 0 : i32
    %dma_start3A_29 = arith.constant 0 : i32
    %dma_start3A_30 = tpu.memref_slice %dma_start3A_27[%dma_start3A_28, %dma_start3A_29] : memref<84x128xi32, #tpu.memory_space<hbm>> -> memref<2x128xi32, #tpu.memory_space<hbm>>
    tpu.enqueue_dma source(%dma_start3A_30 : memref<2x128xi32, #tpu.memory_space<hbm>>) target(%dma_start3A_23 : memref<2x128xi32, #tpu.memory_space<vmem>>) target_semaphore(%arg11 : memref<!tpu.dma_semaphore, #tpu.memory_space<semaphore_mem>>)
    %dma_start3A_31 = arith.constant 1 : i32
    %dma_start3A_32 = arith.constant 0 : i32
    %dma_start3A_33 = arith.constant 0 : i32
    %dma_start3A_34 = tpu.memref_slice %arg7[%dma_start3A_31, %dma_start3A_32, %dma_start3A_33] : memref<2x2x128xi32, #tpu.memory_space<vmem>> -> memref<1x2x128xi32, #tpu.memory_space<vmem>>
    %dma_start3A_35 = tpu.memref_squeeze %dma_start3A_34 : memref<1x2x128xi32, #tpu.memory_space<vmem>> -> memref<2x128xi32, #tpu.memory_space<vmem>>
    %dma_start3A_36 = arith.constant 0 : i32
    %dma_start3A_37 = arith.constant 0 : i32
    %dma_start3A_38 = tpu.memref_slice %arg3[%add3A_4, %dma_start3A_36, %dma_start3A_37] : memref<64x84x128xi32, #tpu.memory_space<hbm>> -> memref<1x84x128xi32, #tpu.memory_space<hbm>>
    %dma_start3A_39 = tpu.memref_squeeze %dma_start3A_38 : memref<1x84x128xi32, #tpu.memory_space<hbm>> -> memref<84x128xi32, #tpu.memory_space<hbm>>
    %dma_start3A_40 = arith.constant 2 : i32
    %dma_start3A_41 = arith.constant 0 : i32
    %dma_start3A_42 = tpu.memref_slice %dma_start3A_39[%dma_start3A_40, %dma_start3A_41] : memref<84x128xi32, #tpu.memory_space<hbm>> -> memref<2x128xi32, #tpu.memory_space<hbm>>
    %dma_start3A_43 = arith.constant 0 : i32
    %dma_start3A_44 = arith.constant 0 : i32
    %dma_start3A_45 = tpu.memref_slice %arg7[%dma_start3A_31, %dma_start3A_43, %dma_start3A_44] : memref<2x2x128xi32, #tpu.memory_space<vmem>> -> memref<1x2x128xi32, #tpu.memory_space<vmem>>
    %dma_start3A_46 = tpu.memref_squeeze %dma_start3A_45 : memref<1x2x128xi32, #tpu.memory_space<vmem>> -> memref<2x128xi32, #tpu.memory_space<vmem>>
    %dma_start3A_47 = arith.constant 0 : i32
    %dma_start3A_48 = arith.constant 0 : i32
    %dma_start3A_49 = tpu.memref_slice %arg3[%add3A_4, %dma_start3A_47, %dma_start3A_48] : memref<64x84x128xi32, #tpu.memory_space<hbm>> -> memref<1x84x128xi32, #tpu.memory_space<hbm>>
    %dma_start3A_50 = tpu.memref_squeeze %dma_start3A_49 : memref<1x84x128xi32, #tpu.memory_space<hbm>> -> memref<84x128xi32, #tpu.memory_space<hbm>>
    %dma_start3A_51 = arith.constant 2 : i32
    %dma_start3A_52 = arith.constant 0 : i32
    %dma_start3A_53 = tpu.memref_slice %dma_start3A_50[%dma_start3A_51, %dma_start3A_52] : memref<84x128xi32, #tpu.memory_space<hbm>> -> memref<2x128xi32, #tpu.memory_space<hbm>>
    tpu.enqueue_dma source(%dma_start3A_53 : memref<2x128xi32, #tpu.memory_space<hbm>>) target(%dma_start3A_46 : memref<2x128xi32, #tpu.memory_space<vmem>>) target_semaphore(%arg12 : memref<!tpu.dma_semaphore, #tpu.memory_space<semaphore_mem>>)
    %dma_wait3A = arith.constant 0 : i32
    %dma_wait3A_54 = arith.constant 0 : i32
    %dma_wait3A_55 = arith.constant 0 : i32
    %dma_wait3A_56 = tpu.memref_slice %arg7[%dma_wait3A, %dma_wait3A_54, %dma_wait3A_55] : memref<2x2x128xi32, #tpu.memory_space<vmem>> -> memref<1x2x128xi32, #tpu.memory_space<vmem>>
    %dma_wait3A_57 = tpu.memref_squeeze %dma_wait3A_56 : memref<1x2x128xi32, #tpu.memory_space<vmem>> -> memref<2x128xi32, #tpu.memory_space<vmem>>
    %dma_wait3A_58 = arith.constant 0 : i32
    %dma_wait3A_59 = arith.constant 0 : i32
    %dma_wait3A_60 = tpu.memref_slice %arg3[%add3A_4, %dma_wait3A_58, %dma_wait3A_59] : memref<64x84x128xi32, #tpu.memory_space<hbm>> -> memref<1x84x128xi32, #tpu.memory_space<hbm>>
    %dma_wait3A_61 = tpu.memref_squeeze %dma_wait3A_60 : memref<1x84x128xi32, #tpu.memory_space<hbm>> -> memref<84x128xi32, #tpu.memory_space<hbm>>
    %dma_wait3A_62 = arith.constant 0 : i32
    %dma_wait3A_63 = arith.constant 0 : i32
    %dma_wait3A_64 = tpu.memref_slice %dma_wait3A_61[%dma_wait3A_62, %dma_wait3A_63] : memref<84x128xi32, #tpu.memory_space<hbm>> -> memref<2x128xi32, #tpu.memory_space<hbm>>
    %dma_wait3A_65 = arith.constant 0 : i32
    %dma_wait3A_66 = arith.constant 0 : i32
    %dma_wait3A_67 = tpu.memref_slice %arg7[%dma_wait3A, %dma_wait3A_65, %dma_wait3A_66] : memref<2x2x128xi32, #tpu.memory_space<vmem>> -> memref<1x2x128xi32, #tpu.memory_space<vmem>>
    %dma_wait3A_68 = tpu.memref_squeeze %dma_wait3A_67 : memref<1x2x128xi32, #tpu.memory_space<vmem>> -> memref<2x128xi32, #tpu.memory_space<vmem>>
    %dma_wait3A_69 = arith.constant 0 : i32
    %dma_wait3A_70 = arith.constant 0 : i32
    %dma_wait3A_71 = tpu.memref_slice %arg3[%add3A_4, %dma_wait3A_69, %dma_wait3A_70] : memref<64x84x128xi32, #tpu.memory_space<hbm>> -> memref<1x84x128xi32, #tpu.memory_space<hbm>>
    %dma_wait3A_72 = tpu.memref_squeeze %dma_wait3A_71 : memref<1x84x128xi32, #tpu.memory_space<hbm>> -> memref<84x128xi32, #tpu.memory_space<hbm>>
    %dma_wait3A_73 = arith.constant 0 : i32
    %dma_wait3A_74 = arith.constant 0 : i32
    %dma_wait3A_75 = tpu.memref_slice %dma_wait3A_72[%dma_wait3A_73, %dma_wait3A_74] : memref<84x128xi32, #tpu.memory_space<hbm>> -> memref<2x128xi32, #tpu.memory_space<hbm>>
    tpu.wait_dma2 semaphore(%arg11 : memref<!tpu.dma_semaphore, #tpu.memory_space<semaphore_mem>>) src(%dma_wait3A_75 : memref<2x128xi32, #tpu.memory_space<hbm>>) dst(%dma_wait3A_68 : memref<2x128xi32, #tpu.memory_space<vmem>>)
    %dma_start3A_76 = arith.constant 0 : i32
    %dma_start3A_77 = arith.constant 0 : i32
    %dma_start3A_78 = arith.constant 0 : i32
    %dma_start3A_79 = arith.constant 0 : i32
    %dma_start3A_80 = arith.constant 0 : i32
    %dma_start3A_81 = tpu.memref_slice %arg9[%dma_start3A_78, %dma_start3A_79, %dma_start3A_80] : memref<2x128x128xf32, #tpu.memory_space<vmem>> -> memref<1x128x128xf32, #tpu.memory_space<vmem>>
    %dma_start3A_82 = tpu.memref_squeeze %dma_start3A_81 : memref<1x128x128xf32, #tpu.memory_space<vmem>> -> memref<128x128xf32, #tpu.memory_space<vmem>>
    %dma_start3A_83 = arith.constant 0 : i32
    %dma_start3A_84 = tpu.memref_slice %arg7[%dma_start3A_76, %dma_start3A_77, %dma_start3A_83] : memref<2x2x128xi32, #tpu.memory_space<vmem>> -> memref<1x1x128xi32, #tpu.memory_space<vmem>>
    %dma_start3A_85 = tpu.memref_squeeze %dma_start3A_84 : memref<1x1x128xi32, #tpu.memory_space<vmem>> -> memref<128xi32, #tpu.memory_space<vmem>>
    %dma_start3A_86 = arith.constant 0 : i32
    %dma_start3A_87 = arith.constant 0 : i32
    %dma_start3A_88 = tpu.memref_slice %arg2[%dma_start3A_86, %dma_start3A_87] : memref<40000x128xf32, #tpu.memory_space<hbm>> -> memref<40000x128xf32, #tpu.memory_space<hbm>>
    tpu.enqueue_indirect_dma source(%dma_start3A_88 : memref<40000x128xf32, #tpu.memory_space<hbm>>) target(%dma_start3A_82 : memref<128x128xf32, #tpu.memory_space<vmem>>) offsets(%dma_start3A_85 : memref<128xi32, #tpu.memory_space<vmem>>) semaphore(%arg13 : memref<!tpu.dma_semaphore, #tpu.memory_space<semaphore_mem>>)
    %dma_start3A_89 = arith.constant 0 : i32
    %dma_start3A_90 = arith.constant 1 : i32
    %dma_start3A_91 = arith.constant 1 : i32
    %dma_start3A_92 = arith.constant 0 : i32
    %dma_start3A_93 = arith.constant 0 : i32
    %dma_start3A_94 = tpu.memref_slice %arg9[%dma_start3A_91, %dma_start3A_92, %dma_start3A_93] : memref<2x128x128xf32, #tpu.memory_space<vmem>> -> memref<1x128x128xf32, #tpu.memory_space<vmem>>
    %dma_start3A_95 = tpu.memref_squeeze %dma_start3A_94 : memref<1x128x128xf32, #tpu.memory_space<vmem>> -> memref<128x128xf32, #tpu.memory_space<vmem>>
    %dma_start3A_96 = arith.constant 0 : i32
    %dma_start3A_97 = tpu.memref_slice %arg7[%dma_start3A_89, %dma_start3A_90, %dma_start3A_96] : memref<2x2x128xi32, #tpu.memory_space<vmem>> -> memref<1x1x128xi32, #tpu.memory_space<vmem>>
    %dma_start3A_98 = tpu.memref_squeeze %dma_start3A_97 : memref<1x1x128xi32, #tpu.memory_space<vmem>> -> memref<128xi32, #tpu.memory_space<vmem>>
    %dma_start3A_99 = arith.constant 0 : i32
    %dma_start3A_100 = arith.constant 0 : i32
    %dma_start3A_101 = tpu.memref_slice %arg2[%dma_start3A_99, %dma_start3A_100] : memref<40000x128xf32, #tpu.memory_space<hbm>> -> memref<40000x128xf32, #tpu.memory_space<hbm>>
    tpu.enqueue_indirect_dma source(%dma_start3A_101 : memref<40000x128xf32, #tpu.memory_space<hbm>>) target(%dma_start3A_95 : memref<128x128xf32, #tpu.memory_space<vmem>>) offsets(%dma_start3A_98 : memref<128xi32, #tpu.memory_space<vmem>>) semaphore(%arg14 : memref<!tpu.dma_semaphore, #tpu.memory_space<semaphore_mem>>)
    %scan3A = arith.constant 0 : i32
    %scan3A_102 = arith.constant 0 : i32
    %scan3A_103 = arith.constant 20 : i32
    %scan3A_104 = arith.addi %scan3A_102, %scan3A_103 : i32
    %scan3A_105 = arith.constant 1 : i32
    scf.for %scan3A_626 = %scan3A_102 to %scan3A_104 step %scan3A_105  : i32 {
      %mul3A_627 = arith.constant 2 : i32
      %mul3A_628 = arith.muli %scan3A_626, %mul3A_627 : i32
      %add3A_629 = arith.constant 1 : i32
      %add3A_630 = arith.addi %mul3A_628, %add3A_629 : i32
      %mul3A_631 = arith.constant 2 : i32
      %mul3A_632 = arith.muli %add3A_630, %mul3A_631 : i32
      %dma_wait3A_633 = arith.constant 1 : i32
      %dma_wait3A_634 = arith.constant 0 : i32
      %dma_wait3A_635 = arith.constant 0 : i32
      %dma_wait3A_636 = tpu.memref_slice %arg7[%dma_wait3A_633, %dma_wait3A_634, %dma_wait3A_635] : memref<2x2x128xi32, #tpu.memory_space<vmem>> -> memref<1x2x128xi32, #tpu.memory_space<vmem>>
      %dma_wait3A_637 = tpu.memref_squeeze %dma_wait3A_636 : memref<1x2x128xi32, #tpu.memory_space<vmem>> -> memref<2x128xi32, #tpu.memory_space<vmem>>
      %dma_wait3A_638 = arith.constant 0 : i32
      %dma_wait3A_639 = arith.constant 0 : i32
      %dma_wait3A_640 = tpu.memref_slice %arg3[%add3A_4, %dma_wait3A_638, %dma_wait3A_639] : memref<64x84x128xi32, #tpu.memory_space<hbm>> -> memref<1x84x128xi32, #tpu.memory_space<hbm>>
      %dma_wait3A_641 = tpu.memref_squeeze %dma_wait3A_640 : memref<1x84x128xi32, #tpu.memory_space<hbm>> -> memref<84x128xi32, #tpu.memory_space<hbm>>
      %dma_wait3A_642 = arith.constant 0 : i32
      %dma_wait3A_643 = tpu.memref_slice %dma_wait3A_641[%mul3A_632, %dma_wait3A_642] : memref<84x128xi32, #tpu.memory_space<hbm>> -> memref<2x128xi32, #tpu.memory_space<hbm>>
      %dma_wait3A_644 = arith.constant 0 : i32
      %dma_wait3A_645 = arith.constant 0 : i32
      %dma_wait3A_646 = tpu.memref_slice %arg7[%dma_wait3A_633, %dma_wait3A_644, %dma_wait3A_645] : memref<2x2x128xi32, #tpu.memory_space<vmem>> -> memref<1x2x128xi32, #tpu.memory_space<vmem>>
      %dma_wait3A_647 = tpu.memref_squeeze %dma_wait3A_646 : memref<1x2x128xi32, #tpu.memory_space<vmem>> -> memref<2x128xi32, #tpu.memory_space<vmem>>
      %dma_wait3A_648 = arith.constant 0 : i32
      %dma_wait3A_649 = arith.constant 0 : i32
      %dma_wait3A_650 = tpu.memref_slice %arg3[%add3A_4, %dma_wait3A_648, %dma_wait3A_649] : memref<64x84x128xi32, #tpu.memory_space<hbm>> -> memref<1x84x128xi32, #tpu.memory_space<hbm>>
      %dma_wait3A_651 = tpu.memref_squeeze %dma_wait3A_650 : memref<1x84x128xi32, #tpu.memory_space<hbm>> -> memref<84x128xi32, #tpu.memory_space<hbm>>
      %dma_wait3A_652 = arith.constant 0 : i32
      %dma_wait3A_653 = tpu.memref_slice %dma_wait3A_651[%mul3A_632, %dma_wait3A_652] : memref<84x128xi32, #tpu.memory_space<hbm>> -> memref<2x128xi32, #tpu.memory_space<hbm>>
      tpu.wait_dma2 semaphore(%arg12 : memref<!tpu.dma_semaphore, #tpu.memory_space<semaphore_mem>>) src(%dma_wait3A_653 : memref<2x128xi32, #tpu.memory_space<hbm>>) dst(%dma_wait3A_647 : memref<2x128xi32, #tpu.memory_space<vmem>>)
      %dma_wait3A_654 = arith.constant 0 : i32
      %dma_wait3A_655 = arith.constant 0 : i32
      %dma_wait3A_656 = arith.constant 0 : i32
      %dma_wait3A_657 = arith.constant 0 : i32
      %dma_wait3A_658 = arith.constant 0 : i32
      %dma_wait3A_659 = tpu.memref_slice %arg9[%dma_wait3A_656, %dma_wait3A_657, %dma_wait3A_658] : memref<2x128x128xf32, #tpu.memory_space<vmem>> -> memref<1x128x128xf32, #tpu.memory_space<vmem>>
      %dma_wait3A_660 = tpu.memref_squeeze %dma_wait3A_659 : memref<1x128x128xf32, #tpu.memory_space<vmem>> -> memref<128x128xf32, #tpu.memory_space<vmem>>
      %dma_wait3A_661 = arith.constant 0 : i32
      %dma_wait3A_662 = tpu.memref_slice %arg7[%dma_wait3A_654, %dma_wait3A_655, %dma_wait3A_661] : memref<2x2x128xi32, #tpu.memory_space<vmem>> -> memref<1x1x128xi32, #tpu.memory_space<vmem>>
      %dma_wait3A_663 = tpu.memref_squeeze %dma_wait3A_662 : memref<1x1x128xi32, #tpu.memory_space<vmem>> -> memref<128xi32, #tpu.memory_space<vmem>>
      %dma_wait3A_664 = arith.constant 0 : i32
      %dma_wait3A_665 = arith.constant 0 : i32
      %dma_wait3A_666 = tpu.memref_slice %arg2[%dma_wait3A_664, %dma_wait3A_665] : memref<40000x128xf32, #tpu.memory_space<hbm>> -> memref<40000x128xf32, #tpu.memory_space<hbm>>
      tpu.wait_indirect_dma semaphore(%arg13 : memref<!tpu.dma_semaphore, #tpu.memory_space<semaphore_mem>>) src(%dma_wait3A_666 : memref<40000x128xf32, #tpu.memory_space<hbm>>) dst(%dma_wait3A_660 : memref<128x128xf32, #tpu.memory_space<vmem>>)
      %mul3A_667 = arith.constant 2 : i32
      %mul3A_668 = arith.muli %mul3A_628, %mul3A_667 : i32
      %add3A_669 = arith.constant 0 : i32
      %add3A_670 = arith.addi %mul3A_668, %add3A_669 : i32
      %dma_start3A_671 = arith.constant 0 : i32
      %dma_start3A_672 = arith.constant 0 : i32
      %dma_start3A_673 = arith.constant 0 : i32
      %dma_start3A_674 = tpu.memref_slice %arg9[%dma_start3A_671, %dma_start3A_672, %dma_start3A_673] : memref<2x128x128xf32, #tpu.memory_space<vmem>> -> memref<1x128x128xf32, #tpu.memory_space<vmem>>
      %dma_start3A_675 = tpu.memref_squeeze %dma_start3A_674 : memref<1x128x128xf32, #tpu.memory_space<vmem>> -> memref<128x128xf32, #tpu.memory_space<vmem>>
      %dma_start3A_676 = arith.constant 0 : i32
      %dma_start3A_677 = tpu.memref_slice %arg8[%add3A_670, %dma_start3A_676] : memref<84x128xi32, #tpu.memory_space<vmem>> -> memref<1x128xi32, #tpu.memory_space<vmem>>
      %dma_start3A_678 = tpu.memref_squeeze %dma_start3A_677 : memref<1x128xi32, #tpu.memory_space<vmem>> -> memref<128xi32, #tpu.memory_space<vmem>>
      %dma_start3A_679 = arith.constant 0 : i32
      %dma_start3A_680 = arith.constant 0 : i32
      %dma_start3A_681 = tpu.memref_slice %arg10[%dma_start3A_679, %dma_start3A_680] : memref<10112x128xf32, #tpu.memory_space<vmem_shared>> -> memref<10112x128xf32, #tpu.memory_space<vmem_shared>>
      tpu.enqueue_indirect_dma source(%dma_start3A_675 : memref<128x128xf32, #tpu.memory_space<vmem>>) target(%dma_start3A_681 : memref<10112x128xf32, #tpu.memory_space<vmem_shared>>) offsets(%dma_start3A_678 : memref<128xi32, #tpu.memory_space<vmem>>) semaphore(%arg15 : memref<!tpu.dma_semaphore, #tpu.memory_space<semaphore_mem>>) {add = true}
      %dma_wait3A_682 = arith.constant 0 : i32
      %dma_wait3A_683 = arith.constant 1 : i32
      %dma_wait3A_684 = arith.constant 1 : i32
      %dma_wait3A_685 = arith.constant 0 : i32
      %dma_wait3A_686 = arith.constant 0 : i32
      %dma_wait3A_687 = tpu.memref_slice %arg9[%dma_wait3A_684, %dma_wait3A_685, %dma_wait3A_686] : memref<2x128x128xf32, #tpu.memory_space<vmem>> -> memref<1x128x128xf32, #tpu.memory_space<vmem>>
      %dma_wait3A_688 = tpu.memref_squeeze %dma_wait3A_687 : memref<1x128x128xf32, #tpu.memory_space<vmem>> -> memref<128x128xf32, #tpu.memory_space<vmem>>
      %dma_wait3A_689 = arith.constant 0 : i32
      %dma_wait3A_690 = tpu.memref_slice %arg7[%dma_wait3A_682, %dma_wait3A_683, %dma_wait3A_689] : memref<2x2x128xi32, #tpu.memory_space<vmem>> -> memref<1x1x128xi32, #tpu.memory_space<vmem>>
      %dma_wait3A_691 = tpu.memref_squeeze %dma_wait3A_690 : memref<1x1x128xi32, #tpu.memory_space<vmem>> -> memref<128xi32, #tpu.memory_space<vmem>>
      %dma_wait3A_692 = arith.constant 0 : i32
      %dma_wait3A_693 = arith.constant 0 : i32
      %dma_wait3A_694 = tpu.memref_slice %arg2[%dma_wait3A_692, %dma_wait3A_693] : memref<40000x128xf32, #tpu.memory_space<hbm>> -> memref<40000x128xf32, #tpu.memory_space<hbm>>
      tpu.wait_indirect_dma semaphore(%arg14 : memref<!tpu.dma_semaphore, #tpu.memory_space<semaphore_mem>>) src(%dma_wait3A_694 : memref<40000x128xf32, #tpu.memory_space<hbm>>) dst(%dma_wait3A_688 : memref<128x128xf32, #tpu.memory_space<vmem>>)
      %mul3A_695 = arith.constant 2 : i32
      %mul3A_696 = arith.muli %mul3A_628, %mul3A_695 : i32
      %add3A_697 = arith.constant 1 : i32
      %add3A_698 = arith.addi %mul3A_696, %add3A_697 : i32
      %dma_start3A_699 = arith.constant 1 : i32
      %dma_start3A_700 = arith.constant 0 : i32
      %dma_start3A_701 = arith.constant 0 : i32
      %dma_start3A_702 = tpu.memref_slice %arg9[%dma_start3A_699, %dma_start3A_700, %dma_start3A_701] : memref<2x128x128xf32, #tpu.memory_space<vmem>> -> memref<1x128x128xf32, #tpu.memory_space<vmem>>
      %dma_start3A_703 = tpu.memref_squeeze %dma_start3A_702 : memref<1x128x128xf32, #tpu.memory_space<vmem>> -> memref<128x128xf32, #tpu.memory_space<vmem>>
      %dma_start3A_704 = arith.constant 0 : i32
      %dma_start3A_705 = tpu.memref_slice %arg8[%add3A_698, %dma_start3A_704] : memref<84x128xi32, #tpu.memory_space<vmem>> -> memref<1x128xi32, #tpu.memory_space<vmem>>
      %dma_start3A_706 = tpu.memref_squeeze %dma_start3A_705 : memref<1x128xi32, #tpu.memory_space<vmem>> -> memref<128xi32, #tpu.memory_space<vmem>>
      %dma_start3A_707 = arith.constant 0 : i32
      %dma_start3A_708 = arith.constant 0 : i32
      %dma_start3A_709 = tpu.memref_slice %arg10[%dma_start3A_707, %dma_start3A_708] : memref<10112x128xf32, #tpu.memory_space<vmem_shared>> -> memref<10112x128xf32, #tpu.memory_space<vmem_shared>>
      tpu.enqueue_indirect_dma source(%dma_start3A_703 : memref<128x128xf32, #tpu.memory_space<vmem>>) target(%dma_start3A_709 : memref<10112x128xf32, #tpu.memory_space<vmem_shared>>) offsets(%dma_start3A_706 : memref<128xi32, #tpu.memory_space<vmem>>) semaphore(%arg16 : memref<!tpu.dma_semaphore, #tpu.memory_space<semaphore_mem>>) {add = true}
      %mul3A_710 = arith.constant 2 : i32
      %mul3A_711 = arith.muli %mul3A_628, %mul3A_710 : i32
      %add3A_712 = arith.constant 0 : i32
      %add3A_713 = arith.addi %mul3A_711, %add3A_712 : i32
      %dma_wait3A_714 = arith.constant 0 : i32
      %dma_wait3A_715 = arith.constant 0 : i32
      %dma_wait3A_716 = arith.constant 0 : i32
      %dma_wait3A_717 = tpu.memref_slice %arg9[%dma_wait3A_714, %dma_wait3A_715, %dma_wait3A_716] : memref<2x128x128xf32, #tpu.memory_space<vmem>> -> memref<1x128x128xf32, #tpu.memory_space<vmem>>
      %dma_wait3A_718 = tpu.memref_squeeze %dma_wait3A_717 : memref<1x128x128xf32, #tpu.memory_space<vmem>> -> memref<128x128xf32, #tpu.memory_space<vmem>>
      %dma_wait3A_719 = arith.constant 0 : i32
      %dma_wait3A_720 = tpu.memref_slice %arg8[%add3A_713, %dma_wait3A_719] : memref<84x128xi32, #tpu.memory_space<vmem>> -> memref<1x128xi32, #tpu.memory_space<vmem>>
      %dma_wait3A_721 = tpu.memref_squeeze %dma_wait3A_720 : memref<1x128xi32, #tpu.memory_space<vmem>> -> memref<128xi32, #tpu.memory_space<vmem>>
      %dma_wait3A_722 = arith.constant 0 : i32
      %dma_wait3A_723 = arith.constant 0 : i32
      %dma_wait3A_724 = tpu.memref_slice %arg10[%dma_wait3A_722, %dma_wait3A_723] : memref<10112x128xf32, #tpu.memory_space<vmem_shared>> -> memref<10112x128xf32, #tpu.memory_space<vmem_shared>>
      tpu.wait_indirect_dma semaphore(%arg15 : memref<!tpu.dma_semaphore, #tpu.memory_space<semaphore_mem>>) src(%dma_wait3A_718 : memref<128x128xf32, #tpu.memory_space<vmem>>) dst(%dma_wait3A_724 : memref<10112x128xf32, #tpu.memory_space<vmem_shared>>)
      %dma_start3A_725 = arith.constant 1 : i32
      %dma_start3A_726 = arith.constant 0 : i32
      %dma_start3A_727 = arith.constant 0 : i32
      %dma_start3A_728 = arith.constant 0 : i32
      %dma_start3A_729 = arith.constant 0 : i32
      %dma_start3A_730 = tpu.memref_slice %arg9[%dma_start3A_727, %dma_start3A_728, %dma_start3A_729] : memref<2x128x128xf32, #tpu.memory_space<vmem>> -> memref<1x128x128xf32, #tpu.memory_space<vmem>>
      %dma_start3A_731 = tpu.memref_squeeze %dma_start3A_730 : memref<1x128x128xf32, #tpu.memory_space<vmem>> -> memref<128x128xf32, #tpu.memory_space<vmem>>
      %dma_start3A_732 = arith.constant 0 : i32
      %dma_start3A_733 = tpu.memref_slice %arg7[%dma_start3A_725, %dma_start3A_726, %dma_start3A_732] : memref<2x2x128xi32, #tpu.memory_space<vmem>> -> memref<1x1x128xi32, #tpu.memory_space<vmem>>
      %dma_start3A_734 = tpu.memref_squeeze %dma_start3A_733 : memref<1x1x128xi32, #tpu.memory_space<vmem>> -> memref<128xi32, #tpu.memory_space<vmem>>
      %dma_start3A_735 = arith.constant 0 : i32
      %dma_start3A_736 = arith.constant 0 : i32
      %dma_start3A_737 = tpu.memref_slice %arg2[%dma_start3A_735, %dma_start3A_736] : memref<40000x128xf32, #tpu.memory_space<hbm>> -> memref<40000x128xf32, #tpu.memory_space<hbm>>
      tpu.enqueue_indirect_dma source(%dma_start3A_737 : memref<40000x128xf32, #tpu.memory_space<hbm>>) target(%dma_start3A_731 : memref<128x128xf32, #tpu.memory_space<vmem>>) offsets(%dma_start3A_734 : memref<128xi32, #tpu.memory_space<vmem>>) semaphore(%arg13 : memref<!tpu.dma_semaphore, #tpu.memory_space<semaphore_mem>>)
      %mul3A_738 = arith.constant 2 : i32
      %mul3A_739 = arith.muli %mul3A_628, %mul3A_738 : i32
      %add3A_740 = arith.constant 1 : i32
      %add3A_741 = arith.addi %mul3A_739, %add3A_740 : i32
      %dma_wait3A_742 = arith.constant 1 : i32
      %dma_wait3A_743 = arith.constant 0 : i32
      %dma_wait3A_744 = arith.constant 0 : i32
      %dma_wait3A_745 = tpu.memref_slice %arg9[%dma_wait3A_742, %dma_wait3A_743, %dma_wait3A_744] : memref<2x128x128xf32, #tpu.memory_space<vmem>> -> memref<1x128x128xf32, #tpu.memory_space<vmem>>
      %dma_wait3A_746 = tpu.memref_squeeze %dma_wait3A_745 : memref<1x128x128xf32, #tpu.memory_space<vmem>> -> memref<128x128xf32, #tpu.memory_space<vmem>>
      %dma_wait3A_747 = arith.constant 0 : i32
      %dma_wait3A_748 = tpu.memref_slice %arg8[%add3A_741, %dma_wait3A_747] : memref<84x128xi32, #tpu.memory_space<vmem>> -> memref<1x128xi32, #tpu.memory_space<vmem>>
      %dma_wait3A_749 = tpu.memref_squeeze %dma_wait3A_748 : memref<1x128xi32, #tpu.memory_space<vmem>> -> memref<128xi32, #tpu.memory_space<vmem>>
      %dma_wait3A_750 = arith.constant 0 : i32
      %dma_wait3A_751 = arith.constant 0 : i32
      %dma_wait3A_752 = tpu.memref_slice %arg10[%dma_wait3A_750, %dma_wait3A_751] : memref<10112x128xf32, #tpu.memory_space<vmem_shared>> -> memref<10112x128xf32, #tpu.memory_space<vmem_shared>>
      tpu.wait_indirect_dma semaphore(%arg16 : memref<!tpu.dma_semaphore, #tpu.memory_space<semaphore_mem>>) src(%dma_wait3A_746 : memref<128x128xf32, #tpu.memory_space<vmem>>) dst(%dma_wait3A_752 : memref<10112x128xf32, #tpu.memory_space<vmem_shared>>)
      %dma_start3A_753 = arith.constant 1 : i32
      %dma_start3A_754 = arith.constant 1 : i32
      %dma_start3A_755 = arith.constant 1 : i32
      %dma_start3A_756 = arith.constant 0 : i32
      %dma_start3A_757 = arith.constant 0 : i32
      %dma_start3A_758 = tpu.memref_slice %arg9[%dma_start3A_755, %dma_start3A_756, %dma_start3A_757] : memref<2x128x128xf32, #tpu.memory_space<vmem>> -> memref<1x128x128xf32, #tpu.memory_space<vmem>>
      %dma_start3A_759 = tpu.memref_squeeze %dma_start3A_758 : memref<1x128x128xf32, #tpu.memory_space<vmem>> -> memref<128x128xf32, #tpu.memory_space<vmem>>
      %dma_start3A_760 = arith.constant 0 : i32
      %dma_start3A_761 = tpu.memref_slice %arg7[%dma_start3A_753, %dma_start3A_754, %dma_start3A_760] : memref<2x2x128xi32, #tpu.memory_space<vmem>> -> memref<1x1x128xi32, #tpu.memory_space<vmem>>
      %dma_start3A_762 = tpu.memref_squeeze %dma_start3A_761 : memref<1x1x128xi32, #tpu.memory_space<vmem>> -> memref<128xi32, #tpu.memory_space<vmem>>
      %dma_start3A_763 = arith.constant 0 : i32
      %dma_start3A_764 = arith.constant 0 : i32
      %dma_start3A_765 = tpu.memref_slice %arg2[%dma_start3A_763, %dma_start3A_764] : memref<40000x128xf32, #tpu.memory_space<hbm>> -> memref<40000x128xf32, #tpu.memory_space<hbm>>
      tpu.enqueue_indirect_dma source(%dma_start3A_765 : memref<40000x128xf32, #tpu.memory_space<hbm>>) target(%dma_start3A_759 : memref<128x128xf32, #tpu.memory_space<vmem>>) offsets(%dma_start3A_762 : memref<128xi32, #tpu.memory_space<vmem>>) semaphore(%arg14 : memref<!tpu.dma_semaphore, #tpu.memory_space<semaphore_mem>>)
      %add3A_766 = arith.constant 2 : i32
      %add3A_767 = arith.addi %mul3A_628, %add3A_766 : i32
      %lt3A = arith.constant 42 : i32
      %lt3A_768 = arith.cmpi slt, %add3A_767, %lt3A : i32
      %convert_element_type3A = arith.extui %lt3A_768 : i1 to i32
      %cond3A = arith.constant 0 : i32
      %cond3A_769 = arith.cmpi ne, %convert_element_type3A, %cond3A : i32
      scf.if %cond3A_769 {
        %add3A_918 = arith.constant 2 : i32
        %add3A_919 = arith.addi %mul3A_628, %add3A_918 : i32
        %mul3A_920 = arith.constant 2 : i32
        %mul3A_921 = arith.muli %add3A_919, %mul3A_920 : i32
        %dma_start3A_922 = arith.constant 0 : i32
        %dma_start3A_923 = arith.constant 0 : i32
        %dma_start3A_924 = arith.constant 0 : i32
        %dma_start3A_925 = tpu.memref_slice %arg7[%dma_start3A_922, %dma_start3A_923, %dma_start3A_924] : memref<2x2x128xi32, #tpu.memory_space<vmem>> -> memref<1x2x128xi32, #tpu.memory_space<vmem>>
        %dma_start3A_926 = tpu.memref_squeeze %dma_start3A_925 : memref<1x2x128xi32, #tpu.memory_space<vmem>> -> memref<2x128xi32, #tpu.memory_space<vmem>>
        %dma_start3A_927 = arith.constant 0 : i32
        %dma_start3A_928 = arith.constant 0 : i32
        %dma_start3A_929 = tpu.memref_slice %arg3[%add3A_4, %dma_start3A_927, %dma_start3A_928] : memref<64x84x128xi32, #tpu.memory_space<hbm>> -> memref<1x84x128xi32, #tpu.memory_space<hbm>>
        %dma_start3A_930 = tpu.memref_squeeze %dma_start3A_929 : memref<1x84x128xi32, #tpu.memory_space<hbm>> -> memref<84x128xi32, #tpu.memory_space<hbm>>
        %dma_start3A_931 = arith.constant 0 : i32
        %dma_start3A_932 = tpu.memref_slice %dma_start3A_930[%mul3A_921, %dma_start3A_931] : memref<84x128xi32, #tpu.memory_space<hbm>> -> memref<2x128xi32, #tpu.memory_space<hbm>>
        %dma_start3A_933 = arith.constant 0 : i32
        %dma_start3A_934 = arith.constant 0 : i32
        %dma_start3A_935 = tpu.memref_slice %arg7[%dma_start3A_922, %dma_start3A_933, %dma_start3A_934] : memref<2x2x128xi32, #tpu.memory_space<vmem>> -> memref<1x2x128xi32, #tpu.memory_space<vmem>>
        %dma_start3A_936 = tpu.memref_squeeze %dma_start3A_935 : memref<1x2x128xi32, #tpu.memory_space<vmem>> -> memref<2x128xi32, #tpu.memory_space<vmem>>
        %dma_start3A_937 = arith.constant 0 : i32
        %dma_start3A_938 = arith.constant 0 : i32
        %dma_start3A_939 = tpu.memref_slice %arg3[%add3A_4, %dma_start3A_937, %dma_start3A_938] : memref<64x84x128xi32, #tpu.memory_space<hbm>> -> memref<1x84x128xi32, #tpu.memory_space<hbm>>
        %dma_start3A_940 = tpu.memref_squeeze %dma_start3A_939 : memref<1x84x128xi32, #tpu.memory_space<hbm>> -> memref<84x128xi32, #tpu.memory_space<hbm>>
        %dma_start3A_941 = arith.constant 0 : i32
        %dma_start3A_942 = tpu.memref_slice %dma_start3A_940[%mul3A_921, %dma_start3A_941] : memref<84x128xi32, #tpu.memory_space<hbm>> -> memref<2x128xi32, #tpu.memory_space<hbm>>
        tpu.enqueue_dma source(%dma_start3A_942 : memref<2x128xi32, #tpu.memory_space<hbm>>) target(%dma_start3A_936 : memref<2x128xi32, #tpu.memory_space<vmem>>) target_semaphore(%arg11 : memref<!tpu.dma_semaphore, #tpu.memory_space<semaphore_mem>>)
      } else {
      }
      %mul3A_770 = arith.constant 2 : i32
      %mul3A_771 = arith.muli %scan3A_626, %mul3A_770 : i32
      %add3A_772 = arith.constant 1 : i32
      %add3A_773 = arith.addi %mul3A_771, %add3A_772 : i32
      %add3A_774 = arith.constant 1 : i32
      %add3A_775 = arith.addi %add3A_773, %add3A_774 : i32
      %mul3A_776 = arith.constant 2 : i32
      %mul3A_777 = arith.muli %add3A_775, %mul3A_776 : i32
      %dma_wait3A_778 = arith.constant 0 : i32
      %dma_wait3A_779 = arith.constant 0 : i32
      %dma_wait3A_780 = arith.constant 0 : i32
      %dma_wait3A_781 = tpu.memref_slice %arg7[%dma_wait3A_778, %dma_wait3A_779, %dma_wait3A_780] : memref<2x2x128xi32, #tpu.memory_space<vmem>> -> memref<1x2x128xi32, #tpu.memory_space<vmem>>
      %dma_wait3A_782 = tpu.memref_squeeze %dma_wait3A_781 : memref<1x2x128xi32, #tpu.memory_space<vmem>> -> memref<2x128xi32, #tpu.memory_space<vmem>>
      %dma_wait3A_783 = arith.constant 0 : i32
      %dma_wait3A_784 = arith.constant 0 : i32
      %dma_wait3A_785 = tpu.memref_slice %arg3[%add3A_4, %dma_wait3A_783, %dma_wait3A_784] : memref<64x84x128xi32, #tpu.memory_space<hbm>> -> memref<1x84x128xi32, #tpu.memory_space<hbm>>
      %dma_wait3A_786 = tpu.memref_squeeze %dma_wait3A_785 : memref<1x84x128xi32, #tpu.memory_space<hbm>> -> memref<84x128xi32, #tpu.memory_space<hbm>>
      %dma_wait3A_787 = arith.constant 0 : i32
      %dma_wait3A_788 = tpu.memref_slice %dma_wait3A_786[%mul3A_777, %dma_wait3A_787] : memref<84x128xi32, #tpu.memory_space<hbm>> -> memref<2x128xi32, #tpu.memory_space<hbm>>
      %dma_wait3A_789 = arith.constant 0 : i32
      %dma_wait3A_790 = arith.constant 0 : i32
      %dma_wait3A_791 = tpu.memref_slice %arg7[%dma_wait3A_778, %dma_wait3A_789, %dma_wait3A_790] : memref<2x2x128xi32, #tpu.memory_space<vmem>> -> memref<1x2x128xi32, #tpu.memory_space<vmem>>
      %dma_wait3A_792 = tpu.memref_squeeze %dma_wait3A_791 : memref<1x2x128xi32, #tpu.memory_space<vmem>> -> memref<2x128xi32, #tpu.memory_space<vmem>>
      %dma_wait3A_793 = arith.constant 0 : i32
      %dma_wait3A_794 = arith.constant 0 : i32
      %dma_wait3A_795 = tpu.memref_slice %arg3[%add3A_4, %dma_wait3A_793, %dma_wait3A_794] : memref<64x84x128xi32, #tpu.memory_space<hbm>> -> memref<1x84x128xi32, #tpu.memory_space<hbm>>
      %dma_wait3A_796 = tpu.memref_squeeze %dma_wait3A_795 : memref<1x84x128xi32, #tpu.memory_space<hbm>> -> memref<84x128xi32, #tpu.memory_space<hbm>>
      %dma_wait3A_797 = arith.constant 0 : i32
      %dma_wait3A_798 = tpu.memref_slice %dma_wait3A_796[%mul3A_777, %dma_wait3A_797] : memref<84x128xi32, #tpu.memory_space<hbm>> -> memref<2x128xi32, #tpu.memory_space<hbm>>
      tpu.wait_dma2 semaphore(%arg11 : memref<!tpu.dma_semaphore, #tpu.memory_space<semaphore_mem>>) src(%dma_wait3A_798 : memref<2x128xi32, #tpu.memory_space<hbm>>) dst(%dma_wait3A_792 : memref<2x128xi32, #tpu.memory_space<vmem>>)
      %dma_wait3A_799 = arith.constant 1 : i32
      %dma_wait3A_800 = arith.constant 0 : i32
      %dma_wait3A_801 = arith.constant 0 : i32
      %dma_wait3A_802 = arith.constant 0 : i32
      %dma_wait3A_803 = arith.constant 0 : i32
      %dma_wait3A_804 = tpu.memref_slice %arg9[%dma_wait3A_801, %dma_wait3A_802, %dma_wait3A_803] : memref<2x128x128xf32, #tpu.memory_space<vmem>> -> memref<1x128x128xf32, #tpu.memory_space<vmem>>
      %dma_wait3A_805 = tpu.memref_squeeze %dma_wait3A_804 : memref<1x128x128xf32, #tpu.memory_space<vmem>> -> memref<128x128xf32, #tpu.memory_space<vmem>>
      %dma_wait3A_806 = arith.constant 0 : i32
      %dma_wait3A_807 = tpu.memref_slice %arg7[%dma_wait3A_799, %dma_wait3A_800, %dma_wait3A_806] : memref<2x2x128xi32, #tpu.memory_space<vmem>> -> memref<1x1x128xi32, #tpu.memory_space<vmem>>
      %dma_wait3A_808 = tpu.memref_squeeze %dma_wait3A_807 : memref<1x1x128xi32, #tpu.memory_space<vmem>> -> memref<128xi32, #tpu.memory_space<vmem>>
      %dma_wait3A_809 = arith.constant 0 : i32
      %dma_wait3A_810 = arith.constant 0 : i32
      %dma_wait3A_811 = tpu.memref_slice %arg2[%dma_wait3A_809, %dma_wait3A_810] : memref<40000x128xf32, #tpu.memory_space<hbm>> -> memref<40000x128xf32, #tpu.memory_space<hbm>>
      tpu.wait_indirect_dma semaphore(%arg13 : memref<!tpu.dma_semaphore, #tpu.memory_space<semaphore_mem>>) src(%dma_wait3A_811 : memref<40000x128xf32, #tpu.memory_space<hbm>>) dst(%dma_wait3A_805 : memref<128x128xf32, #tpu.memory_space<vmem>>)
      %mul3A_812 = arith.constant 2 : i32
      %mul3A_813 = arith.muli %add3A_773, %mul3A_812 : i32
      %add3A_814 = arith.constant 0 : i32
      %add3A_815 = arith.addi %mul3A_813, %add3A_814 : i32
      %dma_start3A_816 = arith.constant 0 : i32
      %dma_start3A_817 = arith.constant 0 : i32
      %dma_start3A_818 = arith.constant 0 : i32
      %dma_start3A_819 = tpu.memref_slice %arg9[%dma_start3A_816, %dma_start3A_817, %dma_start3A_818] : memref<2x128x128xf32, #tpu.memory_space<vmem>> -> memref<1x128x128xf32, #tpu.memory_space<vmem>>
      %dma_start3A_820 = tpu.memref_squeeze %dma_start3A_819 : memref<1x128x128xf32, #tpu.memory_space<vmem>> -> memref<128x128xf32, #tpu.memory_space<vmem>>
      %dma_start3A_821 = arith.constant 0 : i32
      %dma_start3A_822 = tpu.memref_slice %arg8[%add3A_815, %dma_start3A_821] : memref<84x128xi32, #tpu.memory_space<vmem>> -> memref<1x128xi32, #tpu.memory_space<vmem>>
      %dma_start3A_823 = tpu.memref_squeeze %dma_start3A_822 : memref<1x128xi32, #tpu.memory_space<vmem>> -> memref<128xi32, #tpu.memory_space<vmem>>
      %dma_start3A_824 = arith.constant 0 : i32
      %dma_start3A_825 = arith.constant 0 : i32
      %dma_start3A_826 = tpu.memref_slice %arg10[%dma_start3A_824, %dma_start3A_825] : memref<10112x128xf32, #tpu.memory_space<vmem_shared>> -> memref<10112x128xf32, #tpu.memory_space<vmem_shared>>
      tpu.enqueue_indirect_dma source(%dma_start3A_820 : memref<128x128xf32, #tpu.memory_space<vmem>>) target(%dma_start3A_826 : memref<10112x128xf32, #tpu.memory_space<vmem_shared>>) offsets(%dma_start3A_823 : memref<128xi32, #tpu.memory_space<vmem>>) semaphore(%arg15 : memref<!tpu.dma_semaphore, #tpu.memory_space<semaphore_mem>>) {add = true}
      %dma_wait3A_827 = arith.constant 1 : i32
      %dma_wait3A_828 = arith.constant 1 : i32
      %dma_wait3A_829 = arith.constant 1 : i32
      %dma_wait3A_830 = arith.constant 0 : i32
      %dma_wait3A_831 = arith.constant 0 : i32
      %dma_wait3A_832 = tpu.memref_slice %arg9[%dma_wait3A_829, %dma_wait3A_830, %dma_wait3A_831] : memref<2x128x128xf32, #tpu.memory_space<vmem>> -> memref<1x128x128xf32, #tpu.memory_space<vmem>>
      %dma_wait3A_833 = tpu.memref_squeeze %dma_wait3A_832 : memref<1x128x128xf32, #tpu.memory_space<vmem>> -> memref<128x128xf32, #tpu.memory_space<vmem>>
      %dma_wait3A_834 = arith.constant 0 : i32
      %dma_wait3A_835 = tpu.memref_slice %arg7[%dma_wait3A_827, %dma_wait3A_828, %dma_wait3A_834] : memref<2x2x128xi32, #tpu.memory_space<vmem>> -> memref<1x1x128xi32, #tpu.memory_space<vmem>>
      %dma_wait3A_836 = tpu.memref_squeeze %dma_wait3A_835 : memref<1x1x128xi32, #tpu.memory_space<vmem>> -> memref<128xi32, #tpu.memory_space<vmem>>
      %dma_wait3A_837 = arith.constant 0 : i32
      %dma_wait3A_838 = arith.constant 0 : i32
      %dma_wait3A_839 = tpu.memref_slice %arg2[%dma_wait3A_837, %dma_wait3A_838] : memref<40000x128xf32, #tpu.memory_space<hbm>> -> memref<40000x128xf32, #tpu.memory_space<hbm>>
      tpu.wait_indirect_dma semaphore(%arg14 : memref<!tpu.dma_semaphore, #tpu.memory_space<semaphore_mem>>) src(%dma_wait3A_839 : memref<40000x128xf32, #tpu.memory_space<hbm>>) dst(%dma_wait3A_833 : memref<128x128xf32, #tpu.memory_space<vmem>>)
      %mul3A_840 = arith.constant 2 : i32
      %mul3A_841 = arith.muli %add3A_773, %mul3A_840 : i32
      %add3A_842 = arith.constant 1 : i32
      %add3A_843 = arith.addi %mul3A_841, %add3A_842 : i32
      %dma_start3A_844 = arith.constant 1 : i32
      %dma_start3A_845 = arith.constant 0 : i32
      %dma_start3A_846 = arith.constant 0 : i32
      %dma_start3A_847 = tpu.memref_slice %arg9[%dma_start3A_844, %dma_start3A_845, %dma_start3A_846] : memref<2x128x128xf32, #tpu.memory_space<vmem>> -> memref<1x128x128xf32, #tpu.memory_space<vmem>>
      %dma_start3A_848 = tpu.memref_squeeze %dma_start3A_847 : memref<1x128x128xf32, #tpu.memory_space<vmem>> -> memref<128x128xf32, #tpu.memory_space<vmem>>
      %dma_start3A_849 = arith.constant 0 : i32
      %dma_start3A_850 = tpu.memref_slice %arg8[%add3A_843, %dma_start3A_849] : memref<84x128xi32, #tpu.memory_space<vmem>> -> memref<1x128xi32, #tpu.memory_space<vmem>>
      %dma_start3A_851 = tpu.memref_squeeze %dma_start3A_850 : memref<1x128xi32, #tpu.memory_space<vmem>> -> memref<128xi32, #tpu.memory_space<vmem>>
      %dma_start3A_852 = arith.constant 0 : i32
      %dma_start3A_853 = arith.constant 0 : i32
      %dma_start3A_854 = tpu.memref_slice %arg10[%dma_start3A_852, %dma_start3A_853] : memref<10112x128xf32, #tpu.memory_space<vmem_shared>> -> memref<10112x128xf32, #tpu.memory_space<vmem_shared>>
      tpu.enqueue_indirect_dma source(%dma_start3A_848 : memref<128x128xf32, #tpu.memory_space<vmem>>) target(%dma_start3A_854 : memref<10112x128xf32, #tpu.memory_space<vmem_shared>>) offsets(%dma_start3A_851 : memref<128xi32, #tpu.memory_space<vmem>>) semaphore(%arg16 : memref<!tpu.dma_semaphore, #tpu.memory_space<semaphore_mem>>) {add = true}
      %mul3A_855 = arith.constant 2 : i32
      %mul3A_856 = arith.muli %add3A_773, %mul3A_855 : i32
      %add3A_857 = arith.constant 0 : i32
      %add3A_858 = arith.addi %mul3A_856, %add3A_857 : i32
      %dma_wait3A_859 = arith.constant 0 : i32
      %dma_wait3A_860 = arith.constant 0 : i32
      %dma_wait3A_861 = arith.constant 0 : i32
      %dma_wait3A_862 = tpu.memref_slice %arg9[%dma_wait3A_859, %dma_wait3A_860, %dma_wait3A_861] : memref<2x128x128xf32, #tpu.memory_space<vmem>> -> memref<1x128x128xf32, #tpu.memory_space<vmem>>
      %dma_wait3A_863 = tpu.memref_squeeze %dma_wait3A_862 : memref<1x128x128xf32, #tpu.memory_space<vmem>> -> memref<128x128xf32, #tpu.memory_space<vmem>>
      %dma_wait3A_864 = arith.constant 0 : i32
      %dma_wait3A_865 = tpu.memref_slice %arg8[%add3A_858, %dma_wait3A_864] : memref<84x128xi32, #tpu.memory_space<vmem>> -> memref<1x128xi32, #tpu.memory_space<vmem>>
      %dma_wait3A_866 = tpu.memref_squeeze %dma_wait3A_865 : memref<1x128xi32, #tpu.memory_space<vmem>> -> memref<128xi32, #tpu.memory_space<vmem>>
      %dma_wait3A_867 = arith.constant 0 : i32
      %dma_wait3A_868 = arith.constant 0 : i32
      %dma_wait3A_869 = tpu.memref_slice %arg10[%dma_wait3A_867, %dma_wait3A_868] : memref<10112x128xf32, #tpu.memory_space<vmem_shared>> -> memref<10112x128xf32, #tpu.memory_space<vmem_shared>>
      tpu.wait_indirect_dma semaphore(%arg15 : memref<!tpu.dma_semaphore, #tpu.memory_space<semaphore_mem>>) src(%dma_wait3A_863 : memref<128x128xf32, #tpu.memory_space<vmem>>) dst(%dma_wait3A_869 : memref<10112x128xf32, #tpu.memory_space<vmem_shared>>)
      %dma_start3A_870 = arith.constant 0 : i32
      %dma_start3A_871 = arith.constant 0 : i32
      %dma_start3A_872 = arith.constant 0 : i32
      %dma_start3A_873 = arith.constant 0 : i32
      %dma_start3A_874 = arith.constant 0 : i32
      %dma_start3A_875 = tpu.memref_slice %arg9[%dma_start3A_872, %dma_start3A_873, %dma_start3A_874] : memref<2x128x128xf32, #tpu.memory_space<vmem>> -> memref<1x128x128xf32, #tpu.memory_space<vmem>>
      %dma_start3A_876 = tpu.memref_squeeze %dma_start3A_875 : memref<1x128x128xf32, #tpu.memory_space<vmem>> -> memref<128x128xf32, #tpu.memory_space<vmem>>
      %dma_start3A_877 = arith.constant 0 : i32
      %dma_start3A_878 = tpu.memref_slice %arg7[%dma_start3A_870, %dma_start3A_871, %dma_start3A_877] : memref<2x2x128xi32, #tpu.memory_space<vmem>> -> memref<1x1x128xi32, #tpu.memory_space<vmem>>
      %dma_start3A_879 = tpu.memref_squeeze %dma_start3A_878 : memref<1x1x128xi32, #tpu.memory_space<vmem>> -> memref<128xi32, #tpu.memory_space<vmem>>
      %dma_start3A_880 = arith.constant 0 : i32
      %dma_start3A_881 = arith.constant 0 : i32
      %dma_start3A_882 = tpu.memref_slice %arg2[%dma_start3A_880, %dma_start3A_881] : memref<40000x128xf32, #tpu.memory_space<hbm>> -> memref<40000x128xf32, #tpu.memory_space<hbm>>
      tpu.enqueue_indirect_dma source(%dma_start3A_882 : memref<40000x128xf32, #tpu.memory_space<hbm>>) target(%dma_start3A_876 : memref<128x128xf32, #tpu.memory_space<vmem>>) offsets(%dma_start3A_879 : memref<128xi32, #tpu.memory_space<vmem>>) semaphore(%arg13 : memref<!tpu.dma_semaphore, #tpu.memory_space<semaphore_mem>>)
      %mul3A_883 = arith.constant 2 : i32
      %mul3A_884 = arith.muli %add3A_773, %mul3A_883 : i32
      %add3A_885 = arith.constant 1 : i32
      %add3A_886 = arith.addi %mul3A_884, %add3A_885 : i32
      %dma_wait3A_887 = arith.constant 1 : i32
      %dma_wait3A_888 = arith.constant 0 : i32
      %dma_wait3A_889 = arith.constant 0 : i32
      %dma_wait3A_890 = tpu.memref_slice %arg9[%dma_wait3A_887, %dma_wait3A_888, %dma_wait3A_889] : memref<2x128x128xf32, #tpu.memory_space<vmem>> -> memref<1x128x128xf32, #tpu.memory_space<vmem>>
      %dma_wait3A_891 = tpu.memref_squeeze %dma_wait3A_890 : memref<1x128x128xf32, #tpu.memory_space<vmem>> -> memref<128x128xf32, #tpu.memory_space<vmem>>
      %dma_wait3A_892 = arith.constant 0 : i32
      %dma_wait3A_893 = tpu.memref_slice %arg8[%add3A_886, %dma_wait3A_892] : memref<84x128xi32, #tpu.memory_space<vmem>> -> memref<1x128xi32, #tpu.memory_space<vmem>>
      %dma_wait3A_894 = tpu.memref_squeeze %dma_wait3A_893 : memref<1x128xi32, #tpu.memory_space<vmem>> -> memref<128xi32, #tpu.memory_space<vmem>>
      %dma_wait3A_895 = arith.constant 0 : i32
      %dma_wait3A_896 = arith.constant 0 : i32
      %dma_wait3A_897 = tpu.memref_slice %arg10[%dma_wait3A_895, %dma_wait3A_896] : memref<10112x128xf32, #tpu.memory_space<vmem_shared>> -> memref<10112x128xf32, #tpu.memory_space<vmem_shared>>
      tpu.wait_indirect_dma semaphore(%arg16 : memref<!tpu.dma_semaphore, #tpu.memory_space<semaphore_mem>>) src(%dma_wait3A_891 : memref<128x128xf32, #tpu.memory_space<vmem>>) dst(%dma_wait3A_897 : memref<10112x128xf32, #tpu.memory_space<vmem_shared>>)
      %dma_start3A_898 = arith.constant 0 : i32
      %dma_start3A_899 = arith.constant 1 : i32
      %dma_start3A_900 = arith.constant 1 : i32
      %dma_start3A_901 = arith.constant 0 : i32
      %dma_start3A_902 = arith.constant 0 : i32
      %dma_start3A_903 = tpu.memref_slice %arg9[%dma_start3A_900, %dma_start3A_901, %dma_start3A_902] : memref<2x128x128xf32, #tpu.memory_space<vmem>> -> memref<1x128x128xf32, #tpu.memory_space<vmem>>
      %dma_start3A_904 = tpu.memref_squeeze %dma_start3A_903 : memref<1x128x128xf32, #tpu.memory_space<vmem>> -> memref<128x128xf32, #tpu.memory_space<vmem>>
      %dma_start3A_905 = arith.constant 0 : i32
      %dma_start3A_906 = tpu.memref_slice %arg7[%dma_start3A_898, %dma_start3A_899, %dma_start3A_905] : memref<2x2x128xi32, #tpu.memory_space<vmem>> -> memref<1x1x128xi32, #tpu.memory_space<vmem>>
      %dma_start3A_907 = tpu.memref_squeeze %dma_start3A_906 : memref<1x1x128xi32, #tpu.memory_space<vmem>> -> memref<128xi32, #tpu.memory_space<vmem>>
      %dma_start3A_908 = arith.constant 0 : i32
      %dma_start3A_909 = arith.constant 0 : i32
      %dma_start3A_910 = tpu.memref_slice %arg2[%dma_start3A_908, %dma_start3A_909] : memref<40000x128xf32, #tpu.memory_space<hbm>> -> memref<40000x128xf32, #tpu.memory_space<hbm>>
      tpu.enqueue_indirect_dma source(%dma_start3A_910 : memref<40000x128xf32, #tpu.memory_space<hbm>>) target(%dma_start3A_904 : memref<128x128xf32, #tpu.memory_space<vmem>>) offsets(%dma_start3A_907 : memref<128xi32, #tpu.memory_space<vmem>>) semaphore(%arg14 : memref<!tpu.dma_semaphore, #tpu.memory_space<semaphore_mem>>)
      %add3A_911 = arith.constant 2 : i32
      %add3A_912 = arith.addi %add3A_773, %add3A_911 : i32
      %lt3A_913 = arith.constant 42 : i32
      %lt3A_914 = arith.cmpi slt, %add3A_912, %lt3A_913 : i32
      %convert_element_type3A_915 = arith.extui %lt3A_914 : i1 to i32
      %cond3A_916 = arith.constant 0 : i32
      %cond3A_917 = arith.cmpi ne, %convert_element_type3A_915, %cond3A_916 : i32
      scf.if %cond3A_917 {
        %add3A_918 = arith.constant 2 : i32
        %add3A_919 = arith.addi %add3A_773, %add3A_918 : i32
        %mul3A_920 = arith.constant 2 : i32
        %mul3A_921 = arith.muli %add3A_919, %mul3A_920 : i32
        %dma_start3A_922 = arith.constant 1 : i32
        %dma_start3A_923 = arith.constant 0 : i32
        %dma_start3A_924 = arith.constant 0 : i32
        %dma_start3A_925 = tpu.memref_slice %arg7[%dma_start3A_922, %dma_start3A_923, %dma_start3A_924] : memref<2x2x128xi32, #tpu.memory_space<vmem>> -> memref<1x2x128xi32, #tpu.memory_space<vmem>>
        %dma_start3A_926 = tpu.memref_squeeze %dma_start3A_925 : memref<1x2x128xi32, #tpu.memory_space<vmem>> -> memref<2x128xi32, #tpu.memory_space<vmem>>
        %dma_start3A_927 = arith.constant 0 : i32
        %dma_start3A_928 = arith.constant 0 : i32
        %dma_start3A_929 = tpu.memref_slice %arg3[%add3A_4, %dma_start3A_927, %dma_start3A_928] : memref<64x84x128xi32, #tpu.memory_space<hbm>> -> memref<1x84x128xi32, #tpu.memory_space<hbm>>
        %dma_start3A_930 = tpu.memref_squeeze %dma_start3A_929 : memref<1x84x128xi32, #tpu.memory_space<hbm>> -> memref<84x128xi32, #tpu.memory_space<hbm>>
        %dma_start3A_931 = arith.constant 0 : i32
        %dma_start3A_932 = tpu.memref_slice %dma_start3A_930[%mul3A_921, %dma_start3A_931] : memref<84x128xi32, #tpu.memory_space<hbm>> -> memref<2x128xi32, #tpu.memory_space<hbm>>
        %dma_start3A_933 = arith.constant 0 : i32
        %dma_start3A_934 = arith.constant 0 : i32
        %dma_start3A_935 = tpu.memref_slice %arg7[%dma_start3A_922, %dma_start3A_933, %dma_start3A_934] : memref<2x2x128xi32, #tpu.memory_space<vmem>> -> memref<1x2x128xi32, #tpu.memory_space<vmem>>
        %dma_start3A_936 = tpu.memref_squeeze %dma_start3A_935 : memref<1x2x128xi32, #tpu.memory_space<vmem>> -> memref<2x128xi32, #tpu.memory_space<vmem>>
        %dma_start3A_937 = arith.constant 0 : i32
        %dma_start3A_938 = arith.constant 0 : i32
        %dma_start3A_939 = tpu.memref_slice %arg3[%add3A_4, %dma_start3A_937, %dma_start3A_938] : memref<64x84x128xi32, #tpu.memory_space<hbm>> -> memref<1x84x128xi32, #tpu.memory_space<hbm>>
        %dma_start3A_940 = tpu.memref_squeeze %dma_start3A_939 : memref<1x84x128xi32, #tpu.memory_space<hbm>> -> memref<84x128xi32, #tpu.memory_space<hbm>>
        %dma_start3A_941 = arith.constant 0 : i32
        %dma_start3A_942 = tpu.memref_slice %dma_start3A_940[%mul3A_921, %dma_start3A_941] : memref<84x128xi32, #tpu.memory_space<hbm>> -> memref<2x128xi32, #tpu.memory_space<hbm>>
        tpu.enqueue_dma source(%dma_start3A_942 : memref<2x128xi32, #tpu.memory_space<hbm>>) target(%dma_start3A_936 : memref<2x128xi32, #tpu.memory_space<vmem>>) target_semaphore(%arg12 : memref<!tpu.dma_semaphore, #tpu.memory_space<semaphore_mem>>)
      } else {
      }
    }
    %scan3A_106 = arith.constant 20 : i32
    %dma_wait3A_107 = arith.constant 1 : i32
    %dma_wait3A_108 = arith.constant 0 : i32
    %dma_wait3A_109 = arith.constant 0 : i32
    %dma_wait3A_110 = tpu.memref_slice %arg7[%dma_wait3A_107, %dma_wait3A_108, %dma_wait3A_109] : memref<2x2x128xi32, #tpu.memory_space<vmem>> -> memref<1x2x128xi32, #tpu.memory_space<vmem>>
    %dma_wait3A_111 = tpu.memref_squeeze %dma_wait3A_110 : memref<1x2x128xi32, #tpu.memory_space<vmem>> -> memref<2x128xi32, #tpu.memory_space<vmem>>
    %dma_wait3A_112 = arith.constant 0 : i32
    %dma_wait3A_113 = arith.constant 0 : i32
    %dma_wait3A_114 = tpu.memref_slice %arg3[%add3A_4, %dma_wait3A_112, %dma_wait3A_113] : memref<64x84x128xi32, #tpu.memory_space<hbm>> -> memref<1x84x128xi32, #tpu.memory_space<hbm>>
    %dma_wait3A_115 = tpu.memref_squeeze %dma_wait3A_114 : memref<1x84x128xi32, #tpu.memory_space<hbm>> -> memref<84x128xi32, #tpu.memory_space<hbm>>
    %dma_wait3A_116 = arith.constant 82 : i32
    %dma_wait3A_117 = arith.constant 0 : i32
    %dma_wait3A_118 = tpu.memref_slice %dma_wait3A_115[%dma_wait3A_116, %dma_wait3A_117] : memref<84x128xi32, #tpu.memory_space<hbm>> -> memref<2x128xi32, #tpu.memory_space<hbm>>
    %dma_wait3A_119 = arith.constant 0 : i32
    %dma_wait3A_120 = arith.constant 0 : i32
    %dma_wait3A_121 = tpu.memref_slice %arg7[%dma_wait3A_107, %dma_wait3A_119, %dma_wait3A_120] : memref<2x2x128xi32, #tpu.memory_space<vmem>> -> memref<1x2x128xi32, #tpu.memory_space<vmem>>
    %dma_wait3A_122 = tpu.memref_squeeze %dma_wait3A_121 : memref<1x2x128xi32, #tpu.memory_space<vmem>> -> memref<2x128xi32, #tpu.memory_space<vmem>>
    %dma_wait3A_123 = arith.constant 0 : i32
    %dma_wait3A_124 = arith.constant 0 : i32
    %dma_wait3A_125 = tpu.memref_slice %arg3[%add3A_4, %dma_wait3A_123, %dma_wait3A_124] : memref<64x84x128xi32, #tpu.memory_space<hbm>> -> memref<1x84x128xi32, #tpu.memory_space<hbm>>
    %dma_wait3A_126 = tpu.memref_squeeze %dma_wait3A_125 : memref<1x84x128xi32, #tpu.memory_space<hbm>> -> memref<84x128xi32, #tpu.memory_space<hbm>>
    %dma_wait3A_127 = arith.constant 82 : i32
    %dma_wait3A_128 = arith.constant 0 : i32
    %dma_wait3A_129 = tpu.memref_slice %dma_wait3A_126[%dma_wait3A_127, %dma_wait3A_128] : memref<84x128xi32, #tpu.memory_space<hbm>> -> memref<2x128xi32, #tpu.memory_space<hbm>>
    tpu.wait_dma2 semaphore(%arg12 : memref<!tpu.dma_semaphore, #tpu.memory_space<semaphore_mem>>) src(%dma_wait3A_129 : memref<2x128xi32, #tpu.memory_space<hbm>>) dst(%dma_wait3A_122 : memref<2x128xi32, #tpu.memory_space<vmem>>)
    %dma_wait3A_130 = arith.constant 0 : i32
    %dma_wait3A_131 = arith.constant 0 : i32
    %dma_wait3A_132 = arith.constant 0 : i32
    %dma_wait3A_133 = arith.constant 0 : i32
    %dma_wait3A_134 = arith.constant 0 : i32
    %dma_wait3A_135 = tpu.memref_slice %arg9[%dma_wait3A_132, %dma_wait3A_133, %dma_wait3A_134] : memref<2x128x128xf32, #tpu.memory_space<vmem>> -> memref<1x128x128xf32, #tpu.memory_space<vmem>>
    %dma_wait3A_136 = tpu.memref_squeeze %dma_wait3A_135 : memref<1x128x128xf32, #tpu.memory_space<vmem>> -> memref<128x128xf32, #tpu.memory_space<vmem>>
    %dma_wait3A_137 = arith.constant 0 : i32
    %dma_wait3A_138 = tpu.memref_slice %arg7[%dma_wait3A_130, %dma_wait3A_131, %dma_wait3A_137] : memref<2x2x128xi32, #tpu.memory_space<vmem>> -> memref<1x1x128xi32, #tpu.memory_space<vmem>>
    %dma_wait3A_139 = tpu.memref_squeeze %dma_wait3A_138 : memref<1x1x128xi32, #tpu.memory_space<vmem>> -> memref<128xi32, #tpu.memory_space<vmem>>
    %dma_wait3A_140 = arith.constant 0 : i32
    %dma_wait3A_141 = arith.constant 0 : i32
    %dma_wait3A_142 = tpu.memref_slice %arg2[%dma_wait3A_140, %dma_wait3A_141] : memref<40000x128xf32, #tpu.memory_space<hbm>> -> memref<40000x128xf32, #tpu.memory_space<hbm>>
    tpu.wait_indirect_dma semaphore(%arg13 : memref<!tpu.dma_semaphore, #tpu.memory_space<semaphore_mem>>) src(%dma_wait3A_142 : memref<40000x128xf32, #tpu.memory_space<hbm>>) dst(%dma_wait3A_136 : memref<128x128xf32, #tpu.memory_space<vmem>>)
    %dma_start3A_143 = arith.constant 0 : i32
    %dma_start3A_144 = arith.constant 80 : i32
    %dma_start3A_145 = arith.constant 0 : i32
    %dma_start3A_146 = arith.constant 0 : i32
    %dma_start3A_147 = tpu.memref_slice %arg9[%dma_start3A_143, %dma_start3A_145, %dma_start3A_146] : memref<2x128x128xf32, #tpu.memory_space<vmem>> -> memref<1x128x128xf32, #tpu.memory_space<vmem>>
    %dma_start3A_148 = tpu.memref_squeeze %dma_start3A_147 : memref<1x128x128xf32, #tpu.memory_space<vmem>> -> memref<128x128xf32, #tpu.memory_space<vmem>>
    %dma_start3A_149 = arith.constant 0 : i32
    %dma_start3A_150 = tpu.memref_slice %arg8[%dma_start3A_144, %dma_start3A_149] : memref<84x128xi32, #tpu.memory_space<vmem>> -> memref<1x128xi32, #tpu.memory_space<vmem>>
    %dma_start3A_151 = tpu.memref_squeeze %dma_start3A_150 : memref<1x128xi32, #tpu.memory_space<vmem>> -> memref<128xi32, #tpu.memory_space<vmem>>
    %dma_start3A_152 = arith.constant 0 : i32
    %dma_start3A_153 = arith.constant 0 : i32
    %dma_start3A_154 = tpu.memref_slice %arg10[%dma_start3A_152, %dma_start3A_153] : memref<10112x128xf32, #tpu.memory_space<vmem_shared>> -> memref<10112x128xf32, #tpu.memory_space<vmem_shared>>
    tpu.enqueue_indirect_dma source(%dma_start3A_148 : memref<128x128xf32, #tpu.memory_space<vmem>>) target(%dma_start3A_154 : memref<10112x128xf32, #tpu.memory_space<vmem_shared>>) offsets(%dma_start3A_151 : memref<128xi32, #tpu.memory_space<vmem>>) semaphore(%arg15 : memref<!tpu.dma_semaphore, #tpu.memory_space<semaphore_mem>>) {add = true}
    %dma_wait3A_155 = arith.constant 0 : i32
    %dma_wait3A_156 = arith.constant 1 : i32
    %dma_wait3A_157 = arith.constant 1 : i32
    %dma_wait3A_158 = arith.constant 0 : i32
    %dma_wait3A_159 = arith.constant 0 : i32
    %dma_wait3A_160 = tpu.memref_slice %arg9[%dma_wait3A_157, %dma_wait3A_158, %dma_wait3A_159] : memref<2x128x128xf32, #tpu.memory_space<vmem>> -> memref<1x128x128xf32, #tpu.memory_space<vmem>>
    %dma_wait3A_161 = tpu.memref_squeeze %dma_wait3A_160 : memref<1x128x128xf32, #tpu.memory_space<vmem>> -> memref<128x128xf32, #tpu.memory_space<vmem>>
    %dma_wait3A_162 = arith.constant 0 : i32
    %dma_wait3A_163 = tpu.memref_slice %arg7[%dma_wait3A_155, %dma_wait3A_156, %dma_wait3A_162] : memref<2x2x128xi32, #tpu.memory_space<vmem>> -> memref<1x1x128xi32, #tpu.memory_space<vmem>>
    %dma_wait3A_164 = tpu.memref_squeeze %dma_wait3A_163 : memref<1x1x128xi32, #tpu.memory_space<vmem>> -> memref<128xi32, #tpu.memory_space<vmem>>
    %dma_wait3A_165 = arith.constant 0 : i32
    %dma_wait3A_166 = arith.constant 0 : i32
    %dma_wait3A_167 = tpu.memref_slice %arg2[%dma_wait3A_165, %dma_wait3A_166] : memref<40000x128xf32, #tpu.memory_space<hbm>> -> memref<40000x128xf32, #tpu.memory_space<hbm>>
    tpu.wait_indirect_dma semaphore(%arg14 : memref<!tpu.dma_semaphore, #tpu.memory_space<semaphore_mem>>) src(%dma_wait3A_167 : memref<40000x128xf32, #tpu.memory_space<hbm>>) dst(%dma_wait3A_161 : memref<128x128xf32, #tpu.memory_space<vmem>>)
    %dma_start3A_168 = arith.constant 1 : i32
    %dma_start3A_169 = arith.constant 81 : i32
    %dma_start3A_170 = arith.constant 0 : i32
    %dma_start3A_171 = arith.constant 0 : i32
    %dma_start3A_172 = tpu.memref_slice %arg9[%dma_start3A_168, %dma_start3A_170, %dma_start3A_171] : memref<2x128x128xf32, #tpu.memory_space<vmem>> -> memref<1x128x128xf32, #tpu.memory_space<vmem>>
    %dma_start3A_173 = tpu.memref_squeeze %dma_start3A_172 : memref<1x128x128xf32, #tpu.memory_space<vmem>> -> memref<128x128xf32, #tpu.memory_space<vmem>>
    %dma_start3A_174 = arith.constant 0 : i32
    %dma_start3A_175 = tpu.memref_slice %arg8[%dma_start3A_169, %dma_start3A_174] : memref<84x128xi32, #tpu.memory_space<vmem>> -> memref<1x128xi32, #tpu.memory_space<vmem>>
    %dma_start3A_176 = tpu.memref_squeeze %dma_start3A_175 : memref<1x128xi32, #tpu.memory_space<vmem>> -> memref<128xi32, #tpu.memory_space<vmem>>
    %dma_start3A_177 = arith.constant 0 : i32
    %dma_start3A_178 = arith.constant 0 : i32
    %dma_start3A_179 = tpu.memref_slice %arg10[%dma_start3A_177, %dma_start3A_178] : memref<10112x128xf32, #tpu.memory_space<vmem_shared>> -> memref<10112x128xf32, #tpu.memory_space<vmem_shared>>
    tpu.enqueue_indirect_dma source(%dma_start3A_173 : memref<128x128xf32, #tpu.memory_space<vmem>>) target(%dma_start3A_179 : memref<10112x128xf32, #tpu.memory_space<vmem_shared>>) offsets(%dma_start3A_176 : memref<128xi32, #tpu.memory_space<vmem>>) semaphore(%arg16 : memref<!tpu.dma_semaphore, #tpu.memory_space<semaphore_mem>>) {add = true}
    %dma_wait3A_180 = arith.constant 0 : i32
    %dma_wait3A_181 = arith.constant 80 : i32
    %dma_wait3A_182 = arith.constant 0 : i32
    %dma_wait3A_183 = arith.constant 0 : i32
    %dma_wait3A_184 = tpu.memref_slice %arg9[%dma_wait3A_180, %dma_wait3A_182, %dma_wait3A_183] : memref<2x128x128xf32, #tpu.memory_space<vmem>> -> memref<1x128x128xf32, #tpu.memory_space<vmem>>
    %dma_wait3A_185 = tpu.memref_squeeze %dma_wait3A_184 : memref<1x128x128xf32, #tpu.memory_space<vmem>> -> memref<128x128xf32, #tpu.memory_space<vmem>>
    %dma_wait3A_186 = arith.constant 0 : i32
    %dma_wait3A_187 = tpu.memref_slice %arg8[%dma_wait3A_181, %dma_wait3A_186] : memref<84x128xi32, #tpu.memory_space<vmem>> -> memref<1x128xi32, #tpu.memory_space<vmem>>
    %dma_wait3A_188 = tpu.memref_squeeze %dma_wait3A_187 : memref<1x128xi32, #tpu.memory_space<vmem>> -> memref<128xi32, #tpu.memory_space<vmem>>
    %dma_wait3A_189 = arith.constant 0 : i32
    %dma_wait3A_190 = arith.constant 0 : i32
    %dma_wait3A_191 = tpu.memref_slice %arg10[%dma_wait3A_189, %dma_wait3A_190] : memref<10112x128xf32, #tpu.memory_space<vmem_shared>> -> memref<10112x128xf32, #tpu.memory_space<vmem_shared>>
    tpu.wait_indirect_dma semaphore(%arg15 : memref<!tpu.dma_semaphore, #tpu.memory_space<semaphore_mem>>) src(%dma_wait3A_185 : memref<128x128xf32, #tpu.memory_space<vmem>>) dst(%dma_wait3A_191 : memref<10112x128xf32, #tpu.memory_space<vmem_shared>>)
    %dma_start3A_192 = arith.constant 1 : i32
    %dma_start3A_193 = arith.constant 0 : i32
    %dma_start3A_194 = arith.constant 0 : i32
    %dma_start3A_195 = arith.constant 0 : i32
    %dma_start3A_196 = arith.constant 0 : i32
    %dma_start3A_197 = tpu.memref_slice %arg9[%dma_start3A_194, %dma_start3A_195, %dma_start3A_196] : memref<2x128x128xf32, #tpu.memory_space<vmem>> -> memref<1x128x128xf32, #tpu.memory_space<vmem>>
    %dma_start3A_198 = tpu.memref_squeeze %dma_start3A_197 : memref<1x128x128xf32, #tpu.memory_space<vmem>> -> memref<128x128xf32, #tpu.memory_space<vmem>>
    %dma_start3A_199 = arith.constant 0 : i32
    %dma_start3A_200 = tpu.memref_slice %arg7[%dma_start3A_192, %dma_start3A_193, %dma_start3A_199] : memref<2x2x128xi32, #tpu.memory_space<vmem>> -> memref<1x1x128xi32, #tpu.memory_space<vmem>>
    %dma_start3A_201 = tpu.memref_squeeze %dma_start3A_200 : memref<1x1x128xi32, #tpu.memory_space<vmem>> -> memref<128xi32, #tpu.memory_space<vmem>>
    %dma_start3A_202 = arith.constant 0 : i32
    %dma_start3A_203 = arith.constant 0 : i32
    %dma_start3A_204 = tpu.memref_slice %arg2[%dma_start3A_202, %dma_start3A_203] : memref<40000x128xf32, #tpu.memory_space<hbm>> -> memref<40000x128xf32, #tpu.memory_space<hbm>>
    tpu.enqueue_indirect_dma source(%dma_start3A_204 : memref<40000x128xf32, #tpu.memory_space<hbm>>) target(%dma_start3A_198 : memref<128x128xf32, #tpu.memory_space<vmem>>) offsets(%dma_start3A_201 : memref<128xi32, #tpu.memory_space<vmem>>) semaphore(%arg13 : memref<!tpu.dma_semaphore, #tpu.memory_space<semaphore_mem>>)
    %dma_wait3A_205 = arith.constant 1 : i32
    %dma_wait3A_206 = arith.constant 81 : i32
    %dma_wait3A_207 = arith.constant 0 : i32
    %dma_wait3A_208 = arith.constant 0 : i32
    %dma_wait3A_209 = tpu.memref_slice %arg9[%dma_wait3A_205, %dma_wait3A_207, %dma_wait3A_208] : memref<2x128x128xf32, #tpu.memory_space<vmem>> -> memref<1x128x128xf32, #tpu.memory_space<vmem>>
    %dma_wait3A_210 = tpu.memref_squeeze %dma_wait3A_209 : memref<1x128x128xf32, #tpu.memory_space<vmem>> -> memref<128x128xf32, #tpu.memory_space<vmem>>
    %dma_wait3A_211 = arith.constant 0 : i32
    %dma_wait3A_212 = tpu.memref_slice %arg8[%dma_wait3A_206, %dma_wait3A_211] : memref<84x128xi32, #tpu.memory_space<vmem>> -> memref<1x128xi32, #tpu.memory_space<vmem>>
    %dma_wait3A_213 = tpu.memref_squeeze %dma_wait3A_212 : memref<1x128xi32, #tpu.memory_space<vmem>> -> memref<128xi32, #tpu.memory_space<vmem>>
    %dma_wait3A_214 = arith.constant 0 : i32
    %dma_wait3A_215 = arith.constant 0 : i32
    %dma_wait3A_216 = tpu.memref_slice %arg10[%dma_wait3A_214, %dma_wait3A_215] : memref<10112x128xf32, #tpu.memory_space<vmem_shared>> -> memref<10112x128xf32, #tpu.memory_space<vmem_shared>>
    tpu.wait_indirect_dma semaphore(%arg16 : memref<!tpu.dma_semaphore, #tpu.memory_space<semaphore_mem>>) src(%dma_wait3A_210 : memref<128x128xf32, #tpu.memory_space<vmem>>) dst(%dma_wait3A_216 : memref<10112x128xf32, #tpu.memory_space<vmem_shared>>)
    %dma_start3A_217 = arith.constant 1 : i32
    %dma_start3A_218 = arith.constant 1 : i32
    %dma_start3A_219 = arith.constant 1 : i32
    %dma_start3A_220 = arith.constant 0 : i32
    %dma_start3A_221 = arith.constant 0 : i32
    %dma_start3A_222 = tpu.memref_slice %arg9[%dma_start3A_219, %dma_start3A_220, %dma_start3A_221] : memref<2x128x128xf32, #tpu.memory_space<vmem>> -> memref<1x128x128xf32, #tpu.memory_space<vmem>>
    %dma_start3A_223 = tpu.memref_squeeze %dma_start3A_222 : memref<1x128x128xf32, #tpu.memory_space<vmem>> -> memref<128x128xf32, #tpu.memory_space<vmem>>
    %dma_start3A_224 = arith.constant 0 : i32
    %dma_start3A_225 = tpu.memref_slice %arg7[%dma_start3A_217, %dma_start3A_218, %dma_start3A_224] : memref<2x2x128xi32, #tpu.memory_space<vmem>> -> memref<1x1x128xi32, #tpu.memory_space<vmem>>
    %dma_start3A_226 = tpu.memref_squeeze %dma_start3A_225 : memref<1x1x128xi32, #tpu.memory_space<vmem>> -> memref<128xi32, #tpu.memory_space<vmem>>
    %dma_start3A_227 = arith.constant 0 : i32
    %dma_start3A_228 = arith.constant 0 : i32
    %dma_start3A_229 = tpu.memref_slice %arg2[%dma_start3A_227, %dma_start3A_228] : memref<40000x128xf32, #tpu.memory_space<hbm>> -> memref<40000x128xf32, #tpu.memory_space<hbm>>
    tpu.enqueue_indirect_dma source(%dma_start3A_229 : memref<40000x128xf32, #tpu.memory_space<hbm>>) target(%dma_start3A_223 : memref<128x128xf32, #tpu.memory_space<vmem>>) offsets(%dma_start3A_226 : memref<128xi32, #tpu.memory_space<vmem>>) semaphore(%arg14 : memref<!tpu.dma_semaphore, #tpu.memory_space<semaphore_mem>>)
    %dma_wait3A_230 = arith.constant 1 : i32
    %dma_wait3A_231 = arith.constant 0 : i32
    %dma_wait3A_232 = arith.constant 0 : i32
    %dma_wait3A_233 = arith.constant 0 : i32
    %dma_wait3A_234 = arith.constant 0 : i32
    %dma_wait3A_235 = tpu.memref_slice %arg9[%dma_wait3A_232, %dma_wait3A_233, %dma_wait3A_234] : memref<2x128x128xf32, #tpu.memory_space<vmem>> -> memref<1x128x128xf32, #tpu.memory_space<vmem>>
    %dma_wait3A_236 = tpu.memref_squeeze %dma_wait3A_235 : memref<1x128x128xf32, #tpu.memory_space<vmem>> -> memref<128x128xf32, #tpu.memory_space<vmem>>
    %dma_wait3A_237 = arith.constant 0 : i32
    %dma_wait3A_238 = tpu.memref_slice %arg7[%dma_wait3A_230, %dma_wait3A_231, %dma_wait3A_237] : memref<2x2x128xi32, #tpu.memory_space<vmem>> -> memref<1x1x128xi32, #tpu.memory_space<vmem>>
    %dma_wait3A_239 = tpu.memref_squeeze %dma_wait3A_238 : memref<1x1x128xi32, #tpu.memory_space<vmem>> -> memref<128xi32, #tpu.memory_space<vmem>>
    %dma_wait3A_240 = arith.constant 0 : i32
    %dma_wait3A_241 = arith.constant 0 : i32
    %dma_wait3A_242 = tpu.memref_slice %arg2[%dma_wait3A_240, %dma_wait3A_241] : memref<40000x128xf32, #tpu.memory_space<hbm>> -> memref<40000x128xf32, #tpu.memory_space<hbm>>
    tpu.wait_indirect_dma semaphore(%arg13 : memref<!tpu.dma_semaphore, #tpu.memory_space<semaphore_mem>>) src(%dma_wait3A_242 : memref<40000x128xf32, #tpu.memory_space<hbm>>) dst(%dma_wait3A_236 : memref<128x128xf32, #tpu.memory_space<vmem>>)
    %dma_start3A_243 = arith.constant 0 : i32
    %dma_start3A_244 = arith.constant 82 : i32
    %dma_start3A_245 = arith.constant 0 : i32
    %dma_start3A_246 = arith.constant 0 : i32
    %dma_start3A_247 = tpu.memref_slice %arg9[%dma_start3A_243, %dma_start3A_245, %dma_start3A_246] : memref<2x128x128xf32, #tpu.memory_space<vmem>> -> memref<1x128x128xf32, #tpu.memory_space<vmem>>
    %dma_start3A_248 = tpu.memref_squeeze %dma_start3A_247 : memref<1x128x128xf32, #tpu.memory_space<vmem>> -> memref<128x128xf32, #tpu.memory_space<vmem>>
    %dma_start3A_249 = arith.constant 0 : i32
    %dma_start3A_250 = tpu.memref_slice %arg8[%dma_start3A_244, %dma_start3A_249] : memref<84x128xi32, #tpu.memory_space<vmem>> -> memref<1x128xi32, #tpu.memory_space<vmem>>
    %dma_start3A_251 = tpu.memref_squeeze %dma_start3A_250 : memref<1x128xi32, #tpu.memory_space<vmem>> -> memref<128xi32, #tpu.memory_space<vmem>>
    %dma_start3A_252 = arith.constant 0 : i32
    %dma_start3A_253 = arith.constant 0 : i32
    %dma_start3A_254 = tpu.memref_slice %arg10[%dma_start3A_252, %dma_start3A_253] : memref<10112x128xf32, #tpu.memory_space<vmem_shared>> -> memref<10112x128xf32, #tpu.memory_space<vmem_shared>>
    tpu.enqueue_indirect_dma source(%dma_start3A_248 : memref<128x128xf32, #tpu.memory_space<vmem>>) target(%dma_start3A_254 : memref<10112x128xf32, #tpu.memory_space<vmem_shared>>) offsets(%dma_start3A_251 : memref<128xi32, #tpu.memory_space<vmem>>) semaphore(%arg15 : memref<!tpu.dma_semaphore, #tpu.memory_space<semaphore_mem>>) {add = true}
    %dma_wait3A_255 = arith.constant 1 : i32
    %dma_wait3A_256 = arith.constant 1 : i32
    %dma_wait3A_257 = arith.constant 1 : i32
    %dma_wait3A_258 = arith.constant 0 : i32
    %dma_wait3A_259 = arith.constant 0 : i32
    %dma_wait3A_260 = tpu.memref_slice %arg9[%dma_wait3A_257, %dma_wait3A_258, %dma_wait3A_259] : memref<2x128x128xf32, #tpu.memory_space<vmem>> -> memref<1x128x128xf32, #tpu.memory_space<vmem>>
    %dma_wait3A_261 = tpu.memref_squeeze %dma_wait3A_260 : memref<1x128x128xf32, #tpu.memory_space<vmem>> -> memref<128x128xf32, #tpu.memory_space<vmem>>
    %dma_wait3A_262 = arith.constant 0 : i32
    %dma_wait3A_263 = tpu.memref_slice %arg7[%dma_wait3A_255, %dma_wait3A_256, %dma_wait3A_262] : memref<2x2x128xi32, #tpu.memory_space<vmem>> -> memref<1x1x128xi32, #tpu.memory_space<vmem>>
    %dma_wait3A_264 = tpu.memref_squeeze %dma_wait3A_263 : memref<1x1x128xi32, #tpu.memory_space<vmem>> -> memref<128xi32, #tpu.memory_space<vmem>>
    %dma_wait3A_265 = arith.constant 0 : i32
    %dma_wait3A_266 = arith.constant 0 : i32
    %dma_wait3A_267 = tpu.memref_slice %arg2[%dma_wait3A_265, %dma_wait3A_266] : memref<40000x128xf32, #tpu.memory_space<hbm>> -> memref<40000x128xf32, #tpu.memory_space<hbm>>
    tpu.wait_indirect_dma semaphore(%arg14 : memref<!tpu.dma_semaphore, #tpu.memory_space<semaphore_mem>>) src(%dma_wait3A_267 : memref<40000x128xf32, #tpu.memory_space<hbm>>) dst(%dma_wait3A_261 : memref<128x128xf32, #tpu.memory_space<vmem>>)
    %dma_start3A_268 = arith.constant 1 : i32
    %dma_start3A_269 = arith.constant 83 : i32
    %dma_start3A_270 = arith.constant 0 : i32
    %dma_start3A_271 = arith.constant 0 : i32
    %dma_start3A_272 = tpu.memref_slice %arg9[%dma_start3A_268, %dma_start3A_270, %dma_start3A_271] : memref<2x128x128xf32, #tpu.memory_space<vmem>> -> memref<1x128x128xf32, #tpu.memory_space<vmem>>
    %dma_start3A_273 = tpu.memref_squeeze %dma_start3A_272 : memref<1x128x128xf32, #tpu.memory_space<vmem>> -> memref<128x128xf32, #tpu.memory_space<vmem>>
    %dma_start3A_274 = arith.constant 0 : i32
    %dma_start3A_275 = tpu.memref_slice %arg8[%dma_start3A_269, %dma_start3A_274] : memref<84x128xi32, #tpu.memory_space<vmem>> -> memref<1x128xi32, #tpu.memory_space<vmem>>
    %dma_start3A_276 = tpu.memref_squeeze %dma_start3A_275 : memref<1x128xi32, #tpu.memory_space<vmem>> -> memref<128xi32, #tpu.memory_space<vmem>>
    %dma_start3A_277 = arith.constant 0 : i32
    %dma_start3A_278 = arith.constant 0 : i32
    %dma_start3A_279 = tpu.memref_slice %arg10[%dma_start3A_277, %dma_start3A_278] : memref<10112x128xf32, #tpu.memory_space<vmem_shared>> -> memref<10112x128xf32, #tpu.memory_space<vmem_shared>>
    tpu.enqueue_indirect_dma source(%dma_start3A_273 : memref<128x128xf32, #tpu.memory_space<vmem>>) target(%dma_start3A_279 : memref<10112x128xf32, #tpu.memory_space<vmem_shared>>) offsets(%dma_start3A_276 : memref<128xi32, #tpu.memory_space<vmem>>) semaphore(%arg16 : memref<!tpu.dma_semaphore, #tpu.memory_space<semaphore_mem>>) {add = true}
    %dma_wait3A_280 = arith.constant 0 : i32
    %dma_wait3A_281 = arith.constant 82 : i32
    %dma_wait3A_282 = arith.constant 0 : i32
    %dma_wait3A_283 = arith.constant 0 : i32
    %dma_wait3A_284 = tpu.memref_slice %arg9[%dma_wait3A_280, %dma_wait3A_282, %dma_wait3A_283] : memref<2x128x128xf32, #tpu.memory_space<vmem>> -> memref<1x128x128xf32, #tpu.memory_space<vmem>>
    %dma_wait3A_285 = tpu.memref_squeeze %dma_wait3A_284 : memref<1x128x128xf32, #tpu.memory_space<vmem>> -> memref<128x128xf32, #tpu.memory_space<vmem>>
    %dma_wait3A_286 = arith.constant 0 : i32
    %dma_wait3A_287 = tpu.memref_slice %arg8[%dma_wait3A_281, %dma_wait3A_286] : memref<84x128xi32, #tpu.memory_space<vmem>> -> memref<1x128xi32, #tpu.memory_space<vmem>>
    %dma_wait3A_288 = tpu.memref_squeeze %dma_wait3A_287 : memref<1x128xi32, #tpu.memory_space<vmem>> -> memref<128xi32, #tpu.memory_space<vmem>>
    %dma_wait3A_289 = arith.constant 0 : i32
    %dma_wait3A_290 = arith.constant 0 : i32
    %dma_wait3A_291 = tpu.memref_slice %arg10[%dma_wait3A_289, %dma_wait3A_290] : memref<10112x128xf32, #tpu.memory_space<vmem_shared>> -> memref<10112x128xf32, #tpu.memory_space<vmem_shared>>
    tpu.wait_indirect_dma semaphore(%arg15 : memref<!tpu.dma_semaphore, #tpu.memory_space<semaphore_mem>>) src(%dma_wait3A_285 : memref<128x128xf32, #tpu.memory_space<vmem>>) dst(%dma_wait3A_291 : memref<10112x128xf32, #tpu.memory_space<vmem_shared>>)
    %dma_wait3A_292 = arith.constant 1 : i32
    %dma_wait3A_293 = arith.constant 83 : i32
    %dma_wait3A_294 = arith.constant 0 : i32
    %dma_wait3A_295 = arith.constant 0 : i32
    %dma_wait3A_296 = tpu.memref_slice %arg9[%dma_wait3A_292, %dma_wait3A_294, %dma_wait3A_295] : memref<2x128x128xf32, #tpu.memory_space<vmem>> -> memref<1x128x128xf32, #tpu.memory_space<vmem>>
    %dma_wait3A_297 = tpu.memref_squeeze %dma_wait3A_296 : memref<1x128x128xf32, #tpu.memory_space<vmem>> -> memref<128x128xf32, #tpu.memory_space<vmem>>
    %dma_wait3A_298 = arith.constant 0 : i32
    %dma_wait3A_299 = tpu.memref_slice %arg8[%dma_wait3A_293, %dma_wait3A_298] : memref<84x128xi32, #tpu.memory_space<vmem>> -> memref<1x128xi32, #tpu.memory_space<vmem>>
    %dma_wait3A_300 = tpu.memref_squeeze %dma_wait3A_299 : memref<1x128xi32, #tpu.memory_space<vmem>> -> memref<128xi32, #tpu.memory_space<vmem>>
    %dma_wait3A_301 = arith.constant 0 : i32
    %dma_wait3A_302 = arith.constant 0 : i32
    %dma_wait3A_303 = tpu.memref_slice %arg10[%dma_wait3A_301, %dma_wait3A_302] : memref<10112x128xf32, #tpu.memory_space<vmem_shared>> -> memref<10112x128xf32, #tpu.memory_space<vmem_shared>>
    tpu.wait_indirect_dma semaphore(%arg16 : memref<!tpu.dma_semaphore, #tpu.memory_space<semaphore_mem>>) src(%dma_wait3A_297 : memref<128x128xf32, #tpu.memory_space<vmem>>) dst(%dma_wait3A_303 : memref<10112x128xf32, #tpu.memory_space<vmem_shared>>)
    %barrier3A_304 = arith.constant 0 : index
    tpu.barrier barrier_id(%barrier3A_304)
    %mul3A_305 = arith.constant 632 : i32
    %mul3A_306 = arith.muli %arg1, %mul3A_305 : i32
    %mul3A_307 = arith.constant 632 : i32
    %mul3A_308 = arith.muli %arg1, %mul3A_307 : i32
    "tpu.region"() ({
      %run_scoped3A = tpu.sem_alloc : memref<!tpu.dma_semaphore, #tpu.memory_space<semaphore_mem>>
      %dma_start3A_626 = arith.constant 0 : i32
      %dma_start3A_627 = tpu.memref_slice %arg6[%add3A_1, %mul3A_308, %dma_start3A_626] : memref<4x10112x128xf32, #tpu.memory_space<hbm>> -> memref<1x632x128xf32, #tpu.memory_space<hbm>>
      %dma_start3A_628 = tpu.memref_squeeze %dma_start3A_627 : memref<1x632x128xf32, #tpu.memory_space<hbm>> -> memref<632x128xf32, #tpu.memory_space<hbm>>
      %dma_start3A_629 = arith.constant 0 : i32
      %dma_start3A_630 = tpu.memref_slice %arg10[%mul3A_306, %dma_start3A_629] : memref<10112x128xf32, #tpu.memory_space<vmem_shared>> -> memref<632x128xf32, #tpu.memory_space<vmem_shared>>
      tpu.enqueue_dma source(%dma_start3A_630 : memref<632x128xf32, #tpu.memory_space<vmem_shared>>) target(%dma_start3A_628 : memref<632x128xf32, #tpu.memory_space<hbm>>) target_semaphore(%run_scoped3A : memref<!tpu.dma_semaphore, #tpu.memory_space<semaphore_mem>>)
      %dma_wait3A_631 = arith.constant 0 : i32
      %dma_wait3A_632 = tpu.memref_slice %arg6[%add3A_1, %mul3A_308, %dma_wait3A_631] : memref<4x10112x128xf32, #tpu.memory_space<hbm>> -> memref<1x632x128xf32, #tpu.memory_space<hbm>>
      %dma_wait3A_633 = tpu.memref_squeeze %dma_wait3A_632 : memref<1x632x128xf32, #tpu.memory_space<hbm>> -> memref<632x128xf32, #tpu.memory_space<hbm>>
      %dma_wait3A_634 = arith.constant 0 : i32
      %dma_wait3A_635 = tpu.memref_slice %arg10[%mul3A_306, %dma_wait3A_634] : memref<10112x128xf32, #tpu.memory_space<vmem_shared>> -> memref<632x128xf32, #tpu.memory_space<vmem_shared>>
      tpu.wait_dma2 semaphore(%run_scoped3A : memref<!tpu.dma_semaphore, #tpu.memory_space<semaphore_mem>>) src(%dma_wait3A_635 : memref<632x128xf32, #tpu.memory_space<vmem_shared>>) dst(%dma_wait3A_633 : memref<632x128xf32, #tpu.memory_space<hbm>>)
      tpu.yield
    }) : () -> ()
    %barrier3A_309 = arith.constant 0 : index
    tpu.barrier barrier_id(%barrier3A_309)
    %mul3A_310 = arith.constant 2 : i32
    %mul3A_311 = arith.muli %arg0, %mul3A_310 : i32
    %add3A_312 = arith.constant 1 : i32
    %add3A_313 = arith.addi %mul3A_311, %add3A_312 : i32
    %mul3A_314 = arith.constant 16 : i32
    %mul3A_315 = arith.muli %add3A_313, %mul3A_314 : i32
    %add3A_316 = arith.addi %mul3A_315, %arg1 : i32
    %mul3A_317 = arith.constant 632 : i32
    %mul3A_318 = arith.muli %arg1, %mul3A_317 : i32
    %mul3A_319 = arith.constant 632 : i32
    %mul3A_320 = arith.muli %arg1, %mul3A_319 : i32
    "tpu.region"() ({
      %run_scoped3A = tpu.sem_alloc : memref<!tpu.dma_semaphore, #tpu.memory_space<semaphore_mem>>
      %dma_start3A_626 = arith.constant 0 : i32
      %dma_start3A_627 = tpu.memref_slice %arg10[%mul3A_320, %dma_start3A_626] : memref<10112x128xf32, #tpu.memory_space<vmem_shared>> -> memref<632x128xf32, #tpu.memory_space<vmem_shared>>
      %dma_start3A_628 = arith.constant 0 : i32
      %dma_start3A_629 = tpu.memref_slice %arg5[%mul3A_318, %dma_start3A_628] : memref<10112x128xf32, #tpu.memory_space<hbm>> -> memref<632x128xf32, #tpu.memory_space<hbm>>
      tpu.enqueue_dma source(%dma_start3A_629 : memref<632x128xf32, #tpu.memory_space<hbm>>) target(%dma_start3A_627 : memref<632x128xf32, #tpu.memory_space<vmem_shared>>) target_semaphore(%run_scoped3A : memref<!tpu.dma_semaphore, #tpu.memory_space<semaphore_mem>>)
      %dma_wait3A_630 = arith.constant 0 : i32
      %dma_wait3A_631 = tpu.memref_slice %arg10[%mul3A_320, %dma_wait3A_630] : memref<10112x128xf32, #tpu.memory_space<vmem_shared>> -> memref<632x128xf32, #tpu.memory_space<vmem_shared>>
      %dma_wait3A_632 = arith.constant 0 : i32
      %dma_wait3A_633 = tpu.memref_slice %arg5[%mul3A_318, %dma_wait3A_632] : memref<10112x128xf32, #tpu.memory_space<hbm>> -> memref<632x128xf32, #tpu.memory_space<hbm>>
      tpu.wait_dma2 semaphore(%run_scoped3A : memref<!tpu.dma_semaphore, #tpu.memory_space<semaphore_mem>>) src(%dma_wait3A_633 : memref<632x128xf32, #tpu.memory_space<hbm>>) dst(%dma_wait3A_631 : memref<632x128xf32, #tpu.memory_space<vmem_shared>>)
      tpu.yield
    }) : () -> ()
    %barrier3A_321 = arith.constant 0 : index
    tpu.barrier barrier_id(%barrier3A_321)
    %dma_start3A_322 = arith.constant 0 : i32
    %dma_start3A_323 = arith.constant 0 : i32
    %dma_start3A_324 = arith.constant 0 : i32
    %dma_start3A_325 = tpu.memref_slice %arg7[%dma_start3A_322, %dma_start3A_323, %dma_start3A_324] : memref<2x2x128xi32, #tpu.memory_space<vmem>> -> memref<1x2x128xi32, #tpu.memory_space<vmem>>
    %dma_start3A_326 = tpu.memref_squeeze %dma_start3A_325 : memref<1x2x128xi32, #tpu.memory_space<vmem>> -> memref<2x128xi32, #tpu.memory_space<vmem>>
    %dma_start3A_327 = arith.constant 0 : i32
    %dma_start3A_328 = arith.constant 0 : i32
    %dma_start3A_329 = tpu.memref_slice %arg3[%add3A_316, %dma_start3A_327, %dma_start3A_328] : memref<64x84x128xi32, #tpu.memory_space<hbm>> -> memref<1x84x128xi32, #tpu.memory_space<hbm>>
    %dma_start3A_330 = tpu.memref_squeeze %dma_start3A_329 : memref<1x84x128xi32, #tpu.memory_space<hbm>> -> memref<84x128xi32, #tpu.memory_space<hbm>>
    %dma_start3A_331 = arith.constant 0 : i32
    %dma_start3A_332 = arith.constant 0 : i32
    %dma_start3A_333 = tpu.memref_slice %dma_start3A_330[%dma_start3A_331, %dma_start3A_332] : memref<84x128xi32, #tpu.memory_space<hbm>> -> memref<2x128xi32, #tpu.memory_space<hbm>>
    %dma_start3A_334 = arith.constant 0 : i32
    %dma_start3A_335 = arith.constant 0 : i32
    %dma_start3A_336 = tpu.memref_slice %arg7[%dma_start3A_322, %dma_start3A_334, %dma_start3A_335] : memref<2x2x128xi32, #tpu.memory_space<vmem>> -> memref<1x2x128xi32, #tpu.memory_space<vmem>>
    %dma_start3A_337 = tpu.memref_squeeze %dma_start3A_336 : memref<1x2x128xi32, #tpu.memory_space<vmem>> -> memref<2x128xi32, #tpu.memory_space<vmem>>
    %dma_start3A_338 = arith.constant 0 : i32
    %dma_start3A_339 = arith.constant 0 : i32
    %dma_start3A_340 = tpu.memref_slice %arg3[%add3A_316, %dma_start3A_338, %dma_start3A_339] : memref<64x84x128xi32, #tpu.memory_space<hbm>> -> memref<1x84x128xi32, #tpu.memory_space<hbm>>
    %dma_start3A_341 = tpu.memref_squeeze %dma_start3A_340 : memref<1x84x128xi32, #tpu.memory_space<hbm>> -> memref<84x128xi32, #tpu.memory_space<hbm>>
    %dma_start3A_342 = arith.constant 0 : i32
    %dma_start3A_343 = arith.constant 0 : i32
    %dma_start3A_344 = tpu.memref_slice %dma_start3A_341[%dma_start3A_342, %dma_start3A_343] : memref<84x128xi32, #tpu.memory_space<hbm>> -> memref<2x128xi32, #tpu.memory_space<hbm>>
    tpu.enqueue_dma source(%dma_start3A_344 : memref<2x128xi32, #tpu.memory_space<hbm>>) target(%dma_start3A_337 : memref<2x128xi32, #tpu.memory_space<vmem>>) target_semaphore(%arg11 : memref<!tpu.dma_semaphore, #tpu.memory_space<semaphore_mem>>)
    %dma_start3A_345 = arith.constant 1 : i32
    %dma_start3A_346 = arith.constant 0 : i32
    %dma_start3A_347 = arith.constant 0 : i32
    %dma_start3A_348 = tpu.memref_slice %arg7[%dma_start3A_345, %dma_start3A_346, %dma_start3A_347] : memref<2x2x128xi32, #tpu.memory_space<vmem>> -> memref<1x2x128xi32, #tpu.memory_space<vmem>>
    %dma_start3A_349 = tpu.memref_squeeze %dma_start3A_348 : memref<1x2x128xi32, #tpu.memory_space<vmem>> -> memref<2x128xi32, #tpu.memory_space<vmem>>
    %dma_start3A_350 = arith.constant 0 : i32
    %dma_start3A_351 = arith.constant 0 : i32
    %dma_start3A_352 = tpu.memref_slice %arg3[%add3A_316, %dma_start3A_350, %dma_start3A_351] : memref<64x84x128xi32, #tpu.memory_space<hbm>> -> memref<1x84x128xi32, #tpu.memory_space<hbm>>
    %dma_start3A_353 = tpu.memref_squeeze %dma_start3A_352 : memref<1x84x128xi32, #tpu.memory_space<hbm>> -> memref<84x128xi32, #tpu.memory_space<hbm>>
    %dma_start3A_354 = arith.constant 2 : i32
    %dma_start3A_355 = arith.constant 0 : i32
    %dma_start3A_356 = tpu.memref_slice %dma_start3A_353[%dma_start3A_354, %dma_start3A_355] : memref<84x128xi32, #tpu.memory_space<hbm>> -> memref<2x128xi32, #tpu.memory_space<hbm>>
    %dma_start3A_357 = arith.constant 0 : i32
    %dma_start3A_358 = arith.constant 0 : i32
    %dma_start3A_359 = tpu.memref_slice %arg7[%dma_start3A_345, %dma_start3A_357, %dma_start3A_358] : memref<2x2x128xi32, #tpu.memory_space<vmem>> -> memref<1x2x128xi32, #tpu.memory_space<vmem>>
    %dma_start3A_360 = tpu.memref_squeeze %dma_start3A_359 : memref<1x2x128xi32, #tpu.memory_space<vmem>> -> memref<2x128xi32, #tpu.memory_space<vmem>>
    %dma_start3A_361 = arith.constant 0 : i32
    %dma_start3A_362 = arith.constant 0 : i32
    %dma_start3A_363 = tpu.memref_slice %arg3[%add3A_316, %dma_start3A_361, %dma_start3A_362] : memref<64x84x128xi32, #tpu.memory_space<hbm>> -> memref<1x84x128xi32, #tpu.memory_space<hbm>>
    %dma_start3A_364 = tpu.memref_squeeze %dma_start3A_363 : memref<1x84x128xi32, #tpu.memory_space<hbm>> -> memref<84x128xi32, #tpu.memory_space<hbm>>
    %dma_start3A_365 = arith.constant 2 : i32
    %dma_start3A_366 = arith.constant 0 : i32
    %dma_start3A_367 = tpu.memref_slice %dma_start3A_364[%dma_start3A_365, %dma_start3A_366] : memref<84x128xi32, #tpu.memory_space<hbm>> -> memref<2x128xi32, #tpu.memory_space<hbm>>
    tpu.enqueue_dma source(%dma_start3A_367 : memref<2x128xi32, #tpu.memory_space<hbm>>) target(%dma_start3A_360 : memref<2x128xi32, #tpu.memory_space<vmem>>) target_semaphore(%arg12 : memref<!tpu.dma_semaphore, #tpu.memory_space<semaphore_mem>>)
    %dma_wait3A_368 = arith.constant 0 : i32
    %dma_wait3A_369 = arith.constant 0 : i32
    %dma_wait3A_370 = arith.constant 0 : i32
    %dma_wait3A_371 = tpu.memref_slice %arg7[%dma_wait3A_368, %dma_wait3A_369, %dma_wait3A_370] : memref<2x2x128xi32, #tpu.memory_space<vmem>> -> memref<1x2x128xi32, #tpu.memory_space<vmem>>
    %dma_wait3A_372 = tpu.memref_squeeze %dma_wait3A_371 : memref<1x2x128xi32, #tpu.memory_space<vmem>> -> memref<2x128xi32, #tpu.memory_space<vmem>>
    %dma_wait3A_373 = arith.constant 0 : i32
    %dma_wait3A_374 = arith.constant 0 : i32
    %dma_wait3A_375 = tpu.memref_slice %arg3[%add3A_316, %dma_wait3A_373, %dma_wait3A_374] : memref<64x84x128xi32, #tpu.memory_space<hbm>> -> memref<1x84x128xi32, #tpu.memory_space<hbm>>
    %dma_wait3A_376 = tpu.memref_squeeze %dma_wait3A_375 : memref<1x84x128xi32, #tpu.memory_space<hbm>> -> memref<84x128xi32, #tpu.memory_space<hbm>>
    %dma_wait3A_377 = arith.constant 0 : i32
    %dma_wait3A_378 = arith.constant 0 : i32
    %dma_wait3A_379 = tpu.memref_slice %dma_wait3A_376[%dma_wait3A_377, %dma_wait3A_378] : memref<84x128xi32, #tpu.memory_space<hbm>> -> memref<2x128xi32, #tpu.memory_space<hbm>>
    %dma_wait3A_380 = arith.constant 0 : i32
    %dma_wait3A_381 = arith.constant 0 : i32
    %dma_wait3A_382 = tpu.memref_slice %arg7[%dma_wait3A_368, %dma_wait3A_380, %dma_wait3A_381] : memref<2x2x128xi32, #tpu.memory_space<vmem>> -> memref<1x2x128xi32, #tpu.memory_space<vmem>>
    %dma_wait3A_383 = tpu.memref_squeeze %dma_wait3A_382 : memref<1x2x128xi32, #tpu.memory_space<vmem>> -> memref<2x128xi32, #tpu.memory_space<vmem>>
    %dma_wait3A_384 = arith.constant 0 : i32
    %dma_wait3A_385 = arith.constant 0 : i32
    %dma_wait3A_386 = tpu.memref_slice %arg3[%add3A_316, %dma_wait3A_384, %dma_wait3A_385] : memref<64x84x128xi32, #tpu.memory_space<hbm>> -> memref<1x84x128xi32, #tpu.memory_space<hbm>>
    %dma_wait3A_387 = tpu.memref_squeeze %dma_wait3A_386 : memref<1x84x128xi32, #tpu.memory_space<hbm>> -> memref<84x128xi32, #tpu.memory_space<hbm>>
    %dma_wait3A_388 = arith.constant 0 : i32
    %dma_wait3A_389 = arith.constant 0 : i32
    %dma_wait3A_390 = tpu.memref_slice %dma_wait3A_387[%dma_wait3A_388, %dma_wait3A_389] : memref<84x128xi32, #tpu.memory_space<hbm>> -> memref<2x128xi32, #tpu.memory_space<hbm>>
    tpu.wait_dma2 semaphore(%arg11 : memref<!tpu.dma_semaphore, #tpu.memory_space<semaphore_mem>>) src(%dma_wait3A_390 : memref<2x128xi32, #tpu.memory_space<hbm>>) dst(%dma_wait3A_383 : memref<2x128xi32, #tpu.memory_space<vmem>>)
    %dma_start3A_391 = arith.constant 0 : i32
    %dma_start3A_392 = arith.constant 0 : i32
    %dma_start3A_393 = arith.constant 0 : i32
    %dma_start3A_394 = arith.constant 0 : i32
    %dma_start3A_395 = arith.constant 0 : i32
    %dma_start3A_396 = tpu.memref_slice %arg9[%dma_start3A_393, %dma_start3A_394, %dma_start3A_395] : memref<2x128x128xf32, #tpu.memory_space<vmem>> -> memref<1x128x128xf32, #tpu.memory_space<vmem>>
    %dma_start3A_397 = tpu.memref_squeeze %dma_start3A_396 : memref<1x128x128xf32, #tpu.memory_space<vmem>> -> memref<128x128xf32, #tpu.memory_space<vmem>>
    %dma_start3A_398 = arith.constant 0 : i32
    %dma_start3A_399 = tpu.memref_slice %arg7[%dma_start3A_391, %dma_start3A_392, %dma_start3A_398] : memref<2x2x128xi32, #tpu.memory_space<vmem>> -> memref<1x1x128xi32, #tpu.memory_space<vmem>>
    %dma_start3A_400 = tpu.memref_squeeze %dma_start3A_399 : memref<1x1x128xi32, #tpu.memory_space<vmem>> -> memref<128xi32, #tpu.memory_space<vmem>>
    %dma_start3A_401 = arith.constant 0 : i32
    %dma_start3A_402 = arith.constant 0 : i32
    %dma_start3A_403 = tpu.memref_slice %arg2[%dma_start3A_401, %dma_start3A_402] : memref<40000x128xf32, #tpu.memory_space<hbm>> -> memref<40000x128xf32, #tpu.memory_space<hbm>>
    tpu.enqueue_indirect_dma source(%dma_start3A_403 : memref<40000x128xf32, #tpu.memory_space<hbm>>) target(%dma_start3A_397 : memref<128x128xf32, #tpu.memory_space<vmem>>) offsets(%dma_start3A_400 : memref<128xi32, #tpu.memory_space<vmem>>) semaphore(%arg13 : memref<!tpu.dma_semaphore, #tpu.memory_space<semaphore_mem>>)
    %dma_start3A_404 = arith.constant 0 : i32
    %dma_start3A_405 = arith.constant 1 : i32
    %dma_start3A_406 = arith.constant 1 : i32
    %dma_start3A_407 = arith.constant 0 : i32
    %dma_start3A_408 = arith.constant 0 : i32
    %dma_start3A_409 = tpu.memref_slice %arg9[%dma_start3A_406, %dma_start3A_407, %dma_start3A_408] : memref<2x128x128xf32, #tpu.memory_space<vmem>> -> memref<1x128x128xf32, #tpu.memory_space<vmem>>
    %dma_start3A_410 = tpu.memref_squeeze %dma_start3A_409 : memref<1x128x128xf32, #tpu.memory_space<vmem>> -> memref<128x128xf32, #tpu.memory_space<vmem>>
    %dma_start3A_411 = arith.constant 0 : i32
    %dma_start3A_412 = tpu.memref_slice %arg7[%dma_start3A_404, %dma_start3A_405, %dma_start3A_411] : memref<2x2x128xi32, #tpu.memory_space<vmem>> -> memref<1x1x128xi32, #tpu.memory_space<vmem>>
    %dma_start3A_413 = tpu.memref_squeeze %dma_start3A_412 : memref<1x1x128xi32, #tpu.memory_space<vmem>> -> memref<128xi32, #tpu.memory_space<vmem>>
    %dma_start3A_414 = arith.constant 0 : i32
    %dma_start3A_415 = arith.constant 0 : i32
    %dma_start3A_416 = tpu.memref_slice %arg2[%dma_start3A_414, %dma_start3A_415] : memref<40000x128xf32, #tpu.memory_space<hbm>> -> memref<40000x128xf32, #tpu.memory_space<hbm>>
    tpu.enqueue_indirect_dma source(%dma_start3A_416 : memref<40000x128xf32, #tpu.memory_space<hbm>>) target(%dma_start3A_410 : memref<128x128xf32, #tpu.memory_space<vmem>>) offsets(%dma_start3A_413 : memref<128xi32, #tpu.memory_space<vmem>>) semaphore(%arg14 : memref<!tpu.dma_semaphore, #tpu.memory_space<semaphore_mem>>)
    %scan3A_417 = arith.constant 0 : i32
    %scan3A_418 = arith.constant 0 : i32
    %scan3A_419 = arith.constant 20 : i32
    %scan3A_420 = arith.addi %scan3A_418, %scan3A_419 : i32
    %scan3A_421 = arith.constant 1 : i32
    scf.for %scan3A_626 = %scan3A_418 to %scan3A_420 step %scan3A_421  : i32 {
      %mul3A_627 = arith.constant 2 : i32
      %mul3A_628 = arith.muli %scan3A_626, %mul3A_627 : i32
      %add3A_629 = arith.constant 1 : i32
      %add3A_630 = arith.addi %mul3A_628, %add3A_629 : i32
      %mul3A_631 = arith.constant 2 : i32
      %mul3A_632 = arith.muli %add3A_630, %mul3A_631 : i32
      %dma_wait3A_633 = arith.constant 1 : i32
      %dma_wait3A_634 = arith.constant 0 : i32
      %dma_wait3A_635 = arith.constant 0 : i32
      %dma_wait3A_636 = tpu.memref_slice %arg7[%dma_wait3A_633, %dma_wait3A_634, %dma_wait3A_635] : memref<2x2x128xi32, #tpu.memory_space<vmem>> -> memref<1x2x128xi32, #tpu.memory_space<vmem>>
      %dma_wait3A_637 = tpu.memref_squeeze %dma_wait3A_636 : memref<1x2x128xi32, #tpu.memory_space<vmem>> -> memref<2x128xi32, #tpu.memory_space<vmem>>
      %dma_wait3A_638 = arith.constant 0 : i32
      %dma_wait3A_639 = arith.constant 0 : i32
      %dma_wait3A_640 = tpu.memref_slice %arg3[%add3A_316, %dma_wait3A_638, %dma_wait3A_639] : memref<64x84x128xi32, #tpu.memory_space<hbm>> -> memref<1x84x128xi32, #tpu.memory_space<hbm>>
      %dma_wait3A_641 = tpu.memref_squeeze %dma_wait3A_640 : memref<1x84x128xi32, #tpu.memory_space<hbm>> -> memref<84x128xi32, #tpu.memory_space<hbm>>
      %dma_wait3A_642 = arith.constant 0 : i32
      %dma_wait3A_643 = tpu.memref_slice %dma_wait3A_641[%mul3A_632, %dma_wait3A_642] : memref<84x128xi32, #tpu.memory_space<hbm>> -> memref<2x128xi32, #tpu.memory_space<hbm>>
      %dma_wait3A_644 = arith.constant 0 : i32
      %dma_wait3A_645 = arith.constant 0 : i32
      %dma_wait3A_646 = tpu.memref_slice %arg7[%dma_wait3A_633, %dma_wait3A_644, %dma_wait3A_645] : memref<2x2x128xi32, #tpu.memory_space<vmem>> -> memref<1x2x128xi32, #tpu.memory_space<vmem>>
      %dma_wait3A_647 = tpu.memref_squeeze %dma_wait3A_646 : memref<1x2x128xi32, #tpu.memory_space<vmem>> -> memref<2x128xi32, #tpu.memory_space<vmem>>
      %dma_wait3A_648 = arith.constant 0 : i32
      %dma_wait3A_649 = arith.constant 0 : i32
      %dma_wait3A_650 = tpu.memref_slice %arg3[%add3A_316, %dma_wait3A_648, %dma_wait3A_649] : memref<64x84x128xi32, #tpu.memory_space<hbm>> -> memref<1x84x128xi32, #tpu.memory_space<hbm>>
      %dma_wait3A_651 = tpu.memref_squeeze %dma_wait3A_650 : memref<1x84x128xi32, #tpu.memory_space<hbm>> -> memref<84x128xi32, #tpu.memory_space<hbm>>
      %dma_wait3A_652 = arith.constant 0 : i32
      %dma_wait3A_653 = tpu.memref_slice %dma_wait3A_651[%mul3A_632, %dma_wait3A_652] : memref<84x128xi32, #tpu.memory_space<hbm>> -> memref<2x128xi32, #tpu.memory_space<hbm>>
      tpu.wait_dma2 semaphore(%arg12 : memref<!tpu.dma_semaphore, #tpu.memory_space<semaphore_mem>>) src(%dma_wait3A_653 : memref<2x128xi32, #tpu.memory_space<hbm>>) dst(%dma_wait3A_647 : memref<2x128xi32, #tpu.memory_space<vmem>>)
      %dma_wait3A_654 = arith.constant 0 : i32
      %dma_wait3A_655 = arith.constant 0 : i32
      %dma_wait3A_656 = arith.constant 0 : i32
      %dma_wait3A_657 = arith.constant 0 : i32
      %dma_wait3A_658 = arith.constant 0 : i32
      %dma_wait3A_659 = tpu.memref_slice %arg9[%dma_wait3A_656, %dma_wait3A_657, %dma_wait3A_658] : memref<2x128x128xf32, #tpu.memory_space<vmem>> -> memref<1x128x128xf32, #tpu.memory_space<vmem>>
      %dma_wait3A_660 = tpu.memref_squeeze %dma_wait3A_659 : memref<1x128x128xf32, #tpu.memory_space<vmem>> -> memref<128x128xf32, #tpu.memory_space<vmem>>
      %dma_wait3A_661 = arith.constant 0 : i32
      %dma_wait3A_662 = tpu.memref_slice %arg7[%dma_wait3A_654, %dma_wait3A_655, %dma_wait3A_661] : memref<2x2x128xi32, #tpu.memory_space<vmem>> -> memref<1x1x128xi32, #tpu.memory_space<vmem>>
      %dma_wait3A_663 = tpu.memref_squeeze %dma_wait3A_662 : memref<1x1x128xi32, #tpu.memory_space<vmem>> -> memref<128xi32, #tpu.memory_space<vmem>>
      %dma_wait3A_664 = arith.constant 0 : i32
      %dma_wait3A_665 = arith.constant 0 : i32
      %dma_wait3A_666 = tpu.memref_slice %arg2[%dma_wait3A_664, %dma_wait3A_665] : memref<40000x128xf32, #tpu.memory_space<hbm>> -> memref<40000x128xf32, #tpu.memory_space<hbm>>
      tpu.wait_indirect_dma semaphore(%arg13 : memref<!tpu.dma_semaphore, #tpu.memory_space<semaphore_mem>>) src(%dma_wait3A_666 : memref<40000x128xf32, #tpu.memory_space<hbm>>) dst(%dma_wait3A_660 : memref<128x128xf32, #tpu.memory_space<vmem>>)
      %mul3A_667 = arith.constant 2 : i32
      %mul3A_668 = arith.muli %mul3A_628, %mul3A_667 : i32
      %add3A_669 = arith.constant 0 : i32
      %add3A_670 = arith.addi %mul3A_668, %add3A_669 : i32
      %dma_start3A_671 = arith.constant 0 : i32
      %dma_start3A_672 = arith.constant 0 : i32
      %dma_start3A_673 = arith.constant 0 : i32
      %dma_start3A_674 = tpu.memref_slice %arg9[%dma_start3A_671, %dma_start3A_672, %dma_start3A_673] : memref<2x128x128xf32, #tpu.memory_space<vmem>> -> memref<1x128x128xf32, #tpu.memory_space<vmem>>
      %dma_start3A_675 = tpu.memref_squeeze %dma_start3A_674 : memref<1x128x128xf32, #tpu.memory_space<vmem>> -> memref<128x128xf32, #tpu.memory_space<vmem>>
      %dma_start3A_676 = arith.constant 0 : i32
      %dma_start3A_677 = tpu.memref_slice %arg8[%add3A_670, %dma_start3A_676] : memref<84x128xi32, #tpu.memory_space<vmem>> -> memref<1x128xi32, #tpu.memory_space<vmem>>
      %dma_start3A_678 = tpu.memref_squeeze %dma_start3A_677 : memref<1x128xi32, #tpu.memory_space<vmem>> -> memref<128xi32, #tpu.memory_space<vmem>>
      %dma_start3A_679 = arith.constant 0 : i32
      %dma_start3A_680 = arith.constant 0 : i32
      %dma_start3A_681 = tpu.memref_slice %arg10[%dma_start3A_679, %dma_start3A_680] : memref<10112x128xf32, #tpu.memory_space<vmem_shared>> -> memref<10112x128xf32, #tpu.memory_space<vmem_shared>>
      tpu.enqueue_indirect_dma source(%dma_start3A_675 : memref<128x128xf32, #tpu.memory_space<vmem>>) target(%dma_start3A_681 : memref<10112x128xf32, #tpu.memory_space<vmem_shared>>) offsets(%dma_start3A_678 : memref<128xi32, #tpu.memory_space<vmem>>) semaphore(%arg15 : memref<!tpu.dma_semaphore, #tpu.memory_space<semaphore_mem>>) {add = true}
      %dma_wait3A_682 = arith.constant 0 : i32
      %dma_wait3A_683 = arith.constant 1 : i32
      %dma_wait3A_684 = arith.constant 1 : i32
      %dma_wait3A_685 = arith.constant 0 : i32
      %dma_wait3A_686 = arith.constant 0 : i32
      %dma_wait3A_687 = tpu.memref_slice %arg9[%dma_wait3A_684, %dma_wait3A_685, %dma_wait3A_686] : memref<2x128x128xf32, #tpu.memory_space<vmem>> -> memref<1x128x128xf32, #tpu.memory_space<vmem>>
      %dma_wait3A_688 = tpu.memref_squeeze %dma_wait3A_687 : memref<1x128x128xf32, #tpu.memory_space<vmem>> -> memref<128x128xf32, #tpu.memory_space<vmem>>
      %dma_wait3A_689 = arith.constant 0 : i32
      %dma_wait3A_690 = tpu.memref_slice %arg7[%dma_wait3A_682, %dma_wait3A_683, %dma_wait3A_689] : memref<2x2x128xi32, #tpu.memory_space<vmem>> -> memref<1x1x128xi32, #tpu.memory_space<vmem>>
      %dma_wait3A_691 = tpu.memref_squeeze %dma_wait3A_690 : memref<1x1x128xi32, #tpu.memory_space<vmem>> -> memref<128xi32, #tpu.memory_space<vmem>>
      %dma_wait3A_692 = arith.constant 0 : i32
      %dma_wait3A_693 = arith.constant 0 : i32
      %dma_wait3A_694 = tpu.memref_slice %arg2[%dma_wait3A_692, %dma_wait3A_693] : memref<40000x128xf32, #tpu.memory_space<hbm>> -> memref<40000x128xf32, #tpu.memory_space<hbm>>
      tpu.wait_indirect_dma semaphore(%arg14 : memref<!tpu.dma_semaphore, #tpu.memory_space<semaphore_mem>>) src(%dma_wait3A_694 : memref<40000x128xf32, #tpu.memory_space<hbm>>) dst(%dma_wait3A_688 : memref<128x128xf32, #tpu.memory_space<vmem>>)
      %mul3A_695 = arith.constant 2 : i32
      %mul3A_696 = arith.muli %mul3A_628, %mul3A_695 : i32
      %add3A_697 = arith.constant 1 : i32
      %add3A_698 = arith.addi %mul3A_696, %add3A_697 : i32
      %dma_start3A_699 = arith.constant 1 : i32
      %dma_start3A_700 = arith.constant 0 : i32
      %dma_start3A_701 = arith.constant 0 : i32
      %dma_start3A_702 = tpu.memref_slice %arg9[%dma_start3A_699, %dma_start3A_700, %dma_start3A_701] : memref<2x128x128xf32, #tpu.memory_space<vmem>> -> memref<1x128x128xf32, #tpu.memory_space<vmem>>
      %dma_start3A_703 = tpu.memref_squeeze %dma_start3A_702 : memref<1x128x128xf32, #tpu.memory_space<vmem>> -> memref<128x128xf32, #tpu.memory_space<vmem>>
      %dma_start3A_704 = arith.constant 0 : i32
      %dma_start3A_705 = tpu.memref_slice %arg8[%add3A_698, %dma_start3A_704] : memref<84x128xi32, #tpu.memory_space<vmem>> -> memref<1x128xi32, #tpu.memory_space<vmem>>
      %dma_start3A_706 = tpu.memref_squeeze %dma_start3A_705 : memref<1x128xi32, #tpu.memory_space<vmem>> -> memref<128xi32, #tpu.memory_space<vmem>>
      %dma_start3A_707 = arith.constant 0 : i32
      %dma_start3A_708 = arith.constant 0 : i32
      %dma_start3A_709 = tpu.memref_slice %arg10[%dma_start3A_707, %dma_start3A_708] : memref<10112x128xf32, #tpu.memory_space<vmem_shared>> -> memref<10112x128xf32, #tpu.memory_space<vmem_shared>>
      tpu.enqueue_indirect_dma source(%dma_start3A_703 : memref<128x128xf32, #tpu.memory_space<vmem>>) target(%dma_start3A_709 : memref<10112x128xf32, #tpu.memory_space<vmem_shared>>) offsets(%dma_start3A_706 : memref<128xi32, #tpu.memory_space<vmem>>) semaphore(%arg16 : memref<!tpu.dma_semaphore, #tpu.memory_space<semaphore_mem>>) {add = true}
      %mul3A_710 = arith.constant 2 : i32
      %mul3A_711 = arith.muli %mul3A_628, %mul3A_710 : i32
      %add3A_712 = arith.constant 0 : i32
      %add3A_713 = arith.addi %mul3A_711, %add3A_712 : i32
      %dma_wait3A_714 = arith.constant 0 : i32
      %dma_wait3A_715 = arith.constant 0 : i32
      %dma_wait3A_716 = arith.constant 0 : i32
      %dma_wait3A_717 = tpu.memref_slice %arg9[%dma_wait3A_714, %dma_wait3A_715, %dma_wait3A_716] : memref<2x128x128xf32, #tpu.memory_space<vmem>> -> memref<1x128x128xf32, #tpu.memory_space<vmem>>
      %dma_wait3A_718 = tpu.memref_squeeze %dma_wait3A_717 : memref<1x128x128xf32, #tpu.memory_space<vmem>> -> memref<128x128xf32, #tpu.memory_space<vmem>>
      %dma_wait3A_719 = arith.constant 0 : i32
      %dma_wait3A_720 = tpu.memref_slice %arg8[%add3A_713, %dma_wait3A_719] : memref<84x128xi32, #tpu.memory_space<vmem>> -> memref<1x128xi32, #tpu.memory_space<vmem>>
      %dma_wait3A_721 = tpu.memref_squeeze %dma_wait3A_720 : memref<1x128xi32, #tpu.memory_space<vmem>> -> memref<128xi32, #tpu.memory_space<vmem>>
      %dma_wait3A_722 = arith.constant 0 : i32
      %dma_wait3A_723 = arith.constant 0 : i32
      %dma_wait3A_724 = tpu.memref_slice %arg10[%dma_wait3A_722, %dma_wait3A_723] : memref<10112x128xf32, #tpu.memory_space<vmem_shared>> -> memref<10112x128xf32, #tpu.memory_space<vmem_shared>>
      tpu.wait_indirect_dma semaphore(%arg15 : memref<!tpu.dma_semaphore, #tpu.memory_space<semaphore_mem>>) src(%dma_wait3A_718 : memref<128x128xf32, #tpu.memory_space<vmem>>) dst(%dma_wait3A_724 : memref<10112x128xf32, #tpu.memory_space<vmem_shared>>)
      %dma_start3A_725 = arith.constant 1 : i32
      %dma_start3A_726 = arith.constant 0 : i32
      %dma_start3A_727 = arith.constant 0 : i32
      %dma_start3A_728 = arith.constant 0 : i32
      %dma_start3A_729 = arith.constant 0 : i32
      %dma_start3A_730 = tpu.memref_slice %arg9[%dma_start3A_727, %dma_start3A_728, %dma_start3A_729] : memref<2x128x128xf32, #tpu.memory_space<vmem>> -> memref<1x128x128xf32, #tpu.memory_space<vmem>>
      %dma_start3A_731 = tpu.memref_squeeze %dma_start3A_730 : memref<1x128x128xf32, #tpu.memory_space<vmem>> -> memref<128x128xf32, #tpu.memory_space<vmem>>
      %dma_start3A_732 = arith.constant 0 : i32
      %dma_start3A_733 = tpu.memref_slice %arg7[%dma_start3A_725, %dma_start3A_726, %dma_start3A_732] : memref<2x2x128xi32, #tpu.memory_space<vmem>> -> memref<1x1x128xi32, #tpu.memory_space<vmem>>
      %dma_start3A_734 = tpu.memref_squeeze %dma_start3A_733 : memref<1x1x128xi32, #tpu.memory_space<vmem>> -> memref<128xi32, #tpu.memory_space<vmem>>
      %dma_start3A_735 = arith.constant 0 : i32
      %dma_start3A_736 = arith.constant 0 : i32
      %dma_start3A_737 = tpu.memref_slice %arg2[%dma_start3A_735, %dma_start3A_736] : memref<40000x128xf32, #tpu.memory_space<hbm>> -> memref<40000x128xf32, #tpu.memory_space<hbm>>
      tpu.enqueue_indirect_dma source(%dma_start3A_737 : memref<40000x128xf32, #tpu.memory_space<hbm>>) target(%dma_start3A_731 : memref<128x128xf32, #tpu.memory_space<vmem>>) offsets(%dma_start3A_734 : memref<128xi32, #tpu.memory_space<vmem>>) semaphore(%arg13 : memref<!tpu.dma_semaphore, #tpu.memory_space<semaphore_mem>>)
      %mul3A_738 = arith.constant 2 : i32
      %mul3A_739 = arith.muli %mul3A_628, %mul3A_738 : i32
      %add3A_740 = arith.constant 1 : i32
      %add3A_741 = arith.addi %mul3A_739, %add3A_740 : i32
      %dma_wait3A_742 = arith.constant 1 : i32
      %dma_wait3A_743 = arith.constant 0 : i32
      %dma_wait3A_744 = arith.constant 0 : i32
      %dma_wait3A_745 = tpu.memref_slice %arg9[%dma_wait3A_742, %dma_wait3A_743, %dma_wait3A_744] : memref<2x128x128xf32, #tpu.memory_space<vmem>> -> memref<1x128x128xf32, #tpu.memory_space<vmem>>
      %dma_wait3A_746 = tpu.memref_squeeze %dma_wait3A_745 : memref<1x128x128xf32, #tpu.memory_space<vmem>> -> memref<128x128xf32, #tpu.memory_space<vmem>>
      %dma_wait3A_747 = arith.constant 0 : i32
      %dma_wait3A_748 = tpu.memref_slice %arg8[%add3A_741, %dma_wait3A_747] : memref<84x128xi32, #tpu.memory_space<vmem>> -> memref<1x128xi32, #tpu.memory_space<vmem>>
      %dma_wait3A_749 = tpu.memref_squeeze %dma_wait3A_748 : memref<1x128xi32, #tpu.memory_space<vmem>> -> memref<128xi32, #tpu.memory_space<vmem>>
      %dma_wait3A_750 = arith.constant 0 : i32
      %dma_wait3A_751 = arith.constant 0 : i32
      %dma_wait3A_752 = tpu.memref_slice %arg10[%dma_wait3A_750, %dma_wait3A_751] : memref<10112x128xf32, #tpu.memory_space<vmem_shared>> -> memref<10112x128xf32, #tpu.memory_space<vmem_shared>>
      tpu.wait_indirect_dma semaphore(%arg16 : memref<!tpu.dma_semaphore, #tpu.memory_space<semaphore_mem>>) src(%dma_wait3A_746 : memref<128x128xf32, #tpu.memory_space<vmem>>) dst(%dma_wait3A_752 : memref<10112x128xf32, #tpu.memory_space<vmem_shared>>)
      %dma_start3A_753 = arith.constant 1 : i32
      %dma_start3A_754 = arith.constant 1 : i32
      %dma_start3A_755 = arith.constant 1 : i32
      %dma_start3A_756 = arith.constant 0 : i32
      %dma_start3A_757 = arith.constant 0 : i32
      %dma_start3A_758 = tpu.memref_slice %arg9[%dma_start3A_755, %dma_start3A_756, %dma_start3A_757] : memref<2x128x128xf32, #tpu.memory_space<vmem>> -> memref<1x128x128xf32, #tpu.memory_space<vmem>>
      %dma_start3A_759 = tpu.memref_squeeze %dma_start3A_758 : memref<1x128x128xf32, #tpu.memory_space<vmem>> -> memref<128x128xf32, #tpu.memory_space<vmem>>
      %dma_start3A_760 = arith.constant 0 : i32
      %dma_start3A_761 = tpu.memref_slice %arg7[%dma_start3A_753, %dma_start3A_754, %dma_start3A_760] : memref<2x2x128xi32, #tpu.memory_space<vmem>> -> memref<1x1x128xi32, #tpu.memory_space<vmem>>
      %dma_start3A_762 = tpu.memref_squeeze %dma_start3A_761 : memref<1x1x128xi32, #tpu.memory_space<vmem>> -> memref<128xi32, #tpu.memory_space<vmem>>
      %dma_start3A_763 = arith.constant 0 : i32
      %dma_start3A_764 = arith.constant 0 : i32
      %dma_start3A_765 = tpu.memref_slice %arg2[%dma_start3A_763, %dma_start3A_764] : memref<40000x128xf32, #tpu.memory_space<hbm>> -> memref<40000x128xf32, #tpu.memory_space<hbm>>
      tpu.enqueue_indirect_dma source(%dma_start3A_765 : memref<40000x128xf32, #tpu.memory_space<hbm>>) target(%dma_start3A_759 : memref<128x128xf32, #tpu.memory_space<vmem>>) offsets(%dma_start3A_762 : memref<128xi32, #tpu.memory_space<vmem>>) semaphore(%arg14 : memref<!tpu.dma_semaphore, #tpu.memory_space<semaphore_mem>>)
      %add3A_766 = arith.constant 2 : i32
      %add3A_767 = arith.addi %mul3A_628, %add3A_766 : i32
      %lt3A = arith.constant 42 : i32
      %lt3A_768 = arith.cmpi slt, %add3A_767, %lt3A : i32
      %convert_element_type3A = arith.extui %lt3A_768 : i1 to i32
      %cond3A = arith.constant 0 : i32
      %cond3A_769 = arith.cmpi ne, %convert_element_type3A, %cond3A : i32
      scf.if %cond3A_769 {
        %add3A_918 = arith.constant 2 : i32
        %add3A_919 = arith.addi %mul3A_628, %add3A_918 : i32
        %mul3A_920 = arith.constant 2 : i32
        %mul3A_921 = arith.muli %add3A_919, %mul3A_920 : i32
        %dma_start3A_922 = arith.constant 0 : i32
        %dma_start3A_923 = arith.constant 0 : i32
        %dma_start3A_924 = arith.constant 0 : i32
        %dma_start3A_925 = tpu.memref_slice %arg7[%dma_start3A_922, %dma_start3A_923, %dma_start3A_924] : memref<2x2x128xi32, #tpu.memory_space<vmem>> -> memref<1x2x128xi32, #tpu.memory_space<vmem>>
        %dma_start3A_926 = tpu.memref_squeeze %dma_start3A_925 : memref<1x2x128xi32, #tpu.memory_space<vmem>> -> memref<2x128xi32, #tpu.memory_space<vmem>>
        %dma_start3A_927 = arith.constant 0 : i32
        %dma_start3A_928 = arith.constant 0 : i32
        %dma_start3A_929 = tpu.memref_slice %arg3[%add3A_316, %dma_start3A_927, %dma_start3A_928] : memref<64x84x128xi32, #tpu.memory_space<hbm>> -> memref<1x84x128xi32, #tpu.memory_space<hbm>>
        %dma_start3A_930 = tpu.memref_squeeze %dma_start3A_929 : memref<1x84x128xi32, #tpu.memory_space<hbm>> -> memref<84x128xi32, #tpu.memory_space<hbm>>
        %dma_start3A_931 = arith.constant 0 : i32
        %dma_start3A_932 = tpu.memref_slice %dma_start3A_930[%mul3A_921, %dma_start3A_931] : memref<84x128xi32, #tpu.memory_space<hbm>> -> memref<2x128xi32, #tpu.memory_space<hbm>>
        %dma_start3A_933 = arith.constant 0 : i32
        %dma_start3A_934 = arith.constant 0 : i32
        %dma_start3A_935 = tpu.memref_slice %arg7[%dma_start3A_922, %dma_start3A_933, %dma_start3A_934] : memref<2x2x128xi32, #tpu.memory_space<vmem>> -> memref<1x2x128xi32, #tpu.memory_space<vmem>>
        %dma_start3A_936 = tpu.memref_squeeze %dma_start3A_935 : memref<1x2x128xi32, #tpu.memory_space<vmem>> -> memref<2x128xi32, #tpu.memory_space<vmem>>
        %dma_start3A_937 = arith.constant 0 : i32
        %dma_start3A_938 = arith.constant 0 : i32
        %dma_start3A_939 = tpu.memref_slice %arg3[%add3A_316, %dma_start3A_937, %dma_start3A_938] : memref<64x84x128xi32, #tpu.memory_space<hbm>> -> memref<1x84x128xi32, #tpu.memory_space<hbm>>
        %dma_start3A_940 = tpu.memref_squeeze %dma_start3A_939 : memref<1x84x128xi32, #tpu.memory_space<hbm>> -> memref<84x128xi32, #tpu.memory_space<hbm>>
        %dma_start3A_941 = arith.constant 0 : i32
        %dma_start3A_942 = tpu.memref_slice %dma_start3A_940[%mul3A_921, %dma_start3A_941] : memref<84x128xi32, #tpu.memory_space<hbm>> -> memref<2x128xi32, #tpu.memory_space<hbm>>
        tpu.enqueue_dma source(%dma_start3A_942 : memref<2x128xi32, #tpu.memory_space<hbm>>) target(%dma_start3A_936 : memref<2x128xi32, #tpu.memory_space<vmem>>) target_semaphore(%arg11 : memref<!tpu.dma_semaphore, #tpu.memory_space<semaphore_mem>>)
      } else {
      }
      %mul3A_770 = arith.constant 2 : i32
      %mul3A_771 = arith.muli %scan3A_626, %mul3A_770 : i32
      %add3A_772 = arith.constant 1 : i32
      %add3A_773 = arith.addi %mul3A_771, %add3A_772 : i32
      %add3A_774 = arith.constant 1 : i32
      %add3A_775 = arith.addi %add3A_773, %add3A_774 : i32
      %mul3A_776 = arith.constant 2 : i32
      %mul3A_777 = arith.muli %add3A_775, %mul3A_776 : i32
      %dma_wait3A_778 = arith.constant 0 : i32
      %dma_wait3A_779 = arith.constant 0 : i32
      %dma_wait3A_780 = arith.constant 0 : i32
      %dma_wait3A_781 = tpu.memref_slice %arg7[%dma_wait3A_778, %dma_wait3A_779, %dma_wait3A_780] : memref<2x2x128xi32, #tpu.memory_space<vmem>> -> memref<1x2x128xi32, #tpu.memory_space<vmem>>
      %dma_wait3A_782 = tpu.memref_squeeze %dma_wait3A_781 : memref<1x2x128xi32, #tpu.memory_space<vmem>> -> memref<2x128xi32, #tpu.memory_space<vmem>>
      %dma_wait3A_783 = arith.constant 0 : i32
      %dma_wait3A_784 = arith.constant 0 : i32
      %dma_wait3A_785 = tpu.memref_slice %arg3[%add3A_316, %dma_wait3A_783, %dma_wait3A_784] : memref<64x84x128xi32, #tpu.memory_space<hbm>> -> memref<1x84x128xi32, #tpu.memory_space<hbm>>
      %dma_wait3A_786 = tpu.memref_squeeze %dma_wait3A_785 : memref<1x84x128xi32, #tpu.memory_space<hbm>> -> memref<84x128xi32, #tpu.memory_space<hbm>>
      %dma_wait3A_787 = arith.constant 0 : i32
      %dma_wait3A_788 = tpu.memref_slice %dma_wait3A_786[%mul3A_777, %dma_wait3A_787] : memref<84x128xi32, #tpu.memory_space<hbm>> -> memref<2x128xi32, #tpu.memory_space<hbm>>
      %dma_wait3A_789 = arith.constant 0 : i32
      %dma_wait3A_790 = arith.constant 0 : i32
      %dma_wait3A_791 = tpu.memref_slice %arg7[%dma_wait3A_778, %dma_wait3A_789, %dma_wait3A_790] : memref<2x2x128xi32, #tpu.memory_space<vmem>> -> memref<1x2x128xi32, #tpu.memory_space<vmem>>
      %dma_wait3A_792 = tpu.memref_squeeze %dma_wait3A_791 : memref<1x2x128xi32, #tpu.memory_space<vmem>> -> memref<2x128xi32, #tpu.memory_space<vmem>>
      %dma_wait3A_793 = arith.constant 0 : i32
      %dma_wait3A_794 = arith.constant 0 : i32
      %dma_wait3A_795 = tpu.memref_slice %arg3[%add3A_316, %dma_wait3A_793, %dma_wait3A_794] : memref<64x84x128xi32, #tpu.memory_space<hbm>> -> memref<1x84x128xi32, #tpu.memory_space<hbm>>
      %dma_wait3A_796 = tpu.memref_squeeze %dma_wait3A_795 : memref<1x84x128xi32, #tpu.memory_space<hbm>> -> memref<84x128xi32, #tpu.memory_space<hbm>>
      %dma_wait3A_797 = arith.constant 0 : i32
      %dma_wait3A_798 = tpu.memref_slice %dma_wait3A_796[%mul3A_777, %dma_wait3A_797] : memref<84x128xi32, #tpu.memory_space<hbm>> -> memref<2x128xi32, #tpu.memory_space<hbm>>
      tpu.wait_dma2 semaphore(%arg11 : memref<!tpu.dma_semaphore, #tpu.memory_space<semaphore_mem>>) src(%dma_wait3A_798 : memref<2x128xi32, #tpu.memory_space<hbm>>) dst(%dma_wait3A_792 : memref<2x128xi32, #tpu.memory_space<vmem>>)
      %dma_wait3A_799 = arith.constant 1 : i32
      %dma_wait3A_800 = arith.constant 0 : i32
      %dma_wait3A_801 = arith.constant 0 : i32
      %dma_wait3A_802 = arith.constant 0 : i32
      %dma_wait3A_803 = arith.constant 0 : i32
      %dma_wait3A_804 = tpu.memref_slice %arg9[%dma_wait3A_801, %dma_wait3A_802, %dma_wait3A_803] : memref<2x128x128xf32, #tpu.memory_space<vmem>> -> memref<1x128x128xf32, #tpu.memory_space<vmem>>
      %dma_wait3A_805 = tpu.memref_squeeze %dma_wait3A_804 : memref<1x128x128xf32, #tpu.memory_space<vmem>> -> memref<128x128xf32, #tpu.memory_space<vmem>>
      %dma_wait3A_806 = arith.constant 0 : i32
      %dma_wait3A_807 = tpu.memref_slice %arg7[%dma_wait3A_799, %dma_wait3A_800, %dma_wait3A_806] : memref<2x2x128xi32, #tpu.memory_space<vmem>> -> memref<1x1x128xi32, #tpu.memory_space<vmem>>
      %dma_wait3A_808 = tpu.memref_squeeze %dma_wait3A_807 : memref<1x1x128xi32, #tpu.memory_space<vmem>> -> memref<128xi32, #tpu.memory_space<vmem>>
      %dma_wait3A_809 = arith.constant 0 : i32
      %dma_wait3A_810 = arith.constant 0 : i32
      %dma_wait3A_811 = tpu.memref_slice %arg2[%dma_wait3A_809, %dma_wait3A_810] : memref<40000x128xf32, #tpu.memory_space<hbm>> -> memref<40000x128xf32, #tpu.memory_space<hbm>>
      tpu.wait_indirect_dma semaphore(%arg13 : memref<!tpu.dma_semaphore, #tpu.memory_space<semaphore_mem>>) src(%dma_wait3A_811 : memref<40000x128xf32, #tpu.memory_space<hbm>>) dst(%dma_wait3A_805 : memref<128x128xf32, #tpu.memory_space<vmem>>)
      %mul3A_812 = arith.constant 2 : i32
      %mul3A_813 = arith.muli %add3A_773, %mul3A_812 : i32
      %add3A_814 = arith.constant 0 : i32
      %add3A_815 = arith.addi %mul3A_813, %add3A_814 : i32
      %dma_start3A_816 = arith.constant 0 : i32
      %dma_start3A_817 = arith.constant 0 : i32
      %dma_start3A_818 = arith.constant 0 : i32
      %dma_start3A_819 = tpu.memref_slice %arg9[%dma_start3A_816, %dma_start3A_817, %dma_start3A_818] : memref<2x128x128xf32, #tpu.memory_space<vmem>> -> memref<1x128x128xf32, #tpu.memory_space<vmem>>
      %dma_start3A_820 = tpu.memref_squeeze %dma_start3A_819 : memref<1x128x128xf32, #tpu.memory_space<vmem>> -> memref<128x128xf32, #tpu.memory_space<vmem>>
      %dma_start3A_821 = arith.constant 0 : i32
      %dma_start3A_822 = tpu.memref_slice %arg8[%add3A_815, %dma_start3A_821] : memref<84x128xi32, #tpu.memory_space<vmem>> -> memref<1x128xi32, #tpu.memory_space<vmem>>
      %dma_start3A_823 = tpu.memref_squeeze %dma_start3A_822 : memref<1x128xi32, #tpu.memory_space<vmem>> -> memref<128xi32, #tpu.memory_space<vmem>>
      %dma_start3A_824 = arith.constant 0 : i32
      %dma_start3A_825 = arith.constant 0 : i32
      %dma_start3A_826 = tpu.memref_slice %arg10[%dma_start3A_824, %dma_start3A_825] : memref<10112x128xf32, #tpu.memory_space<vmem_shared>> -> memref<10112x128xf32, #tpu.memory_space<vmem_shared>>
      tpu.enqueue_indirect_dma source(%dma_start3A_820 : memref<128x128xf32, #tpu.memory_space<vmem>>) target(%dma_start3A_826 : memref<10112x128xf32, #tpu.memory_space<vmem_shared>>) offsets(%dma_start3A_823 : memref<128xi32, #tpu.memory_space<vmem>>) semaphore(%arg15 : memref<!tpu.dma_semaphore, #tpu.memory_space<semaphore_mem>>) {add = true}
      %dma_wait3A_827 = arith.constant 1 : i32
      %dma_wait3A_828 = arith.constant 1 : i32
      %dma_wait3A_829 = arith.constant 1 : i32
      %dma_wait3A_830 = arith.constant 0 : i32
      %dma_wait3A_831 = arith.constant 0 : i32
      %dma_wait3A_832 = tpu.memref_slice %arg9[%dma_wait3A_829, %dma_wait3A_830, %dma_wait3A_831] : memref<2x128x128xf32, #tpu.memory_space<vmem>> -> memref<1x128x128xf32, #tpu.memory_space<vmem>>
      %dma_wait3A_833 = tpu.memref_squeeze %dma_wait3A_832 : memref<1x128x128xf32, #tpu.memory_space<vmem>> -> memref<128x128xf32, #tpu.memory_space<vmem>>
      %dma_wait3A_834 = arith.constant 0 : i32
      %dma_wait3A_835 = tpu.memref_slice %arg7[%dma_wait3A_827, %dma_wait3A_828, %dma_wait3A_834] : memref<2x2x128xi32, #tpu.memory_space<vmem>> -> memref<1x1x128xi32, #tpu.memory_space<vmem>>
      %dma_wait3A_836 = tpu.memref_squeeze %dma_wait3A_835 : memref<1x1x128xi32, #tpu.memory_space<vmem>> -> memref<128xi32, #tpu.memory_space<vmem>>
      %dma_wait3A_837 = arith.constant 0 : i32
      %dma_wait3A_838 = arith.constant 0 : i32
      %dma_wait3A_839 = tpu.memref_slice %arg2[%dma_wait3A_837, %dma_wait3A_838] : memref<40000x128xf32, #tpu.memory_space<hbm>> -> memref<40000x128xf32, #tpu.memory_space<hbm>>
      tpu.wait_indirect_dma semaphore(%arg14 : memref<!tpu.dma_semaphore, #tpu.memory_space<semaphore_mem>>) src(%dma_wait3A_839 : memref<40000x128xf32, #tpu.memory_space<hbm>>) dst(%dma_wait3A_833 : memref<128x128xf32, #tpu.memory_space<vmem>>)
      %mul3A_840 = arith.constant 2 : i32
      %mul3A_841 = arith.muli %add3A_773, %mul3A_840 : i32
      %add3A_842 = arith.constant 1 : i32
      %add3A_843 = arith.addi %mul3A_841, %add3A_842 : i32
      %dma_start3A_844 = arith.constant 1 : i32
      %dma_start3A_845 = arith.constant 0 : i32
      %dma_start3A_846 = arith.constant 0 : i32
      %dma_start3A_847 = tpu.memref_slice %arg9[%dma_start3A_844, %dma_start3A_845, %dma_start3A_846] : memref<2x128x128xf32, #tpu.memory_space<vmem>> -> memref<1x128x128xf32, #tpu.memory_space<vmem>>
      %dma_start3A_848 = tpu.memref_squeeze %dma_start3A_847 : memref<1x128x128xf32, #tpu.memory_space<vmem>> -> memref<128x128xf32, #tpu.memory_space<vmem>>
      %dma_start3A_849 = arith.constant 0 : i32
      %dma_start3A_850 = tpu.memref_slice %arg8[%add3A_843, %dma_start3A_849] : memref<84x128xi32, #tpu.memory_space<vmem>> -> memref<1x128xi32, #tpu.memory_space<vmem>>
      %dma_start3A_851 = tpu.memref_squeeze %dma_start3A_850 : memref<1x128xi32, #tpu.memory_space<vmem>> -> memref<128xi32, #tpu.memory_space<vmem>>
      %dma_start3A_852 = arith.constant 0 : i32
      %dma_start3A_853 = arith.constant 0 : i32
      %dma_start3A_854 = tpu.memref_slice %arg10[%dma_start3A_852, %dma_start3A_853] : memref<10112x128xf32, #tpu.memory_space<vmem_shared>> -> memref<10112x128xf32, #tpu.memory_space<vmem_shared>>
      tpu.enqueue_indirect_dma source(%dma_start3A_848 : memref<128x128xf32, #tpu.memory_space<vmem>>) target(%dma_start3A_854 : memref<10112x128xf32, #tpu.memory_space<vmem_shared>>) offsets(%dma_start3A_851 : memref<128xi32, #tpu.memory_space<vmem>>) semaphore(%arg16 : memref<!tpu.dma_semaphore, #tpu.memory_space<semaphore_mem>>) {add = true}
      %mul3A_855 = arith.constant 2 : i32
      %mul3A_856 = arith.muli %add3A_773, %mul3A_855 : i32
      %add3A_857 = arith.constant 0 : i32
      %add3A_858 = arith.addi %mul3A_856, %add3A_857 : i32
      %dma_wait3A_859 = arith.constant 0 : i32
      %dma_wait3A_860 = arith.constant 0 : i32
      %dma_wait3A_861 = arith.constant 0 : i32
      %dma_wait3A_862 = tpu.memref_slice %arg9[%dma_wait3A_859, %dma_wait3A_860, %dma_wait3A_861] : memref<2x128x128xf32, #tpu.memory_space<vmem>> -> memref<1x128x128xf32, #tpu.memory_space<vmem>>
      %dma_wait3A_863 = tpu.memref_squeeze %dma_wait3A_862 : memref<1x128x128xf32, #tpu.memory_space<vmem>> -> memref<128x128xf32, #tpu.memory_space<vmem>>
      %dma_wait3A_864 = arith.constant 0 : i32
      %dma_wait3A_865 = tpu.memref_slice %arg8[%add3A_858, %dma_wait3A_864] : memref<84x128xi32, #tpu.memory_space<vmem>> -> memref<1x128xi32, #tpu.memory_space<vmem>>
      %dma_wait3A_866 = tpu.memref_squeeze %dma_wait3A_865 : memref<1x128xi32, #tpu.memory_space<vmem>> -> memref<128xi32, #tpu.memory_space<vmem>>
      %dma_wait3A_867 = arith.constant 0 : i32
      %dma_wait3A_868 = arith.constant 0 : i32
      %dma_wait3A_869 = tpu.memref_slice %arg10[%dma_wait3A_867, %dma_wait3A_868] : memref<10112x128xf32, #tpu.memory_space<vmem_shared>> -> memref<10112x128xf32, #tpu.memory_space<vmem_shared>>
      tpu.wait_indirect_dma semaphore(%arg15 : memref<!tpu.dma_semaphore, #tpu.memory_space<semaphore_mem>>) src(%dma_wait3A_863 : memref<128x128xf32, #tpu.memory_space<vmem>>) dst(%dma_wait3A_869 : memref<10112x128xf32, #tpu.memory_space<vmem_shared>>)
      %dma_start3A_870 = arith.constant 0 : i32
      %dma_start3A_871 = arith.constant 0 : i32
      %dma_start3A_872 = arith.constant 0 : i32
      %dma_start3A_873 = arith.constant 0 : i32
      %dma_start3A_874 = arith.constant 0 : i32
      %dma_start3A_875 = tpu.memref_slice %arg9[%dma_start3A_872, %dma_start3A_873, %dma_start3A_874] : memref<2x128x128xf32, #tpu.memory_space<vmem>> -> memref<1x128x128xf32, #tpu.memory_space<vmem>>
      %dma_start3A_876 = tpu.memref_squeeze %dma_start3A_875 : memref<1x128x128xf32, #tpu.memory_space<vmem>> -> memref<128x128xf32, #tpu.memory_space<vmem>>
      %dma_start3A_877 = arith.constant 0 : i32
      %dma_start3A_878 = tpu.memref_slice %arg7[%dma_start3A_870, %dma_start3A_871, %dma_start3A_877] : memref<2x2x128xi32, #tpu.memory_space<vmem>> -> memref<1x1x128xi32, #tpu.memory_space<vmem>>
      %dma_start3A_879 = tpu.memref_squeeze %dma_start3A_878 : memref<1x1x128xi32, #tpu.memory_space<vmem>> -> memref<128xi32, #tpu.memory_space<vmem>>
      %dma_start3A_880 = arith.constant 0 : i32
      %dma_start3A_881 = arith.constant 0 : i32
      %dma_start3A_882 = tpu.memref_slice %arg2[%dma_start3A_880, %dma_start3A_881] : memref<40000x128xf32, #tpu.memory_space<hbm>> -> memref<40000x128xf32, #tpu.memory_space<hbm>>
      tpu.enqueue_indirect_dma source(%dma_start3A_882 : memref<40000x128xf32, #tpu.memory_space<hbm>>) target(%dma_start3A_876 : memref<128x128xf32, #tpu.memory_space<vmem>>) offsets(%dma_start3A_879 : memref<128xi32, #tpu.memory_space<vmem>>) semaphore(%arg13 : memref<!tpu.dma_semaphore, #tpu.memory_space<semaphore_mem>>)
      %mul3A_883 = arith.constant 2 : i32
      %mul3A_884 = arith.muli %add3A_773, %mul3A_883 : i32
      %add3A_885 = arith.constant 1 : i32
      %add3A_886 = arith.addi %mul3A_884, %add3A_885 : i32
      %dma_wait3A_887 = arith.constant 1 : i32
      %dma_wait3A_888 = arith.constant 0 : i32
      %dma_wait3A_889 = arith.constant 0 : i32
      %dma_wait3A_890 = tpu.memref_slice %arg9[%dma_wait3A_887, %dma_wait3A_888, %dma_wait3A_889] : memref<2x128x128xf32, #tpu.memory_space<vmem>> -> memref<1x128x128xf32, #tpu.memory_space<vmem>>
      %dma_wait3A_891 = tpu.memref_squeeze %dma_wait3A_890 : memref<1x128x128xf32, #tpu.memory_space<vmem>> -> memref<128x128xf32, #tpu.memory_space<vmem>>
      %dma_wait3A_892 = arith.constant 0 : i32
      %dma_wait3A_893 = tpu.memref_slice %arg8[%add3A_886, %dma_wait3A_892] : memref<84x128xi32, #tpu.memory_space<vmem>> -> memref<1x128xi32, #tpu.memory_space<vmem>>
      %dma_wait3A_894 = tpu.memref_squeeze %dma_wait3A_893 : memref<1x128xi32, #tpu.memory_space<vmem>> -> memref<128xi32, #tpu.memory_space<vmem>>
      %dma_wait3A_895 = arith.constant 0 : i32
      %dma_wait3A_896 = arith.constant 0 : i32
      %dma_wait3A_897 = tpu.memref_slice %arg10[%dma_wait3A_895, %dma_wait3A_896] : memref<10112x128xf32, #tpu.memory_space<vmem_shared>> -> memref<10112x128xf32, #tpu.memory_space<vmem_shared>>
      tpu.wait_indirect_dma semaphore(%arg16 : memref<!tpu.dma_semaphore, #tpu.memory_space<semaphore_mem>>) src(%dma_wait3A_891 : memref<128x128xf32, #tpu.memory_space<vmem>>) dst(%dma_wait3A_897 : memref<10112x128xf32, #tpu.memory_space<vmem_shared>>)
      %dma_start3A_898 = arith.constant 0 : i32
      %dma_start3A_899 = arith.constant 1 : i32
      %dma_start3A_900 = arith.constant 1 : i32
      %dma_start3A_901 = arith.constant 0 : i32
      %dma_start3A_902 = arith.constant 0 : i32
      %dma_start3A_903 = tpu.memref_slice %arg9[%dma_start3A_900, %dma_start3A_901, %dma_start3A_902] : memref<2x128x128xf32, #tpu.memory_space<vmem>> -> memref<1x128x128xf32, #tpu.memory_space<vmem>>
      %dma_start3A_904 = tpu.memref_squeeze %dma_start3A_903 : memref<1x128x128xf32, #tpu.memory_space<vmem>> -> memref<128x128xf32, #tpu.memory_space<vmem>>
      %dma_start3A_905 = arith.constant 0 : i32
      %dma_start3A_906 = tpu.memref_slice %arg7[%dma_start3A_898, %dma_start3A_899, %dma_start3A_905] : memref<2x2x128xi32, #tpu.memory_space<vmem>> -> memref<1x1x128xi32, #tpu.memory_space<vmem>>
      %dma_start3A_907 = tpu.memref_squeeze %dma_start3A_906 : memref<1x1x128xi32, #tpu.memory_space<vmem>> -> memref<128xi32, #tpu.memory_space<vmem>>
      %dma_start3A_908 = arith.constant 0 : i32
      %dma_start3A_909 = arith.constant 0 : i32
      %dma_start3A_910 = tpu.memref_slice %arg2[%dma_start3A_908, %dma_start3A_909] : memref<40000x128xf32, #tpu.memory_space<hbm>> -> memref<40000x128xf32, #tpu.memory_space<hbm>>
      tpu.enqueue_indirect_dma source(%dma_start3A_910 : memref<40000x128xf32, #tpu.memory_space<hbm>>) target(%dma_start3A_904 : memref<128x128xf32, #tpu.memory_space<vmem>>) offsets(%dma_start3A_907 : memref<128xi32, #tpu.memory_space<vmem>>) semaphore(%arg14 : memref<!tpu.dma_semaphore, #tpu.memory_space<semaphore_mem>>)
      %add3A_911 = arith.constant 2 : i32
      %add3A_912 = arith.addi %add3A_773, %add3A_911 : i32
      %lt3A_913 = arith.constant 42 : i32
      %lt3A_914 = arith.cmpi slt, %add3A_912, %lt3A_913 : i32
      %convert_element_type3A_915 = arith.extui %lt3A_914 : i1 to i32
      %cond3A_916 = arith.constant 0 : i32
      %cond3A_917 = arith.cmpi ne, %convert_element_type3A_915, %cond3A_916 : i32
      scf.if %cond3A_917 {
        %add3A_918 = arith.constant 2 : i32
        %add3A_919 = arith.addi %add3A_773, %add3A_918 : i32
        %mul3A_920 = arith.constant 2 : i32
        %mul3A_921 = arith.muli %add3A_919, %mul3A_920 : i32
        %dma_start3A_922 = arith.constant 1 : i32
        %dma_start3A_923 = arith.constant 0 : i32
        %dma_start3A_924 = arith.constant 0 : i32
        %dma_start3A_925 = tpu.memref_slice %arg7[%dma_start3A_922, %dma_start3A_923, %dma_start3A_924] : memref<2x2x128xi32, #tpu.memory_space<vmem>> -> memref<1x2x128xi32, #tpu.memory_space<vmem>>
        %dma_start3A_926 = tpu.memref_squeeze %dma_start3A_925 : memref<1x2x128xi32, #tpu.memory_space<vmem>> -> memref<2x128xi32, #tpu.memory_space<vmem>>
        %dma_start3A_927 = arith.constant 0 : i32
        %dma_start3A_928 = arith.constant 0 : i32
        %dma_start3A_929 = tpu.memref_slice %arg3[%add3A_316, %dma_start3A_927, %dma_start3A_928] : memref<64x84x128xi32, #tpu.memory_space<hbm>> -> memref<1x84x128xi32, #tpu.memory_space<hbm>>
        %dma_start3A_930 = tpu.memref_squeeze %dma_start3A_929 : memref<1x84x128xi32, #tpu.memory_space<hbm>> -> memref<84x128xi32, #tpu.memory_space<hbm>>
        %dma_start3A_931 = arith.constant 0 : i32
        %dma_start3A_932 = tpu.memref_slice %dma_start3A_930[%mul3A_921, %dma_start3A_931] : memref<84x128xi32, #tpu.memory_space<hbm>> -> memref<2x128xi32, #tpu.memory_space<hbm>>
        %dma_start3A_933 = arith.constant 0 : i32
        %dma_start3A_934 = arith.constant 0 : i32
        %dma_start3A_935 = tpu.memref_slice %arg7[%dma_start3A_922, %dma_start3A_933, %dma_start3A_934] : memref<2x2x128xi32, #tpu.memory_space<vmem>> -> memref<1x2x128xi32, #tpu.memory_space<vmem>>
        %dma_start3A_936 = tpu.memref_squeeze %dma_start3A_935 : memref<1x2x128xi32, #tpu.memory_space<vmem>> -> memref<2x128xi32, #tpu.memory_space<vmem>>
        %dma_start3A_937 = arith.constant 0 : i32
        %dma_start3A_938 = arith.constant 0 : i32
        %dma_start3A_939 = tpu.memref_slice %arg3[%add3A_316, %dma_start3A_937, %dma_start3A_938] : memref<64x84x128xi32, #tpu.memory_space<hbm>> -> memref<1x84x128xi32, #tpu.memory_space<hbm>>
        %dma_start3A_940 = tpu.memref_squeeze %dma_start3A_939 : memref<1x84x128xi32, #tpu.memory_space<hbm>> -> memref<84x128xi32, #tpu.memory_space<hbm>>
        %dma_start3A_941 = arith.constant 0 : i32
        %dma_start3A_942 = tpu.memref_slice %dma_start3A_940[%mul3A_921, %dma_start3A_941] : memref<84x128xi32, #tpu.memory_space<hbm>> -> memref<2x128xi32, #tpu.memory_space<hbm>>
        tpu.enqueue_dma source(%dma_start3A_942 : memref<2x128xi32, #tpu.memory_space<hbm>>) target(%dma_start3A_936 : memref<2x128xi32, #tpu.memory_space<vmem>>) target_semaphore(%arg12 : memref<!tpu.dma_semaphore, #tpu.memory_space<semaphore_mem>>)
      } else {
      }
    }
    %scan3A_422 = arith.constant 20 : i32
    %dma_wait3A_423 = arith.constant 1 : i32
    %dma_wait3A_424 = arith.constant 0 : i32
    %dma_wait3A_425 = arith.constant 0 : i32
    %dma_wait3A_426 = tpu.memref_slice %arg7[%dma_wait3A_423, %dma_wait3A_424, %dma_wait3A_425] : memref<2x2x128xi32, #tpu.memory_space<vmem>> -> memref<1x2x128xi32, #tpu.memory_space<vmem>>
    %dma_wait3A_427 = tpu.memref_squeeze %dma_wait3A_426 : memref<1x2x128xi32, #tpu.memory_space<vmem>> -> memref<2x128xi32, #tpu.memory_space<vmem>>
    %dma_wait3A_428 = arith.constant 0 : i32
    %dma_wait3A_429 = arith.constant 0 : i32
    %dma_wait3A_430 = tpu.memref_slice %arg3[%add3A_316, %dma_wait3A_428, %dma_wait3A_429] : memref<64x84x128xi32, #tpu.memory_space<hbm>> -> memref<1x84x128xi32, #tpu.memory_space<hbm>>
    %dma_wait3A_431 = tpu.memref_squeeze %dma_wait3A_430 : memref<1x84x128xi32, #tpu.memory_space<hbm>> -> memref<84x128xi32, #tpu.memory_space<hbm>>
    %dma_wait3A_432 = arith.constant 82 : i32
    %dma_wait3A_433 = arith.constant 0 : i32
    %dma_wait3A_434 = tpu.memref_slice %dma_wait3A_431[%dma_wait3A_432, %dma_wait3A_433] : memref<84x128xi32, #tpu.memory_space<hbm>> -> memref<2x128xi32, #tpu.memory_space<hbm>>
    %dma_wait3A_435 = arith.constant 0 : i32
    %dma_wait3A_436 = arith.constant 0 : i32
    %dma_wait3A_437 = tpu.memref_slice %arg7[%dma_wait3A_423, %dma_wait3A_435, %dma_wait3A_436] : memref<2x2x128xi32, #tpu.memory_space<vmem>> -> memref<1x2x128xi32, #tpu.memory_space<vmem>>
    %dma_wait3A_438 = tpu.memref_squeeze %dma_wait3A_437 : memref<1x2x128xi32, #tpu.memory_space<vmem>> -> memref<2x128xi32, #tpu.memory_space<vmem>>
    %dma_wait3A_439 = arith.constant 0 : i32
    %dma_wait3A_440 = arith.constant 0 : i32
    %dma_wait3A_441 = tpu.memref_slice %arg3[%add3A_316, %dma_wait3A_439, %dma_wait3A_440] : memref<64x84x128xi32, #tpu.memory_space<hbm>> -> memref<1x84x128xi32, #tpu.memory_space<hbm>>
    %dma_wait3A_442 = tpu.memref_squeeze %dma_wait3A_441 : memref<1x84x128xi32, #tpu.memory_space<hbm>> -> memref<84x128xi32, #tpu.memory_space<hbm>>
    %dma_wait3A_443 = arith.constant 82 : i32
    %dma_wait3A_444 = arith.constant 0 : i32
    %dma_wait3A_445 = tpu.memref_slice %dma_wait3A_442[%dma_wait3A_443, %dma_wait3A_444] : memref<84x128xi32, #tpu.memory_space<hbm>> -> memref<2x128xi32, #tpu.memory_space<hbm>>
    tpu.wait_dma2 semaphore(%arg12 : memref<!tpu.dma_semaphore, #tpu.memory_space<semaphore_mem>>) src(%dma_wait3A_445 : memref<2x128xi32, #tpu.memory_space<hbm>>) dst(%dma_wait3A_438 : memref<2x128xi32, #tpu.memory_space<vmem>>)
    %dma_wait3A_446 = arith.constant 0 : i32
    %dma_wait3A_447 = arith.constant 0 : i32
    %dma_wait3A_448 = arith.constant 0 : i32
    %dma_wait3A_449 = arith.constant 0 : i32
    %dma_wait3A_450 = arith.constant 0 : i32
    %dma_wait3A_451 = tpu.memref_slice %arg9[%dma_wait3A_448, %dma_wait3A_449, %dma_wait3A_450] : memref<2x128x128xf32, #tpu.memory_space<vmem>> -> memref<1x128x128xf32, #tpu.memory_space<vmem>>
    %dma_wait3A_452 = tpu.memref_squeeze %dma_wait3A_451 : memref<1x128x128xf32, #tpu.memory_space<vmem>> -> memref<128x128xf32, #tpu.memory_space<vmem>>
    %dma_wait3A_453 = arith.constant 0 : i32
    %dma_wait3A_454 = tpu.memref_slice %arg7[%dma_wait3A_446, %dma_wait3A_447, %dma_wait3A_453] : memref<2x2x128xi32, #tpu.memory_space<vmem>> -> memref<1x1x128xi32, #tpu.memory_space<vmem>>
    %dma_wait3A_455 = tpu.memref_squeeze %dma_wait3A_454 : memref<1x1x128xi32, #tpu.memory_space<vmem>> -> memref<128xi32, #tpu.memory_space<vmem>>
    %dma_wait3A_456 = arith.constant 0 : i32
    %dma_wait3A_457 = arith.constant 0 : i32
    %dma_wait3A_458 = tpu.memref_slice %arg2[%dma_wait3A_456, %dma_wait3A_457] : memref<40000x128xf32, #tpu.memory_space<hbm>> -> memref<40000x128xf32, #tpu.memory_space<hbm>>
    tpu.wait_indirect_dma semaphore(%arg13 : memref<!tpu.dma_semaphore, #tpu.memory_space<semaphore_mem>>) src(%dma_wait3A_458 : memref<40000x128xf32, #tpu.memory_space<hbm>>) dst(%dma_wait3A_452 : memref<128x128xf32, #tpu.memory_space<vmem>>)
    %dma_start3A_459 = arith.constant 0 : i32
    %dma_start3A_460 = arith.constant 80 : i32
    %dma_start3A_461 = arith.constant 0 : i32
    %dma_start3A_462 = arith.constant 0 : i32
    %dma_start3A_463 = tpu.memref_slice %arg9[%dma_start3A_459, %dma_start3A_461, %dma_start3A_462] : memref<2x128x128xf32, #tpu.memory_space<vmem>> -> memref<1x128x128xf32, #tpu.memory_space<vmem>>
    %dma_start3A_464 = tpu.memref_squeeze %dma_start3A_463 : memref<1x128x128xf32, #tpu.memory_space<vmem>> -> memref<128x128xf32, #tpu.memory_space<vmem>>
    %dma_start3A_465 = arith.constant 0 : i32
    %dma_start3A_466 = tpu.memref_slice %arg8[%dma_start3A_460, %dma_start3A_465] : memref<84x128xi32, #tpu.memory_space<vmem>> -> memref<1x128xi32, #tpu.memory_space<vmem>>
    %dma_start3A_467 = tpu.memref_squeeze %dma_start3A_466 : memref<1x128xi32, #tpu.memory_space<vmem>> -> memref<128xi32, #tpu.memory_space<vmem>>
    %dma_start3A_468 = arith.constant 0 : i32
    %dma_start3A_469 = arith.constant 0 : i32
    %dma_start3A_470 = tpu.memref_slice %arg10[%dma_start3A_468, %dma_start3A_469] : memref<10112x128xf32, #tpu.memory_space<vmem_shared>> -> memref<10112x128xf32, #tpu.memory_space<vmem_shared>>
    tpu.enqueue_indirect_dma source(%dma_start3A_464 : memref<128x128xf32, #tpu.memory_space<vmem>>) target(%dma_start3A_470 : memref<10112x128xf32, #tpu.memory_space<vmem_shared>>) offsets(%dma_start3A_467 : memref<128xi32, #tpu.memory_space<vmem>>) semaphore(%arg15 : memref<!tpu.dma_semaphore, #tpu.memory_space<semaphore_mem>>) {add = true}
    %dma_wait3A_471 = arith.constant 0 : i32
    %dma_wait3A_472 = arith.constant 1 : i32
    %dma_wait3A_473 = arith.constant 1 : i32
    %dma_wait3A_474 = arith.constant 0 : i32
    %dma_wait3A_475 = arith.constant 0 : i32
    %dma_wait3A_476 = tpu.memref_slice %arg9[%dma_wait3A_473, %dma_wait3A_474, %dma_wait3A_475] : memref<2x128x128xf32, #tpu.memory_space<vmem>> -> memref<1x128x128xf32, #tpu.memory_space<vmem>>
    %dma_wait3A_477 = tpu.memref_squeeze %dma_wait3A_476 : memref<1x128x128xf32, #tpu.memory_space<vmem>> -> memref<128x128xf32, #tpu.memory_space<vmem>>
    %dma_wait3A_478 = arith.constant 0 : i32
    %dma_wait3A_479 = tpu.memref_slice %arg7[%dma_wait3A_471, %dma_wait3A_472, %dma_wait3A_478] : memref<2x2x128xi32, #tpu.memory_space<vmem>> -> memref<1x1x128xi32, #tpu.memory_space<vmem>>
    %dma_wait3A_480 = tpu.memref_squeeze %dma_wait3A_479 : memref<1x1x128xi32, #tpu.memory_space<vmem>> -> memref<128xi32, #tpu.memory_space<vmem>>
    %dma_wait3A_481 = arith.constant 0 : i32
    %dma_wait3A_482 = arith.constant 0 : i32
    %dma_wait3A_483 = tpu.memref_slice %arg2[%dma_wait3A_481, %dma_wait3A_482] : memref<40000x128xf32, #tpu.memory_space<hbm>> -> memref<40000x128xf32, #tpu.memory_space<hbm>>
    tpu.wait_indirect_dma semaphore(%arg14 : memref<!tpu.dma_semaphore, #tpu.memory_space<semaphore_mem>>) src(%dma_wait3A_483 : memref<40000x128xf32, #tpu.memory_space<hbm>>) dst(%dma_wait3A_477 : memref<128x128xf32, #tpu.memory_space<vmem>>)
    %dma_start3A_484 = arith.constant 1 : i32
    %dma_start3A_485 = arith.constant 81 : i32
    %dma_start3A_486 = arith.constant 0 : i32
    %dma_start3A_487 = arith.constant 0 : i32
    %dma_start3A_488 = tpu.memref_slice %arg9[%dma_start3A_484, %dma_start3A_486, %dma_start3A_487] : memref<2x128x128xf32, #tpu.memory_space<vmem>> -> memref<1x128x128xf32, #tpu.memory_space<vmem>>
    %dma_start3A_489 = tpu.memref_squeeze %dma_start3A_488 : memref<1x128x128xf32, #tpu.memory_space<vmem>> -> memref<128x128xf32, #tpu.memory_space<vmem>>
    %dma_start3A_490 = arith.constant 0 : i32
    %dma_start3A_491 = tpu.memref_slice %arg8[%dma_start3A_485, %dma_start3A_490] : memref<84x128xi32, #tpu.memory_space<vmem>> -> memref<1x128xi32, #tpu.memory_space<vmem>>
    %dma_start3A_492 = tpu.memref_squeeze %dma_start3A_491 : memref<1x128xi32, #tpu.memory_space<vmem>> -> memref<128xi32, #tpu.memory_space<vmem>>
    %dma_start3A_493 = arith.constant 0 : i32
    %dma_start3A_494 = arith.constant 0 : i32
    %dma_start3A_495 = tpu.memref_slice %arg10[%dma_start3A_493, %dma_start3A_494] : memref<10112x128xf32, #tpu.memory_space<vmem_shared>> -> memref<10112x128xf32, #tpu.memory_space<vmem_shared>>
    tpu.enqueue_indirect_dma source(%dma_start3A_489 : memref<128x128xf32, #tpu.memory_space<vmem>>) target(%dma_start3A_495 : memref<10112x128xf32, #tpu.memory_space<vmem_shared>>) offsets(%dma_start3A_492 : memref<128xi32, #tpu.memory_space<vmem>>) semaphore(%arg16 : memref<!tpu.dma_semaphore, #tpu.memory_space<semaphore_mem>>) {add = true}
    %dma_wait3A_496 = arith.constant 0 : i32
    %dma_wait3A_497 = arith.constant 80 : i32
    %dma_wait3A_498 = arith.constant 0 : i32
    %dma_wait3A_499 = arith.constant 0 : i32
    %dma_wait3A_500 = tpu.memref_slice %arg9[%dma_wait3A_496, %dma_wait3A_498, %dma_wait3A_499] : memref<2x128x128xf32, #tpu.memory_space<vmem>> -> memref<1x128x128xf32, #tpu.memory_space<vmem>>
    %dma_wait3A_501 = tpu.memref_squeeze %dma_wait3A_500 : memref<1x128x128xf32, #tpu.memory_space<vmem>> -> memref<128x128xf32, #tpu.memory_space<vmem>>
    %dma_wait3A_502 = arith.constant 0 : i32
    %dma_wait3A_503 = tpu.memref_slice %arg8[%dma_wait3A_497, %dma_wait3A_502] : memref<84x128xi32, #tpu.memory_space<vmem>> -> memref<1x128xi32, #tpu.memory_space<vmem>>
    %dma_wait3A_504 = tpu.memref_squeeze %dma_wait3A_503 : memref<1x128xi32, #tpu.memory_space<vmem>> -> memref<128xi32, #tpu.memory_space<vmem>>
    %dma_wait3A_505 = arith.constant 0 : i32
    %dma_wait3A_506 = arith.constant 0 : i32
    %dma_wait3A_507 = tpu.memref_slice %arg10[%dma_wait3A_505, %dma_wait3A_506] : memref<10112x128xf32, #tpu.memory_space<vmem_shared>> -> memref<10112x128xf32, #tpu.memory_space<vmem_shared>>
    tpu.wait_indirect_dma semaphore(%arg15 : memref<!tpu.dma_semaphore, #tpu.memory_space<semaphore_mem>>) src(%dma_wait3A_501 : memref<128x128xf32, #tpu.memory_space<vmem>>) dst(%dma_wait3A_507 : memref<10112x128xf32, #tpu.memory_space<vmem_shared>>)
    %dma_start3A_508 = arith.constant 1 : i32
    %dma_start3A_509 = arith.constant 0 : i32
    %dma_start3A_510 = arith.constant 0 : i32
    %dma_start3A_511 = arith.constant 0 : i32
    %dma_start3A_512 = arith.constant 0 : i32
    %dma_start3A_513 = tpu.memref_slice %arg9[%dma_start3A_510, %dma_start3A_511, %dma_start3A_512] : memref<2x128x128xf32, #tpu.memory_space<vmem>> -> memref<1x128x128xf32, #tpu.memory_space<vmem>>
    %dma_start3A_514 = tpu.memref_squeeze %dma_start3A_513 : memref<1x128x128xf32, #tpu.memory_space<vmem>> -> memref<128x128xf32, #tpu.memory_space<vmem>>
    %dma_start3A_515 = arith.constant 0 : i32
    %dma_start3A_516 = tpu.memref_slice %arg7[%dma_start3A_508, %dma_start3A_509, %dma_start3A_515] : memref<2x2x128xi32, #tpu.memory_space<vmem>> -> memref<1x1x128xi32, #tpu.memory_space<vmem>>
    %dma_start3A_517 = tpu.memref_squeeze %dma_start3A_516 : memref<1x1x128xi32, #tpu.memory_space<vmem>> -> memref<128xi32, #tpu.memory_space<vmem>>
    %dma_start3A_518 = arith.constant 0 : i32
    %dma_start3A_519 = arith.constant 0 : i32
    %dma_start3A_520 = tpu.memref_slice %arg2[%dma_start3A_518, %dma_start3A_519] : memref<40000x128xf32, #tpu.memory_space<hbm>> -> memref<40000x128xf32, #tpu.memory_space<hbm>>
    tpu.enqueue_indirect_dma source(%dma_start3A_520 : memref<40000x128xf32, #tpu.memory_space<hbm>>) target(%dma_start3A_514 : memref<128x128xf32, #tpu.memory_space<vmem>>) offsets(%dma_start3A_517 : memref<128xi32, #tpu.memory_space<vmem>>) semaphore(%arg13 : memref<!tpu.dma_semaphore, #tpu.memory_space<semaphore_mem>>)
    %dma_wait3A_521 = arith.constant 1 : i32
    %dma_wait3A_522 = arith.constant 81 : i32
    %dma_wait3A_523 = arith.constant 0 : i32
    %dma_wait3A_524 = arith.constant 0 : i32
    %dma_wait3A_525 = tpu.memref_slice %arg9[%dma_wait3A_521, %dma_wait3A_523, %dma_wait3A_524] : memref<2x128x128xf32, #tpu.memory_space<vmem>> -> memref<1x128x128xf32, #tpu.memory_space<vmem>>
    %dma_wait3A_526 = tpu.memref_squeeze %dma_wait3A_525 : memref<1x128x128xf32, #tpu.memory_space<vmem>> -> memref<128x128xf32, #tpu.memory_space<vmem>>
    %dma_wait3A_527 = arith.constant 0 : i32
    %dma_wait3A_528 = tpu.memref_slice %arg8[%dma_wait3A_522, %dma_wait3A_527] : memref<84x128xi32, #tpu.memory_space<vmem>> -> memref<1x128xi32, #tpu.memory_space<vmem>>
    %dma_wait3A_529 = tpu.memref_squeeze %dma_wait3A_528 : memref<1x128xi32, #tpu.memory_space<vmem>> -> memref<128xi32, #tpu.memory_space<vmem>>
    %dma_wait3A_530 = arith.constant 0 : i32
    %dma_wait3A_531 = arith.constant 0 : i32
    %dma_wait3A_532 = tpu.memref_slice %arg10[%dma_wait3A_530, %dma_wait3A_531] : memref<10112x128xf32, #tpu.memory_space<vmem_shared>> -> memref<10112x128xf32, #tpu.memory_space<vmem_shared>>
    tpu.wait_indirect_dma semaphore(%arg16 : memref<!tpu.dma_semaphore, #tpu.memory_space<semaphore_mem>>) src(%dma_wait3A_526 : memref<128x128xf32, #tpu.memory_space<vmem>>) dst(%dma_wait3A_532 : memref<10112x128xf32, #tpu.memory_space<vmem_shared>>)
    %dma_start3A_533 = arith.constant 1 : i32
    %dma_start3A_534 = arith.constant 1 : i32
    %dma_start3A_535 = arith.constant 1 : i32
    %dma_start3A_536 = arith.constant 0 : i32
    %dma_start3A_537 = arith.constant 0 : i32
    %dma_start3A_538 = tpu.memref_slice %arg9[%dma_start3A_535, %dma_start3A_536, %dma_start3A_537] : memref<2x128x128xf32, #tpu.memory_space<vmem>> -> memref<1x128x128xf32, #tpu.memory_space<vmem>>
    %dma_start3A_539 = tpu.memref_squeeze %dma_start3A_538 : memref<1x128x128xf32, #tpu.memory_space<vmem>> -> memref<128x128xf32, #tpu.memory_space<vmem>>
    %dma_start3A_540 = arith.constant 0 : i32
    %dma_start3A_541 = tpu.memref_slice %arg7[%dma_start3A_533, %dma_start3A_534, %dma_start3A_540] : memref<2x2x128xi32, #tpu.memory_space<vmem>> -> memref<1x1x128xi32, #tpu.memory_space<vmem>>
    %dma_start3A_542 = tpu.memref_squeeze %dma_start3A_541 : memref<1x1x128xi32, #tpu.memory_space<vmem>> -> memref<128xi32, #tpu.memory_space<vmem>>
    %dma_start3A_543 = arith.constant 0 : i32
    %dma_start3A_544 = arith.constant 0 : i32
    %dma_start3A_545 = tpu.memref_slice %arg2[%dma_start3A_543, %dma_start3A_544] : memref<40000x128xf32, #tpu.memory_space<hbm>> -> memref<40000x128xf32, #tpu.memory_space<hbm>>
    tpu.enqueue_indirect_dma source(%dma_start3A_545 : memref<40000x128xf32, #tpu.memory_space<hbm>>) target(%dma_start3A_539 : memref<128x128xf32, #tpu.memory_space<vmem>>) offsets(%dma_start3A_542 : memref<128xi32, #tpu.memory_space<vmem>>) semaphore(%arg14 : memref<!tpu.dma_semaphore, #tpu.memory_space<semaphore_mem>>)
    %dma_wait3A_546 = arith.constant 1 : i32
    %dma_wait3A_547 = arith.constant 0 : i32
    %dma_wait3A_548 = arith.constant 0 : i32
    %dma_wait3A_549 = arith.constant 0 : i32
    %dma_wait3A_550 = arith.constant 0 : i32
    %dma_wait3A_551 = tpu.memref_slice %arg9[%dma_wait3A_548, %dma_wait3A_549, %dma_wait3A_550] : memref<2x128x128xf32, #tpu.memory_space<vmem>> -> memref<1x128x128xf32, #tpu.memory_space<vmem>>
    %dma_wait3A_552 = tpu.memref_squeeze %dma_wait3A_551 : memref<1x128x128xf32, #tpu.memory_space<vmem>> -> memref<128x128xf32, #tpu.memory_space<vmem>>
    %dma_wait3A_553 = arith.constant 0 : i32
    %dma_wait3A_554 = tpu.memref_slice %arg7[%dma_wait3A_546, %dma_wait3A_547, %dma_wait3A_553] : memref<2x2x128xi32, #tpu.memory_space<vmem>> -> memref<1x1x128xi32, #tpu.memory_space<vmem>>
    %dma_wait3A_555 = tpu.memref_squeeze %dma_wait3A_554 : memref<1x1x128xi32, #tpu.memory_space<vmem>> -> memref<128xi32, #tpu.memory_space<vmem>>
    %dma_wait3A_556 = arith.constant 0 : i32
    %dma_wait3A_557 = arith.constant 0 : i32
    %dma_wait3A_558 = tpu.memref_slice %arg2[%dma_wait3A_556, %dma_wait3A_557] : memref<40000x128xf32, #tpu.memory_space<hbm>> -> memref<40000x128xf32, #tpu.memory_space<hbm>>
    tpu.wait_indirect_dma semaphore(%arg13 : memref<!tpu.dma_semaphore, #tpu.memory_space<semaphore_mem>>) src(%dma_wait3A_558 : memref<40000x128xf32, #tpu.memory_space<hbm>>) dst(%dma_wait3A_552 : memref<128x128xf32, #tpu.memory_space<vmem>>)
    %dma_start3A_559 = arith.constant 0 : i32
    %dma_start3A_560 = arith.constant 82 : i32
    %dma_start3A_561 = arith.constant 0 : i32
    %dma_start3A_562 = arith.constant 0 : i32
    %dma_start3A_563 = tpu.memref_slice %arg9[%dma_start3A_559, %dma_start3A_561, %dma_start3A_562] : memref<2x128x128xf32, #tpu.memory_space<vmem>> -> memref<1x128x128xf32, #tpu.memory_space<vmem>>
    %dma_start3A_564 = tpu.memref_squeeze %dma_start3A_563 : memref<1x128x128xf32, #tpu.memory_space<vmem>> -> memref<128x128xf32, #tpu.memory_space<vmem>>
    %dma_start3A_565 = arith.constant 0 : i32
    %dma_start3A_566 = tpu.memref_slice %arg8[%dma_start3A_560, %dma_start3A_565] : memref<84x128xi32, #tpu.memory_space<vmem>> -> memref<1x128xi32, #tpu.memory_space<vmem>>
    %dma_start3A_567 = tpu.memref_squeeze %dma_start3A_566 : memref<1x128xi32, #tpu.memory_space<vmem>> -> memref<128xi32, #tpu.memory_space<vmem>>
    %dma_start3A_568 = arith.constant 0 : i32
    %dma_start3A_569 = arith.constant 0 : i32
    %dma_start3A_570 = tpu.memref_slice %arg10[%dma_start3A_568, %dma_start3A_569] : memref<10112x128xf32, #tpu.memory_space<vmem_shared>> -> memref<10112x128xf32, #tpu.memory_space<vmem_shared>>
    tpu.enqueue_indirect_dma source(%dma_start3A_564 : memref<128x128xf32, #tpu.memory_space<vmem>>) target(%dma_start3A_570 : memref<10112x128xf32, #tpu.memory_space<vmem_shared>>) offsets(%dma_start3A_567 : memref<128xi32, #tpu.memory_space<vmem>>) semaphore(%arg15 : memref<!tpu.dma_semaphore, #tpu.memory_space<semaphore_mem>>) {add = true}
    %dma_wait3A_571 = arith.constant 1 : i32
    %dma_wait3A_572 = arith.constant 1 : i32
    %dma_wait3A_573 = arith.constant 1 : i32
    %dma_wait3A_574 = arith.constant 0 : i32
    %dma_wait3A_575 = arith.constant 0 : i32
    %dma_wait3A_576 = tpu.memref_slice %arg9[%dma_wait3A_573, %dma_wait3A_574, %dma_wait3A_575] : memref<2x128x128xf32, #tpu.memory_space<vmem>> -> memref<1x128x128xf32, #tpu.memory_space<vmem>>
    %dma_wait3A_577 = tpu.memref_squeeze %dma_wait3A_576 : memref<1x128x128xf32, #tpu.memory_space<vmem>> -> memref<128x128xf32, #tpu.memory_space<vmem>>
    %dma_wait3A_578 = arith.constant 0 : i32
    %dma_wait3A_579 = tpu.memref_slice %arg7[%dma_wait3A_571, %dma_wait3A_572, %dma_wait3A_578] : memref<2x2x128xi32, #tpu.memory_space<vmem>> -> memref<1x1x128xi32, #tpu.memory_space<vmem>>
    %dma_wait3A_580 = tpu.memref_squeeze %dma_wait3A_579 : memref<1x1x128xi32, #tpu.memory_space<vmem>> -> memref<128xi32, #tpu.memory_space<vmem>>
    %dma_wait3A_581 = arith.constant 0 : i32
    %dma_wait3A_582 = arith.constant 0 : i32
    %dma_wait3A_583 = tpu.memref_slice %arg2[%dma_wait3A_581, %dma_wait3A_582] : memref<40000x128xf32, #tpu.memory_space<hbm>> -> memref<40000x128xf32, #tpu.memory_space<hbm>>
    tpu.wait_indirect_dma semaphore(%arg14 : memref<!tpu.dma_semaphore, #tpu.memory_space<semaphore_mem>>) src(%dma_wait3A_583 : memref<40000x128xf32, #tpu.memory_space<hbm>>) dst(%dma_wait3A_577 : memref<128x128xf32, #tpu.memory_space<vmem>>)
    %dma_start3A_584 = arith.constant 1 : i32
    %dma_start3A_585 = arith.constant 83 : i32
    %dma_start3A_586 = arith.constant 0 : i32
    %dma_start3A_587 = arith.constant 0 : i32
    %dma_start3A_588 = tpu.memref_slice %arg9[%dma_start3A_584, %dma_start3A_586, %dma_start3A_587] : memref<2x128x128xf32, #tpu.memory_space<vmem>> -> memref<1x128x128xf32, #tpu.memory_space<vmem>>
    %dma_start3A_589 = tpu.memref_squeeze %dma_start3A_588 : memref<1x128x128xf32, #tpu.memory_space<vmem>> -> memref<128x128xf32, #tpu.memory_space<vmem>>
    %dma_start3A_590 = arith.constant 0 : i32
    %dma_start3A_591 = tpu.memref_slice %arg8[%dma_start3A_585, %dma_start3A_590] : memref<84x128xi32, #tpu.memory_space<vmem>> -> memref<1x128xi32, #tpu.memory_space<vmem>>
    %dma_start3A_592 = tpu.memref_squeeze %dma_start3A_591 : memref<1x128xi32, #tpu.memory_space<vmem>> -> memref<128xi32, #tpu.memory_space<vmem>>
    %dma_start3A_593 = arith.constant 0 : i32
    %dma_start3A_594 = arith.constant 0 : i32
    %dma_start3A_595 = tpu.memref_slice %arg10[%dma_start3A_593, %dma_start3A_594] : memref<10112x128xf32, #tpu.memory_space<vmem_shared>> -> memref<10112x128xf32, #tpu.memory_space<vmem_shared>>
    tpu.enqueue_indirect_dma source(%dma_start3A_589 : memref<128x128xf32, #tpu.memory_space<vmem>>) target(%dma_start3A_595 : memref<10112x128xf32, #tpu.memory_space<vmem_shared>>) offsets(%dma_start3A_592 : memref<128xi32, #tpu.memory_space<vmem>>) semaphore(%arg16 : memref<!tpu.dma_semaphore, #tpu.memory_space<semaphore_mem>>) {add = true}
    %dma_wait3A_596 = arith.constant 0 : i32
    %dma_wait3A_597 = arith.constant 82 : i32
    %dma_wait3A_598 = arith.constant 0 : i32
    %dma_wait3A_599 = arith.constant 0 : i32
    %dma_wait3A_600 = tpu.memref_slice %arg9[%dma_wait3A_596, %dma_wait3A_598, %dma_wait3A_599] : memref<2x128x128xf32, #tpu.memory_space<vmem>> -> memref<1x128x128xf32, #tpu.memory_space<vmem>>
    %dma_wait3A_601 = tpu.memref_squeeze %dma_wait3A_600 : memref<1x128x128xf32, #tpu.memory_space<vmem>> -> memref<128x128xf32, #tpu.memory_space<vmem>>
    %dma_wait3A_602 = arith.constant 0 : i32
    %dma_wait3A_603 = tpu.memref_slice %arg8[%dma_wait3A_597, %dma_wait3A_602] : memref<84x128xi32, #tpu.memory_space<vmem>> -> memref<1x128xi32, #tpu.memory_space<vmem>>
    %dma_wait3A_604 = tpu.memref_squeeze %dma_wait3A_603 : memref<1x128xi32, #tpu.memory_space<vmem>> -> memref<128xi32, #tpu.memory_space<vmem>>
    %dma_wait3A_605 = arith.constant 0 : i32
    %dma_wait3A_606 = arith.constant 0 : i32
    %dma_wait3A_607 = tpu.memref_slice %arg10[%dma_wait3A_605, %dma_wait3A_606] : memref<10112x128xf32, #tpu.memory_space<vmem_shared>> -> memref<10112x128xf32, #tpu.memory_space<vmem_shared>>
    tpu.wait_indirect_dma semaphore(%arg15 : memref<!tpu.dma_semaphore, #tpu.memory_space<semaphore_mem>>) src(%dma_wait3A_601 : memref<128x128xf32, #tpu.memory_space<vmem>>) dst(%dma_wait3A_607 : memref<10112x128xf32, #tpu.memory_space<vmem_shared>>)
    %dma_wait3A_608 = arith.constant 1 : i32
    %dma_wait3A_609 = arith.constant 83 : i32
    %dma_wait3A_610 = arith.constant 0 : i32
    %dma_wait3A_611 = arith.constant 0 : i32
    %dma_wait3A_612 = tpu.memref_slice %arg9[%dma_wait3A_608, %dma_wait3A_610, %dma_wait3A_611] : memref<2x128x128xf32, #tpu.memory_space<vmem>> -> memref<1x128x128xf32, #tpu.memory_space<vmem>>
    %dma_wait3A_613 = tpu.memref_squeeze %dma_wait3A_612 : memref<1x128x128xf32, #tpu.memory_space<vmem>> -> memref<128x128xf32, #tpu.memory_space<vmem>>
    %dma_wait3A_614 = arith.constant 0 : i32
    %dma_wait3A_615 = tpu.memref_slice %arg8[%dma_wait3A_609, %dma_wait3A_614] : memref<84x128xi32, #tpu.memory_space<vmem>> -> memref<1x128xi32, #tpu.memory_space<vmem>>
    %dma_wait3A_616 = tpu.memref_squeeze %dma_wait3A_615 : memref<1x128xi32, #tpu.memory_space<vmem>> -> memref<128xi32, #tpu.memory_space<vmem>>
    %dma_wait3A_617 = arith.constant 0 : i32
    %dma_wait3A_618 = arith.constant 0 : i32
    %dma_wait3A_619 = tpu.memref_slice %arg10[%dma_wait3A_617, %dma_wait3A_618] : memref<10112x128xf32, #tpu.memory_space<vmem_shared>> -> memref<10112x128xf32, #tpu.memory_space<vmem_shared>>
    tpu.wait_indirect_dma semaphore(%arg16 : memref<!tpu.dma_semaphore, #tpu.memory_space<semaphore_mem>>) src(%dma_wait3A_613 : memref<128x128xf32, #tpu.memory_space<vmem>>) dst(%dma_wait3A_619 : memref<10112x128xf32, #tpu.memory_space<vmem_shared>>)
    %barrier3A_620 = arith.constant 0 : index
    tpu.barrier barrier_id(%barrier3A_620)
    %mul3A_621 = arith.constant 632 : i32
    %mul3A_622 = arith.muli %arg1, %mul3A_621 : i32
    %mul3A_623 = arith.constant 632 : i32
    %mul3A_624 = arith.muli %arg1, %mul3A_623 : i32
    "tpu.region"() ({
      %run_scoped3A = tpu.sem_alloc : memref<!tpu.dma_semaphore, #tpu.memory_space<semaphore_mem>>
      %dma_start3A_626 = arith.constant 0 : i32
      %dma_start3A_627 = tpu.memref_slice %arg6[%add3A_313, %mul3A_624, %dma_start3A_626] : memref<4x10112x128xf32, #tpu.memory_space<hbm>> -> memref<1x632x128xf32, #tpu.memory_space<hbm>>
      %dma_start3A_628 = tpu.memref_squeeze %dma_start3A_627 : memref<1x632x128xf32, #tpu.memory_space<hbm>> -> memref<632x128xf32, #tpu.memory_space<hbm>>
      %dma_start3A_629 = arith.constant 0 : i32
      %dma_start3A_630 = tpu.memref_slice %arg10[%mul3A_622, %dma_start3A_629] : memref<10112x128xf32, #tpu.memory_space<vmem_shared>> -> memref<632x128xf32, #tpu.memory_space<vmem_shared>>
      tpu.enqueue_dma source(%dma_start3A_630 : memref<632x128xf32, #tpu.memory_space<vmem_shared>>) target(%dma_start3A_628 : memref<632x128xf32, #tpu.memory_space<hbm>>) target_semaphore(%run_scoped3A : memref<!tpu.dma_semaphore, #tpu.memory_space<semaphore_mem>>)
      %dma_wait3A_631 = arith.constant 0 : i32
      %dma_wait3A_632 = tpu.memref_slice %arg6[%add3A_313, %mul3A_624, %dma_wait3A_631] : memref<4x10112x128xf32, #tpu.memory_space<hbm>> -> memref<1x632x128xf32, #tpu.memory_space<hbm>>
      %dma_wait3A_633 = tpu.memref_squeeze %dma_wait3A_632 : memref<1x632x128xf32, #tpu.memory_space<hbm>> -> memref<632x128xf32, #tpu.memory_space<hbm>>
      %dma_wait3A_634 = arith.constant 0 : i32
      %dma_wait3A_635 = tpu.memref_slice %arg10[%mul3A_622, %dma_wait3A_634] : memref<10112x128xf32, #tpu.memory_space<vmem_shared>> -> memref<632x128xf32, #tpu.memory_space<vmem_shared>>
      tpu.wait_dma2 semaphore(%run_scoped3A : memref<!tpu.dma_semaphore, #tpu.memory_space<semaphore_mem>>) src(%dma_wait3A_635 : memref<632x128xf32, #tpu.memory_space<vmem_shared>>) dst(%dma_wait3A_633 : memref<632x128xf32, #tpu.memory_space<hbm>>)
      tpu.yield
    }) : () -> ()
    %barrier3A_625 = arith.constant 0 : index
    tpu.barrier barrier_id(%barrier3A_625)
    return
  }
}

#map = affine_map<(d0, d1) -> (0, 0)>
#map1 = affine_map<(d0, d1) -> (0, 0, 0)>
module attributes {stable_mosaic.version = 14 : i64} {
  func.func @_wsum(%arg0: i32, %arg1: i32, %arg2: memref<10112x8xf32, #tpu.memory_space<hbm>>, %arg3: memref<32x42x128xi32, #tpu.memory_space<hbm>>, %arg4: memref<32x42x128xi32, #tpu.memory_space<hbm>>, %arg5: memref<10112x8xf32, #tpu.memory_space<hbm>>, %arg6: memref<2x10112x8xf32, #tpu.memory_space<hbm>>, %arg7: memref<42x128xi32, #tpu.memory_space<vmem>>, %arg8: memref<42x128xi32, #tpu.memory_space<vmem>>, %arg9: memref<2x128x8xf32, #tpu.memory_space<vmem>>, %arg10: memref<10112x8xf32, #tpu.memory_space<vmem_shared>>, %arg11: memref<10112x8xf32, #tpu.memory_space<vmem_shared>>, %arg12: memref<!tpu.dma_semaphore, #tpu.memory_space<semaphore_mem>>, %arg13: memref<!tpu.dma_semaphore, #tpu.memory_space<semaphore_mem>>) attributes {dimension_semantics = [#tpu.dimension_semantics<core_parallel>, #tpu.dimension_semantics<subcore_parallel>], iteration_bounds = array<i64: 2, 16>, scalar_prefetch = 0 : i64, scratch_operands = 7 : i64, tpu.core_type = #tpu.core_type<sc_vector_subcore>, window_params = [{transform_indices = #map}, {transform_indices = #map1}, {transform_indices = #map1}, {transform_indices = #map}, {transform_indices = #map1}]} {
    %mul3A = arith.constant 632 : i32
    %mul3A_0 = arith.muli %arg1, %mul3A : i32
    %mul3A_1 = arith.constant 632 : i32
    %mul3A_2 = arith.muli %arg1, %mul3A_1 : i32
    "tpu.region"() ({
      %run_scoped3A_68 = tpu.sem_alloc : memref<!tpu.dma_semaphore, #tpu.memory_space<semaphore_mem>>
      %dma_start3A_69 = arith.constant 0 : i32
      %dma_start3A_70 = tpu.memref_slice %arg10[%mul3A_2, %dma_start3A_69] : memref<10112x8xf32, #tpu.memory_space<vmem_shared>> -> memref<632x8xf32, #tpu.memory_space<vmem_shared>>
      %dma_start3A_71 = arith.constant 0 : i32
      %dma_start3A_72 = tpu.memref_slice %arg5[%mul3A_0, %dma_start3A_71] : memref<10112x8xf32, #tpu.memory_space<hbm>> -> memref<632x8xf32, #tpu.memory_space<hbm>>
      tpu.enqueue_dma source(%dma_start3A_72 : memref<632x8xf32, #tpu.memory_space<hbm>>) target(%dma_start3A_70 : memref<632x8xf32, #tpu.memory_space<vmem_shared>>) target_semaphore(%run_scoped3A_68 : memref<!tpu.dma_semaphore, #tpu.memory_space<semaphore_mem>>)
      %dma_wait3A_73 = arith.constant 0 : i32
      %dma_wait3A_74 = tpu.memref_slice %arg10[%mul3A_2, %dma_wait3A_73] : memref<10112x8xf32, #tpu.memory_space<vmem_shared>> -> memref<632x8xf32, #tpu.memory_space<vmem_shared>>
      %dma_wait3A_75 = arith.constant 0 : i32
      %dma_wait3A_76 = tpu.memref_slice %arg5[%mul3A_0, %dma_wait3A_75] : memref<10112x8xf32, #tpu.memory_space<hbm>> -> memref<632x8xf32, #tpu.memory_space<hbm>>
      tpu.wait_dma2 semaphore(%run_scoped3A_68 : memref<!tpu.dma_semaphore, #tpu.memory_space<semaphore_mem>>) src(%dma_wait3A_76 : memref<632x8xf32, #tpu.memory_space<hbm>>) dst(%dma_wait3A_74 : memref<632x8xf32, #tpu.memory_space<vmem_shared>>)
      tpu.yield
    }) : () -> ()
    %mul3A_3 = arith.constant 632 : i32
    %mul3A_4 = arith.muli %arg1, %mul3A_3 : i32
    %mul3A_5 = arith.constant 632 : i32
    %mul3A_6 = arith.muli %arg1, %mul3A_5 : i32
    "tpu.region"() ({
      %run_scoped3A_68 = tpu.sem_alloc : memref<!tpu.dma_semaphore, #tpu.memory_space<semaphore_mem>>
      %dma_start3A_69 = arith.constant 0 : i32
      %dma_start3A_70 = tpu.memref_slice %arg11[%mul3A_6, %dma_start3A_69] : memref<10112x8xf32, #tpu.memory_space<vmem_shared>> -> memref<632x8xf32, #tpu.memory_space<vmem_shared>>
      %dma_start3A_71 = arith.constant 0 : i32
      %dma_start3A_72 = tpu.memref_slice %arg2[%mul3A_4, %dma_start3A_71] : memref<10112x8xf32, #tpu.memory_space<hbm>> -> memref<632x8xf32, #tpu.memory_space<hbm>>
      tpu.enqueue_dma source(%dma_start3A_72 : memref<632x8xf32, #tpu.memory_space<hbm>>) target(%dma_start3A_70 : memref<632x8xf32, #tpu.memory_space<vmem_shared>>) target_semaphore(%run_scoped3A_68 : memref<!tpu.dma_semaphore, #tpu.memory_space<semaphore_mem>>)
      %dma_wait3A_73 = arith.constant 0 : i32
      %dma_wait3A_74 = tpu.memref_slice %arg11[%mul3A_6, %dma_wait3A_73] : memref<10112x8xf32, #tpu.memory_space<vmem_shared>> -> memref<632x8xf32, #tpu.memory_space<vmem_shared>>
      %dma_wait3A_75 = arith.constant 0 : i32
      %dma_wait3A_76 = tpu.memref_slice %arg2[%mul3A_4, %dma_wait3A_75] : memref<10112x8xf32, #tpu.memory_space<hbm>> -> memref<632x8xf32, #tpu.memory_space<hbm>>
      tpu.wait_dma2 semaphore(%run_scoped3A_68 : memref<!tpu.dma_semaphore, #tpu.memory_space<semaphore_mem>>) src(%dma_wait3A_76 : memref<632x8xf32, #tpu.memory_space<hbm>>) dst(%dma_wait3A_74 : memref<632x8xf32, #tpu.memory_space<vmem_shared>>)
      tpu.yield
    }) : () -> ()
    %mul3A_7 = arith.constant 16 : i32
    %mul3A_8 = arith.muli %arg0, %mul3A_7 : i32
    %add3A = arith.addi %mul3A_8, %arg1 : i32
    "tpu.region"() ({
      %run_scoped3A_68 = tpu.sem_alloc : memref<!tpu.dma_semaphore, #tpu.memory_space<semaphore_mem>>
      %dma_start3A_69 = arith.constant 0 : i32
      %dma_start3A_70 = arith.constant 0 : i32
      %dma_start3A_71 = tpu.memref_slice %arg3[%add3A, %dma_start3A_69, %dma_start3A_70] : memref<32x42x128xi32, #tpu.memory_space<hbm>> -> memref<1x42x128xi32, #tpu.memory_space<hbm>>
      %dma_start3A_72 = tpu.memref_squeeze %dma_start3A_71 : memref<1x42x128xi32, #tpu.memory_space<hbm>> -> memref<42x128xi32, #tpu.memory_space<hbm>>
      %dma_start3A_73 = arith.constant 0 : i32
      %dma_start3A_74 = arith.constant 0 : i32
      %dma_start3A_75 = tpu.memref_slice %arg3[%add3A, %dma_start3A_73, %dma_start3A_74] : memref<32x42x128xi32, #tpu.memory_space<hbm>> -> memref<1x42x128xi32, #tpu.memory_space<hbm>>
      %dma_start3A_76 = tpu.memref_squeeze %dma_start3A_75 : memref<1x42x128xi32, #tpu.memory_space<hbm>> -> memref<42x128xi32, #tpu.memory_space<hbm>>
      tpu.enqueue_dma source(%dma_start3A_76 : memref<42x128xi32, #tpu.memory_space<hbm>>) target(%arg7 : memref<42x128xi32, #tpu.memory_space<vmem>>) target_semaphore(%run_scoped3A_68 : memref<!tpu.dma_semaphore, #tpu.memory_space<semaphore_mem>>)
      %dma_wait3A_77 = arith.constant 0 : i32
      %dma_wait3A_78 = arith.constant 0 : i32
      %dma_wait3A_79 = tpu.memref_slice %arg3[%add3A, %dma_wait3A_77, %dma_wait3A_78] : memref<32x42x128xi32, #tpu.memory_space<hbm>> -> memref<1x42x128xi32, #tpu.memory_space<hbm>>
      %dma_wait3A_80 = tpu.memref_squeeze %dma_wait3A_79 : memref<1x42x128xi32, #tpu.memory_space<hbm>> -> memref<42x128xi32, #tpu.memory_space<hbm>>
      %dma_wait3A_81 = arith.constant 0 : i32
      %dma_wait3A_82 = arith.constant 0 : i32
      %dma_wait3A_83 = tpu.memref_slice %arg3[%add3A, %dma_wait3A_81, %dma_wait3A_82] : memref<32x42x128xi32, #tpu.memory_space<hbm>> -> memref<1x42x128xi32, #tpu.memory_space<hbm>>
      %dma_wait3A_84 = tpu.memref_squeeze %dma_wait3A_83 : memref<1x42x128xi32, #tpu.memory_space<hbm>> -> memref<42x128xi32, #tpu.memory_space<hbm>>
      tpu.wait_dma2 semaphore(%run_scoped3A_68 : memref<!tpu.dma_semaphore, #tpu.memory_space<semaphore_mem>>) src(%dma_wait3A_84 : memref<42x128xi32, #tpu.memory_space<hbm>>) dst(%arg7 : memref<42x128xi32, #tpu.memory_space<vmem>>)
      tpu.yield
    }) : () -> ()
    "tpu.region"() ({
      %run_scoped3A_68 = tpu.sem_alloc : memref<!tpu.dma_semaphore, #tpu.memory_space<semaphore_mem>>
      %dma_start3A_69 = arith.constant 0 : i32
      %dma_start3A_70 = arith.constant 0 : i32
      %dma_start3A_71 = tpu.memref_slice %arg4[%add3A, %dma_start3A_69, %dma_start3A_70] : memref<32x42x128xi32, #tpu.memory_space<hbm>> -> memref<1x42x128xi32, #tpu.memory_space<hbm>>
      %dma_start3A_72 = tpu.memref_squeeze %dma_start3A_71 : memref<1x42x128xi32, #tpu.memory_space<hbm>> -> memref<42x128xi32, #tpu.memory_space<hbm>>
      %dma_start3A_73 = arith.constant 0 : i32
      %dma_start3A_74 = arith.constant 0 : i32
      %dma_start3A_75 = tpu.memref_slice %arg4[%add3A, %dma_start3A_73, %dma_start3A_74] : memref<32x42x128xi32, #tpu.memory_space<hbm>> -> memref<1x42x128xi32, #tpu.memory_space<hbm>>
      %dma_start3A_76 = tpu.memref_squeeze %dma_start3A_75 : memref<1x42x128xi32, #tpu.memory_space<hbm>> -> memref<42x128xi32, #tpu.memory_space<hbm>>
      tpu.enqueue_dma source(%dma_start3A_76 : memref<42x128xi32, #tpu.memory_space<hbm>>) target(%arg8 : memref<42x128xi32, #tpu.memory_space<vmem>>) target_semaphore(%run_scoped3A_68 : memref<!tpu.dma_semaphore, #tpu.memory_space<semaphore_mem>>)
      %dma_wait3A_77 = arith.constant 0 : i32
      %dma_wait3A_78 = arith.constant 0 : i32
      %dma_wait3A_79 = tpu.memref_slice %arg4[%add3A, %dma_wait3A_77, %dma_wait3A_78] : memref<32x42x128xi32, #tpu.memory_space<hbm>> -> memref<1x42x128xi32, #tpu.memory_space<hbm>>
      %dma_wait3A_80 = tpu.memref_squeeze %dma_wait3A_79 : memref<1x42x128xi32, #tpu.memory_space<hbm>> -> memref<42x128xi32, #tpu.memory_space<hbm>>
      %dma_wait3A_81 = arith.constant 0 : i32
      %dma_wait3A_82 = arith.constant 0 : i32
      %dma_wait3A_83 = tpu.memref_slice %arg4[%add3A, %dma_wait3A_81, %dma_wait3A_82] : memref<32x42x128xi32, #tpu.memory_space<hbm>> -> memref<1x42x128xi32, #tpu.memory_space<hbm>>
      %dma_wait3A_84 = tpu.memref_squeeze %dma_wait3A_83 : memref<1x42x128xi32, #tpu.memory_space<hbm>> -> memref<42x128xi32, #tpu.memory_space<hbm>>
      tpu.wait_dma2 semaphore(%run_scoped3A_68 : memref<!tpu.dma_semaphore, #tpu.memory_space<semaphore_mem>>) src(%dma_wait3A_84 : memref<42x128xi32, #tpu.memory_space<hbm>>) dst(%arg8 : memref<42x128xi32, #tpu.memory_space<vmem>>)
      tpu.yield
    }) : () -> ()
    %barrier3A = arith.constant 0 : index
    tpu.barrier barrier_id(%barrier3A)
    %dma_start3A = arith.constant 0 : i32
    %dma_start3A_9 = arith.constant 0 : i32
    %dma_start3A_10 = arith.constant 0 : i32
    %dma_start3A_11 = arith.constant 0 : i32
    %dma_start3A_12 = tpu.memref_slice %arg9[%dma_start3A_9, %dma_start3A_10, %dma_start3A_11] : memref<2x128x8xf32, #tpu.memory_space<vmem>> -> memref<1x128x8xf32, #tpu.memory_space<vmem>>
    %dma_start3A_13 = tpu.memref_squeeze %dma_start3A_12 : memref<1x128x8xf32, #tpu.memory_space<vmem>> -> memref<128x8xf32, #tpu.memory_space<vmem>>
    %dma_start3A_14 = arith.constant 0 : i32
    %dma_start3A_15 = tpu.memref_slice %arg7[%dma_start3A, %dma_start3A_14] : memref<42x128xi32, #tpu.memory_space<vmem>> -> memref<1x128xi32, #tpu.memory_space<vmem>>
    %dma_start3A_16 = tpu.memref_squeeze %dma_start3A_15 : memref<1x128xi32, #tpu.memory_space<vmem>> -> memref<128xi32, #tpu.memory_space<vmem>>
    %dma_start3A_17 = arith.constant 0 : i32
    %dma_start3A_18 = arith.constant 0 : i32
    %dma_start3A_19 = tpu.memref_slice %arg11[%dma_start3A_17, %dma_start3A_18] : memref<10112x8xf32, #tpu.memory_space<vmem_shared>> -> memref<10112x8xf32, #tpu.memory_space<vmem_shared>>
    tpu.enqueue_indirect_dma source(%dma_start3A_19 : memref<10112x8xf32, #tpu.memory_space<vmem_shared>>) target(%dma_start3A_13 : memref<128x8xf32, #tpu.memory_space<vmem>>) offsets(%dma_start3A_16 : memref<128xi32, #tpu.memory_space<vmem>>) semaphore(%arg12 : memref<!tpu.dma_semaphore, #tpu.memory_space<semaphore_mem>>)
    %dma_start3A_20 = arith.constant 1 : i32
    %dma_start3A_21 = arith.constant 1 : i32
    %dma_start3A_22 = arith.constant 0 : i32
    %dma_start3A_23 = arith.constant 0 : i32
    %dma_start3A_24 = tpu.memref_slice %arg9[%dma_start3A_21, %dma_start3A_22, %dma_start3A_23] : memref<2x128x8xf32, #tpu.memory_space<vmem>> -> memref<1x128x8xf32, #tpu.memory_space<vmem>>
    %dma_start3A_25 = tpu.memref_squeeze %dma_start3A_24 : memref<1x128x8xf32, #tpu.memory_space<vmem>> -> memref<128x8xf32, #tpu.memory_space<vmem>>
    %dma_start3A_26 = arith.constant 0 : i32
    %dma_start3A_27 = tpu.memref_slice %arg7[%dma_start3A_20, %dma_start3A_26] : memref<42x128xi32, #tpu.memory_space<vmem>> -> memref<1x128xi32, #tpu.memory_space<vmem>>
    %dma_start3A_28 = tpu.memref_squeeze %dma_start3A_27 : memref<1x128xi32, #tpu.memory_space<vmem>> -> memref<128xi32, #tpu.memory_space<vmem>>
    %dma_start3A_29 = arith.constant 0 : i32
    %dma_start3A_30 = arith.constant 0 : i32
    %dma_start3A_31 = tpu.memref_slice %arg11[%dma_start3A_29, %dma_start3A_30] : memref<10112x8xf32, #tpu.memory_space<vmem_shared>> -> memref<10112x8xf32, #tpu.memory_space<vmem_shared>>
    tpu.enqueue_indirect_dma source(%dma_start3A_31 : memref<10112x8xf32, #tpu.memory_space<vmem_shared>>) target(%dma_start3A_25 : memref<128x8xf32, #tpu.memory_space<vmem>>) offsets(%dma_start3A_28 : memref<128xi32, #tpu.memory_space<vmem>>) semaphore(%arg13 : memref<!tpu.dma_semaphore, #tpu.memory_space<semaphore_mem>>)
    %scan3A = arith.constant 0 : i32
    %scan3A_32 = arith.constant 0 : i32
    %scan3A_33 = arith.constant 20 : i32
    %scan3A_34 = arith.addi %scan3A_32, %scan3A_33 : i32
    %scan3A_35 = arith.constant 1 : i32
    scf.for %scan3A_68 = %scan3A_32 to %scan3A_34 step %scan3A_35  : i32 {
      %mul3A_69 = arith.constant 2 : i32
      %mul3A_70 = arith.muli %mul3A_69, %scan3A_68 : i32
      %dma_wait3A_71 = arith.constant 0 : i32
      %dma_wait3A_72 = arith.constant 0 : i32
      %dma_wait3A_73 = arith.constant 0 : i32
      %dma_wait3A_74 = tpu.memref_slice %arg9[%dma_wait3A_71, %dma_wait3A_72, %dma_wait3A_73] : memref<2x128x8xf32, #tpu.memory_space<vmem>> -> memref<1x128x8xf32, #tpu.memory_space<vmem>>
      %dma_wait3A_75 = tpu.memref_squeeze %dma_wait3A_74 : memref<1x128x8xf32, #tpu.memory_space<vmem>> -> memref<128x8xf32, #tpu.memory_space<vmem>>
      %dma_wait3A_76 = arith.constant 0 : i32
      %dma_wait3A_77 = tpu.memref_slice %arg7[%mul3A_70, %dma_wait3A_76] : memref<42x128xi32, #tpu.memory_space<vmem>> -> memref<1x128xi32, #tpu.memory_space<vmem>>
      %dma_wait3A_78 = tpu.memref_squeeze %dma_wait3A_77 : memref<1x128xi32, #tpu.memory_space<vmem>> -> memref<128xi32, #tpu.memory_space<vmem>>
      %dma_wait3A_79 = arith.constant 0 : i32
      %dma_wait3A_80 = arith.constant 0 : i32
      %dma_wait3A_81 = tpu.memref_slice %arg11[%dma_wait3A_79, %dma_wait3A_80] : memref<10112x8xf32, #tpu.memory_space<vmem_shared>> -> memref<10112x8xf32, #tpu.memory_space<vmem_shared>>
      tpu.wait_indirect_dma semaphore(%arg12 : memref<!tpu.dma_semaphore, #tpu.memory_space<semaphore_mem>>) src(%dma_wait3A_81 : memref<10112x8xf32, #tpu.memory_space<vmem_shared>>) dst(%dma_wait3A_75 : memref<128x8xf32, #tpu.memory_space<vmem>>)
      %run_scoped3A_82 = arith.constant 0 : i32
      "tpu.region"() ({
        %run_scoped3A_125 = tpu.sem_alloc : memref<!tpu.dma_semaphore, #tpu.memory_space<semaphore_mem>>
        %dma_start3A_126 = arith.constant 0 : i32
        %dma_start3A_127 = arith.constant 0 : i32
        %dma_start3A_128 = tpu.memref_slice %arg9[%run_scoped3A_82, %dma_start3A_126, %dma_start3A_127] : memref<2x128x8xf32, #tpu.memory_space<vmem>> -> memref<1x128x8xf32, #tpu.memory_space<vmem>>
        %dma_start3A_129 = tpu.memref_squeeze %dma_start3A_128 : memref<1x128x8xf32, #tpu.memory_space<vmem>> -> memref<128x8xf32, #tpu.memory_space<vmem>>
        %dma_start3A_130 = arith.constant 0 : i32
        %dma_start3A_131 = tpu.memref_slice %arg8[%mul3A_70, %dma_start3A_130] : memref<42x128xi32, #tpu.memory_space<vmem>> -> memref<1x128xi32, #tpu.memory_space<vmem>>
        %dma_start3A_132 = tpu.memref_squeeze %dma_start3A_131 : memref<1x128xi32, #tpu.memory_space<vmem>> -> memref<128xi32, #tpu.memory_space<vmem>>
        %dma_start3A_133 = arith.constant 0 : i32
        %dma_start3A_134 = arith.constant 0 : i32
        %dma_start3A_135 = tpu.memref_slice %arg10[%dma_start3A_133, %dma_start3A_134] : memref<10112x8xf32, #tpu.memory_space<vmem_shared>> -> memref<10112x8xf32, #tpu.memory_space<vmem_shared>>
        tpu.enqueue_indirect_dma source(%dma_start3A_129 : memref<128x8xf32, #tpu.memory_space<vmem>>) target(%dma_start3A_135 : memref<10112x8xf32, #tpu.memory_space<vmem_shared>>) offsets(%dma_start3A_132 : memref<128xi32, #tpu.memory_space<vmem>>) semaphore(%run_scoped3A_125 : memref<!tpu.dma_semaphore, #tpu.memory_space<semaphore_mem>>) {add = true}
        %dma_wait3A_136 = arith.constant 0 : i32
        %dma_wait3A_137 = arith.constant 0 : i32
        %dma_wait3A_138 = tpu.memref_slice %arg9[%run_scoped3A_82, %dma_wait3A_136, %dma_wait3A_137] : memref<2x128x8xf32, #tpu.memory_space<vmem>> -> memref<1x128x8xf32, #tpu.memory_space<vmem>>
        %dma_wait3A_139 = tpu.memref_squeeze %dma_wait3A_138 : memref<1x128x8xf32, #tpu.memory_space<vmem>> -> memref<128x8xf32, #tpu.memory_space<vmem>>
        %dma_wait3A_140 = arith.constant 0 : i32
        %dma_wait3A_141 = tpu.memref_slice %arg8[%mul3A_70, %dma_wait3A_140] : memref<42x128xi32, #tpu.memory_space<vmem>> -> memref<1x128xi32, #tpu.memory_space<vmem>>
        %dma_wait3A_142 = tpu.memref_squeeze %dma_wait3A_141 : memref<1x128xi32, #tpu.memory_space<vmem>> -> memref<128xi32, #tpu.memory_space<vmem>>
        %dma_wait3A_143 = arith.constant 0 : i32
        %dma_wait3A_144 = arith.constant 0 : i32
        %dma_wait3A_145 = tpu.memref_slice %arg10[%dma_wait3A_143, %dma_wait3A_144] : memref<10112x8xf32, #tpu.memory_space<vmem_shared>> -> memref<10112x8xf32, #tpu.memory_space<vmem_shared>>
        tpu.wait_indirect_dma semaphore(%run_scoped3A_125 : memref<!tpu.dma_semaphore, #tpu.memory_space<semaphore_mem>>) src(%dma_wait3A_139 : memref<128x8xf32, #tpu.memory_space<vmem>>) dst(%dma_wait3A_145 : memref<10112x8xf32, #tpu.memory_space<vmem_shared>>)
        tpu.yield
      }) : () -> ()
      %add3A_83 = arith.constant 2 : i32
      %add3A_84 = arith.addi %mul3A_70, %add3A_83 : i32
      %dma_start3A_85 = arith.constant 0 : i32
      %dma_start3A_86 = arith.constant 0 : i32
      %dma_start3A_87 = arith.constant 0 : i32
      %dma_start3A_88 = tpu.memref_slice %arg9[%dma_start3A_85, %dma_start3A_86, %dma_start3A_87] : memref<2x128x8xf32, #tpu.memory_space<vmem>> -> memref<1x128x8xf32, #tpu.memory_space<vmem>>
      %dma_start3A_89 = tpu.memref_squeeze %dma_start3A_88 : memref<1x128x8xf32, #tpu.memory_space<vmem>> -> memref<128x8xf32, #tpu.memory_space<vmem>>
      %dma_start3A_90 = arith.constant 0 : i32
      %dma_start3A_91 = tpu.memref_slice %arg7[%add3A_84, %dma_start3A_90] : memref<42x128xi32, #tpu.memory_space<vmem>> -> memref<1x128xi32, #tpu.memory_space<vmem>>
      %dma_start3A_92 = tpu.memref_squeeze %dma_start3A_91 : memref<1x128xi32, #tpu.memory_space<vmem>> -> memref<128xi32, #tpu.memory_space<vmem>>
      %dma_start3A_93 = arith.constant 0 : i32
      %dma_start3A_94 = arith.constant 0 : i32
      %dma_start3A_95 = tpu.memref_slice %arg11[%dma_start3A_93, %dma_start3A_94] : memref<10112x8xf32, #tpu.memory_space<vmem_shared>> -> memref<10112x8xf32, #tpu.memory_space<vmem_shared>>
      tpu.enqueue_indirect_dma source(%dma_start3A_95 : memref<10112x8xf32, #tpu.memory_space<vmem_shared>>) target(%dma_start3A_89 : memref<128x8xf32, #tpu.memory_space<vmem>>) offsets(%dma_start3A_92 : memref<128xi32, #tpu.memory_space<vmem>>) semaphore(%arg12 : memref<!tpu.dma_semaphore, #tpu.memory_space<semaphore_mem>>)
      %add3A_96 = arith.constant 1 : i32
      %add3A_97 = arith.addi %mul3A_70, %add3A_96 : i32
      %dma_wait3A_98 = arith.constant 1 : i32
      %dma_wait3A_99 = arith.constant 0 : i32
      %dma_wait3A_100 = arith.constant 0 : i32
      %dma_wait3A_101 = tpu.memref_slice %arg9[%dma_wait3A_98, %dma_wait3A_99, %dma_wait3A_100] : memref<2x128x8xf32, #tpu.memory_space<vmem>> -> memref<1x128x8xf32, #tpu.memory_space<vmem>>
      %dma_wait3A_102 = tpu.memref_squeeze %dma_wait3A_101 : memref<1x128x8xf32, #tpu.memory_space<vmem>> -> memref<128x8xf32, #tpu.memory_space<vmem>>
      %dma_wait3A_103 = arith.constant 0 : i32
      %dma_wait3A_104 = tpu.memref_slice %arg7[%add3A_97, %dma_wait3A_103] : memref<42x128xi32, #tpu.memory_space<vmem>> -> memref<1x128xi32, #tpu.memory_space<vmem>>
      %dma_wait3A_105 = tpu.memref_squeeze %dma_wait3A_104 : memref<1x128xi32, #tpu.memory_space<vmem>> -> memref<128xi32, #tpu.memory_space<vmem>>
      %dma_wait3A_106 = arith.constant 0 : i32
      %dma_wait3A_107 = arith.constant 0 : i32
      %dma_wait3A_108 = tpu.memref_slice %arg11[%dma_wait3A_106, %dma_wait3A_107] : memref<10112x8xf32, #tpu.memory_space<vmem_shared>> -> memref<10112x8xf32, #tpu.memory_space<vmem_shared>>
      tpu.wait_indirect_dma semaphore(%arg13 : memref<!tpu.dma_semaphore, #tpu.memory_space<semaphore_mem>>) src(%dma_wait3A_108 : memref<10112x8xf32, #tpu.memory_space<vmem_shared>>) dst(%dma_wait3A_102 : memref<128x8xf32, #tpu.memory_space<vmem>>)
      %add3A_109 = arith.constant 1 : i32
      %add3A_110 = arith.addi %mul3A_70, %add3A_109 : i32
      %run_scoped3A_111 = arith.constant 1 : i32
      "tpu.region"() ({
        %run_scoped3A_125 = tpu.sem_alloc : memref<!tpu.dma_semaphore, #tpu.memory_space<semaphore_mem>>
        %dma_start3A_126 = arith.constant 0 : i32
        %dma_start3A_127 = arith.constant 0 : i32
        %dma_start3A_128 = tpu.memref_slice %arg9[%run_scoped3A_111, %dma_start3A_126, %dma_start3A_127] : memref<2x128x8xf32, #tpu.memory_space<vmem>> -> memref<1x128x8xf32, #tpu.memory_space<vmem>>
        %dma_start3A_129 = tpu.memref_squeeze %dma_start3A_128 : memref<1x128x8xf32, #tpu.memory_space<vmem>> -> memref<128x8xf32, #tpu.memory_space<vmem>>
        %dma_start3A_130 = arith.constant 0 : i32
        %dma_start3A_131 = tpu.memref_slice %arg8[%add3A_110, %dma_start3A_130] : memref<42x128xi32, #tpu.memory_space<vmem>> -> memref<1x128xi32, #tpu.memory_space<vmem>>
        %dma_start3A_132 = tpu.memref_squeeze %dma_start3A_131 : memref<1x128xi32, #tpu.memory_space<vmem>> -> memref<128xi32, #tpu.memory_space<vmem>>
        %dma_start3A_133 = arith.constant 0 : i32
        %dma_start3A_134 = arith.constant 0 : i32
        %dma_start3A_135 = tpu.memref_slice %arg10[%dma_start3A_133, %dma_start3A_134] : memref<10112x8xf32, #tpu.memory_space<vmem_shared>> -> memref<10112x8xf32, #tpu.memory_space<vmem_shared>>
        tpu.enqueue_indirect_dma source(%dma_start3A_129 : memref<128x8xf32, #tpu.memory_space<vmem>>) target(%dma_start3A_135 : memref<10112x8xf32, #tpu.memory_space<vmem_shared>>) offsets(%dma_start3A_132 : memref<128xi32, #tpu.memory_space<vmem>>) semaphore(%run_scoped3A_125 : memref<!tpu.dma_semaphore, #tpu.memory_space<semaphore_mem>>) {add = true}
        %dma_wait3A_136 = arith.constant 0 : i32
        %dma_wait3A_137 = arith.constant 0 : i32
        %dma_wait3A_138 = tpu.memref_slice %arg9[%run_scoped3A_111, %dma_wait3A_136, %dma_wait3A_137] : memref<2x128x8xf32, #tpu.memory_space<vmem>> -> memref<1x128x8xf32, #tpu.memory_space<vmem>>
        %dma_wait3A_139 = tpu.memref_squeeze %dma_wait3A_138 : memref<1x128x8xf32, #tpu.memory_space<vmem>> -> memref<128x8xf32, #tpu.memory_space<vmem>>
        %dma_wait3A_140 = arith.constant 0 : i32
        %dma_wait3A_141 = tpu.memref_slice %arg8[%add3A_110, %dma_wait3A_140] : memref<42x128xi32, #tpu.memory_space<vmem>> -> memref<1x128xi32, #tpu.memory_space<vmem>>
        %dma_wait3A_142 = tpu.memref_squeeze %dma_wait3A_141 : memref<1x128xi32, #tpu.memory_space<vmem>> -> memref<128xi32, #tpu.memory_space<vmem>>
        %dma_wait3A_143 = arith.constant 0 : i32
        %dma_wait3A_144 = arith.constant 0 : i32
        %dma_wait3A_145 = tpu.memref_slice %arg10[%dma_wait3A_143, %dma_wait3A_144] : memref<10112x8xf32, #tpu.memory_space<vmem_shared>> -> memref<10112x8xf32, #tpu.memory_space<vmem_shared>>
        tpu.wait_indirect_dma semaphore(%run_scoped3A_125 : memref<!tpu.dma_semaphore, #tpu.memory_space<semaphore_mem>>) src(%dma_wait3A_139 : memref<128x8xf32, #tpu.memory_space<vmem>>) dst(%dma_wait3A_145 : memref<10112x8xf32, #tpu.memory_space<vmem_shared>>)
        tpu.yield
      }) : () -> ()
      %add3A_112 = arith.constant 3 : i32
      %add3A_113 = arith.addi %mul3A_70, %add3A_112 : i32
      %dma_start3A_114 = arith.constant 1 : i32
      %dma_start3A_115 = arith.constant 0 : i32
      %dma_start3A_116 = arith.constant 0 : i32
      %dma_start3A_117 = tpu.memref_slice %arg9[%dma_start3A_114, %dma_start3A_115, %dma_start3A_116] : memref<2x128x8xf32, #tpu.memory_space<vmem>> -> memref<1x128x8xf32, #tpu.memory_space<vmem>>
      %dma_start3A_118 = tpu.memref_squeeze %dma_start3A_117 : memref<1x128x8xf32, #tpu.memory_space<vmem>> -> memref<128x8xf32, #tpu.memory_space<vmem>>
      %dma_start3A_119 = arith.constant 0 : i32
      %dma_start3A_120 = tpu.memref_slice %arg7[%add3A_113, %dma_start3A_119] : memref<42x128xi32, #tpu.memory_space<vmem>> -> memref<1x128xi32, #tpu.memory_space<vmem>>
      %dma_start3A_121 = tpu.memref_squeeze %dma_start3A_120 : memref<1x128xi32, #tpu.memory_space<vmem>> -> memref<128xi32, #tpu.memory_space<vmem>>
      %dma_start3A_122 = arith.constant 0 : i32
      %dma_start3A_123 = arith.constant 0 : i32
      %dma_start3A_124 = tpu.memref_slice %arg11[%dma_start3A_122, %dma_start3A_123] : memref<10112x8xf32, #tpu.memory_space<vmem_shared>> -> memref<10112x8xf32, #tpu.memory_space<vmem_shared>>
      tpu.enqueue_indirect_dma source(%dma_start3A_124 : memref<10112x8xf32, #tpu.memory_space<vmem_shared>>) target(%dma_start3A_118 : memref<128x8xf32, #tpu.memory_space<vmem>>) offsets(%dma_start3A_121 : memref<128xi32, #tpu.memory_space<vmem>>) semaphore(%arg13 : memref<!tpu.dma_semaphore, #tpu.memory_space<semaphore_mem>>)
    }
    %scan3A_36 = arith.constant 20 : i32
    %dma_wait3A = arith.constant 40 : i32
    %dma_wait3A_37 = arith.constant 0 : i32
    %dma_wait3A_38 = arith.constant 0 : i32
    %dma_wait3A_39 = arith.constant 0 : i32
    %dma_wait3A_40 = tpu.memref_slice %arg9[%dma_wait3A_37, %dma_wait3A_38, %dma_wait3A_39] : memref<2x128x8xf32, #tpu.memory_space<vmem>> -> memref<1x128x8xf32, #tpu.memory_space<vmem>>
    %dma_wait3A_41 = tpu.memref_squeeze %dma_wait3A_40 : memref<1x128x8xf32, #tpu.memory_space<vmem>> -> memref<128x8xf32, #tpu.memory_space<vmem>>
    %dma_wait3A_42 = arith.constant 0 : i32
    %dma_wait3A_43 = tpu.memref_slice %arg7[%dma_wait3A, %dma_wait3A_42] : memref<42x128xi32, #tpu.memory_space<vmem>> -> memref<1x128xi32, #tpu.memory_space<vmem>>
    %dma_wait3A_44 = tpu.memref_squeeze %dma_wait3A_43 : memref<1x128xi32, #tpu.memory_space<vmem>> -> memref<128xi32, #tpu.memory_space<vmem>>
    %dma_wait3A_45 = arith.constant 0 : i32
    %dma_wait3A_46 = arith.constant 0 : i32
    %dma_wait3A_47 = tpu.memref_slice %arg11[%dma_wait3A_45, %dma_wait3A_46] : memref<10112x8xf32, #tpu.memory_space<vmem_shared>> -> memref<10112x8xf32, #tpu.memory_space<vmem_shared>>
    tpu.wait_indirect_dma semaphore(%arg12 : memref<!tpu.dma_semaphore, #tpu.memory_space<semaphore_mem>>) src(%dma_wait3A_47 : memref<10112x8xf32, #tpu.memory_space<vmem_shared>>) dst(%dma_wait3A_41 : memref<128x8xf32, #tpu.memory_space<vmem>>)
    %run_scoped3A = arith.constant 0 : i32
    %run_scoped3A_48 = arith.constant 40 : i32
    "tpu.region"() ({
      %run_scoped3A_68 = tpu.sem_alloc : memref<!tpu.dma_semaphore, #tpu.memory_space<semaphore_mem>>
      %dma_start3A_69 = arith.constant 0 : i32
      %dma_start3A_70 = arith.constant 0 : i32
      %dma_start3A_71 = tpu.memref_slice %arg9[%run_scoped3A, %dma_start3A_69, %dma_start3A_70] : memref<2x128x8xf32, #tpu.memory_space<vmem>> -> memref<1x128x8xf32, #tpu.memory_space<vmem>>
      %dma_start3A_72 = tpu.memref_squeeze %dma_start3A_71 : memref<1x128x8xf32, #tpu.memory_space<vmem>> -> memref<128x8xf32, #tpu.memory_space<vmem>>
      %dma_start3A_73 = arith.constant 0 : i32
      %dma_start3A_74 = tpu.memref_slice %arg8[%run_scoped3A_48, %dma_start3A_73] : memref<42x128xi32, #tpu.memory_space<vmem>> -> memref<1x128xi32, #tpu.memory_space<vmem>>
      %dma_start3A_75 = tpu.memref_squeeze %dma_start3A_74 : memref<1x128xi32, #tpu.memory_space<vmem>> -> memref<128xi32, #tpu.memory_space<vmem>>
      %dma_start3A_76 = arith.constant 0 : i32
      %dma_start3A_77 = arith.constant 0 : i32
      %dma_start3A_78 = tpu.memref_slice %arg10[%dma_start3A_76, %dma_start3A_77] : memref<10112x8xf32, #tpu.memory_space<vmem_shared>> -> memref<10112x8xf32, #tpu.memory_space<vmem_shared>>
      tpu.enqueue_indirect_dma source(%dma_start3A_72 : memref<128x8xf32, #tpu.memory_space<vmem>>) target(%dma_start3A_78 : memref<10112x8xf32, #tpu.memory_space<vmem_shared>>) offsets(%dma_start3A_75 : memref<128xi32, #tpu.memory_space<vmem>>) semaphore(%run_scoped3A_68 : memref<!tpu.dma_semaphore, #tpu.memory_space<semaphore_mem>>) {add = true}
      %dma_wait3A_79 = arith.constant 0 : i32
      %dma_wait3A_80 = arith.constant 0 : i32
      %dma_wait3A_81 = tpu.memref_slice %arg9[%run_scoped3A, %dma_wait3A_79, %dma_wait3A_80] : memref<2x128x8xf32, #tpu.memory_space<vmem>> -> memref<1x128x8xf32, #tpu.memory_space<vmem>>
      %dma_wait3A_82 = tpu.memref_squeeze %dma_wait3A_81 : memref<1x128x8xf32, #tpu.memory_space<vmem>> -> memref<128x8xf32, #tpu.memory_space<vmem>>
      %dma_wait3A_83 = arith.constant 0 : i32
      %dma_wait3A_84 = tpu.memref_slice %arg8[%run_scoped3A_48, %dma_wait3A_83] : memref<42x128xi32, #tpu.memory_space<vmem>> -> memref<1x128xi32, #tpu.memory_space<vmem>>
      %dma_wait3A_85 = tpu.memref_squeeze %dma_wait3A_84 : memref<1x128xi32, #tpu.memory_space<vmem>> -> memref<128xi32, #tpu.memory_space<vmem>>
      %dma_wait3A_86 = arith.constant 0 : i32
      %dma_wait3A_87 = arith.constant 0 : i32
      %dma_wait3A_88 = tpu.memref_slice %arg10[%dma_wait3A_86, %dma_wait3A_87] : memref<10112x8xf32, #tpu.memory_space<vmem_shared>> -> memref<10112x8xf32, #tpu.memory_space<vmem_shared>>
      tpu.wait_indirect_dma semaphore(%run_scoped3A_68 : memref<!tpu.dma_semaphore, #tpu.memory_space<semaphore_mem>>) src(%dma_wait3A_82 : memref<128x8xf32, #tpu.memory_space<vmem>>) dst(%dma_wait3A_88 : memref<10112x8xf32, #tpu.memory_space<vmem_shared>>)
      tpu.yield
    }) : () -> ()
    %dma_wait3A_49 = arith.constant 41 : i32
    %dma_wait3A_50 = arith.constant 1 : i32
    %dma_wait3A_51 = arith.constant 0 : i32
    %dma_wait3A_52 = arith.constant 0 : i32
    %dma_wait3A_53 = tpu.memref_slice %arg9[%dma_wait3A_50, %dma_wait3A_51, %dma_wait3A_52] : memref<2x128x8xf32, #tpu.memory_space<vmem>> -> memref<1x128x8xf32, #tpu.memory_space<vmem>>
    %dma_wait3A_54 = tpu.memref_squeeze %dma_wait3A_53 : memref<1x128x8xf32, #tpu.memory_space<vmem>> -> memref<128x8xf32, #tpu.memory_space<vmem>>
    %dma_wait3A_55 = arith.constant 0 : i32
    %dma_wait3A_56 = tpu.memref_slice %arg7[%dma_wait3A_49, %dma_wait3A_55] : memref<42x128xi32, #tpu.memory_space<vmem>> -> memref<1x128xi32, #tpu.memory_space<vmem>>
    %dma_wait3A_57 = tpu.memref_squeeze %dma_wait3A_56 : memref<1x128xi32, #tpu.memory_space<vmem>> -> memref<128xi32, #tpu.memory_space<vmem>>
    %dma_wait3A_58 = arith.constant 0 : i32
    %dma_wait3A_59 = arith.constant 0 : i32
    %dma_wait3A_60 = tpu.memref_slice %arg11[%dma_wait3A_58, %dma_wait3A_59] : memref<10112x8xf32, #tpu.memory_space<vmem_shared>> -> memref<10112x8xf32, #tpu.memory_space<vmem_shared>>
    tpu.wait_indirect_dma semaphore(%arg13 : memref<!tpu.dma_semaphore, #tpu.memory_space<semaphore_mem>>) src(%dma_wait3A_60 : memref<10112x8xf32, #tpu.memory_space<vmem_shared>>) dst(%dma_wait3A_54 : memref<128x8xf32, #tpu.memory_space<vmem>>)
    %run_scoped3A_61 = arith.constant 1 : i32
    %run_scoped3A_62 = arith.constant 41 : i32
    "tpu.region"() ({
      %run_scoped3A_68 = tpu.sem_alloc : memref<!tpu.dma_semaphore, #tpu.memory_space<semaphore_mem>>
      %dma_start3A_69 = arith.constant 0 : i32
      %dma_start3A_70 = arith.constant 0 : i32
      %dma_start3A_71 = tpu.memref_slice %arg9[%run_scoped3A_61, %dma_start3A_69, %dma_start3A_70] : memref<2x128x8xf32, #tpu.memory_space<vmem>> -> memref<1x128x8xf32, #tpu.memory_space<vmem>>
      %dma_start3A_72 = tpu.memref_squeeze %dma_start3A_71 : memref<1x128x8xf32, #tpu.memory_space<vmem>> -> memref<128x8xf32, #tpu.memory_space<vmem>>
      %dma_start3A_73 = arith.constant 0 : i32
      %dma_start3A_74 = tpu.memref_slice %arg8[%run_scoped3A_62, %dma_start3A_73] : memref<42x128xi32, #tpu.memory_space<vmem>> -> memref<1x128xi32, #tpu.memory_space<vmem>>
      %dma_start3A_75 = tpu.memref_squeeze %dma_start3A_74 : memref<1x128xi32, #tpu.memory_space<vmem>> -> memref<128xi32, #tpu.memory_space<vmem>>
      %dma_start3A_76 = arith.constant 0 : i32
      %dma_start3A_77 = arith.constant 0 : i32
      %dma_start3A_78 = tpu.memref_slice %arg10[%dma_start3A_76, %dma_start3A_77] : memref<10112x8xf32, #tpu.memory_space<vmem_shared>> -> memref<10112x8xf32, #tpu.memory_space<vmem_shared>>
      tpu.enqueue_indirect_dma source(%dma_start3A_72 : memref<128x8xf32, #tpu.memory_space<vmem>>) target(%dma_start3A_78 : memref<10112x8xf32, #tpu.memory_space<vmem_shared>>) offsets(%dma_start3A_75 : memref<128xi32, #tpu.memory_space<vmem>>) semaphore(%run_scoped3A_68 : memref<!tpu.dma_semaphore, #tpu.memory_space<semaphore_mem>>) {add = true}
      %dma_wait3A_79 = arith.constant 0 : i32
      %dma_wait3A_80 = arith.constant 0 : i32
      %dma_wait3A_81 = tpu.memref_slice %arg9[%run_scoped3A_61, %dma_wait3A_79, %dma_wait3A_80] : memref<2x128x8xf32, #tpu.memory_space<vmem>> -> memref<1x128x8xf32, #tpu.memory_space<vmem>>
      %dma_wait3A_82 = tpu.memref_squeeze %dma_wait3A_81 : memref<1x128x8xf32, #tpu.memory_space<vmem>> -> memref<128x8xf32, #tpu.memory_space<vmem>>
      %dma_wait3A_83 = arith.constant 0 : i32
      %dma_wait3A_84 = tpu.memref_slice %arg8[%run_scoped3A_62, %dma_wait3A_83] : memref<42x128xi32, #tpu.memory_space<vmem>> -> memref<1x128xi32, #tpu.memory_space<vmem>>
      %dma_wait3A_85 = tpu.memref_squeeze %dma_wait3A_84 : memref<1x128xi32, #tpu.memory_space<vmem>> -> memref<128xi32, #tpu.memory_space<vmem>>
      %dma_wait3A_86 = arith.constant 0 : i32
      %dma_wait3A_87 = arith.constant 0 : i32
      %dma_wait3A_88 = tpu.memref_slice %arg10[%dma_wait3A_86, %dma_wait3A_87] : memref<10112x8xf32, #tpu.memory_space<vmem_shared>> -> memref<10112x8xf32, #tpu.memory_space<vmem_shared>>
      tpu.wait_indirect_dma semaphore(%run_scoped3A_68 : memref<!tpu.dma_semaphore, #tpu.memory_space<semaphore_mem>>) src(%dma_wait3A_82 : memref<128x8xf32, #tpu.memory_space<vmem>>) dst(%dma_wait3A_88 : memref<10112x8xf32, #tpu.memory_space<vmem_shared>>)
      tpu.yield
    }) : () -> ()
    %barrier3A_63 = arith.constant 0 : index
    tpu.barrier barrier_id(%barrier3A_63)
    %mul3A_64 = arith.constant 632 : i32
    %mul3A_65 = arith.muli %arg1, %mul3A_64 : i32
    %mul3A_66 = arith.constant 632 : i32
    %mul3A_67 = arith.muli %arg1, %mul3A_66 : i32
    "tpu.region"() ({
      %run_scoped3A_68 = tpu.sem_alloc : memref<!tpu.dma_semaphore, #tpu.memory_space<semaphore_mem>>
      %dma_start3A_69 = arith.constant 0 : i32
      %dma_start3A_70 = tpu.memref_slice %arg6[%arg0, %mul3A_67, %dma_start3A_69] : memref<2x10112x8xf32, #tpu.memory_space<hbm>> -> memref<1x632x8xf32, #tpu.memory_space<hbm>>
      %dma_start3A_71 = tpu.memref_squeeze %dma_start3A_70 : memref<1x632x8xf32, #tpu.memory_space<hbm>> -> memref<632x8xf32, #tpu.memory_space<hbm>>
      %dma_start3A_72 = arith.constant 0 : i32
      %dma_start3A_73 = tpu.memref_slice %arg10[%mul3A_65, %dma_start3A_72] : memref<10112x8xf32, #tpu.memory_space<vmem_shared>> -> memref<632x8xf32, #tpu.memory_space<vmem_shared>>
      tpu.enqueue_dma source(%dma_start3A_73 : memref<632x8xf32, #tpu.memory_space<vmem_shared>>) target(%dma_start3A_71 : memref<632x8xf32, #tpu.memory_space<hbm>>) target_semaphore(%run_scoped3A_68 : memref<!tpu.dma_semaphore, #tpu.memory_space<semaphore_mem>>)
      %dma_wait3A_74 = arith.constant 0 : i32
      %dma_wait3A_75 = tpu.memref_slice %arg6[%arg0, %mul3A_67, %dma_wait3A_74] : memref<2x10112x8xf32, #tpu.memory_space<hbm>> -> memref<1x632x8xf32, #tpu.memory_space<hbm>>
      %dma_wait3A_76 = tpu.memref_squeeze %dma_wait3A_75 : memref<1x632x8xf32, #tpu.memory_space<hbm>> -> memref<632x8xf32, #tpu.memory_space<hbm>>
      %dma_wait3A_77 = arith.constant 0 : i32
      %dma_wait3A_78 = tpu.memref_slice %arg10[%mul3A_65, %dma_wait3A_77] : memref<10112x8xf32, #tpu.memory_space<vmem_shared>> -> memref<632x8xf32, #tpu.memory_space<vmem_shared>>
      tpu.wait_dma2 semaphore(%run_scoped3A_68 : memref<!tpu.dma_semaphore, #tpu.memory_space<semaphore_mem>>) src(%dma_wait3A_78 : memref<632x8xf32, #tpu.memory_space<vmem_shared>>) dst(%dma_wait3A_76 : memref<632x8xf32, #tpu.memory_space<hbm>>)
      tpu.yield
    }) : () -> ()
    return
  }
}

#map = affine_map<(d0, d1) -> (0, 0)>
#map1 = affine_map<(d0, d1) -> (0, 0, 0)>
module attributes {stable_mosaic.version = 14 : i64} {
  func.func @_prop_split(%arg0: i32, %arg1: i32, %arg2: memref<10000x128xf32, #tpu.memory_space<hbm>>, %arg3: memref<32x42x128xi32, #tpu.memory_space<hbm>>, %arg4: memref<32x42x128xi32, #tpu.memory_space<hbm>>, %arg5: memref<10112x128xf32, #tpu.memory_space<hbm>>, %arg6: memref<2x10112x128xf32, #tpu.memory_space<hbm>>, %arg7: memref<2x2x128xi32, #tpu.memory_space<vmem>>, %arg8: memref<42x128xi32, #tpu.memory_space<vmem>>, %arg9: memref<2x128x128xf32, #tpu.memory_space<vmem>>, %arg10: memref<10112x128xf32, #tpu.memory_space<vmem_shared>>, %arg11: memref<!tpu.dma_semaphore, #tpu.memory_space<semaphore_mem>>, %arg12: memref<!tpu.dma_semaphore, #tpu.memory_space<semaphore_mem>>, %arg13: memref<!tpu.dma_semaphore, #tpu.memory_space<semaphore_mem>>, %arg14: memref<!tpu.dma_semaphore, #tpu.memory_space<semaphore_mem>>, %arg15: memref<!tpu.dma_semaphore, #tpu.memory_space<semaphore_mem>>, %arg16: memref<!tpu.dma_semaphore, #tpu.memory_space<semaphore_mem>>) attributes {dimension_semantics = [#tpu.dimension_semantics<core_parallel>, #tpu.dimension_semantics<subcore_parallel>], iteration_bounds = array<i64: 2, 16>, scalar_prefetch = 0 : i64, scratch_operands = 10 : i64, tpu.core_type = #tpu.core_type<sc_vector_subcore>, window_params = [{transform_indices = #map}, {transform_indices = #map1}, {transform_indices = #map1}, {transform_indices = #map}, {transform_indices = #map1}]} {
    %mul3A = arith.constant 16 : i32
    %mul3A_0 = arith.muli %arg0, %mul3A : i32
    %add3A = arith.addi %mul3A_0, %arg1 : i32
    "tpu.region"() ({
      %run_scoped3A = tpu.sem_alloc : memref<!tpu.dma_semaphore, #tpu.memory_space<semaphore_mem>>
      %dma_start3A_182 = arith.constant 0 : i32
      %dma_start3A_183 = arith.constant 0 : i32
      %dma_start3A_184 = tpu.memref_slice %arg4[%add3A, %dma_start3A_182, %dma_start3A_183] : memref<32x42x128xi32, #tpu.memory_space<hbm>> -> memref<1x42x128xi32, #tpu.memory_space<hbm>>
      %dma_start3A_185 = tpu.memref_squeeze %dma_start3A_184 : memref<1x42x128xi32, #tpu.memory_space<hbm>> -> memref<42x128xi32, #tpu.memory_space<hbm>>
      %dma_start3A_186 = arith.constant 0 : i32
      %dma_start3A_187 = arith.constant 0 : i32
      %dma_start3A_188 = tpu.memref_slice %arg4[%add3A, %dma_start3A_186, %dma_start3A_187] : memref<32x42x128xi32, #tpu.memory_space<hbm>> -> memref<1x42x128xi32, #tpu.memory_space<hbm>>
      %dma_start3A_189 = tpu.memref_squeeze %dma_start3A_188 : memref<1x42x128xi32, #tpu.memory_space<hbm>> -> memref<42x128xi32, #tpu.memory_space<hbm>>
      tpu.enqueue_dma source(%dma_start3A_189 : memref<42x128xi32, #tpu.memory_space<hbm>>) target(%arg8 : memref<42x128xi32, #tpu.memory_space<vmem>>) target_semaphore(%run_scoped3A : memref<!tpu.dma_semaphore, #tpu.memory_space<semaphore_mem>>)
      %dma_wait3A_190 = arith.constant 0 : i32
      %dma_wait3A_191 = arith.constant 0 : i32
      %dma_wait3A_192 = tpu.memref_slice %arg4[%add3A, %dma_wait3A_190, %dma_wait3A_191] : memref<32x42x128xi32, #tpu.memory_space<hbm>> -> memref<1x42x128xi32, #tpu.memory_space<hbm>>
      %dma_wait3A_193 = tpu.memref_squeeze %dma_wait3A_192 : memref<1x42x128xi32, #tpu.memory_space<hbm>> -> memref<42x128xi32, #tpu.memory_space<hbm>>
      %dma_wait3A_194 = arith.constant 0 : i32
      %dma_wait3A_195 = arith.constant 0 : i32
      %dma_wait3A_196 = tpu.memref_slice %arg4[%add3A, %dma_wait3A_194, %dma_wait3A_195] : memref<32x42x128xi32, #tpu.memory_space<hbm>> -> memref<1x42x128xi32, #tpu.memory_space<hbm>>
      %dma_wait3A_197 = tpu.memref_squeeze %dma_wait3A_196 : memref<1x42x128xi32, #tpu.memory_space<hbm>> -> memref<42x128xi32, #tpu.memory_space<hbm>>
      tpu.wait_dma2 semaphore(%run_scoped3A : memref<!tpu.dma_semaphore, #tpu.memory_space<semaphore_mem>>) src(%dma_wait3A_197 : memref<42x128xi32, #tpu.memory_space<hbm>>) dst(%arg8 : memref<42x128xi32, #tpu.memory_space<vmem>>)
      tpu.yield
    }) : () -> ()
    %mul3A_1 = arith.constant 632 : i32
    %mul3A_2 = arith.muli %arg1, %mul3A_1 : i32
    %mul3A_3 = arith.constant 632 : i32
    %mul3A_4 = arith.muli %arg1, %mul3A_3 : i32
    "tpu.region"() ({
      %run_scoped3A = tpu.sem_alloc : memref<!tpu.dma_semaphore, #tpu.memory_space<semaphore_mem>>
      %dma_start3A_182 = arith.constant 0 : i32
      %dma_start3A_183 = tpu.memref_slice %arg10[%mul3A_4, %dma_start3A_182] : memref<10112x128xf32, #tpu.memory_space<vmem_shared>> -> memref<632x128xf32, #tpu.memory_space<vmem_shared>>
      %dma_start3A_184 = arith.constant 0 : i32
      %dma_start3A_185 = tpu.memref_slice %arg5[%mul3A_2, %dma_start3A_184] : memref<10112x128xf32, #tpu.memory_space<hbm>> -> memref<632x128xf32, #tpu.memory_space<hbm>>
      tpu.enqueue_dma source(%dma_start3A_185 : memref<632x128xf32, #tpu.memory_space<hbm>>) target(%dma_start3A_183 : memref<632x128xf32, #tpu.memory_space<vmem_shared>>) target_semaphore(%run_scoped3A : memref<!tpu.dma_semaphore, #tpu.memory_space<semaphore_mem>>)
      %dma_wait3A_186 = arith.constant 0 : i32
      %dma_wait3A_187 = tpu.memref_slice %arg10[%mul3A_4, %dma_wait3A_186] : memref<10112x128xf32, #tpu.memory_space<vmem_shared>> -> memref<632x128xf32, #tpu.memory_space<vmem_shared>>
      %dma_wait3A_188 = arith.constant 0 : i32
      %dma_wait3A_189 = tpu.memref_slice %arg5[%mul3A_2, %dma_wait3A_188] : memref<10112x128xf32, #tpu.memory_space<hbm>> -> memref<632x128xf32, #tpu.memory_space<hbm>>
      tpu.wait_dma2 semaphore(%run_scoped3A : memref<!tpu.dma_semaphore, #tpu.memory_space<semaphore_mem>>) src(%dma_wait3A_189 : memref<632x128xf32, #tpu.memory_space<hbm>>) dst(%dma_wait3A_187 : memref<632x128xf32, #tpu.memory_space<vmem_shared>>)
      tpu.yield
    }) : () -> ()
    %barrier3A = arith.constant 0 : index
    tpu.barrier barrier_id(%barrier3A)
    %dma_start3A = arith.constant 0 : i32
    %dma_start3A_5 = arith.constant 0 : i32
    %dma_start3A_6 = arith.constant 0 : i32
    %dma_start3A_7 = tpu.memref_slice %arg7[%dma_start3A, %dma_start3A_5, %dma_start3A_6] : memref<2x2x128xi32, #tpu.memory_space<vmem>> -> memref<1x2x128xi32, #tpu.memory_space<vmem>>
    %dma_start3A_8 = tpu.memref_squeeze %dma_start3A_7 : memref<1x2x128xi32, #tpu.memory_space<vmem>> -> memref<2x128xi32, #tpu.memory_space<vmem>>
    %dma_start3A_9 = arith.constant 0 : i32
    %dma_start3A_10 = arith.constant 0 : i32
    %dma_start3A_11 = tpu.memref_slice %arg3[%add3A, %dma_start3A_9, %dma_start3A_10] : memref<32x42x128xi32, #tpu.memory_space<hbm>> -> memref<1x42x128xi32, #tpu.memory_space<hbm>>
    %dma_start3A_12 = tpu.memref_squeeze %dma_start3A_11 : memref<1x42x128xi32, #tpu.memory_space<hbm>> -> memref<42x128xi32, #tpu.memory_space<hbm>>
    %dma_start3A_13 = arith.constant 0 : i32
    %dma_start3A_14 = arith.constant 0 : i32
    %dma_start3A_15 = tpu.memref_slice %dma_start3A_12[%dma_start3A_13, %dma_start3A_14] : memref<42x128xi32, #tpu.memory_space<hbm>> -> memref<2x128xi32, #tpu.memory_space<hbm>>
    %dma_start3A_16 = arith.constant 0 : i32
    %dma_start3A_17 = arith.constant 0 : i32
    %dma_start3A_18 = tpu.memref_slice %arg7[%dma_start3A, %dma_start3A_16, %dma_start3A_17] : memref<2x2x128xi32, #tpu.memory_space<vmem>> -> memref<1x2x128xi32, #tpu.memory_space<vmem>>
    %dma_start3A_19 = tpu.memref_squeeze %dma_start3A_18 : memref<1x2x128xi32, #tpu.memory_space<vmem>> -> memref<2x128xi32, #tpu.memory_space<vmem>>
    %dma_start3A_20 = arith.constant 0 : i32
    %dma_start3A_21 = arith.constant 0 : i32
    %dma_start3A_22 = tpu.memref_slice %arg3[%add3A, %dma_start3A_20, %dma_start3A_21] : memref<32x42x128xi32, #tpu.memory_space<hbm>> -> memref<1x42x128xi32, #tpu.memory_space<hbm>>
    %dma_start3A_23 = tpu.memref_squeeze %dma_start3A_22 : memref<1x42x128xi32, #tpu.memory_space<hbm>> -> memref<42x128xi32, #tpu.memory_space<hbm>>
    %dma_start3A_24 = arith.constant 0 : i32
    %dma_start3A_25 = arith.constant 0 : i32
    %dma_start3A_26 = tpu.memref_slice %dma_start3A_23[%dma_start3A_24, %dma_start3A_25] : memref<42x128xi32, #tpu.memory_space<hbm>> -> memref<2x128xi32, #tpu.memory_space<hbm>>
    tpu.enqueue_dma source(%dma_start3A_26 : memref<2x128xi32, #tpu.memory_space<hbm>>) target(%dma_start3A_19 : memref<2x128xi32, #tpu.memory_space<vmem>>) target_semaphore(%arg11 : memref<!tpu.dma_semaphore, #tpu.memory_space<semaphore_mem>>)
    %dma_start3A_27 = arith.constant 1 : i32
    %dma_start3A_28 = arith.constant 0 : i32
    %dma_start3A_29 = arith.constant 0 : i32
    %dma_start3A_30 = tpu.memref_slice %arg7[%dma_start3A_27, %dma_start3A_28, %dma_start3A_29] : memref<2x2x128xi32, #tpu.memory_space<vmem>> -> memref<1x2x128xi32, #tpu.memory_space<vmem>>
    %dma_start3A_31 = tpu.memref_squeeze %dma_start3A_30 : memref<1x2x128xi32, #tpu.memory_space<vmem>> -> memref<2x128xi32, #tpu.memory_space<vmem>>
    %dma_start3A_32 = arith.constant 0 : i32
    %dma_start3A_33 = arith.constant 0 : i32
    %dma_start3A_34 = tpu.memref_slice %arg3[%add3A, %dma_start3A_32, %dma_start3A_33] : memref<32x42x128xi32, #tpu.memory_space<hbm>> -> memref<1x42x128xi32, #tpu.memory_space<hbm>>
    %dma_start3A_35 = tpu.memref_squeeze %dma_start3A_34 : memref<1x42x128xi32, #tpu.memory_space<hbm>> -> memref<42x128xi32, #tpu.memory_space<hbm>>
    %dma_start3A_36 = arith.constant 2 : i32
    %dma_start3A_37 = arith.constant 0 : i32
    %dma_start3A_38 = tpu.memref_slice %dma_start3A_35[%dma_start3A_36, %dma_start3A_37] : memref<42x128xi32, #tpu.memory_space<hbm>> -> memref<2x128xi32, #tpu.memory_space<hbm>>
    %dma_start3A_39 = arith.constant 0 : i32
    %dma_start3A_40 = arith.constant 0 : i32
    %dma_start3A_41 = tpu.memref_slice %arg7[%dma_start3A_27, %dma_start3A_39, %dma_start3A_40] : memref<2x2x128xi32, #tpu.memory_space<vmem>> -> memref<1x2x128xi32, #tpu.memory_space<vmem>>
    %dma_start3A_42 = tpu.memref_squeeze %dma_start3A_41 : memref<1x2x128xi32, #tpu.memory_space<vmem>> -> memref<2x128xi32, #tpu.memory_space<vmem>>
    %dma_start3A_43 = arith.constant 0 : i32
    %dma_start3A_44 = arith.constant 0 : i32
    %dma_start3A_45 = tpu.memref_slice %arg3[%add3A, %dma_start3A_43, %dma_start3A_44] : memref<32x42x128xi32, #tpu.memory_space<hbm>> -> memref<1x42x128xi32, #tpu.memory_space<hbm>>
    %dma_start3A_46 = tpu.memref_squeeze %dma_start3A_45 : memref<1x42x128xi32, #tpu.memory_space<hbm>> -> memref<42x128xi32, #tpu.memory_space<hbm>>
    %dma_start3A_47 = arith.constant 2 : i32
    %dma_start3A_48 = arith.constant 0 : i32
    %dma_start3A_49 = tpu.memref_slice %dma_start3A_46[%dma_start3A_47, %dma_start3A_48] : memref<42x128xi32, #tpu.memory_space<hbm>> -> memref<2x128xi32, #tpu.memory_space<hbm>>
    tpu.enqueue_dma source(%dma_start3A_49 : memref<2x128xi32, #tpu.memory_space<hbm>>) target(%dma_start3A_42 : memref<2x128xi32, #tpu.memory_space<vmem>>) target_semaphore(%arg12 : memref<!tpu.dma_semaphore, #tpu.memory_space<semaphore_mem>>)
    %dma_wait3A = arith.constant 0 : i32
    %dma_wait3A_50 = arith.constant 0 : i32
    %dma_wait3A_51 = arith.constant 0 : i32
    %dma_wait3A_52 = tpu.memref_slice %arg7[%dma_wait3A, %dma_wait3A_50, %dma_wait3A_51] : memref<2x2x128xi32, #tpu.memory_space<vmem>> -> memref<1x2x128xi32, #tpu.memory_space<vmem>>
    %dma_wait3A_53 = tpu.memref_squeeze %dma_wait3A_52 : memref<1x2x128xi32, #tpu.memory_space<vmem>> -> memref<2x128xi32, #tpu.memory_space<vmem>>
    %dma_wait3A_54 = arith.constant 0 : i32
    %dma_wait3A_55 = arith.constant 0 : i32
    %dma_wait3A_56 = tpu.memref_slice %arg3[%add3A, %dma_wait3A_54, %dma_wait3A_55] : memref<32x42x128xi32, #tpu.memory_space<hbm>> -> memref<1x42x128xi32, #tpu.memory_space<hbm>>
    %dma_wait3A_57 = tpu.memref_squeeze %dma_wait3A_56 : memref<1x42x128xi32, #tpu.memory_space<hbm>> -> memref<42x128xi32, #tpu.memory_space<hbm>>
    %dma_wait3A_58 = arith.constant 0 : i32
    %dma_wait3A_59 = arith.constant 0 : i32
    %dma_wait3A_60 = tpu.memref_slice %dma_wait3A_57[%dma_wait3A_58, %dma_wait3A_59] : memref<42x128xi32, #tpu.memory_space<hbm>> -> memref<2x128xi32, #tpu.memory_space<hbm>>
    %dma_wait3A_61 = arith.constant 0 : i32
    %dma_wait3A_62 = arith.constant 0 : i32
    %dma_wait3A_63 = tpu.memref_slice %arg7[%dma_wait3A, %dma_wait3A_61, %dma_wait3A_62] : memref<2x2x128xi32, #tpu.memory_space<vmem>> -> memref<1x2x128xi32, #tpu.memory_space<vmem>>
    %dma_wait3A_64 = tpu.memref_squeeze %dma_wait3A_63 : memref<1x2x128xi32, #tpu.memory_space<vmem>> -> memref<2x128xi32, #tpu.memory_space<vmem>>
    %dma_wait3A_65 = arith.constant 0 : i32
    %dma_wait3A_66 = arith.constant 0 : i32
    %dma_wait3A_67 = tpu.memref_slice %arg3[%add3A, %dma_wait3A_65, %dma_wait3A_66] : memref<32x42x128xi32, #tpu.memory_space<hbm>> -> memref<1x42x128xi32, #tpu.memory_space<hbm>>
    %dma_wait3A_68 = tpu.memref_squeeze %dma_wait3A_67 : memref<1x42x128xi32, #tpu.memory_space<hbm>> -> memref<42x128xi32, #tpu.memory_space<hbm>>
    %dma_wait3A_69 = arith.constant 0 : i32
    %dma_wait3A_70 = arith.constant 0 : i32
    %dma_wait3A_71 = tpu.memref_slice %dma_wait3A_68[%dma_wait3A_69, %dma_wait3A_70] : memref<42x128xi32, #tpu.memory_space<hbm>> -> memref<2x128xi32, #tpu.memory_space<hbm>>
    tpu.wait_dma2 semaphore(%arg11 : memref<!tpu.dma_semaphore, #tpu.memory_space<semaphore_mem>>) src(%dma_wait3A_71 : memref<2x128xi32, #tpu.memory_space<hbm>>) dst(%dma_wait3A_64 : memref<2x128xi32, #tpu.memory_space<vmem>>)
    %dma_start3A_72 = arith.constant 0 : i32
    %dma_start3A_73 = arith.constant 0 : i32
    %dma_start3A_74 = arith.constant 0 : i32
    %dma_start3A_75 = arith.constant 0 : i32
    %dma_start3A_76 = arith.constant 0 : i32
    %dma_start3A_77 = tpu.memref_slice %arg9[%dma_start3A_74, %dma_start3A_75, %dma_start3A_76] : memref<2x128x128xf32, #tpu.memory_space<vmem>> -> memref<1x128x128xf32, #tpu.memory_space<vmem>>
    %dma_start3A_78 = tpu.memref_squeeze %dma_start3A_77 : memref<1x128x128xf32, #tpu.memory_space<vmem>> -> memref<128x128xf32, #tpu.memory_space<vmem>>
    %dma_start3A_79 = arith.constant 0 : i32
    %dma_start3A_80 = tpu.memref_slice %arg7[%dma_start3A_72, %dma_start3A_73, %dma_start3A_79] : memref<2x2x128xi32, #tpu.memory_space<vmem>> -> memref<1x1x128xi32, #tpu.memory_space<vmem>>
    %dma_start3A_81 = tpu.memref_squeeze %dma_start3A_80 : memref<1x1x128xi32, #tpu.memory_space<vmem>> -> memref<128xi32, #tpu.memory_space<vmem>>
    %dma_start3A_82 = arith.constant 0 : i32
    %dma_start3A_83 = arith.constant 0 : i32
    %dma_start3A_84 = tpu.memref_slice %arg2[%dma_start3A_82, %dma_start3A_83] : memref<10000x128xf32, #tpu.memory_space<hbm>> -> memref<10000x128xf32, #tpu.memory_space<hbm>>
    tpu.enqueue_indirect_dma source(%dma_start3A_84 : memref<10000x128xf32, #tpu.memory_space<hbm>>) target(%dma_start3A_78 : memref<128x128xf32, #tpu.memory_space<vmem>>) offsets(%dma_start3A_81 : memref<128xi32, #tpu.memory_space<vmem>>) semaphore(%arg13 : memref<!tpu.dma_semaphore, #tpu.memory_space<semaphore_mem>>)
    %dma_start3A_85 = arith.constant 0 : i32
    %dma_start3A_86 = arith.constant 1 : i32
    %dma_start3A_87 = arith.constant 1 : i32
    %dma_start3A_88 = arith.constant 0 : i32
    %dma_start3A_89 = arith.constant 0 : i32
    %dma_start3A_90 = tpu.memref_slice %arg9[%dma_start3A_87, %dma_start3A_88, %dma_start3A_89] : memref<2x128x128xf32, #tpu.memory_space<vmem>> -> memref<1x128x128xf32, #tpu.memory_space<vmem>>
    %dma_start3A_91 = tpu.memref_squeeze %dma_start3A_90 : memref<1x128x128xf32, #tpu.memory_space<vmem>> -> memref<128x128xf32, #tpu.memory_space<vmem>>
    %dma_start3A_92 = arith.constant 0 : i32
    %dma_start3A_93 = tpu.memref_slice %arg7[%dma_start3A_85, %dma_start3A_86, %dma_start3A_92] : memref<2x2x128xi32, #tpu.memory_space<vmem>> -> memref<1x1x128xi32, #tpu.memory_space<vmem>>
    %dma_start3A_94 = tpu.memref_squeeze %dma_start3A_93 : memref<1x1x128xi32, #tpu.memory_space<vmem>> -> memref<128xi32, #tpu.memory_space<vmem>>
    %dma_start3A_95 = arith.constant 0 : i32
    %dma_start3A_96 = arith.constant 0 : i32
    %dma_start3A_97 = tpu.memref_slice %arg2[%dma_start3A_95, %dma_start3A_96] : memref<10000x128xf32, #tpu.memory_space<hbm>> -> memref<10000x128xf32, #tpu.memory_space<hbm>>
    tpu.enqueue_indirect_dma source(%dma_start3A_97 : memref<10000x128xf32, #tpu.memory_space<hbm>>) target(%dma_start3A_91 : memref<128x128xf32, #tpu.memory_space<vmem>>) offsets(%dma_start3A_94 : memref<128xi32, #tpu.memory_space<vmem>>) semaphore(%arg14 : memref<!tpu.dma_semaphore, #tpu.memory_space<semaphore_mem>>)
    %scan3A = arith.constant 0 : i32
    %scan3A_98 = arith.constant 0 : i32
    %scan3A_99 = arith.constant 10 : i32
    %scan3A_100 = arith.addi %scan3A_98, %scan3A_99 : i32
    %scan3A_101 = arith.constant 1 : i32
    scf.for %scan3A_182 = %scan3A_98 to %scan3A_100 step %scan3A_101  : i32 {
      %mul3A_183 = arith.constant 2 : i32
      %mul3A_184 = arith.muli %scan3A_182, %mul3A_183 : i32
      %add3A_185 = arith.constant 1 : i32
      %add3A_186 = arith.addi %mul3A_184, %add3A_185 : i32
      %mul3A_187 = arith.constant 2 : i32
      %mul3A_188 = arith.muli %add3A_186, %mul3A_187 : i32
      %dma_wait3A_189 = arith.constant 1 : i32
      %dma_wait3A_190 = arith.constant 0 : i32
      %dma_wait3A_191 = arith.constant 0 : i32
      %dma_wait3A_192 = tpu.memref_slice %arg7[%dma_wait3A_189, %dma_wait3A_190, %dma_wait3A_191] : memref<2x2x128xi32, #tpu.memory_space<vmem>> -> memref<1x2x128xi32, #tpu.memory_space<vmem>>
      %dma_wait3A_193 = tpu.memref_squeeze %dma_wait3A_192 : memref<1x2x128xi32, #tpu.memory_space<vmem>> -> memref<2x128xi32, #tpu.memory_space<vmem>>
      %dma_wait3A_194 = arith.constant 0 : i32
      %dma_wait3A_195 = arith.constant 0 : i32
      %dma_wait3A_196 = tpu.memref_slice %arg3[%add3A, %dma_wait3A_194, %dma_wait3A_195] : memref<32x42x128xi32, #tpu.memory_space<hbm>> -> memref<1x42x128xi32, #tpu.memory_space<hbm>>
      %dma_wait3A_197 = tpu.memref_squeeze %dma_wait3A_196 : memref<1x42x128xi32, #tpu.memory_space<hbm>> -> memref<42x128xi32, #tpu.memory_space<hbm>>
      %dma_wait3A_198 = arith.constant 0 : i32
      %dma_wait3A_199 = tpu.memref_slice %dma_wait3A_197[%mul3A_188, %dma_wait3A_198] : memref<42x128xi32, #tpu.memory_space<hbm>> -> memref<2x128xi32, #tpu.memory_space<hbm>>
      %dma_wait3A_200 = arith.constant 0 : i32
      %dma_wait3A_201 = arith.constant 0 : i32
      %dma_wait3A_202 = tpu.memref_slice %arg7[%dma_wait3A_189, %dma_wait3A_200, %dma_wait3A_201] : memref<2x2x128xi32, #tpu.memory_space<vmem>> -> memref<1x2x128xi32, #tpu.memory_space<vmem>>
      %dma_wait3A_203 = tpu.memref_squeeze %dma_wait3A_202 : memref<1x2x128xi32, #tpu.memory_space<vmem>> -> memref<2x128xi32, #tpu.memory_space<vmem>>
      %dma_wait3A_204 = arith.constant 0 : i32
      %dma_wait3A_205 = arith.constant 0 : i32
      %dma_wait3A_206 = tpu.memref_slice %arg3[%add3A, %dma_wait3A_204, %dma_wait3A_205] : memref<32x42x128xi32, #tpu.memory_space<hbm>> -> memref<1x42x128xi32, #tpu.memory_space<hbm>>
      %dma_wait3A_207 = tpu.memref_squeeze %dma_wait3A_206 : memref<1x42x128xi32, #tpu.memory_space<hbm>> -> memref<42x128xi32, #tpu.memory_space<hbm>>
      %dma_wait3A_208 = arith.constant 0 : i32
      %dma_wait3A_209 = tpu.memref_slice %dma_wait3A_207[%mul3A_188, %dma_wait3A_208] : memref<42x128xi32, #tpu.memory_space<hbm>> -> memref<2x128xi32, #tpu.memory_space<hbm>>
      tpu.wait_dma2 semaphore(%arg12 : memref<!tpu.dma_semaphore, #tpu.memory_space<semaphore_mem>>) src(%dma_wait3A_209 : memref<2x128xi32, #tpu.memory_space<hbm>>) dst(%dma_wait3A_203 : memref<2x128xi32, #tpu.memory_space<vmem>>)
      %dma_wait3A_210 = arith.constant 0 : i32
      %dma_wait3A_211 = arith.constant 0 : i32
      %dma_wait3A_212 = arith.constant 0 : i32
      %dma_wait3A_213 = arith.constant 0 : i32
      %dma_wait3A_214 = arith.constant 0 : i32
      %dma_wait3A_215 = tpu.memref_slice %arg9[%dma_wait3A_212, %dma_wait3A_213, %dma_wait3A_214] : memref<2x128x128xf32, #tpu.memory_space<vmem>> -> memref<1x128x128xf32, #tpu.memory_space<vmem>>
      %dma_wait3A_216 = tpu.memref_squeeze %dma_wait3A_215 : memref<1x128x128xf32, #tpu.memory_space<vmem>> -> memref<128x128xf32, #tpu.memory_space<vmem>>
      %dma_wait3A_217 = arith.constant 0 : i32
      %dma_wait3A_218 = tpu.memref_slice %arg7[%dma_wait3A_210, %dma_wait3A_211, %dma_wait3A_217] : memref<2x2x128xi32, #tpu.memory_space<vmem>> -> memref<1x1x128xi32, #tpu.memory_space<vmem>>
      %dma_wait3A_219 = tpu.memref_squeeze %dma_wait3A_218 : memref<1x1x128xi32, #tpu.memory_space<vmem>> -> memref<128xi32, #tpu.memory_space<vmem>>
      %dma_wait3A_220 = arith.constant 0 : i32
      %dma_wait3A_221 = arith.constant 0 : i32
      %dma_wait3A_222 = tpu.memref_slice %arg2[%dma_wait3A_220, %dma_wait3A_221] : memref<10000x128xf32, #tpu.memory_space<hbm>> -> memref<10000x128xf32, #tpu.memory_space<hbm>>
      tpu.wait_indirect_dma semaphore(%arg13 : memref<!tpu.dma_semaphore, #tpu.memory_space<semaphore_mem>>) src(%dma_wait3A_222 : memref<10000x128xf32, #tpu.memory_space<hbm>>) dst(%dma_wait3A_216 : memref<128x128xf32, #tpu.memory_space<vmem>>)
      %mul3A_223 = arith.constant 2 : i32
      %mul3A_224 = arith.muli %mul3A_184, %mul3A_223 : i32
      %add3A_225 = arith.constant 0 : i32
      %add3A_226 = arith.addi %mul3A_224, %add3A_225 : i32
      %dma_start3A_227 = arith.constant 0 : i32
      %dma_start3A_228 = arith.constant 0 : i32
      %dma_start3A_229 = arith.constant 0 : i32
      %dma_start3A_230 = tpu.memref_slice %arg9[%dma_start3A_227, %dma_start3A_228, %dma_start3A_229] : memref<2x128x128xf32, #tpu.memory_space<vmem>> -> memref<1x128x128xf32, #tpu.memory_space<vmem>>
      %dma_start3A_231 = tpu.memref_squeeze %dma_start3A_230 : memref<1x128x128xf32, #tpu.memory_space<vmem>> -> memref<128x128xf32, #tpu.memory_space<vmem>>
      %dma_start3A_232 = arith.constant 0 : i32
      %dma_start3A_233 = tpu.memref_slice %arg8[%add3A_226, %dma_start3A_232] : memref<42x128xi32, #tpu.memory_space<vmem>> -> memref<1x128xi32, #tpu.memory_space<vmem>>
      %dma_start3A_234 = tpu.memref_squeeze %dma_start3A_233 : memref<1x128xi32, #tpu.memory_space<vmem>> -> memref<128xi32, #tpu.memory_space<vmem>>
      %dma_start3A_235 = arith.constant 0 : i32
      %dma_start3A_236 = arith.constant 0 : i32
      %dma_start3A_237 = tpu.memref_slice %arg10[%dma_start3A_235, %dma_start3A_236] : memref<10112x128xf32, #tpu.memory_space<vmem_shared>> -> memref<10112x128xf32, #tpu.memory_space<vmem_shared>>
      tpu.enqueue_indirect_dma source(%dma_start3A_231 : memref<128x128xf32, #tpu.memory_space<vmem>>) target(%dma_start3A_237 : memref<10112x128xf32, #tpu.memory_space<vmem_shared>>) offsets(%dma_start3A_234 : memref<128xi32, #tpu.memory_space<vmem>>) semaphore(%arg15 : memref<!tpu.dma_semaphore, #tpu.memory_space<semaphore_mem>>) {add = true}
      %dma_wait3A_238 = arith.constant 0 : i32
      %dma_wait3A_239 = arith.constant 1 : i32
      %dma_wait3A_240 = arith.constant 1 : i32
      %dma_wait3A_241 = arith.constant 0 : i32
      %dma_wait3A_242 = arith.constant 0 : i32
      %dma_wait3A_243 = tpu.memref_slice %arg9[%dma_wait3A_240, %dma_wait3A_241, %dma_wait3A_242] : memref<2x128x128xf32, #tpu.memory_space<vmem>> -> memref<1x128x128xf32, #tpu.memory_space<vmem>>
      %dma_wait3A_244 = tpu.memref_squeeze %dma_wait3A_243 : memref<1x128x128xf32, #tpu.memory_space<vmem>> -> memref<128x128xf32, #tpu.memory_space<vmem>>
      %dma_wait3A_245 = arith.constant 0 : i32
      %dma_wait3A_246 = tpu.memref_slice %arg7[%dma_wait3A_238, %dma_wait3A_239, %dma_wait3A_245] : memref<2x2x128xi32, #tpu.memory_space<vmem>> -> memref<1x1x128xi32, #tpu.memory_space<vmem>>
      %dma_wait3A_247 = tpu.memref_squeeze %dma_wait3A_246 : memref<1x1x128xi32, #tpu.memory_space<vmem>> -> memref<128xi32, #tpu.memory_space<vmem>>
      %dma_wait3A_248 = arith.constant 0 : i32
      %dma_wait3A_249 = arith.constant 0 : i32
      %dma_wait3A_250 = tpu.memref_slice %arg2[%dma_wait3A_248, %dma_wait3A_249] : memref<10000x128xf32, #tpu.memory_space<hbm>> -> memref<10000x128xf32, #tpu.memory_space<hbm>>
      tpu.wait_indirect_dma semaphore(%arg14 : memref<!tpu.dma_semaphore, #tpu.memory_space<semaphore_mem>>) src(%dma_wait3A_250 : memref<10000x128xf32, #tpu.memory_space<hbm>>) dst(%dma_wait3A_244 : memref<128x128xf32, #tpu.memory_space<vmem>>)
      %mul3A_251 = arith.constant 2 : i32
      %mul3A_252 = arith.muli %mul3A_184, %mul3A_251 : i32
      %add3A_253 = arith.constant 1 : i32
      %add3A_254 = arith.addi %mul3A_252, %add3A_253 : i32
      %dma_start3A_255 = arith.constant 1 : i32
      %dma_start3A_256 = arith.constant 0 : i32
      %dma_start3A_257 = arith.constant 0 : i32
      %dma_start3A_258 = tpu.memref_slice %arg9[%dma_start3A_255, %dma_start3A_256, %dma_start3A_257] : memref<2x128x128xf32, #tpu.memory_space<vmem>> -> memref<1x128x128xf32, #tpu.memory_space<vmem>>
      %dma_start3A_259 = tpu.memref_squeeze %dma_start3A_258 : memref<1x128x128xf32, #tpu.memory_space<vmem>> -> memref<128x128xf32, #tpu.memory_space<vmem>>
      %dma_start3A_260 = arith.constant 0 : i32
      %dma_start3A_261 = tpu.memref_slice %arg8[%add3A_254, %dma_start3A_260] : memref<42x128xi32, #tpu.memory_space<vmem>> -> memref<1x128xi32, #tpu.memory_space<vmem>>
      %dma_start3A_262 = tpu.memref_squeeze %dma_start3A_261 : memref<1x128xi32, #tpu.memory_space<vmem>> -> memref<128xi32, #tpu.memory_space<vmem>>
      %dma_start3A_263 = arith.constant 0 : i32
      %dma_start3A_264 = arith.constant 0 : i32
      %dma_start3A_265 = tpu.memref_slice %arg10[%dma_start3A_263, %dma_start3A_264] : memref<10112x128xf32, #tpu.memory_space<vmem_shared>> -> memref<10112x128xf32, #tpu.memory_space<vmem_shared>>
      tpu.enqueue_indirect_dma source(%dma_start3A_259 : memref<128x128xf32, #tpu.memory_space<vmem>>) target(%dma_start3A_265 : memref<10112x128xf32, #tpu.memory_space<vmem_shared>>) offsets(%dma_start3A_262 : memref<128xi32, #tpu.memory_space<vmem>>) semaphore(%arg16 : memref<!tpu.dma_semaphore, #tpu.memory_space<semaphore_mem>>) {add = true}
      %mul3A_266 = arith.constant 2 : i32
      %mul3A_267 = arith.muli %mul3A_184, %mul3A_266 : i32
      %add3A_268 = arith.constant 0 : i32
      %add3A_269 = arith.addi %mul3A_267, %add3A_268 : i32
      %dma_wait3A_270 = arith.constant 0 : i32
      %dma_wait3A_271 = arith.constant 0 : i32
      %dma_wait3A_272 = arith.constant 0 : i32
      %dma_wait3A_273 = tpu.memref_slice %arg9[%dma_wait3A_270, %dma_wait3A_271, %dma_wait3A_272] : memref<2x128x128xf32, #tpu.memory_space<vmem>> -> memref<1x128x128xf32, #tpu.memory_space<vmem>>
      %dma_wait3A_274 = tpu.memref_squeeze %dma_wait3A_273 : memref<1x128x128xf32, #tpu.memory_space<vmem>> -> memref<128x128xf32, #tpu.memory_space<vmem>>
      %dma_wait3A_275 = arith.constant 0 : i32
      %dma_wait3A_276 = tpu.memref_slice %arg8[%add3A_269, %dma_wait3A_275] : memref<42x128xi32, #tpu.memory_space<vmem>> -> memref<1x128xi32, #tpu.memory_space<vmem>>
      %dma_wait3A_277 = tpu.memref_squeeze %dma_wait3A_276 : memref<1x128xi32, #tpu.memory_space<vmem>> -> memref<128xi32, #tpu.memory_space<vmem>>
      %dma_wait3A_278 = arith.constant 0 : i32
      %dma_wait3A_279 = arith.constant 0 : i32
      %dma_wait3A_280 = tpu.memref_slice %arg10[%dma_wait3A_278, %dma_wait3A_279] : memref<10112x128xf32, #tpu.memory_space<vmem_shared>> -> memref<10112x128xf32, #tpu.memory_space<vmem_shared>>
      tpu.wait_indirect_dma semaphore(%arg15 : memref<!tpu.dma_semaphore, #tpu.memory_space<semaphore_mem>>) src(%dma_wait3A_274 : memref<128x128xf32, #tpu.memory_space<vmem>>) dst(%dma_wait3A_280 : memref<10112x128xf32, #tpu.memory_space<vmem_shared>>)
      %dma_start3A_281 = arith.constant 1 : i32
      %dma_start3A_282 = arith.constant 0 : i32
      %dma_start3A_283 = arith.constant 0 : i32
      %dma_start3A_284 = arith.constant 0 : i32
      %dma_start3A_285 = arith.constant 0 : i32
      %dma_start3A_286 = tpu.memref_slice %arg9[%dma_start3A_283, %dma_start3A_284, %dma_start3A_285] : memref<2x128x128xf32, #tpu.memory_space<vmem>> -> memref<1x128x128xf32, #tpu.memory_space<vmem>>
      %dma_start3A_287 = tpu.memref_squeeze %dma_start3A_286 : memref<1x128x128xf32, #tpu.memory_space<vmem>> -> memref<128x128xf32, #tpu.memory_space<vmem>>
      %dma_start3A_288 = arith.constant 0 : i32
      %dma_start3A_289 = tpu.memref_slice %arg7[%dma_start3A_281, %dma_start3A_282, %dma_start3A_288] : memref<2x2x128xi32, #tpu.memory_space<vmem>> -> memref<1x1x128xi32, #tpu.memory_space<vmem>>
      %dma_start3A_290 = tpu.memref_squeeze %dma_start3A_289 : memref<1x1x128xi32, #tpu.memory_space<vmem>> -> memref<128xi32, #tpu.memory_space<vmem>>
      %dma_start3A_291 = arith.constant 0 : i32
      %dma_start3A_292 = arith.constant 0 : i32
      %dma_start3A_293 = tpu.memref_slice %arg2[%dma_start3A_291, %dma_start3A_292] : memref<10000x128xf32, #tpu.memory_space<hbm>> -> memref<10000x128xf32, #tpu.memory_space<hbm>>
      tpu.enqueue_indirect_dma source(%dma_start3A_293 : memref<10000x128xf32, #tpu.memory_space<hbm>>) target(%dma_start3A_287 : memref<128x128xf32, #tpu.memory_space<vmem>>) offsets(%dma_start3A_290 : memref<128xi32, #tpu.memory_space<vmem>>) semaphore(%arg13 : memref<!tpu.dma_semaphore, #tpu.memory_space<semaphore_mem>>)
      %mul3A_294 = arith.constant 2 : i32
      %mul3A_295 = arith.muli %mul3A_184, %mul3A_294 : i32
      %add3A_296 = arith.constant 1 : i32
      %add3A_297 = arith.addi %mul3A_295, %add3A_296 : i32
      %dma_wait3A_298 = arith.constant 1 : i32
      %dma_wait3A_299 = arith.constant 0 : i32
      %dma_wait3A_300 = arith.constant 0 : i32
      %dma_wait3A_301 = tpu.memref_slice %arg9[%dma_wait3A_298, %dma_wait3A_299, %dma_wait3A_300] : memref<2x128x128xf32, #tpu.memory_space<vmem>> -> memref<1x128x128xf32, #tpu.memory_space<vmem>>
      %dma_wait3A_302 = tpu.memref_squeeze %dma_wait3A_301 : memref<1x128x128xf32, #tpu.memory_space<vmem>> -> memref<128x128xf32, #tpu.memory_space<vmem>>
      %dma_wait3A_303 = arith.constant 0 : i32
      %dma_wait3A_304 = tpu.memref_slice %arg8[%add3A_297, %dma_wait3A_303] : memref<42x128xi32, #tpu.memory_space<vmem>> -> memref<1x128xi32, #tpu.memory_space<vmem>>
      %dma_wait3A_305 = tpu.memref_squeeze %dma_wait3A_304 : memref<1x128xi32, #tpu.memory_space<vmem>> -> memref<128xi32, #tpu.memory_space<vmem>>
      %dma_wait3A_306 = arith.constant 0 : i32
      %dma_wait3A_307 = arith.constant 0 : i32
      %dma_wait3A_308 = tpu.memref_slice %arg10[%dma_wait3A_306, %dma_wait3A_307] : memref<10112x128xf32, #tpu.memory_space<vmem_shared>> -> memref<10112x128xf32, #tpu.memory_space<vmem_shared>>
      tpu.wait_indirect_dma semaphore(%arg16 : memref<!tpu.dma_semaphore, #tpu.memory_space<semaphore_mem>>) src(%dma_wait3A_302 : memref<128x128xf32, #tpu.memory_space<vmem>>) dst(%dma_wait3A_308 : memref<10112x128xf32, #tpu.memory_space<vmem_shared>>)
      %dma_start3A_309 = arith.constant 1 : i32
      %dma_start3A_310 = arith.constant 1 : i32
      %dma_start3A_311 = arith.constant 1 : i32
      %dma_start3A_312 = arith.constant 0 : i32
      %dma_start3A_313 = arith.constant 0 : i32
      %dma_start3A_314 = tpu.memref_slice %arg9[%dma_start3A_311, %dma_start3A_312, %dma_start3A_313] : memref<2x128x128xf32, #tpu.memory_space<vmem>> -> memref<1x128x128xf32, #tpu.memory_space<vmem>>
      %dma_start3A_315 = tpu.memref_squeeze %dma_start3A_314 : memref<1x128x128xf32, #tpu.memory_space<vmem>> -> memref<128x128xf32, #tpu.memory_space<vmem>>
      %dma_start3A_316 = arith.constant 0 : i32
      %dma_start3A_317 = tpu.memref_slice %arg7[%dma_start3A_309, %dma_start3A_310, %dma_start3A_316] : memref<2x2x128xi32, #tpu.memory_space<vmem>> -> memref<1x1x128xi32, #tpu.memory_space<vmem>>
      %dma_start3A_318 = tpu.memref_squeeze %dma_start3A_317 : memref<1x1x128xi32, #tpu.memory_space<vmem>> -> memref<128xi32, #tpu.memory_space<vmem>>
      %dma_start3A_319 = arith.constant 0 : i32
      %dma_start3A_320 = arith.constant 0 : i32
      %dma_start3A_321 = tpu.memref_slice %arg2[%dma_start3A_319, %dma_start3A_320] : memref<10000x128xf32, #tpu.memory_space<hbm>> -> memref<10000x128xf32, #tpu.memory_space<hbm>>
      tpu.enqueue_indirect_dma source(%dma_start3A_321 : memref<10000x128xf32, #tpu.memory_space<hbm>>) target(%dma_start3A_315 : memref<128x128xf32, #tpu.memory_space<vmem>>) offsets(%dma_start3A_318 : memref<128xi32, #tpu.memory_space<vmem>>) semaphore(%arg14 : memref<!tpu.dma_semaphore, #tpu.memory_space<semaphore_mem>>)
      %add3A_322 = arith.constant 2 : i32
      %add3A_323 = arith.addi %mul3A_184, %add3A_322 : i32
      %lt3A = arith.constant 21 : i32
      %lt3A_324 = arith.cmpi slt, %add3A_323, %lt3A : i32
      %convert_element_type3A = arith.extui %lt3A_324 : i1 to i32
      %cond3A = arith.constant 0 : i32
      %cond3A_325 = arith.cmpi ne, %convert_element_type3A, %cond3A : i32
      scf.if %cond3A_325 {
        %add3A_474 = arith.constant 2 : i32
        %add3A_475 = arith.addi %mul3A_184, %add3A_474 : i32
        %mul3A_476 = arith.constant 2 : i32
        %mul3A_477 = arith.muli %add3A_475, %mul3A_476 : i32
        %dma_start3A_478 = arith.constant 0 : i32
        %dma_start3A_479 = arith.constant 0 : i32
        %dma_start3A_480 = arith.constant 0 : i32
        %dma_start3A_481 = tpu.memref_slice %arg7[%dma_start3A_478, %dma_start3A_479, %dma_start3A_480] : memref<2x2x128xi32, #tpu.memory_space<vmem>> -> memref<1x2x128xi32, #tpu.memory_space<vmem>>
        %dma_start3A_482 = tpu.memref_squeeze %dma_start3A_481 : memref<1x2x128xi32, #tpu.memory_space<vmem>> -> memref<2x128xi32, #tpu.memory_space<vmem>>
        %dma_start3A_483 = arith.constant 0 : i32
        %dma_start3A_484 = arith.constant 0 : i32
        %dma_start3A_485 = tpu.memref_slice %arg3[%add3A, %dma_start3A_483, %dma_start3A_484] : memref<32x42x128xi32, #tpu.memory_space<hbm>> -> memref<1x42x128xi32, #tpu.memory_space<hbm>>
        %dma_start3A_486 = tpu.memref_squeeze %dma_start3A_485 : memref<1x42x128xi32, #tpu.memory_space<hbm>> -> memref<42x128xi32, #tpu.memory_space<hbm>>
        %dma_start3A_487 = arith.constant 0 : i32
        %dma_start3A_488 = tpu.memref_slice %dma_start3A_486[%mul3A_477, %dma_start3A_487] : memref<42x128xi32, #tpu.memory_space<hbm>> -> memref<2x128xi32, #tpu.memory_space<hbm>>
        %dma_start3A_489 = arith.constant 0 : i32
        %dma_start3A_490 = arith.constant 0 : i32
        %dma_start3A_491 = tpu.memref_slice %arg7[%dma_start3A_478, %dma_start3A_489, %dma_start3A_490] : memref<2x2x128xi32, #tpu.memory_space<vmem>> -> memref<1x2x128xi32, #tpu.memory_space<vmem>>
        %dma_start3A_492 = tpu.memref_squeeze %dma_start3A_491 : memref<1x2x128xi32, #tpu.memory_space<vmem>> -> memref<2x128xi32, #tpu.memory_space<vmem>>
        %dma_start3A_493 = arith.constant 0 : i32
        %dma_start3A_494 = arith.constant 0 : i32
        %dma_start3A_495 = tpu.memref_slice %arg3[%add3A, %dma_start3A_493, %dma_start3A_494] : memref<32x42x128xi32, #tpu.memory_space<hbm>> -> memref<1x42x128xi32, #tpu.memory_space<hbm>>
        %dma_start3A_496 = tpu.memref_squeeze %dma_start3A_495 : memref<1x42x128xi32, #tpu.memory_space<hbm>> -> memref<42x128xi32, #tpu.memory_space<hbm>>
        %dma_start3A_497 = arith.constant 0 : i32
        %dma_start3A_498 = tpu.memref_slice %dma_start3A_496[%mul3A_477, %dma_start3A_497] : memref<42x128xi32, #tpu.memory_space<hbm>> -> memref<2x128xi32, #tpu.memory_space<hbm>>
        tpu.enqueue_dma source(%dma_start3A_498 : memref<2x128xi32, #tpu.memory_space<hbm>>) target(%dma_start3A_492 : memref<2x128xi32, #tpu.memory_space<vmem>>) target_semaphore(%arg11 : memref<!tpu.dma_semaphore, #tpu.memory_space<semaphore_mem>>)
      } else {
      }
      %mul3A_326 = arith.constant 2 : i32
      %mul3A_327 = arith.muli %scan3A_182, %mul3A_326 : i32
      %add3A_328 = arith.constant 1 : i32
      %add3A_329 = arith.addi %mul3A_327, %add3A_328 : i32
      %add3A_330 = arith.constant 1 : i32
      %add3A_331 = arith.addi %add3A_329, %add3A_330 : i32
      %mul3A_332 = arith.constant 2 : i32
      %mul3A_333 = arith.muli %add3A_331, %mul3A_332 : i32
      %dma_wait3A_334 = arith.constant 0 : i32
      %dma_wait3A_335 = arith.constant 0 : i32
      %dma_wait3A_336 = arith.constant 0 : i32
      %dma_wait3A_337 = tpu.memref_slice %arg7[%dma_wait3A_334, %dma_wait3A_335, %dma_wait3A_336] : memref<2x2x128xi32, #tpu.memory_space<vmem>> -> memref<1x2x128xi32, #tpu.memory_space<vmem>>
      %dma_wait3A_338 = tpu.memref_squeeze %dma_wait3A_337 : memref<1x2x128xi32, #tpu.memory_space<vmem>> -> memref<2x128xi32, #tpu.memory_space<vmem>>
      %dma_wait3A_339 = arith.constant 0 : i32
      %dma_wait3A_340 = arith.constant 0 : i32
      %dma_wait3A_341 = tpu.memref_slice %arg3[%add3A, %dma_wait3A_339, %dma_wait3A_340] : memref<32x42x128xi32, #tpu.memory_space<hbm>> -> memref<1x42x128xi32, #tpu.memory_space<hbm>>
      %dma_wait3A_342 = tpu.memref_squeeze %dma_wait3A_341 : memref<1x42x128xi32, #tpu.memory_space<hbm>> -> memref<42x128xi32, #tpu.memory_space<hbm>>
      %dma_wait3A_343 = arith.constant 0 : i32
      %dma_wait3A_344 = tpu.memref_slice %dma_wait3A_342[%mul3A_333, %dma_wait3A_343] : memref<42x128xi32, #tpu.memory_space<hbm>> -> memref<2x128xi32, #tpu.memory_space<hbm>>
      %dma_wait3A_345 = arith.constant 0 : i32
      %dma_wait3A_346 = arith.constant 0 : i32
      %dma_wait3A_347 = tpu.memref_slice %arg7[%dma_wait3A_334, %dma_wait3A_345, %dma_wait3A_346] : memref<2x2x128xi32, #tpu.memory_space<vmem>> -> memref<1x2x128xi32, #tpu.memory_space<vmem>>
      %dma_wait3A_348 = tpu.memref_squeeze %dma_wait3A_347 : memref<1x2x128xi32, #tpu.memory_space<vmem>> -> memref<2x128xi32, #tpu.memory_space<vmem>>
      %dma_wait3A_349 = arith.constant 0 : i32
      %dma_wait3A_350 = arith.constant 0 : i32
      %dma_wait3A_351 = tpu.memref_slice %arg3[%add3A, %dma_wait3A_349, %dma_wait3A_350] : memref<32x42x128xi32, #tpu.memory_space<hbm>> -> memref<1x42x128xi32, #tpu.memory_space<hbm>>
      %dma_wait3A_352 = tpu.memref_squeeze %dma_wait3A_351 : memref<1x42x128xi32, #tpu.memory_space<hbm>> -> memref<42x128xi32, #tpu.memory_space<hbm>>
      %dma_wait3A_353 = arith.constant 0 : i32
      %dma_wait3A_354 = tpu.memref_slice %dma_wait3A_352[%mul3A_333, %dma_wait3A_353] : memref<42x128xi32, #tpu.memory_space<hbm>> -> memref<2x128xi32, #tpu.memory_space<hbm>>
      tpu.wait_dma2 semaphore(%arg11 : memref<!tpu.dma_semaphore, #tpu.memory_space<semaphore_mem>>) src(%dma_wait3A_354 : memref<2x128xi32, #tpu.memory_space<hbm>>) dst(%dma_wait3A_348 : memref<2x128xi32, #tpu.memory_space<vmem>>)
      %dma_wait3A_355 = arith.constant 1 : i32
      %dma_wait3A_356 = arith.constant 0 : i32
      %dma_wait3A_357 = arith.constant 0 : i32
      %dma_wait3A_358 = arith.constant 0 : i32
      %dma_wait3A_359 = arith.constant 0 : i32
      %dma_wait3A_360 = tpu.memref_slice %arg9[%dma_wait3A_357, %dma_wait3A_358, %dma_wait3A_359] : memref<2x128x128xf32, #tpu.memory_space<vmem>> -> memref<1x128x128xf32, #tpu.memory_space<vmem>>
      %dma_wait3A_361 = tpu.memref_squeeze %dma_wait3A_360 : memref<1x128x128xf32, #tpu.memory_space<vmem>> -> memref<128x128xf32, #tpu.memory_space<vmem>>
      %dma_wait3A_362 = arith.constant 0 : i32
      %dma_wait3A_363 = tpu.memref_slice %arg7[%dma_wait3A_355, %dma_wait3A_356, %dma_wait3A_362] : memref<2x2x128xi32, #tpu.memory_space<vmem>> -> memref<1x1x128xi32, #tpu.memory_space<vmem>>
      %dma_wait3A_364 = tpu.memref_squeeze %dma_wait3A_363 : memref<1x1x128xi32, #tpu.memory_space<vmem>> -> memref<128xi32, #tpu.memory_space<vmem>>
      %dma_wait3A_365 = arith.constant 0 : i32
      %dma_wait3A_366 = arith.constant 0 : i32
      %dma_wait3A_367 = tpu.memref_slice %arg2[%dma_wait3A_365, %dma_wait3A_366] : memref<10000x128xf32, #tpu.memory_space<hbm>> -> memref<10000x128xf32, #tpu.memory_space<hbm>>
      tpu.wait_indirect_dma semaphore(%arg13 : memref<!tpu.dma_semaphore, #tpu.memory_space<semaphore_mem>>) src(%dma_wait3A_367 : memref<10000x128xf32, #tpu.memory_space<hbm>>) dst(%dma_wait3A_361 : memref<128x128xf32, #tpu.memory_space<vmem>>)
      %mul3A_368 = arith.constant 2 : i32
      %mul3A_369 = arith.muli %add3A_329, %mul3A_368 : i32
      %add3A_370 = arith.constant 0 : i32
      %add3A_371 = arith.addi %mul3A_369, %add3A_370 : i32
      %dma_start3A_372 = arith.constant 0 : i32
      %dma_start3A_373 = arith.constant 0 : i32
      %dma_start3A_374 = arith.constant 0 : i32
      %dma_start3A_375 = tpu.memref_slice %arg9[%dma_start3A_372, %dma_start3A_373, %dma_start3A_374] : memref<2x128x128xf32, #tpu.memory_space<vmem>> -> memref<1x128x128xf32, #tpu.memory_space<vmem>>
      %dma_start3A_376 = tpu.memref_squeeze %dma_start3A_375 : memref<1x128x128xf32, #tpu.memory_space<vmem>> -> memref<128x128xf32, #tpu.memory_space<vmem>>
      %dma_start3A_377 = arith.constant 0 : i32
      %dma_start3A_378 = tpu.memref_slice %arg8[%add3A_371, %dma_start3A_377] : memref<42x128xi32, #tpu.memory_space<vmem>> -> memref<1x128xi32, #tpu.memory_space<vmem>>
      %dma_start3A_379 = tpu.memref_squeeze %dma_start3A_378 : memref<1x128xi32, #tpu.memory_space<vmem>> -> memref<128xi32, #tpu.memory_space<vmem>>
      %dma_start3A_380 = arith.constant 0 : i32
      %dma_start3A_381 = arith.constant 0 : i32
      %dma_start3A_382 = tpu.memref_slice %arg10[%dma_start3A_380, %dma_start3A_381] : memref<10112x128xf32, #tpu.memory_space<vmem_shared>> -> memref<10112x128xf32, #tpu.memory_space<vmem_shared>>
      tpu.enqueue_indirect_dma source(%dma_start3A_376 : memref<128x128xf32, #tpu.memory_space<vmem>>) target(%dma_start3A_382 : memref<10112x128xf32, #tpu.memory_space<vmem_shared>>) offsets(%dma_start3A_379 : memref<128xi32, #tpu.memory_space<vmem>>) semaphore(%arg15 : memref<!tpu.dma_semaphore, #tpu.memory_space<semaphore_mem>>) {add = true}
      %dma_wait3A_383 = arith.constant 1 : i32
      %dma_wait3A_384 = arith.constant 1 : i32
      %dma_wait3A_385 = arith.constant 1 : i32
      %dma_wait3A_386 = arith.constant 0 : i32
      %dma_wait3A_387 = arith.constant 0 : i32
      %dma_wait3A_388 = tpu.memref_slice %arg9[%dma_wait3A_385, %dma_wait3A_386, %dma_wait3A_387] : memref<2x128x128xf32, #tpu.memory_space<vmem>> -> memref<1x128x128xf32, #tpu.memory_space<vmem>>
      %dma_wait3A_389 = tpu.memref_squeeze %dma_wait3A_388 : memref<1x128x128xf32, #tpu.memory_space<vmem>> -> memref<128x128xf32, #tpu.memory_space<vmem>>
      %dma_wait3A_390 = arith.constant 0 : i32
      %dma_wait3A_391 = tpu.memref_slice %arg7[%dma_wait3A_383, %dma_wait3A_384, %dma_wait3A_390] : memref<2x2x128xi32, #tpu.memory_space<vmem>> -> memref<1x1x128xi32, #tpu.memory_space<vmem>>
      %dma_wait3A_392 = tpu.memref_squeeze %dma_wait3A_391 : memref<1x1x128xi32, #tpu.memory_space<vmem>> -> memref<128xi32, #tpu.memory_space<vmem>>
      %dma_wait3A_393 = arith.constant 0 : i32
      %dma_wait3A_394 = arith.constant 0 : i32
      %dma_wait3A_395 = tpu.memref_slice %arg2[%dma_wait3A_393, %dma_wait3A_394] : memref<10000x128xf32, #tpu.memory_space<hbm>> -> memref<10000x128xf32, #tpu.memory_space<hbm>>
      tpu.wait_indirect_dma semaphore(%arg14 : memref<!tpu.dma_semaphore, #tpu.memory_space<semaphore_mem>>) src(%dma_wait3A_395 : memref<10000x128xf32, #tpu.memory_space<hbm>>) dst(%dma_wait3A_389 : memref<128x128xf32, #tpu.memory_space<vmem>>)
      %mul3A_396 = arith.constant 2 : i32
      %mul3A_397 = arith.muli %add3A_329, %mul3A_396 : i32
      %add3A_398 = arith.constant 1 : i32
      %add3A_399 = arith.addi %mul3A_397, %add3A_398 : i32
      %dma_start3A_400 = arith.constant 1 : i32
      %dma_start3A_401 = arith.constant 0 : i32
      %dma_start3A_402 = arith.constant 0 : i32
      %dma_start3A_403 = tpu.memref_slice %arg9[%dma_start3A_400, %dma_start3A_401, %dma_start3A_402] : memref<2x128x128xf32, #tpu.memory_space<vmem>> -> memref<1x128x128xf32, #tpu.memory_space<vmem>>
      %dma_start3A_404 = tpu.memref_squeeze %dma_start3A_403 : memref<1x128x128xf32, #tpu.memory_space<vmem>> -> memref<128x128xf32, #tpu.memory_space<vmem>>
      %dma_start3A_405 = arith.constant 0 : i32
      %dma_start3A_406 = tpu.memref_slice %arg8[%add3A_399, %dma_start3A_405] : memref<42x128xi32, #tpu.memory_space<vmem>> -> memref<1x128xi32, #tpu.memory_space<vmem>>
      %dma_start3A_407 = tpu.memref_squeeze %dma_start3A_406 : memref<1x128xi32, #tpu.memory_space<vmem>> -> memref<128xi32, #tpu.memory_space<vmem>>
      %dma_start3A_408 = arith.constant 0 : i32
      %dma_start3A_409 = arith.constant 0 : i32
      %dma_start3A_410 = tpu.memref_slice %arg10[%dma_start3A_408, %dma_start3A_409] : memref<10112x128xf32, #tpu.memory_space<vmem_shared>> -> memref<10112x128xf32, #tpu.memory_space<vmem_shared>>
      tpu.enqueue_indirect_dma source(%dma_start3A_404 : memref<128x128xf32, #tpu.memory_space<vmem>>) target(%dma_start3A_410 : memref<10112x128xf32, #tpu.memory_space<vmem_shared>>) offsets(%dma_start3A_407 : memref<128xi32, #tpu.memory_space<vmem>>) semaphore(%arg16 : memref<!tpu.dma_semaphore, #tpu.memory_space<semaphore_mem>>) {add = true}
      %mul3A_411 = arith.constant 2 : i32
      %mul3A_412 = arith.muli %add3A_329, %mul3A_411 : i32
      %add3A_413 = arith.constant 0 : i32
      %add3A_414 = arith.addi %mul3A_412, %add3A_413 : i32
      %dma_wait3A_415 = arith.constant 0 : i32
      %dma_wait3A_416 = arith.constant 0 : i32
      %dma_wait3A_417 = arith.constant 0 : i32
      %dma_wait3A_418 = tpu.memref_slice %arg9[%dma_wait3A_415, %dma_wait3A_416, %dma_wait3A_417] : memref<2x128x128xf32, #tpu.memory_space<vmem>> -> memref<1x128x128xf32, #tpu.memory_space<vmem>>
      %dma_wait3A_419 = tpu.memref_squeeze %dma_wait3A_418 : memref<1x128x128xf32, #tpu.memory_space<vmem>> -> memref<128x128xf32, #tpu.memory_space<vmem>>
      %dma_wait3A_420 = arith.constant 0 : i32
      %dma_wait3A_421 = tpu.memref_slice %arg8[%add3A_414, %dma_wait3A_420] : memref<42x128xi32, #tpu.memory_space<vmem>> -> memref<1x128xi32, #tpu.memory_space<vmem>>
      %dma_wait3A_422 = tpu.memref_squeeze %dma_wait3A_421 : memref<1x128xi32, #tpu.memory_space<vmem>> -> memref<128xi32, #tpu.memory_space<vmem>>
      %dma_wait3A_423 = arith.constant 0 : i32
      %dma_wait3A_424 = arith.constant 0 : i32
      %dma_wait3A_425 = tpu.memref_slice %arg10[%dma_wait3A_423, %dma_wait3A_424] : memref<10112x128xf32, #tpu.memory_space<vmem_shared>> -> memref<10112x128xf32, #tpu.memory_space<vmem_shared>>
      tpu.wait_indirect_dma semaphore(%arg15 : memref<!tpu.dma_semaphore, #tpu.memory_space<semaphore_mem>>) src(%dma_wait3A_419 : memref<128x128xf32, #tpu.memory_space<vmem>>) dst(%dma_wait3A_425 : memref<10112x128xf32, #tpu.memory_space<vmem_shared>>)
      %dma_start3A_426 = arith.constant 0 : i32
      %dma_start3A_427 = arith.constant 0 : i32
      %dma_start3A_428 = arith.constant 0 : i32
      %dma_start3A_429 = arith.constant 0 : i32
      %dma_start3A_430 = arith.constant 0 : i32
      %dma_start3A_431 = tpu.memref_slice %arg9[%dma_start3A_428, %dma_start3A_429, %dma_start3A_430] : memref<2x128x128xf32, #tpu.memory_space<vmem>> -> memref<1x128x128xf32, #tpu.memory_space<vmem>>
      %dma_start3A_432 = tpu.memref_squeeze %dma_start3A_431 : memref<1x128x128xf32, #tpu.memory_space<vmem>> -> memref<128x128xf32, #tpu.memory_space<vmem>>
      %dma_start3A_433 = arith.constant 0 : i32
      %dma_start3A_434 = tpu.memref_slice %arg7[%dma_start3A_426, %dma_start3A_427, %dma_start3A_433] : memref<2x2x128xi32, #tpu.memory_space<vmem>> -> memref<1x1x128xi32, #tpu.memory_space<vmem>>
      %dma_start3A_435 = tpu.memref_squeeze %dma_start3A_434 : memref<1x1x128xi32, #tpu.memory_space<vmem>> -> memref<128xi32, #tpu.memory_space<vmem>>
      %dma_start3A_436 = arith.constant 0 : i32
      %dma_start3A_437 = arith.constant 0 : i32
      %dma_start3A_438 = tpu.memref_slice %arg2[%dma_start3A_436, %dma_start3A_437] : memref<10000x128xf32, #tpu.memory_space<hbm>> -> memref<10000x128xf32, #tpu.memory_space<hbm>>
      tpu.enqueue_indirect_dma source(%dma_start3A_438 : memref<10000x128xf32, #tpu.memory_space<hbm>>) target(%dma_start3A_432 : memref<128x128xf32, #tpu.memory_space<vmem>>) offsets(%dma_start3A_435 : memref<128xi32, #tpu.memory_space<vmem>>) semaphore(%arg13 : memref<!tpu.dma_semaphore, #tpu.memory_space<semaphore_mem>>)
      %mul3A_439 = arith.constant 2 : i32
      %mul3A_440 = arith.muli %add3A_329, %mul3A_439 : i32
      %add3A_441 = arith.constant 1 : i32
      %add3A_442 = arith.addi %mul3A_440, %add3A_441 : i32
      %dma_wait3A_443 = arith.constant 1 : i32
      %dma_wait3A_444 = arith.constant 0 : i32
      %dma_wait3A_445 = arith.constant 0 : i32
      %dma_wait3A_446 = tpu.memref_slice %arg9[%dma_wait3A_443, %dma_wait3A_444, %dma_wait3A_445] : memref<2x128x128xf32, #tpu.memory_space<vmem>> -> memref<1x128x128xf32, #tpu.memory_space<vmem>>
      %dma_wait3A_447 = tpu.memref_squeeze %dma_wait3A_446 : memref<1x128x128xf32, #tpu.memory_space<vmem>> -> memref<128x128xf32, #tpu.memory_space<vmem>>
      %dma_wait3A_448 = arith.constant 0 : i32
      %dma_wait3A_449 = tpu.memref_slice %arg8[%add3A_442, %dma_wait3A_448] : memref<42x128xi32, #tpu.memory_space<vmem>> -> memref<1x128xi32, #tpu.memory_space<vmem>>
      %dma_wait3A_450 = tpu.memref_squeeze %dma_wait3A_449 : memref<1x128xi32, #tpu.memory_space<vmem>> -> memref<128xi32, #tpu.memory_space<vmem>>
      %dma_wait3A_451 = arith.constant 0 : i32
      %dma_wait3A_452 = arith.constant 0 : i32
      %dma_wait3A_453 = tpu.memref_slice %arg10[%dma_wait3A_451, %dma_wait3A_452] : memref<10112x128xf32, #tpu.memory_space<vmem_shared>> -> memref<10112x128xf32, #tpu.memory_space<vmem_shared>>
      tpu.wait_indirect_dma semaphore(%arg16 : memref<!tpu.dma_semaphore, #tpu.memory_space<semaphore_mem>>) src(%dma_wait3A_447 : memref<128x128xf32, #tpu.memory_space<vmem>>) dst(%dma_wait3A_453 : memref<10112x128xf32, #tpu.memory_space<vmem_shared>>)
      %dma_start3A_454 = arith.constant 0 : i32
      %dma_start3A_455 = arith.constant 1 : i32
      %dma_start3A_456 = arith.constant 1 : i32
      %dma_start3A_457 = arith.constant 0 : i32
      %dma_start3A_458 = arith.constant 0 : i32
      %dma_start3A_459 = tpu.memref_slice %arg9[%dma_start3A_456, %dma_start3A_457, %dma_start3A_458] : memref<2x128x128xf32, #tpu.memory_space<vmem>> -> memref<1x128x128xf32, #tpu.memory_space<vmem>>
      %dma_start3A_460 = tpu.memref_squeeze %dma_start3A_459 : memref<1x128x128xf32, #tpu.memory_space<vmem>> -> memref<128x128xf32, #tpu.memory_space<vmem>>
      %dma_start3A_461 = arith.constant 0 : i32
      %dma_start3A_462 = tpu.memref_slice %arg7[%dma_start3A_454, %dma_start3A_455, %dma_start3A_461] : memref<2x2x128xi32, #tpu.memory_space<vmem>> -> memref<1x1x128xi32, #tpu.memory_space<vmem>>
      %dma_start3A_463 = tpu.memref_squeeze %dma_start3A_462 : memref<1x1x128xi32, #tpu.memory_space<vmem>> -> memref<128xi32, #tpu.memory_space<vmem>>
      %dma_start3A_464 = arith.constant 0 : i32
      %dma_start3A_465 = arith.constant 0 : i32
      %dma_start3A_466 = tpu.memref_slice %arg2[%dma_start3A_464, %dma_start3A_465] : memref<10000x128xf32, #tpu.memory_space<hbm>> -> memref<10000x128xf32, #tpu.memory_space<hbm>>
      tpu.enqueue_indirect_dma source(%dma_start3A_466 : memref<10000x128xf32, #tpu.memory_space<hbm>>) target(%dma_start3A_460 : memref<128x128xf32, #tpu.memory_space<vmem>>) offsets(%dma_start3A_463 : memref<128xi32, #tpu.memory_space<vmem>>) semaphore(%arg14 : memref<!tpu.dma_semaphore, #tpu.memory_space<semaphore_mem>>)
      %add3A_467 = arith.constant 2 : i32
      %add3A_468 = arith.addi %add3A_329, %add3A_467 : i32
      %lt3A_469 = arith.constant 21 : i32
      %lt3A_470 = arith.cmpi slt, %add3A_468, %lt3A_469 : i32
      %convert_element_type3A_471 = arith.extui %lt3A_470 : i1 to i32
      %cond3A_472 = arith.constant 0 : i32
      %cond3A_473 = arith.cmpi ne, %convert_element_type3A_471, %cond3A_472 : i32
      scf.if %cond3A_473 {
        %add3A_474 = arith.constant 2 : i32
        %add3A_475 = arith.addi %add3A_329, %add3A_474 : i32
        %mul3A_476 = arith.constant 2 : i32
        %mul3A_477 = arith.muli %add3A_475, %mul3A_476 : i32
        %dma_start3A_478 = arith.constant 1 : i32
        %dma_start3A_479 = arith.constant 0 : i32
        %dma_start3A_480 = arith.constant 0 : i32
        %dma_start3A_481 = tpu.memref_slice %arg7[%dma_start3A_478, %dma_start3A_479, %dma_start3A_480] : memref<2x2x128xi32, #tpu.memory_space<vmem>> -> memref<1x2x128xi32, #tpu.memory_space<vmem>>
        %dma_start3A_482 = tpu.memref_squeeze %dma_start3A_481 : memref<1x2x128xi32, #tpu.memory_space<vmem>> -> memref<2x128xi32, #tpu.memory_space<vmem>>
        %dma_start3A_483 = arith.constant 0 : i32
        %dma_start3A_484 = arith.constant 0 : i32
        %dma_start3A_485 = tpu.memref_slice %arg3[%add3A, %dma_start3A_483, %dma_start3A_484] : memref<32x42x128xi32, #tpu.memory_space<hbm>> -> memref<1x42x128xi32, #tpu.memory_space<hbm>>
        %dma_start3A_486 = tpu.memref_squeeze %dma_start3A_485 : memref<1x42x128xi32, #tpu.memory_space<hbm>> -> memref<42x128xi32, #tpu.memory_space<hbm>>
        %dma_start3A_487 = arith.constant 0 : i32
        %dma_start3A_488 = tpu.memref_slice %dma_start3A_486[%mul3A_477, %dma_start3A_487] : memref<42x128xi32, #tpu.memory_space<hbm>> -> memref<2x128xi32, #tpu.memory_space<hbm>>
        %dma_start3A_489 = arith.constant 0 : i32
        %dma_start3A_490 = arith.constant 0 : i32
        %dma_start3A_491 = tpu.memref_slice %arg7[%dma_start3A_478, %dma_start3A_489, %dma_start3A_490] : memref<2x2x128xi32, #tpu.memory_space<vmem>> -> memref<1x2x128xi32, #tpu.memory_space<vmem>>
        %dma_start3A_492 = tpu.memref_squeeze %dma_start3A_491 : memref<1x2x128xi32, #tpu.memory_space<vmem>> -> memref<2x128xi32, #tpu.memory_space<vmem>>
        %dma_start3A_493 = arith.constant 0 : i32
        %dma_start3A_494 = arith.constant 0 : i32
        %dma_start3A_495 = tpu.memref_slice %arg3[%add3A, %dma_start3A_493, %dma_start3A_494] : memref<32x42x128xi32, #tpu.memory_space<hbm>> -> memref<1x42x128xi32, #tpu.memory_space<hbm>>
        %dma_start3A_496 = tpu.memref_squeeze %dma_start3A_495 : memref<1x42x128xi32, #tpu.memory_space<hbm>> -> memref<42x128xi32, #tpu.memory_space<hbm>>
        %dma_start3A_497 = arith.constant 0 : i32
        %dma_start3A_498 = tpu.memref_slice %dma_start3A_496[%mul3A_477, %dma_start3A_497] : memref<42x128xi32, #tpu.memory_space<hbm>> -> memref<2x128xi32, #tpu.memory_space<hbm>>
        tpu.enqueue_dma source(%dma_start3A_498 : memref<2x128xi32, #tpu.memory_space<hbm>>) target(%dma_start3A_492 : memref<2x128xi32, #tpu.memory_space<vmem>>) target_semaphore(%arg12 : memref<!tpu.dma_semaphore, #tpu.memory_space<semaphore_mem>>)
      } else {
      }
    }
    %scan3A_102 = arith.constant 10 : i32
    %dma_wait3A_103 = arith.constant 0 : i32
    %dma_wait3A_104 = arith.constant 0 : i32
    %dma_wait3A_105 = arith.constant 0 : i32
    %dma_wait3A_106 = arith.constant 0 : i32
    %dma_wait3A_107 = arith.constant 0 : i32
    %dma_wait3A_108 = tpu.memref_slice %arg9[%dma_wait3A_105, %dma_wait3A_106, %dma_wait3A_107] : memref<2x128x128xf32, #tpu.memory_space<vmem>> -> memref<1x128x128xf32, #tpu.memory_space<vmem>>
    %dma_wait3A_109 = tpu.memref_squeeze %dma_wait3A_108 : memref<1x128x128xf32, #tpu.memory_space<vmem>> -> memref<128x128xf32, #tpu.memory_space<vmem>>
    %dma_wait3A_110 = arith.constant 0 : i32
    %dma_wait3A_111 = tpu.memref_slice %arg7[%dma_wait3A_103, %dma_wait3A_104, %dma_wait3A_110] : memref<2x2x128xi32, #tpu.memory_space<vmem>> -> memref<1x1x128xi32, #tpu.memory_space<vmem>>
    %dma_wait3A_112 = tpu.memref_squeeze %dma_wait3A_111 : memref<1x1x128xi32, #tpu.memory_space<vmem>> -> memref<128xi32, #tpu.memory_space<vmem>>
    %dma_wait3A_113 = arith.constant 0 : i32
    %dma_wait3A_114 = arith.constant 0 : i32
    %dma_wait3A_115 = tpu.memref_slice %arg2[%dma_wait3A_113, %dma_wait3A_114] : memref<10000x128xf32, #tpu.memory_space<hbm>> -> memref<10000x128xf32, #tpu.memory_space<hbm>>
    tpu.wait_indirect_dma semaphore(%arg13 : memref<!tpu.dma_semaphore, #tpu.memory_space<semaphore_mem>>) src(%dma_wait3A_115 : memref<10000x128xf32, #tpu.memory_space<hbm>>) dst(%dma_wait3A_109 : memref<128x128xf32, #tpu.memory_space<vmem>>)
    %dma_start3A_116 = arith.constant 0 : i32
    %dma_start3A_117 = arith.constant 40 : i32
    %dma_start3A_118 = arith.constant 0 : i32
    %dma_start3A_119 = arith.constant 0 : i32
    %dma_start3A_120 = tpu.memref_slice %arg9[%dma_start3A_116, %dma_start3A_118, %dma_start3A_119] : memref<2x128x128xf32, #tpu.memory_space<vmem>> -> memref<1x128x128xf32, #tpu.memory_space<vmem>>
    %dma_start3A_121 = tpu.memref_squeeze %dma_start3A_120 : memref<1x128x128xf32, #tpu.memory_space<vmem>> -> memref<128x128xf32, #tpu.memory_space<vmem>>
    %dma_start3A_122 = arith.constant 0 : i32
    %dma_start3A_123 = tpu.memref_slice %arg8[%dma_start3A_117, %dma_start3A_122] : memref<42x128xi32, #tpu.memory_space<vmem>> -> memref<1x128xi32, #tpu.memory_space<vmem>>
    %dma_start3A_124 = tpu.memref_squeeze %dma_start3A_123 : memref<1x128xi32, #tpu.memory_space<vmem>> -> memref<128xi32, #tpu.memory_space<vmem>>
    %dma_start3A_125 = arith.constant 0 : i32
    %dma_start3A_126 = arith.constant 0 : i32
    %dma_start3A_127 = tpu.memref_slice %arg10[%dma_start3A_125, %dma_start3A_126] : memref<10112x128xf32, #tpu.memory_space<vmem_shared>> -> memref<10112x128xf32, #tpu.memory_space<vmem_shared>>
    tpu.enqueue_indirect_dma source(%dma_start3A_121 : memref<128x128xf32, #tpu.memory_space<vmem>>) target(%dma_start3A_127 : memref<10112x128xf32, #tpu.memory_space<vmem_shared>>) offsets(%dma_start3A_124 : memref<128xi32, #tpu.memory_space<vmem>>) semaphore(%arg15 : memref<!tpu.dma_semaphore, #tpu.memory_space<semaphore_mem>>) {add = true}
    %dma_wait3A_128 = arith.constant 0 : i32
    %dma_wait3A_129 = arith.constant 1 : i32
    %dma_wait3A_130 = arith.constant 1 : i32
    %dma_wait3A_131 = arith.constant 0 : i32
    %dma_wait3A_132 = arith.constant 0 : i32
    %dma_wait3A_133 = tpu.memref_slice %arg9[%dma_wait3A_130, %dma_wait3A_131, %dma_wait3A_132] : memref<2x128x128xf32, #tpu.memory_space<vmem>> -> memref<1x128x128xf32, #tpu.memory_space<vmem>>
    %dma_wait3A_134 = tpu.memref_squeeze %dma_wait3A_133 : memref<1x128x128xf32, #tpu.memory_space<vmem>> -> memref<128x128xf32, #tpu.memory_space<vmem>>
    %dma_wait3A_135 = arith.constant 0 : i32
    %dma_wait3A_136 = tpu.memref_slice %arg7[%dma_wait3A_128, %dma_wait3A_129, %dma_wait3A_135] : memref<2x2x128xi32, #tpu.memory_space<vmem>> -> memref<1x1x128xi32, #tpu.memory_space<vmem>>
    %dma_wait3A_137 = tpu.memref_squeeze %dma_wait3A_136 : memref<1x1x128xi32, #tpu.memory_space<vmem>> -> memref<128xi32, #tpu.memory_space<vmem>>
    %dma_wait3A_138 = arith.constant 0 : i32
    %dma_wait3A_139 = arith.constant 0 : i32
    %dma_wait3A_140 = tpu.memref_slice %arg2[%dma_wait3A_138, %dma_wait3A_139] : memref<10000x128xf32, #tpu.memory_space<hbm>> -> memref<10000x128xf32, #tpu.memory_space<hbm>>
    tpu.wait_indirect_dma semaphore(%arg14 : memref<!tpu.dma_semaphore, #tpu.memory_space<semaphore_mem>>) src(%dma_wait3A_140 : memref<10000x128xf32, #tpu.memory_space<hbm>>) dst(%dma_wait3A_134 : memref<128x128xf32, #tpu.memory_space<vmem>>)
    %dma_start3A_141 = arith.constant 1 : i32
    %dma_start3A_142 = arith.constant 41 : i32
    %dma_start3A_143 = arith.constant 0 : i32
    %dma_start3A_144 = arith.constant 0 : i32
    %dma_start3A_145 = tpu.memref_slice %arg9[%dma_start3A_141, %dma_start3A_143, %dma_start3A_144] : memref<2x128x128xf32, #tpu.memory_space<vmem>> -> memref<1x128x128xf32, #tpu.memory_space<vmem>>
    %dma_start3A_146 = tpu.memref_squeeze %dma_start3A_145 : memref<1x128x128xf32, #tpu.memory_space<vmem>> -> memref<128x128xf32, #tpu.memory_space<vmem>>
    %dma_start3A_147 = arith.constant 0 : i32
    %dma_start3A_148 = tpu.memref_slice %arg8[%dma_start3A_142, %dma_start3A_147] : memref<42x128xi32, #tpu.memory_space<vmem>> -> memref<1x128xi32, #tpu.memory_space<vmem>>
    %dma_start3A_149 = tpu.memref_squeeze %dma_start3A_148 : memref<1x128xi32, #tpu.memory_space<vmem>> -> memref<128xi32, #tpu.memory_space<vmem>>
    %dma_start3A_150 = arith.constant 0 : i32
    %dma_start3A_151 = arith.constant 0 : i32
    %dma_start3A_152 = tpu.memref_slice %arg10[%dma_start3A_150, %dma_start3A_151] : memref<10112x128xf32, #tpu.memory_space<vmem_shared>> -> memref<10112x128xf32, #tpu.memory_space<vmem_shared>>
    tpu.enqueue_indirect_dma source(%dma_start3A_146 : memref<128x128xf32, #tpu.memory_space<vmem>>) target(%dma_start3A_152 : memref<10112x128xf32, #tpu.memory_space<vmem_shared>>) offsets(%dma_start3A_149 : memref<128xi32, #tpu.memory_space<vmem>>) semaphore(%arg16 : memref<!tpu.dma_semaphore, #tpu.memory_space<semaphore_mem>>) {add = true}
    %dma_wait3A_153 = arith.constant 0 : i32
    %dma_wait3A_154 = arith.constant 40 : i32
    %dma_wait3A_155 = arith.constant 0 : i32
    %dma_wait3A_156 = arith.constant 0 : i32
    %dma_wait3A_157 = tpu.memref_slice %arg9[%dma_wait3A_153, %dma_wait3A_155, %dma_wait3A_156] : memref<2x128x128xf32, #tpu.memory_space<vmem>> -> memref<1x128x128xf32, #tpu.memory_space<vmem>>
    %dma_wait3A_158 = tpu.memref_squeeze %dma_wait3A_157 : memref<1x128x128xf32, #tpu.memory_space<vmem>> -> memref<128x128xf32, #tpu.memory_space<vmem>>
    %dma_wait3A_159 = arith.constant 0 : i32
    %dma_wait3A_160 = tpu.memref_slice %arg8[%dma_wait3A_154, %dma_wait3A_159] : memref<42x128xi32, #tpu.memory_space<vmem>> -> memref<1x128xi32, #tpu.memory_space<vmem>>
    %dma_wait3A_161 = tpu.memref_squeeze %dma_wait3A_160 : memref<1x128xi32, #tpu.memory_space<vmem>> -> memref<128xi32, #tpu.memory_space<vmem>>
    %dma_wait3A_162 = arith.constant 0 : i32
    %dma_wait3A_163 = arith.constant 0 : i32
    %dma_wait3A_164 = tpu.memref_slice %arg10[%dma_wait3A_162, %dma_wait3A_163] : memref<10112x128xf32, #tpu.memory_space<vmem_shared>> -> memref<10112x128xf32, #tpu.memory_space<vmem_shared>>
    tpu.wait_indirect_dma semaphore(%arg15 : memref<!tpu.dma_semaphore, #tpu.memory_space<semaphore_mem>>) src(%dma_wait3A_158 : memref<128x128xf32, #tpu.memory_space<vmem>>) dst(%dma_wait3A_164 : memref<10112x128xf32, #tpu.memory_space<vmem_shared>>)
    %dma_wait3A_165 = arith.constant 1 : i32
    %dma_wait3A_166 = arith.constant 41 : i32
    %dma_wait3A_167 = arith.constant 0 : i32
    %dma_wait3A_168 = arith.constant 0 : i32
    %dma_wait3A_169 = tpu.memref_slice %arg9[%dma_wait3A_165, %dma_wait3A_167, %dma_wait3A_168] : memref<2x128x128xf32, #tpu.memory_space<vmem>> -> memref<1x128x128xf32, #tpu.memory_space<vmem>>
    %dma_wait3A_170 = tpu.memref_squeeze %dma_wait3A_169 : memref<1x128x128xf32, #tpu.memory_space<vmem>> -> memref<128x128xf32, #tpu.memory_space<vmem>>
    %dma_wait3A_171 = arith.constant 0 : i32
    %dma_wait3A_172 = tpu.memref_slice %arg8[%dma_wait3A_166, %dma_wait3A_171] : memref<42x128xi32, #tpu.memory_space<vmem>> -> memref<1x128xi32, #tpu.memory_space<vmem>>
    %dma_wait3A_173 = tpu.memref_squeeze %dma_wait3A_172 : memref<1x128xi32, #tpu.memory_space<vmem>> -> memref<128xi32, #tpu.memory_space<vmem>>
    %dma_wait3A_174 = arith.constant 0 : i32
    %dma_wait3A_175 = arith.constant 0 : i32
    %dma_wait3A_176 = tpu.memref_slice %arg10[%dma_wait3A_174, %dma_wait3A_175] : memref<10112x128xf32, #tpu.memory_space<vmem_shared>> -> memref<10112x128xf32, #tpu.memory_space<vmem_shared>>
    tpu.wait_indirect_dma semaphore(%arg16 : memref<!tpu.dma_semaphore, #tpu.memory_space<semaphore_mem>>) src(%dma_wait3A_170 : memref<128x128xf32, #tpu.memory_space<vmem>>) dst(%dma_wait3A_176 : memref<10112x128xf32, #tpu.memory_space<vmem_shared>>)
    %barrier3A_177 = arith.constant 0 : index
    tpu.barrier barrier_id(%barrier3A_177)
    %mul3A_178 = arith.constant 632 : i32
    %mul3A_179 = arith.muli %arg1, %mul3A_178 : i32
    %mul3A_180 = arith.constant 632 : i32
    %mul3A_181 = arith.muli %arg1, %mul3A_180 : i32
    "tpu.region"() ({
      %run_scoped3A = tpu.sem_alloc : memref<!tpu.dma_semaphore, #tpu.memory_space<semaphore_mem>>
      %dma_start3A_182 = arith.constant 0 : i32
      %dma_start3A_183 = tpu.memref_slice %arg6[%arg0, %mul3A_181, %dma_start3A_182] : memref<2x10112x128xf32, #tpu.memory_space<hbm>> -> memref<1x632x128xf32, #tpu.memory_space<hbm>>
      %dma_start3A_184 = tpu.memref_squeeze %dma_start3A_183 : memref<1x632x128xf32, #tpu.memory_space<hbm>> -> memref<632x128xf32, #tpu.memory_space<hbm>>
      %dma_start3A_185 = arith.constant 0 : i32
      %dma_start3A_186 = tpu.memref_slice %arg10[%mul3A_179, %dma_start3A_185] : memref<10112x128xf32, #tpu.memory_space<vmem_shared>> -> memref<632x128xf32, #tpu.memory_space<vmem_shared>>
      tpu.enqueue_dma source(%dma_start3A_186 : memref<632x128xf32, #tpu.memory_space<vmem_shared>>) target(%dma_start3A_184 : memref<632x128xf32, #tpu.memory_space<hbm>>) target_semaphore(%run_scoped3A : memref<!tpu.dma_semaphore, #tpu.memory_space<semaphore_mem>>)
      %dma_wait3A_187 = arith.constant 0 : i32
      %dma_wait3A_188 = tpu.memref_slice %arg6[%arg0, %mul3A_181, %dma_wait3A_187] : memref<2x10112x128xf32, #tpu.memory_space<hbm>> -> memref<1x632x128xf32, #tpu.memory_space<hbm>>
      %dma_wait3A_189 = tpu.memref_squeeze %dma_wait3A_188 : memref<1x632x128xf32, #tpu.memory_space<hbm>> -> memref<632x128xf32, #tpu.memory_space<hbm>>
      %dma_wait3A_190 = arith.constant 0 : i32
      %dma_wait3A_191 = tpu.memref_slice %arg10[%mul3A_179, %dma_wait3A_190] : memref<10112x128xf32, #tpu.memory_space<vmem_shared>> -> memref<632x128xf32, #tpu.memory_space<vmem_shared>>
      tpu.wait_dma2 semaphore(%run_scoped3A : memref<!tpu.dma_semaphore, #tpu.memory_space<semaphore_mem>>) src(%dma_wait3A_191 : memref<632x128xf32, #tpu.memory_space<vmem_shared>>) dst(%dma_wait3A_189 : memref<632x128xf32, #tpu.memory_space<hbm>>)
      tpu.yield
    }) : () -> ()
    return
  }
}

module attributes {stable_mosaic.version = 14 : i64} {
  func.func @body(%arg0: i32, %arg1: memref<1000x256xf32, #tpu.memory_space<vmem>>, %arg2: memref<1000x8xf32, #tpu.memory_space<vmem>>, %arg3: memref<1000x256xf32, #tpu.memory_space<vmem>>, %arg4: memref<1000x8xf32, #tpu.memory_space<vmem>>) attributes {dimension_semantics = [#tpu.dimension_semantics<arbitrary>], iteration_bounds = array<i64: 10>, scalar_prefetch = 0 : i64, scratch_operands = 0 : i64, tpu.core_type = #tpu.core_type<tc>, window_params = [{transform_indices = @transform_0, window_bounds = array<i64: 1000, 256>}, {transform_indices = @transform_1, window_bounds = array<i64: 1000, 8>}, {transform_indices = @transform_2, window_bounds = array<i64: 1000, 256>}, {transform_indices = @transform_3, window_bounds = array<i64: 1000, 8>}]} {
    %get3A = arith.constant 0 : index
    %get3A_0 = arith.constant 0 : index
    %get3A_1 = vector.load %arg2[%get3A, %get3A_0] : memref<1000x8xf32, #tpu.memory_space<vmem>>, vector<1000x8xf32>
    %rsqrt3A = math.rsqrt %get3A_1 : vector<1000x8xf32>
    %get3A_2 = arith.constant 0 : index
    %get3A_3 = arith.constant 0 : index
    %get3A_4 = vector.load %arg1[%get3A_2, %get3A_3] : memref<1000x256xf32, #tpu.memory_space<vmem>>, vector<1000x256xf32>
    %slice3A = vector.extract_strided_slice %rsqrt3A {offsets = [0, 0], sizes = [1000, 1], strides = [1, 1]} : vector<1000x8xf32> to vector<1000x1xf32>
    %mul3A = vector.broadcast %slice3A : vector<1000x1xf32> to vector<1000x256xf32>
    %mul3A_5 = arith.mulf %get3A_4, %mul3A : vector<1000x256xf32>
    %swap3A = arith.constant 0 : index
    %swap3A_6 = arith.constant 0 : index
    %swap3A_7 = vector.load %arg3[%swap3A, %swap3A_6] : memref<1000x256xf32, #tpu.memory_space<vmem>>, vector<1000x256xf32>
    tpu.vector_store %arg3[%swap3A, %swap3A_6], %mul3A_5 {strides = array<i32>} : memref<1000x256xf32, #tpu.memory_space<vmem>>, vector<1000x256xf32>,
    %swap3A_8 = arith.constant 0 : index
    %swap3A_9 = arith.constant 0 : index
    %swap3A_10 = vector.load %arg4[%swap3A_8, %swap3A_9] : memref<1000x8xf32, #tpu.memory_space<vmem>>, vector<1000x8xf32>
    tpu.vector_store %arg4[%swap3A_8, %swap3A_9], %rsqrt3A {strides = array<i32>} : memref<1000x8xf32, #tpu.memory_space<vmem>>, vector<1000x8xf32>,
    return
  }
  func.func @transform_0(%arg0: i32) -> (i32, i32) {
    %c0_i32 = arith.constant 0 : i32
    %c0_i32_0 = arith.constant 0 : i32
    return %arg0, %c0_i32 : i32, i32
  }
  func.func @transform_1(%arg0: i32) -> (i32, i32) {
    %c0_i32 = arith.constant 0 : i32
    %c0_i32_0 = arith.constant 0 : i32
    return %arg0, %c0_i32 : i32, i32
  }
  func.func @transform_2(%arg0: i32) -> (i32, i32) {
    %c0_i32 = arith.constant 0 : i32
    %c0_i32_0 = arith.constant 0 : i32
    return %arg0, %c0_i32 : i32, i32
  }
  func.func @transform_3(%arg0: i32) -> (i32, i32) {
    %c0_i32 = arith.constant 0 : i32
    %c0_i32_0 = arith.constant 0 : i32
    return %arg0, %c0_i32 : i32, i32
  }
}

module attributes {stable_mosaic.version = 14 : i64} {
  func.func @body(%arg0: i32, %arg1: memref<1000x256xf32, #tpu.memory_space<vmem>>, %arg2: memref<256x512xf32, #tpu.memory_space<vmem>>, %arg3: memref<1x512xf32, #tpu.memory_space<vmem>>, %arg4: memref<1000x1xf32, #tpu.memory_space<vmem>>, %arg5: memref<2x1000x1xf32, #tpu.memory_space<vmem>>, %arg6: memref<1x1xf32, #tpu.memory_space<vmem>>, %arg7: memref<1000x512xf32, #tpu.memory_space<vmem>>) attributes {dimension_semantics = [#tpu.dimension_semantics<arbitrary>], iteration_bounds = array<i64: 10>, scalar_prefetch = 0 : i64, scratch_operands = 0 : i64, tpu.core_type = #tpu.core_type<tc>, window_params = [{transform_indices = @transform_0, window_bounds = array<i64: 1000, 256>}, {pipeline_mode = #tpu.pipeline_mode<synchronous>, transform_indices = @transform_1, window_bounds = array<i64: 256, 512>}, {pipeline_mode = #tpu.pipeline_mode<synchronous>, transform_indices = @transform_2, window_bounds = array<i64: 1, 512>}, {transform_indices = @transform_3, window_bounds = array<i64: 1000, 1>}, {transform_indices = @transform_4, window_bounds = array<i64: 2, 1000, 1>}, {pipeline_mode = #tpu.pipeline_mode<synchronous>, transform_indices = @transform_5, window_bounds = array<i64: 1, 1>}, {transform_indices = @transform_6, window_bounds = array<i64: 1000, 512>}]} {
    %get3A = arith.constant 0 : index
    %get3A_0 = arith.constant 0 : index
    %get3A_1 = vector.load %arg4[%get3A, %get3A_0] : memref<1000x1xf32, #tpu.memory_space<vmem>>, vector<1000x1xf32>
    %pow3A = arith.constant -1.500000e+00 : f32
    %pow3A_2 = vector.broadcast %pow3A : f32 to vector<1000x1xf32>
    %pow3A_3 = math.powf %get3A_1, %pow3A_2 : vector<1000x1xf32>
    %get3A_4 = arith.constant 0 : index
    %get3A_5 = arith.constant 0 : index
    %get3A_6 = vector.load %arg1[%get3A_4, %get3A_5] : memref<1000x256xf32, #tpu.memory_space<vmem>>, vector<1000x256xf32>
    %mul3A = vector.broadcast %pow3A_3 : vector<1000x1xf32> to vector<1000x256xf32>
    %mul3A_7 = arith.mulf %get3A_6, %mul3A : vector<1000x256xf32>
    %get3A_8 = arith.constant 0 : index
    %get3A_9 = arith.constant 0 : index
    %get3A_10 = vector.load %arg2[%get3A_8, %get3A_9] : memref<256x512xf32, #tpu.memory_space<vmem>>, vector<256x512xf32>
    %dot_general3A = arith.constant dense<0.000000e+00> : vector<1000x512xf32>
    %dot_general3A_11 = tpu.matmul %mul3A_7, %get3A_10, %dot_general3A {dimension_numbers = #tpu.dot_dimension_numbers<[1], [0], [0], [1], [0, 0, 1, 1], [], []>, transpose_lhs_hint = false} : vector<1000x256xf32>, vector<256x512xf32>, vector<1000x512xf32> -> vector<1000x512xf32>
    %get3A_12 = arith.constant 0 : index
    %get3A_13 = arith.constant 0 : index
    %get3A_14 = arith.constant 0 : index
    %get3A_15 = vector.load %arg5[%get3A_12, %get3A_13, %get3A_14] : memref<2x1000x1xf32, #tpu.memory_space<vmem>>, vector<1x1000x1xf32>
    %get3A_16 = vector.shape_cast %get3A_15 : vector<1x1000x1xf32> to vector<1000x1xf32>
    %get3A_17 = arith.constant 1 : index
    %get3A_18 = arith.constant 0 : index
    %get3A_19 = arith.constant 0 : index
    %get3A_20 = vector.load %arg5[%get3A_17, %get3A_18, %get3A_19] : memref<2x1000x1xf32, #tpu.memory_space<vmem>>, vector<1x1000x1xf32>
    %get3A_21 = vector.shape_cast %get3A_20 : vector<1x1000x1xf32> to vector<1000x1xf32>
    %add3A = arith.addf %get3A_16, %get3A_21 : vector<1000x1xf32>
    %mul3A_22 = arith.mulf %add3A, %pow3A_3 : vector<1000x1xf32>
    %get3A_23 = arith.constant 0 : index
    %get3A_24 = arith.constant 0 : index
    %get3A_25 = vector.load %arg3[%get3A_23, %get3A_24] : memref<1x512xf32, #tpu.memory_space<vmem>>, vector<1x512xf32>
    %mul3A_26 = vector.broadcast %mul3A_22 : vector<1000x1xf32> to vector<1000x512xf32>
    %mul3A_27 = vector.broadcast %get3A_25 : vector<1x512xf32> to vector<1000x512xf32>
    %mul3A_28 = arith.mulf %mul3A_26, %mul3A_27 : vector<1000x512xf32>
    %add3A_29 = arith.addf %dot_general3A_11, %mul3A_28 : vector<1000x512xf32>
    %get3A_30 = arith.constant 0 : index
    %get3A_31 = arith.constant 0 : index
    %get3A_32 = vector.load %arg6[%get3A_30, %get3A_31] : memref<1x1xf32, #tpu.memory_space<vmem>>, vector<1x1xf32>
    %get3A_33 = vector.extract %get3A_32[0, 0] : f32 from vector<1x1xf32>
    %ge3A = arith.constant 0.000000e+00 : f32
    %ge3A_34 = vector.broadcast %ge3A : f32 to vector<1000x512xf32>
    %ge3A_35 = arith.cmpf oge, %add3A_29, %ge3A_34 : vector<1000x512xf32>
    %mul3A_36 = vector.broadcast %get3A_33 : f32 to vector<1000x512xf32>
    %mul3A_37 = arith.mulf %mul3A_36, %add3A_29 : vector<1000x512xf32>
    %select_n3A = arith.select %ge3A_35, %add3A_29, %mul3A_37 : vector<1000x512xi1>, vector<1000x512xf32>
    %swap3A = arith.constant 0 : index
    %swap3A_38 = arith.constant 0 : index
    %swap3A_39 = vector.load %arg7[%swap3A, %swap3A_38] : memref<1000x512xf32, #tpu.memory_space<vmem>>, vector<1000x512xf32>
    tpu.vector_store %arg7[%swap3A, %swap3A_38], %select_n3A {strides = array<i32>} : memref<1000x512xf32, #tpu.memory_space<vmem>>, vector<1000x512xf32>,
    return
  }
  func.func @transform_0(%arg0: i32) -> (i32, i32) {
    %c0_i32 = arith.constant 0 : i32
    %c0_i32_0 = arith.constant 0 : i32
    return %arg0, %c0_i32 : i32, i32
  }
  func.func @transform_1(%arg0: i32) -> (i32, i32) {
    %c0_i32 = arith.constant 0 : i32
    %c0_i32_0 = arith.constant 0 : i32
    %c0_i32_1 = arith.constant 0 : i32
    return %c0_i32, %c0_i32_0 : i32, i32
  }
  func.func @transform_2(%arg0: i32) -> (i32, i32) {
    %c0_i32 = arith.constant 0 : i32
    %c0_i32_0 = arith.constant 0 : i32
    %c0_i32_1 = arith.constant 0 : i32
    return %c0_i32, %c0_i32_0 : i32, i32
  }
  func.func @transform_3(%arg0: i32) -> (i32, i32) {
    %c0_i32 = arith.constant 0 : i32
    %c0_i32_0 = arith.constant 0 : i32
    return %arg0, %c0_i32 : i32, i32
  }
  func.func @transform_4(%arg0: i32) -> (i32, i32, i32) {
    %c0_i32 = arith.constant 0 : i32
    %c0_i32_0 = arith.constant 0 : i32
    %c0_i32_1 = arith.constant 0 : i32
    return %c0_i32, %arg0, %c0_i32_0 : i32, i32, i32
  }
  func.func @transform_5(%arg0: i32) -> (i32, i32) {
    %c0_i32 = arith.constant 0 : i32
    %c0_i32_0 = arith.constant 0 : i32
    %c0_i32_1 = arith.constant 0 : i32
    return %c0_i32, %c0_i32_0 : i32, i32
  }
  func.func @transform_6(%arg0: i32) -> (i32, i32) {
    %c0_i32 = arith.constant 0 : i32
    %c0_i32_0 = arith.constant 0 : i32
    return %arg0, %c0_i32 : i32, i32
  }
}

module attributes {stable_mosaic.version = 14 : i64} {
  func.func @body(%arg0: i32, %arg1: memref<1000x512xf32, #tpu.memory_space<vmem>>, %arg2: memref<512x512xf32, #tpu.memory_space<vmem>>, %arg3: memref<1x512xf32, #tpu.memory_space<vmem>>, %arg4: memref<1000x1xf32, #tpu.memory_space<vmem>>, %arg5: memref<1000x1xf32, #tpu.memory_space<vmem>>, %arg6: memref<1x1xf32, #tpu.memory_space<vmem>>, %arg7: memref<1000x512xf32, #tpu.memory_space<vmem>>) attributes {dimension_semantics = [#tpu.dimension_semantics<arbitrary>], iteration_bounds = array<i64: 10>, scalar_prefetch = 0 : i64, scratch_operands = 0 : i64, tpu.core_type = #tpu.core_type<tc>, window_params = [{transform_indices = @transform_0, window_bounds = array<i64: 1000, 512>}, {pipeline_mode = #tpu.pipeline_mode<synchronous>, transform_indices = @transform_1, window_bounds = array<i64: 512, 512>}, {pipeline_mode = #tpu.pipeline_mode<synchronous>, transform_indices = @transform_2, window_bounds = array<i64: 1, 512>}, {transform_indices = @transform_3, window_bounds = array<i64: 1000, 1>}, {transform_indices = @transform_4, window_bounds = array<i64: 1000, 1>}, {pipeline_mode = #tpu.pipeline_mode<synchronous>, transform_indices = @transform_5, window_bounds = array<i64: 1, 1>}, {transform_indices = @transform_6, window_bounds = array<i64: 1000, 512>}]} {
    %get3A = arith.constant 0 : index
    %get3A_0 = arith.constant 0 : index
    %get3A_1 = vector.load %arg1[%get3A, %get3A_0] : memref<1000x512xf32, #tpu.memory_space<vmem>>, vector<1000x512xf32>
    %get3A_2 = arith.constant 0 : index
    %get3A_3 = arith.constant 0 : index
    %get3A_4 = vector.load %arg2[%get3A_2, %get3A_3] : memref<512x512xf32, #tpu.memory_space<vmem>>, vector<512x512xf32>
    %dot_general3A = arith.constant dense<0.000000e+00> : vector<1000x512xf32>
    %dot_general3A_5 = tpu.matmul %get3A_1, %get3A_4, %dot_general3A {dimension_numbers = #tpu.dot_dimension_numbers<[1], [0], [0], [1], [0, 0, 1, 1], [], []>, transpose_lhs_hint = false} : vector<1000x512xf32>, vector<512x512xf32>, vector<1000x512xf32> -> vector<1000x512xf32>
    %get3A_6 = arith.constant 0 : index
    %get3A_7 = arith.constant 0 : index
    %get3A_8 = vector.load %arg3[%get3A_6, %get3A_7] : memref<1x512xf32, #tpu.memory_space<vmem>>, vector<1x512xf32>
    %add3A = vector.broadcast %get3A_8 : vector<1x512xf32> to vector<1000x512xf32>
    %add3A_9 = arith.addf %dot_general3A_5, %add3A : vector<1000x512xf32>
    %get3A_10 = arith.constant 0 : index
    %get3A_11 = arith.constant 0 : index
    %get3A_12 = vector.load %arg5[%get3A_10, %get3A_11] : memref<1000x1xf32, #tpu.memory_space<vmem>>, vector<1000x1xf32>
    %rsqrt3A = math.rsqrt %get3A_12 : vector<1000x1xf32>
    %mul3A = vector.broadcast %rsqrt3A : vector<1000x1xf32> to vector<1000x512xf32>
    %mul3A_13 = arith.mulf %add3A_9, %mul3A : vector<1000x512xf32>
    %swap3A = arith.constant 0 : index
    %swap3A_14 = arith.constant 0 : index
    %swap3A_15 = vector.load %arg7[%swap3A, %swap3A_14] : memref<1000x512xf32, #tpu.memory_space<vmem>>, vector<1000x512xf32>
    tpu.vector_store %arg7[%swap3A, %swap3A_14], %mul3A_13 {strides = array<i32>} : memref<1000x512xf32, #tpu.memory_space<vmem>>, vector<1000x512xf32>,
    return
  }
  func.func @transform_0(%arg0: i32) -> (i32, i32) {
    %c0_i32 = arith.constant 0 : i32
    %c0_i32_0 = arith.constant 0 : i32
    return %arg0, %c0_i32 : i32, i32
  }
  func.func @transform_1(%arg0: i32) -> (i32, i32) {
    %c0_i32 = arith.constant 0 : i32
    %c0_i32_0 = arith.constant 0 : i32
    %c0_i32_1 = arith.constant 0 : i32
    return %c0_i32, %c0_i32_0 : i32, i32
  }
  func.func @transform_2(%arg0: i32) -> (i32, i32) {
    %c0_i32 = arith.constant 0 : i32
    %c0_i32_0 = arith.constant 0 : i32
    %c0_i32_1 = arith.constant 0 : i32
    return %c0_i32, %c0_i32_0 : i32, i32
  }
  func.func @transform_3(%arg0: i32) -> (i32, i32) {
    %c0_i32 = arith.constant 0 : i32
    %c0_i32_0 = arith.constant 0 : i32
    return %arg0, %c0_i32 : i32, i32
  }
  func.func @transform_4(%arg0: i32) -> (i32, i32) {
    %c0_i32 = arith.constant 0 : i32
    %c0_i32_0 = arith.constant 0 : i32
    return %arg0, %c0_i32 : i32, i32
  }
  func.func @transform_5(%arg0: i32) -> (i32, i32) {
    %c0_i32 = arith.constant 0 : i32
    %c0_i32_0 = arith.constant 0 : i32
    %c0_i32_1 = arith.constant 0 : i32
    return %c0_i32, %c0_i32_0 : i32, i32
  }
  func.func @transform_6(%arg0: i32) -> (i32, i32) {
    %c0_i32 = arith.constant 0 : i32
    %c0_i32_0 = arith.constant 0 : i32
    return %arg0, %c0_i32 : i32, i32
  }
}

module attributes {stable_mosaic.version = 14 : i64} {
  func.func @body(%arg0: i32, %arg1: memref<1000x512xf32, #tpu.memory_space<vmem>>, %arg2: memref<512x64xf32, #tpu.memory_space<vmem>>, %arg3: memref<1x64xf32, #tpu.memory_space<vmem>>, %arg4: memref<1000x1xf32, #tpu.memory_space<vmem>>, %arg5: memref<1000x1xf32, #tpu.memory_space<vmem>>, %arg6: memref<1x1xf32, #tpu.memory_space<vmem>>, %arg7: memref<1000x64xf32, #tpu.memory_space<vmem>>) attributes {dimension_semantics = [#tpu.dimension_semantics<arbitrary>], iteration_bounds = array<i64: 10>, scalar_prefetch = 0 : i64, scratch_operands = 0 : i64, tpu.core_type = #tpu.core_type<tc>, window_params = [{transform_indices = @transform_0, window_bounds = array<i64: 1000, 512>}, {pipeline_mode = #tpu.pipeline_mode<synchronous>, transform_indices = @transform_1, window_bounds = array<i64: 512, 64>}, {pipeline_mode = #tpu.pipeline_mode<synchronous>, transform_indices = @transform_2, window_bounds = array<i64: 1, 64>}, {transform_indices = @transform_3, window_bounds = array<i64: 1000, 1>}, {transform_indices = @transform_4, window_bounds = array<i64: 1000, 1>}, {pipeline_mode = #tpu.pipeline_mode<synchronous>, transform_indices = @transform_5, window_bounds = array<i64: 1, 1>}, {transform_indices = @transform_6, window_bounds = array<i64: 1000, 64>}]} {
    %get3A = arith.constant 0 : index
    %get3A_0 = arith.constant 0 : index
    %get3A_1 = vector.load %arg1[%get3A, %get3A_0] : memref<1000x512xf32, #tpu.memory_space<vmem>>, vector<1000x512xf32>
    %get3A_2 = arith.constant 0 : index
    %get3A_3 = arith.constant 0 : index
    %get3A_4 = vector.load %arg4[%get3A_2, %get3A_3] : memref<1000x1xf32, #tpu.memory_space<vmem>>, vector<1000x1xf32>
    %pow3A = arith.constant -1.500000e+00 : f32
    %pow3A_5 = vector.broadcast %pow3A : f32 to vector<1000x1xf32>
    %pow3A_6 = math.powf %get3A_4, %pow3A_5 : vector<1000x1xf32>
    %mul3A = vector.broadcast %pow3A_6 : vector<1000x1xf32> to vector<1000x512xf32>
    %mul3A_7 = arith.mulf %get3A_1, %mul3A : vector<1000x512xf32>
    %get3A_8 = arith.constant 0 : index
    %get3A_9 = arith.constant 0 : index
    %get3A_10 = vector.load %arg6[%get3A_8, %get3A_9] : memref<1x1xf32, #tpu.memory_space<vmem>>, vector<1x1xf32>
    %get3A_11 = vector.extract %get3A_10[0, 0] : f32 from vector<1x1xf32>
    %ge3A = arith.constant 0.000000e+00 : f32
    %ge3A_12 = vector.broadcast %ge3A : f32 to vector<1000x512xf32>
    %ge3A_13 = arith.cmpf oge, %mul3A_7, %ge3A_12 : vector<1000x512xf32>
    %mul3A_14 = vector.broadcast %get3A_11 : f32 to vector<1000x512xf32>
    %mul3A_15 = arith.mulf %mul3A_14, %mul3A_7 : vector<1000x512xf32>
    %select_n3A = arith.select %ge3A_13, %mul3A_7, %mul3A_15 : vector<1000x512xi1>, vector<1000x512xf32>
    %get3A_16 = arith.constant 0 : index
    %get3A_17 = arith.constant 0 : index
    %get3A_18 = vector.load %arg2[%get3A_16, %get3A_17] : memref<512x64xf32, #tpu.memory_space<vmem>>, vector<512x64xf32>
    %dot_general3A = arith.constant dense<0.000000e+00> : vector<1000x64xf32>
    %dot_general3A_19 = tpu.matmul %select_n3A, %get3A_18, %dot_general3A {dimension_numbers = #tpu.dot_dimension_numbers<[1], [0], [0], [1], [0, 0, 1, 1], [], []>, transpose_lhs_hint = false} : vector<1000x512xf32>, vector<512x64xf32>, vector<1000x64xf32> -> vector<1000x64xf32>
    %get3A_20 = arith.constant 0 : index
    %get3A_21 = arith.constant 0 : index
    %get3A_22 = vector.load %arg3[%get3A_20, %get3A_21] : memref<1x64xf32, #tpu.memory_space<vmem>>, vector<1x64xf32>
    %add3A = vector.broadcast %get3A_22 : vector<1x64xf32> to vector<1000x64xf32>
    %add3A_23 = arith.addf %dot_general3A_19, %add3A : vector<1000x64xf32>
    %get3A_24 = arith.constant 0 : index
    %get3A_25 = arith.constant 0 : index
    %get3A_26 = vector.load %arg5[%get3A_24, %get3A_25] : memref<1000x1xf32, #tpu.memory_space<vmem>>, vector<1000x1xf32>
    %rsqrt3A = math.rsqrt %get3A_26 : vector<1000x1xf32>
    %mul3A_27 = vector.broadcast %rsqrt3A : vector<1000x1xf32> to vector<1000x64xf32>
    %mul3A_28 = arith.mulf %add3A_23, %mul3A_27 : vector<1000x64xf32>
    %swap3A = arith.constant 0 : index
    %swap3A_29 = arith.constant 0 : index
    %swap3A_30 = vector.load %arg7[%swap3A, %swap3A_29] : memref<1000x64xf32, #tpu.memory_space<vmem>>, vector<1000x64xf32>
    tpu.vector_store %arg7[%swap3A, %swap3A_29], %mul3A_28 {strides = array<i32>} : memref<1000x64xf32, #tpu.memory_space<vmem>>, vector<1000x64xf32>,
    return
  }
  func.func @transform_0(%arg0: i32) -> (i32, i32) {
    %c0_i32 = arith.constant 0 : i32
    %c0_i32_0 = arith.constant 0 : i32
    return %arg0, %c0_i32 : i32, i32
  }
  func.func @transform_1(%arg0: i32) -> (i32, i32) {
    %c0_i32 = arith.constant 0 : i32
    %c0_i32_0 = arith.constant 0 : i32
    %c0_i32_1 = arith.constant 0 : i32
    return %c0_i32, %c0_i32_0 : i32, i32
  }
  func.func @transform_2(%arg0: i32) -> (i32, i32) {
    %c0_i32 = arith.constant 0 : i32
    %c0_i32_0 = arith.constant 0 : i32
    %c0_i32_1 = arith.constant 0 : i32
    return %c0_i32, %c0_i32_0 : i32, i32
  }
  func.func @transform_3(%arg0: i32) -> (i32, i32) {
    %c0_i32 = arith.constant 0 : i32
    %c0_i32_0 = arith.constant 0 : i32
    return %arg0, %c0_i32 : i32, i32
  }
  func.func @transform_4(%arg0: i32) -> (i32, i32) {
    %c0_i32 = arith.constant 0 : i32
    %c0_i32_0 = arith.constant 0 : i32
    return %arg0, %c0_i32 : i32, i32
  }
  func.func @transform_5(%arg0: i32) -> (i32, i32) {
    %c0_i32 = arith.constant 0 : i32
    %c0_i32_0 = arith.constant 0 : i32
    %c0_i32_1 = arith.constant 0 : i32
    return %c0_i32, %c0_i32_0 : i32, i32
  }
  func.func @transform_6(%arg0: i32) -> (i32, i32) {
    %c0_i32 = arith.constant 0 : i32
    %c0_i32_0 = arith.constant 0 : i32
    return %arg0, %c0_i32 : i32, i32
  }
}

module attributes {stable_mosaic.version = 14 : i64} {
  func.func @body(%arg0: i32, %arg1: memref<2x1000x64xf32, #tpu.memory_space<vmem>>, %arg2: memref<1000x1xf32, #tpu.memory_space<vmem>>, %arg3: memref<1000x64xf32, #tpu.memory_space<vmem>>) attributes {dimension_semantics = [#tpu.dimension_semantics<arbitrary>], iteration_bounds = array<i64: 10>, scalar_prefetch = 0 : i64, scratch_operands = 0 : i64, tpu.core_type = #tpu.core_type<tc>, window_params = [{transform_indices = @transform_0, window_bounds = array<i64: 2, 1000, 64>}, {transform_indices = @transform_1, window_bounds = array<i64: 1000, 1>}, {transform_indices = @transform_2, window_bounds = array<i64: 1000, 64>}]} {
    %get3A = arith.constant 0 : index
    %get3A_0 = arith.constant 0 : index
    %get3A_1 = arith.constant 0 : index
    %get3A_2 = vector.load %arg1[%get3A, %get3A_0, %get3A_1] : memref<2x1000x64xf32, #tpu.memory_space<vmem>>, vector<1x1000x64xf32>
    %get3A_3 = vector.shape_cast %get3A_2 : vector<1x1000x64xf32> to vector<1000x64xf32>
    %get3A_4 = arith.constant 1 : index
    %get3A_5 = arith.constant 0 : index
    %get3A_6 = arith.constant 0 : index
    %get3A_7 = vector.load %arg1[%get3A_4, %get3A_5, %get3A_6] : memref<2x1000x64xf32, #tpu.memory_space<vmem>>, vector<1x1000x64xf32>
    %get3A_8 = vector.shape_cast %get3A_7 : vector<1x1000x64xf32> to vector<1000x64xf32>
    %add3A = arith.addf %get3A_3, %get3A_8 : vector<1000x64xf32>
    %get3A_9 = arith.constant 0 : index
    %get3A_10 = arith.constant 0 : index
    %get3A_11 = vector.load %arg2[%get3A_9, %get3A_10] : memref<1000x1xf32, #tpu.memory_space<vmem>>, vector<1000x1xf32>
    %pow3A = arith.constant -1.500000e+00 : f32
    %pow3A_12 = vector.broadcast %pow3A : f32 to vector<1000x1xf32>
    %pow3A_13 = math.powf %get3A_11, %pow3A_12 : vector<1000x1xf32>
    %mul3A = vector.broadcast %pow3A_13 : vector<1000x1xf32> to vector<1000x64xf32>
    %mul3A_14 = arith.mulf %add3A, %mul3A : vector<1000x64xf32>
    %swap3A = arith.constant 0 : index
    %swap3A_15 = arith.constant 0 : index
    %swap3A_16 = vector.load %arg3[%swap3A, %swap3A_15] : memref<1000x64xf32, #tpu.memory_space<vmem>>, vector<1000x64xf32>
    tpu.vector_store %arg3[%swap3A, %swap3A_15], %mul3A_14 {strides = array<i32>} : memref<1000x64xf32, #tpu.memory_space<vmem>>, vector<1000x64xf32>,
    return
  }
  func.func @transform_0(%arg0: i32) -> (i32, i32, i32) {
    %c0_i32 = arith.constant 0 : i32
    %c0_i32_0 = arith.constant 0 : i32
    %c0_i32_1 = arith.constant 0 : i32
    return %c0_i32, %arg0, %c0_i32_0 : i32, i32, i32
  }
  func.func @transform_1(%arg0: i32) -> (i32, i32) {
    %c0_i32 = arith.constant 0 : i32
    %c0_i32_0 = arith.constant 0 : i32
    return %arg0, %c0_i32 : i32, i32
  }
  func.func @transform_2(%arg0: i32) -> (i32, i32) {
    %c0_i32 = arith.constant 0 : i32
    %c0_i32_0 = arith.constant 0 : i32
    return %arg0, %c0_i32 : i32, i32
  }
}

</mosaic_0001>

<sc_bundles>
// kernel: kernel.12.cloned.1.call-start
scs
__scs_entry_jumppad:
0x0: {  	(pc) =	sbr.rel $0x88, $3  }
0x1: {  	(tag) =	ssettag $0x0;
	lr =	simm.s32 $0x1  }
0x2: {  	[smem:$0x3F98] =	sst lr;
	_ =	strace $0xD0000000  }
0x3: {  	_ = 	snop  }
0x4: {  	_ = 	snop  }
0x5: {  	_ = 	snop  }
0x6: {  	_ = 	snop  }
0x7: {  	_ = 	snop  }
__scs_overlays_trampoline_lowered:
0x8: {  	[smem:$0x3FA7] =	sst s0  }
0x9: {  	[smem:$0x3FA8] =	sst s1  }
0xa: {  	[smem:$0x3FA9] =	sst s2  }
0xb: {  	[smem:$0x3FAA] =	sst s3  }
0xc: {  	[smem:$0x3FAB] =	sst s4  }
0xd: {  	[smem:$0x3FAC] =	sst s5  }
0xe: {  	[smem:$0x3FAD] =	sst s6  }
0xf: {  	[smem:$0x3FAE] =	sst s7  }
0x10: {  	[smem:$0x3FAF] =	sst s8  }
0x11: {  	[smem:$0x3FB0] =	sst s9;
	s0 =	simm.s32 @!p0 $0x0  }
0x12: {  	s1 =	sld [smem:$0x3F96];
	s0 =	simm.s32 @p0 $0x1  }
0x13: {  	[smem:$0x3FB1] =	sst s0;
	s0 =	simm.s32 @!p1 $0x0  }
0x14: {  	s2 =	sld [smem:$0x3F95];
	s0 =	simm.s32 @p1 $0x1  }
0x15: {  	[smem:$0x3FB2] =	sst s0;
	s0 =	simm.s32 @!p2 $0x0  }
0x16: {  	s3 =	sld [smem:$0x3FDB];
	s0 =	simm.s32 @p2 $0x1  }
0x17: {  	s4 =	simm.s32 $0x1BF5;
	[smem:$0x3FB4] =	sst s0  }
0x18: {  	s0 =	sld [smem:$0x3F97];
	_ =	swait.ge [sflag:s4], $0x0  }
0x19: {  	s7 =	sld [smem:$0x3F98]  }
0x1a: {  	s8 =	sadd.s32 $0xFFFFE003, lr  }
0x1b: {  	s9 =	sadd.s32 $0xFFFFFEF7, lr;
	s5 =	simm.s32 $0xFFFFFFFF;
	p2 =	slt.u32 s8, $0xFFFFF086  }
0x1c: {  	p1 =	slt.u32 s9, $0xF7A;
	s5 =	simm.s32 @!p2 $0x0  }
0x1d: {  	s5 =	simm.s32 @p1 $0x1;
	p0 =	seq.s32 s7, s2  }
0x1e: {  	s7 =	smul.u32 @!p0 $0xF7A, s2;
	p2 =	seq.s32 @!p0 s5, $0x0  }
0x1f: {  	s9 =	smul.u32 $0xF7A, s1;
	s8 =	simm.s32 @!p0 $0x1BF5;
	p2 =	por !p2, p0  }
0x20: {  	[sflag:s8] =	ssyncset.s32 @!p0 $0xFFFFF086;
	s6 =	sadd.s32 @!p0 s3, s7;
	s7 =	simm.s32 @!p0 $0x108  }
0x21: {  	s3 =	sadd.s32 s3, s9;
	s6 =	sadd.s32 @!p0 $0x88, s6;
	s7 =	simm.s32 @p2 $0x1082  }
0x22: {  	[simem:s7], [sflag:s8] =	dma.local @!p0 [hbm:s6], $0xF7A  }
0x23: {  	s9 =	sor.u32 $0xD0000000, s2;
	s6 =	simm.s32 $0x108;
	_ =	swait.ge @!p0 [sflag:s8], $0x0  }
0x24: {  	s3 =	sadd.s32 $0x88, s3;
	s6 =	simm.s32 @!p1 $0x1082;
	[sflag:s4] =	ssyncset.s32 $0xFFFFF086  }
0x25: {  	[simem:s6], [sflag:s4] =	dma.local [hbm:s3], $0xF7A  }
0x26: {  	[smem:$0x3F98] =	sst s1;
	(tag) =	ssettag s2;
	_ =	strace s9  }
0x27: {  	s1 =	sld [smem:$0x3FA8]  }
0x28: {  	s2 =	sld [smem:$0x3FA9]  }
0x29: {  	s4 =	sld [smem:$0x3FAB]  }
0x2a: {  	p0 =	seq.s32 s5, $0x0;
	s5 =	sld [smem:$0x3FAC]  }
0x2b: {  	s6 =	sld [smem:$0x3FAD]  }
0x2c: {  	s7 =	sld [smem:$0x3FAE]  }
0x2d: {  	s3 =	simm.s32 $0x108;
	s8 =	sld [smem:$0x3FAF]  }
0x2e: {  	s3 =	simm.s32 @!p0 $0x1082;
	s9 =	sld [smem:$0x3FB0]  }
0x2f: {  	lr =	sadd.s32 s0, s3;
	s0 =	sld [smem:$0x3FA7]  }
0x30: {  	s3 =	sld [smem:$0x3FAA]  }
0x31: {  	[smem:$0x3FB3] =	sst s10  }
0x32: {  	s10 =	sld [smem:$0x3FB1];
	_ =	sdelay $0x3  }
0x33: {  	p0 =	seq.s32 s10, $0x1;
	s10 =	sld [smem:$0x3FB3];
	_ =	sdelay $0x3  }
0x34: {  	[smem:$0x3FB3] =	sst s10  }
0x35: {  	s10 =	sld [smem:$0x3FB2];
	_ =	sdelay $0x3  }
0x36: {  	p1 =	seq.s32 s10, $0x1;
	s10 =	sld [smem:$0x3FB3];
	_ =	sdelay $0x3  }
0x37: {  	[smem:$0x3FB3] =	sst s10  }
0x38: {  	s10 =	sld [smem:$0x3FB4]  }
0x39: {  	_ = 	snop;
	(pc) =	sbr.ind lr, $3  }
0x3a: {  	_ = 	snop  }
0x3b: {  	_ = 	snop  }
0x3c: {  	p2 =	seq.s32 s10, $0x1;
	s10 =	sld [smem:$0x3FB3]  }
0x3d: {  	_ =	shalt  }
0x3e: {  	_ =	shalt  }
0x3f: {  	_ =	shalt  }
0x40: {  	_ =	shalt  }
0x41: {  	_ =	shalt  }
0x42: {  	_ =	shalt  }
0x43: {  	_ =	shalt  }
0x44: {  	_ =	shalt  }
0x45: {  	_ =	shalt  }
0x46: {  	_ =	shalt  }
0x47: {  	_ =	shalt  }
0x48: {  	_ =	shalt  }
0x49: {  	_ =	shalt  }
0x4a: {  	_ =	shalt  }
0x4b: {  	_ =	shalt  }
0x4c: {  	_ =	shalt  }
0x4d: {  	_ =	shalt  }
0x4e: {  	_ =	shalt  }
0x4f: {  	_ =	shalt  }
0x50: {  	_ =	shalt  }
0x51: {  	_ =	shalt  }
0x52: {  	_ =	shalt  }
0x53: {  	_ =	shalt  }
0x54: {  	_ =	shalt  }
0x55: {  	_ =	shalt  }
0x56: {  	_ =	shalt  }
0x57: {  	_ =	shalt  }
0x58: {  	_ =	shalt  }
0x59: {  	_ =	shalt  }
0x5a: {  	_ =	shalt  }
0x5b: {  	_ =	shalt  }
0x5c: {  	_ =	shalt  }
0x5d: {  	_ =	shalt  }
0x5e: {  	_ =	shalt  }
0x5f: {  	_ =	shalt  }
0x60: {  	_ =	shalt  }
0x61: {  	_ =	shalt  }
0x62: {  	_ =	shalt  }
0x63: {  	_ =	shalt  }
0x64: {  	_ =	shalt  }
0x65: {  	_ =	shalt  }
0x66: {  	_ =	shalt  }
0x67: {  	_ =	shalt  }
0x68: {  	_ =	shalt  }
0x69: {  	_ =	shalt  }
0x6a: {  	_ =	shalt  }
0x6b: {  	_ =	shalt  }
0x6c: {  	_ =	shalt  }
0x6d: {  	_ =	shalt  }
0x6e: {  	_ =	shalt  }
0x6f: {  	_ =	shalt  }
0x70: {  	_ =	shalt  }
0x71: {  	_ =	shalt  }
0x72: {  	_ =	shalt  }
0x73: {  	_ =	shalt  }
0x74: {  	_ =	shalt  }
0x75: {  	_ =	shalt  }
0x76: {  	_ =	shalt  }
0x77: {  	_ =	shalt  }
0x78: {  	_ =	shalt  }
0x79: {  	_ =	shalt  }
0x7a: {  	_ =	shalt  }
0x7b: {  	_ =	shalt  }
0x7c: {  	_ =	shalt  }
0x7d: {  	_ =	shalt  }
0x7e: {  	_ =	shalt  }
0x7f: {  	_ =	shalt  }
0x80: {  	_ =	shalt  }
0x81: {  	_ =	shalt  }
0x82: {  	_ =	shalt  }
0x83: {  	_ =	shalt  }
0x84: {  	_ =	shalt  }
0x85: {  	_ =	shalt  }
0x86: {  	_ =	shalt  }
0x87: {  	_ =	shalt  }
.Lfunc_end0:
.L_simem_size_0:
called_computation_lowered:
.L_overlay_start_0:
0x88: {  	s2 =	sld [smem:$0x3FD9]  }
0x89: {  	s3 =	sld [smem:$0x3FFE];
	_ =	sdelay $0x1  }
0x8a: {  	s1 =	srdreg.scid  }
0x8b: {  	s0 =	sand.u32 $0x1, s1  }
0x8c: {  	s17 =	sshll.u32 s0, $0xA;
	s2 =	sadd.s32 s3, s2  }
0x8d: {  	s2 =	sadd.s32 s2, s17  }
0x8e: {  	[smem:$0x3FBF] =	sst s2  }
0x8f: {  	_ = 	snop  }
0x90: {  	s2 =	sld [smem:$0x3FD0];
	(tm) =	ssettm $0x1  }
0x91: {  	s18 =	sld [smem:$0x3FFB];
	_ =	sdelay $0x3  }
0x92: {  	_ =	strace s18  }
0x93: {  	s3 =	sld [smem:$0x3FFC];
	_ =	sdelay $0x3  }
0x94: {  	_ =	strace s3  }
0x95: {  	s3 =	sld [smem:$0x3FFD];
	_ =	sdelay $0x3  }
0x96: {  	_ =	strace s3  }
0x97: {  	_ =	strace $0x8FFFFFFF  }
0x98: {  	s19 =	sld [smem:$0x3FDB];
	_ =	sdelay $0x1  }
0x99: {  	s4 =	simm.s32 $_scs_section_size  }
0x9a: {  	s5 =	simm.s32 $_size__tile_overlayer_lowered;
	s6 =	simm.s32 $_tile_overlayer_lowered  }
0x9b: {  	s22 =	simm.s32 $0x1BFF;
	s21 =	sshll.u32 s6, $0x1;
	s3 =	sadd.s32 s4, s19  }
0x9c: {  	s7 =	simm.s32 $0x0;
	s20 =	sshll.u32 s5, $0x1;
	s5 =	sadd.s32 s21, s3  }
0x9d: {  	[timem:s7], [sflag:s22] =	dma.local [hbm:s5], s20  }
0x9e: {  	_ =	swait.ge [sflag:s22], s20  }
0x9f: {  	s4 =	ssub.s32 $0x0, s20;
	[sflag:s22] =	ssyncset.done $0x0  }
0xa0: {  	[sflag:s22] =	ssyncadd.s32 s4;
	_ =	sdelay $0x1  }
0xa1: {  	s23 =	simm.s32 $0x1B8B  }
0xa2: {  	_ =	swait.ge [sflag:s23], $0x1  }
0xa3: {  	[sflag:s23] =	ssyncset.done $0x0  }
0xa4: {  	s25 =	simm.s32 $0x1B8E;
	s24 =	sld [smem:$0x3FFE];
	[sflag:s23] =	ssyncadd.s32 $0xFFFFFFFF  }
0xa5: {  	s26 =	simm.s32 $execute0_lowered;
	[smem:$0x3FD2] =	sst s25  }
0xa6: {  	s5 =	sshll.u32 s26, $0x1;
	_ =	strace $0x80000046;
	[dreg:$0x1] =	wrdreg $0xFFFFFFFF  }
0xa7: {  	s28 =	simm.s32 $_size_execute0_lowered;
	s3 =	sadd.s32 s3, s5;
	[dreg:$0x0] =	wrdreg $0x0  }
0xa8: {  	s5 =	sshll.u32 s28, $0x1;
	[dreg:$0x2] =	wrdreg s3  }
0xa9: {  	[dreg:$0x3] =	wrdreg s5  }
0xaa: {  	[dreg:$0x4] =	wrdreg $0xC0  }
0xab: {  	_ =	task [dreg:s7], $0x5FFFF  }
0xac: {  	[dreg:$0x1] =	wrdreg $0xFFFFFFFF  }
0xad: {  	[dreg:$0x0] =	wrdreg $0x60  }
0xae: {  	[dreg:$0x2] =	wrdreg s2  }
0xaf: {  	[dreg:$0x3] =	wrdreg s24  }
0xb0: {  	[dreg:$0x4] =	wrdreg $0x40800  }
0xb1: {  	[dreg:$0x5] =	wrdreg $0x9  }
0xb2: {  	_ =	task.clear_ibuf [dreg:s7], $0x6FFFF;
	_ =	strace $0x90000046  }
0xb3: {  	s29 =	simm.s32 $0x9;
	_ =	strace $0x80000048  }
0xb4: {  	_ =	swait.ge [sflag:s29], $0x1  }
0xb5: {  	[sflag:s29] =	ssyncadd.s32 $0xFFFFFFFF  }
0xb6: {  	_ =	strace $0x90000048  }
0xb7: {  	_ =	sfence  }
0xb8: {  	s30 =	sld [smem:$0x0];
	_ =	sdelay $0x2  }
0xb9: {  	s31 =	sshll.u32 s1, $0xD;
	s1 =	sshrl.u32 s1, $0x2  }
0xba: {  	s3 =	sand.u32 $0x4000, s31;
	s1 =	sadd.s32 s1, s30  }
0xbb: {  	s0 =	sor.u32 s3, s0;
	s1 =	sshll.u32 s1, $0x11  }
0xbc: {  	s0 =	sor.u32 s1, s0  }
0xbd: {  	s0 =	sadd.s32 $0x8F2B, s0  }
0xbe: {  	[sflag:s0] =	ssyncadd.remote.s32 $0x1  }
0xbf: {  	_ =	sfence.sel $0xFFFF  }
0xc0: {  	[dreg:$0x0] =	wrdreg $0xFFFFFFFF;
	(pc) =	sbr.abs _section_cstart, $3  }
0xc1: {  	[dreg:$0x1] =	wrdreg $0xFFFFFFFF  }
0xc2: {  	_ =	task.clear_ibuf [dreg:s7], $0x2FFFF;
	_ =	strace $0x9FFFFFFF  }
0xc3: {  	(tm) =	ssettm $0x7FFFFFFF  }
tec
execute0_lowered:
.L_overlay_start_1:
0x0: {  	(tag) =	ssettag $0x1  }
0x1: {  	s2 =	rddreg [dreg:$0x0]  }
0x2: {  	s6 =	rddreg [dreg:$0x1]  }
0x3: {  	s3 =	rddreg [dreg:$0x2];
	s1 =	stileid.u32  }
0x4: {  	s0 =	rddreg [dreg:$0x3];
	s7 =	smul.u32 $0x13C00, s1  }
0x5: {  	s5 =	srdreg.scid;
	s4 =	simm.s32 $0x0;
	s26 =	smul.u32 $0x4F000, s1  }
0x6: {  	s8 =	sand.u32 $0x1, s5;
	[smem:$0x7FF] =	sst s4;
	s12 =	smul.u32 $0x2C00, s1  }
0x7: {  	s5 =	sadd.s32 $0x2A000, s6;
	s31 =	sshll.u32 s1, $0x6;
	s9 =	smul.u32 $0x13C000, s8  }
0x8: {  	_ =	strace $0x80000047;
	s28 =	ssub.s32 $0x2, s8;
	s29 =	smul.u32 $0x2C000, s8  }
0x9: {  	s10 =	sshrl.u32 s7, $0x3;
	s30 =	sshrl.u32 s28, $0x1;
	s7 =	sadd.s32 s7, s9  }
0xa: {  	s25 =	sadd.s32 s10, s6;
	s10 =	sshrl.u32 s26, $0x2;
	s13 =	ssub.s32 s28, s30  }
0xb: {  	s7 =	sshrl.u32 s7, $0x3;
	s14 =	sadd.s32 s10, s3;
	s9 =	smax.u32 s13, $0x1  }
0xc: {  	s10 =	simm.s32 $0x80;
	s11 =	sadd.s32 s7, s6;
	s6 =	sadd.s32 $0x2800, s25  }
0xd: {  	s7 =	sadd.s32 s12, s29;
	s12 =	sor.u32 $0x1C01, s31;
	s13 =	sshrl.u32 s14, $0x3  }
0xe: {  	s14 =	simm.s32 $0x0;
	s8 =	sadd.s32 $0x2A800, s11;
	s11 =	simm.s32 $0x1  }
.LBB2_1:
0xf: {  	[tilespmem:s10], [sflag:$0x1] =	stream.linear.gather [hbm4b:s5+s4], $0x4000, $0x38;
	[tilespmem:$0x5440] =	vst v63  }
0x10: {  	_ =	swait.ge [sflag:s11], $0x4000  }
0x11: {  	[sflag:s11] =	ssyncset.done $0x0  }
0x12: {  	s15 =	sand.u32 $0x3C00, s4;
	[sflag:s11] =	ssyncadd.s32 $0xFFFFC000  }
0x13: {  	[spmem:s13], [sflag:s12] =	dma.local [hbm:s6], $0x2780  }
0x14: {  	s16 =	sand.u32 $0x380, s4;
	s15 =	sadd.s32 s15, s7;
	_ =	swait.ge [sflag:s11], $0x2780  }
0x15: {  	s15 =	sor.u32 s16, s15;
	[sflag:s11] =	ssyncset.done $0x0  }
0x16: {  	s15 =	sshrl.u32 s15, $0x3;
	[sflag:s11] =	ssyncadd.s32 $0xFFFFD880  }
0x17: {  	s15 =	sadd.s32 s2, s15;
	[bflag:$0x0] =	sbarrier.arrive $0xFFFF  }
0x18: {  	[tilespmem:s4], [sflag:$0x1] =	stream.linear.gather [hbm4b:s15+s4], $0x80, $0x38;
	[tilespmem:$0x5440] =	vst v63  }
0x19: {  	_ =	swait.ge [sflag:s11], $0x80  }
0x1a: {  	s30 =	simm.s32 $0x80;
	[sflag:s11] =	ssyncset.done $0x0  }
0x1b: {  	s31 =	sand.u32 $0x3C00, s30;
	[sflag:s11] =	ssyncadd.s32 $0xFFFFFF80  }
0x1c: {  	[spmem:s3] =	stream.indirect.scatter.add.f32 [tilespmem:s10], [sflag:$0x1], $0x8, s4, s10, $0xb8;
	[tilespmem:$0x5440] =	vst v63  }
0x1d: {  	s17 =	sand.u32 $0x380, s30;
	s16 =	sadd.s32 s31, s7;
	_ =	swait.ge [sflag:s11], $0x400  }
0x1e: {  	s16 =	sor.u32 s17, s16;
	s15 =	simm.s32 $0x100;
	[sflag:s11] =	ssyncset.done $0x0  }
.LBB2_2:
0x1f: {  	s16 =	sshrl.u32 s16, $0x3  }
0x20: {  	[sflag:s11] =	ssyncadd.s32 $0xFFFFFC00;
	s17 =	smov.u32 s15;
	s18 =	sadd.s32 $0x80, s15  }
0x21: {  	p0 =	sne.s32 s15, $0x2980;
	s15 =	sadd.s32 s2, s16  }
0x22: {  	[tilespmem:s4], [sflag:$0x1] =	stream.linear.gather [hbm4b:s15+s4], $0x80, $0x38;
	[tilespmem:$0x5440] =	vst v63  }
0x23: {  	_ =	swait.ge [sflag:s11], $0x80  }
.Ltmp0:
0x24: {  	[sflag:s11] =	ssyncset.done $0x0;
	(pc) =	sbr.rel @p0 .LBB2_2-.Ltmp0, $4  }
0x25: {  	s15 =	sand.u32 $0x3C00, s17;
	[sflag:s11] =	ssyncadd.s32 $0xFFFFFF80  }
0x26: {  	[spmem:s3] =	stream.indirect.scatter.add.f32 [tilespmem:s10], [sflag:$0x1], $0x8, s4, s10, $0xb8;
	[tilespmem:$0x5440] =	vst v63  }
0x27: {  	s16 =	sand.u32 $0x380, s17;
	s15 =	sadd.s32 s15, s7;
	_ =	swait.ge [sflag:s11], $0x400  }
0x28: {  	s16 =	sor.u32 s16, s15;
	s15 =	smov.u32 s18;
	[sflag:s11] =	ssyncset.done $0x0  }
0x29: {  	s15 =	sshrl.u32 s16, $0x3  }
0x2a: {  	[sflag:s11] =	ssyncadd.s32 $0xFFFFFC00;
	s15 =	sadd.s32 s2, s15  }
0x2b: {  	[tilespmem:s4], [sflag:$0x1] =	stream.linear.gather [hbm4b:s15+s4], $0x80, $0x38;
	[tilespmem:$0x5440] =	vst v63  }
0x2c: {  	_ =	swait.ge [sflag:s11], $0x80  }
0x2d: {  	[sflag:s11] =	ssyncset.done $0x0  }
0x2e: {  	[sflag:s11] =	ssyncadd.s32 $0xFFFFFF80  }
0x2f: {  	[spmem:s3] =	stream.indirect.scatter.add.f32 [tilespmem:s10], [sflag:$0x1], $0x8, s4, s10, $0xb8;
	[tilespmem:$0x5440] =	vst v63  }
0x30: {  	_ =	swait.ge [sflag:s11], $0x400  }
0x31: {  	s14 =	sadd.s32 $0x1, s14;
	[sflag:s11] =	ssyncset.done $0x0  }
0x32: {  	p0 =	sne.s32 s14, s9;
	[sflag:s11] =	ssyncadd.s32 $0xFFFFFC00  }
.Ltmp1:
0x33: {  	[bflag:$0x0] =	sbarrier.arrive $0xFFFF;
	(pc) =	sbr.rel @p0 .LBB2_1-.Ltmp1, $4  }
0x34: {  	[hbm:s8], [sflag:s12] =	dma.local [spmem:s13], $0x2780  }
0x35: {  	_ =	swait.ge [sflag:s11], $0x2780  }
0x36: {  	[sflag:s11] =	ssyncset.done $0x0  }
0x37: {  	[sflag:s11] =	ssyncadd.s32 $0xFFFFD880  }
0x38: {  	_ =	sfence.sel $0x180000  }
0x39: {  	[bflag:$0x0] =	sbarrier.arrive $0xFFFF  }
0x3a: {  	p0 =	sne.s32 s1, $0x0;
	_ =	strace $0x90000047  }
0x3b: {  	s0 =	sadd.s32 @!p0 $0x100000, s0;
	[bflag:$0x2] =	sbarrier.arrive $0xFFFF  }
0x3c: {  	[sflag:s0] =	ssyncadd.tile.s32 @!p0 $0x1;
	_ =	shalt  }
.Lfunc_end2:
_tile_overlayer_lowered:
.L_overlay_start_2:
0x3d: {  	(tag) =	ssettag $0x2  }
0x3e: {  	s0 =	rddreg [dreg:$0x0];
	s2 =	stileid.u32  }
0x3f: {  	s1 =	rddreg [dreg:$0x1];
	p0 =	sne.s32 s2, $0x0  }
0x40: {  	s3 =	rddreg [dreg:$0x2];
	[bflag:$0x3] =	sbarrier.arrive $0xFFFF;
	s2 =	simm.s32 @!p0 $0x1C01  }
0x41: {  	[timem:s3], [sflag:s2] =	dma.local @!p0 [hbm:s0], s1  }
0x42: {  	s0 =	simm.s32 @!p0 $0x1  }
0x43: {  	_ =	swait.ge @!p0 [sflag:s0], s1  }
0x44: {  	s1 =	ssub.s32 @!p0 $0x0, s1;
	[sflag:s0] =	ssyncset.done @!p0 $0x0  }
0x45: {  	[sflag:s0] =	ssyncadd.s32 @!p0 s1  }
0x46: {  	[bflag:$0x3] =	sbarrier.arrive $0xFFFF  }
0x47: {  	_ =	shalt  }

// kernel: kernel.15.cloned.1.call-start
scs
__scs_entry_jumppad:
0x0: {  	(pc) =	sbr.rel $0x88, $3  }
0x1: {  	(tag) =	ssettag $0x0;
	lr =	simm.s32 $0x1  }
0x2: {  	[smem:$0x3F98] =	sst lr;
	_ =	strace $0xD0000000  }
0x3: {  	_ = 	snop  }
0x4: {  	_ = 	snop  }
0x5: {  	_ = 	snop  }
0x6: {  	_ = 	snop  }
0x7: {  	_ = 	snop  }
__scs_overlays_trampoline_lowered:
0x8: {  	[smem:$0x3FA7] =	sst s0  }
0x9: {  	[smem:$0x3FA8] =	sst s1  }
0xa: {  	[smem:$0x3FA9] =	sst s2  }
0xb: {  	[smem:$0x3FAA] =	sst s3  }
0xc: {  	[smem:$0x3FAB] =	sst s4  }
0xd: {  	[smem:$0x3FAC] =	sst s5  }
0xe: {  	[smem:$0x3FAD] =	sst s6  }
0xf: {  	[smem:$0x3FAE] =	sst s7  }
0x10: {  	[smem:$0x3FAF] =	sst s8  }
0x11: {  	[smem:$0x3FB0] =	sst s9;
	s0 =	simm.s32 @!p0 $0x0  }
0x12: {  	s1 =	sld [smem:$0x3F96];
	s0 =	simm.s32 @p0 $0x1  }
0x13: {  	[smem:$0x3FB1] =	sst s0;
	s0 =	simm.s32 @!p1 $0x0  }
0x14: {  	s2 =	sld [smem:$0x3F95];
	s0 =	simm.s32 @p1 $0x1  }
0x15: {  	[smem:$0x3FB2] =	sst s0;
	s0 =	simm.s32 @!p2 $0x0  }
0x16: {  	s3 =	sld [smem:$0x3FDB];
	s0 =	simm.s32 @p2 $0x1  }
0x17: {  	s4 =	simm.s32 $0x1BF5;
	[smem:$0x3FB4] =	sst s0  }
0x18: {  	s0 =	sld [smem:$0x3F97];
	_ =	swait.ge [sflag:s4], $0x0  }
0x19: {  	s7 =	sld [smem:$0x3F98]  }
0x1a: {  	s8 =	sadd.s32 $0xFFFFE003, lr  }
0x1b: {  	s9 =	sadd.s32 $0xFFFFFEF7, lr;
	s5 =	simm.s32 $0xFFFFFFFF;
	p2 =	slt.u32 s8, $0xFFFFF086  }
0x1c: {  	p1 =	slt.u32 s9, $0xF7A;
	s5 =	simm.s32 @!p2 $0x0  }
0x1d: {  	s5 =	simm.s32 @p1 $0x1;
	p0 =	seq.s32 s7, s2  }
0x1e: {  	s7 =	smul.u32 @!p0 $0xF7A, s2;
	p2 =	seq.s32 @!p0 s5, $0x0  }
0x1f: {  	s9 =	smul.u32 $0xF7A, s1;
	s8 =	simm.s32 @!p0 $0x1BF5;
	p2 =	por !p2, p0  }
0x20: {  	[sflag:s8] =	ssyncset.s32 @!p0 $0xFFFFF086;
	s6 =	sadd.s32 @!p0 s3, s7;
	s7 =	simm.s32 @!p0 $0x108  }
0x21: {  	s3 =	sadd.s32 s3, s9;
	s6 =	sadd.s32 @!p0 $0x88, s6;
	s7 =	simm.s32 @p2 $0x1082  }
0x22: {  	[simem:s7], [sflag:s8] =	dma.local @!p0 [hbm:s6], $0xF7A  }
0x23: {  	s9 =	sor.u32 $0xD0000000, s2;
	s6 =	simm.s32 $0x108;
	_ =	swait.ge @!p0 [sflag:s8], $0x0  }
0x24: {  	s3 =	sadd.s32 $0x88, s3;
	s6 =	simm.s32 @!p1 $0x1082;
	[sflag:s4] =	ssyncset.s32 $0xFFFFF086  }
0x25: {  	[simem:s6], [sflag:s4] =	dma.local [hbm:s3], $0xF7A  }
0x26: {  	[smem:$0x3F98] =	sst s1;
	(tag) =	ssettag s2;
	_ =	strace s9  }
0x27: {  	s1 =	sld [smem:$0x3FA8]  }
0x28: {  	s2 =	sld [smem:$0x3FA9]  }
0x29: {  	s4 =	sld [smem:$0x3FAB]  }
0x2a: {  	p0 =	seq.s32 s5, $0x0;
	s5 =	sld [smem:$0x3FAC]  }
0x2b: {  	s6 =	sld [smem:$0x3FAD]  }
0x2c: {  	s7 =	sld [smem:$0x3FAE]  }
0x2d: {  	s3 =	simm.s32 $0x108;
	s8 =	sld [smem:$0x3FAF]  }
0x2e: {  	s3 =	simm.s32 @!p0 $0x1082;
	s9 =	sld [smem:$0x3FB0]  }
0x2f: {  	lr =	sadd.s32 s0, s3;
	s0 =	sld [smem:$0x3FA7]  }
0x30: {  	s3 =	sld [smem:$0x3FAA]  }
0x31: {  	[smem:$0x3FB3] =	sst s10  }
0x32: {  	s10 =	sld [smem:$0x3FB1];
	_ =	sdelay $0x3  }
0x33: {  	p0 =	seq.s32 s10, $0x1;
	s10 =	sld [smem:$0x3FB3];
	_ =	sdelay $0x3  }
0x34: {  	[smem:$0x3FB3] =	sst s10  }
0x35: {  	s10 =	sld [smem:$0x3FB2];
	_ =	sdelay $0x3  }
0x36: {  	p1 =	seq.s32 s10, $0x1;
	s10 =	sld [smem:$0x3FB3];
	_ =	sdelay $0x3  }
0x37: {  	[smem:$0x3FB3] =	sst s10  }
0x38: {  	s10 =	sld [smem:$0x3FB4]  }
0x39: {  	_ = 	snop;
	(pc) =	sbr.ind lr, $3  }
0x3a: {  	_ = 	snop  }
0x3b: {  	_ = 	snop  }
0x3c: {  	p2 =	seq.s32 s10, $0x1;
	s10 =	sld [smem:$0x3FB3]  }
0x3d: {  	_ =	shalt  }
0x3e: {  	_ =	shalt  }
0x3f: {  	_ =	shalt  }
0x40: {  	_ =	shalt  }
0x41: {  	_ =	shalt  }
0x42: {  	_ =	shalt  }
0x43: {  	_ =	shalt  }
0x44: {  	_ =	shalt  }
0x45: {  	_ =	shalt  }
0x46: {  	_ =	shalt  }
0x47: {  	_ =	shalt  }
0x48: {  	_ =	shalt  }
0x49: {  	_ =	shalt  }
0x4a: {  	_ =	shalt  }
0x4b: {  	_ =	shalt  }
0x4c: {  	_ =	shalt  }
0x4d: {  	_ =	shalt  }
0x4e: {  	_ =	shalt  }
0x4f: {  	_ =	shalt  }
0x50: {  	_ =	shalt  }
0x51: {  	_ =	shalt  }
0x52: {  	_ =	shalt  }
0x53: {  	_ =	shalt  }
0x54: {  	_ =	shalt  }
0x55: {  	_ =	shalt  }
0x56: {  	_ =	shalt  }
0x57: {  	_ =	shalt  }
0x58: {  	_ =	shalt  }
0x59: {  	_ =	shalt  }
0x5a: {  	_ =	shalt  }
0x5b: {  	_ =	shalt  }
0x5c: {  	_ =	shalt  }
0x5d: {  	_ =	shalt  }
0x5e: {  	_ =	shalt  }
0x5f: {  	_ =	shalt  }
0x60: {  	_ =	shalt  }
0x61: {  	_ =	shalt  }
0x62: {  	_ =	shalt  }
0x63: {  	_ =	shalt  }
0x64: {  	_ =	shalt  }
0x65: {  	_ =	shalt  }
0x66: {  	_ =	shalt  }
0x67: {  	_ =	shalt  }
0x68: {  	_ =	shalt  }
0x69: {  	_ =	shalt  }
0x6a: {  	_ =	shalt  }
0x6b: {  	_ =	shalt  }
0x6c: {  	_ =	shalt  }
0x6d: {  	_ =	shalt  }
0x6e: {  	_ =	shalt  }
0x6f: {  	_ =	shalt  }
0x70: {  	_ =	shalt  }
0x71: {  	_ =	shalt  }
0x72: {  	_ =	shalt  }
0x73: {  	_ =	shalt  }
0x74: {  	_ =	shalt  }
0x75: {  	_ =	shalt  }
0x76: {  	_ =	shalt  }
0x77: {  	_ =	shalt  }
0x78: {  	_ =	shalt  }
0x79: {  	_ =	shalt  }
0x7a: {  	_ =	shalt  }
0x7b: {  	_ =	shalt  }
0x7c: {  	_ =	shalt  }
0x7d: {  	_ =	shalt  }
0x7e: {  	_ =	shalt  }
0x7f: {  	_ =	shalt  }
0x80: {  	_ =	shalt  }
0x81: {  	_ =	shalt  }
0x82: {  	_ =	shalt  }
0x83: {  	_ =	shalt  }
0x84: {  	_ =	shalt  }
0x85: {  	_ =	shalt  }
0x86: {  	_ =	shalt  }
0x87: {  	_ =	shalt  }
.Lfunc_end0:
.L_simem_size_0:
called_computation.1_lowered:
.L_overlay_start_0:
0x88: {  	s2 =	sld [smem:$0x3FD9]  }
0x89: {  	s3 =	sld [smem:$0x3FFE];
	_ =	sdelay $0x1  }
0x8a: {  	s1 =	srdreg.scid  }
0x8b: {  	s0 =	sand.u32 $0x1, s1  }
0x8c: {  	s17 =	sshll.u32 s0, $0xA;
	s2 =	sadd.s32 s3, s2  }
0x8d: {  	s2 =	sadd.s32 s2, s17  }
0x8e: {  	[smem:$0x3FBF] =	sst s2  }
0x8f: {  	_ = 	snop  }
0x90: {  	s18 =	sld [smem:$0x3FD0];
	(tm) =	ssettm $0x1  }
0x91: {  	s19 =	sld [smem:$0x3FFB];
	_ =	sdelay $0x3  }
0x92: {  	_ =	strace s19  }
0x93: {  	s2 =	sld [smem:$0x3FFC];
	_ =	sdelay $0x3  }
0x94: {  	_ =	strace s2  }
0x95: {  	s2 =	sld [smem:$0x3FFD];
	_ =	sdelay $0x3  }
0x96: {  	_ =	strace s2  }
0x97: {  	_ =	strace $0x8FFFFFFF  }
0x98: {  	s20 =	sld [smem:$0x3FDB];
	_ =	sdelay $0x1  }
0x99: {  	s4 =	simm.s32 $_scs_section_size  }
0x9a: {  	s5 =	simm.s32 $_size__tile_overlayer_lowered;
	s6 =	simm.s32 $_tile_overlayer_lowered  }
0x9b: {  	s7 =	simm.s32 $0x1BFF;
	s21 =	sshll.u32 s6, $0x1;
	s4 =	sadd.s32 s4, s20  }
0x9c: {  	s22 =	simm.s32 $0x0;
	s5 =	sshll.u32 s5, $0x1;
	s6 =	sadd.s32 s21, s4  }
0x9d: {  	[timem:s22], [sflag:s7] =	dma.local [hbm:s6], s5  }
0x9e: {  	_ =	swait.ge [sflag:s7], s5  }
0x9f: {  	s5 =	ssub.s32 $0x0, s5;
	[sflag:s7] =	ssyncset.done $0x0  }
0xa0: {  	[sflag:s7] =	ssyncadd.s32 s5;
	_ =	sdelay $0x1  }
0xa1: {  	s23 =	simm.s32 $0x1B8B  }
0xa2: {  	_ =	swait.ge [sflag:s23], $0x1  }
0xa3: {  	[sflag:s23] =	ssyncset.done $0x0  }
0xa4: {  	[sflag:s23] =	ssyncadd.s32 $0xFFFFFFFF  }
0xa5: {  	s5 =	sld [smem:$0x0]  }
0xa6: {  	s6 =	sand.u32 $0xFFFFFFFE, s1  }
0xa7: {  	p0 =	sne.s32 s1, s6  }
0xa8: {  	s6 =	sshll.u32 @p0 s6, $0xE  }
0xa9: {  	s6 =	sadd.s32 @p0 $0x11B8D, s6;
	s7 =	sshll.u32 @p0 s5, $0x11  }
0xaa: {  	s6 =	sor.u32 @p0 s7, s6  }
0xab: {  	[sflag:s6] =	ssyncadd.remote.s32 @p0 $0x1;
	_ =	sdelay $0x1  }
0xac: {  	s6 =	simm.s32 @p0 $0x1B8D  }
0xad: {  	_ =	swait.eq @p0 [sflag:s6], $0x1  }
0xae: {  	[sflag:s6] =	ssyncadd.s32 @p0 $0xFFFFFFFF  }
0xaf: {  	s7 =	sshll.u32 @!p0 s1, $0xE  }
0xb0: {  	s7 =	sor.u32 @!p0 $0x4000, s7;
	s6 =	simm.s32 @!p0 $0x1B8D  }
0xb1: {  	s5 =	sshll.u32 @!p0 s5, $0x11;
	s7 =	sadd.s32 @!p0 $0x11B8D, s7;
	_ =	swait.eq @!p0 [sflag:s6], $0x1  }
0xb2: {  	s5 =	sor.u32 @!p0 s5, s7;
	[sflag:s6] =	ssyncadd.s32 @!p0 $0xFFFFFFFF  }
0xb3: {  	s25 =	simm.s32 $0x1B8E;
	s24 =	sld [smem:$0x3FFE];
	[sflag:s5] =	ssyncadd.remote.s32 @!p0 $0x1  }
0xb4: {  	s26 =	simm.s32 $execute0_lowered;
	[smem:$0x3FD2] =	sst s25  }
0xb5: {  	s6 =	sshll.u32 s26, $0x1;
	_ =	strace $0x8000004C;
	[dreg:$0x1] =	wrdreg $0xFFFFFFFF  }
0xb6: {  	s28 =	simm.s32 $_size_execute0_lowered;
	s4 =	sadd.s32 s4, s6;
	[dreg:$0x0] =	wrdreg $0x0  }
0xb7: {  	s6 =	sshll.u32 s28, $0x1;
	[dreg:$0x2] =	wrdreg s4  }
0xb8: {  	[dreg:$0x3] =	wrdreg s6  }
0xb9: {  	[dreg:$0x4] =	wrdreg $0xC0  }
0xba: {  	_ =	task [dreg:s22], $0x5FFFF  }
0xbb: {  	[dreg:$0x1] =	wrdreg $0xFFFFFFFF  }
0xbc: {  	[dreg:$0x0] =	wrdreg $0x60  }
0xbd: {  	[dreg:$0x2] =	wrdreg s24  }
0xbe: {  	[dreg:$0x3] =	wrdreg s18  }
0xbf: {  	[dreg:$0x4] =	wrdreg $0xB0000  }
0xc0: {  	[dreg:$0x5] =	wrdreg $0xC3C00  }
0xc1: {  	[dreg:$0x6] =	wrdreg $0x9  }
0xc2: {  	_ =	task.clear_ibuf [dreg:s22], $0x7FFFF;
	_ =	strace $0x9000004C  }
0xc3: {  	s29 =	simm.s32 $0x9;
	_ =	strace $0x8000004E  }
0xc4: {  	_ =	swait.ge [sflag:s29], $0x1  }
0xc5: {  	[sflag:s29] =	ssyncadd.s32 $0xFFFFFFFF  }
0xc6: {  	_ =	strace $0x9000004E  }
0xc7: {  	_ =	sfence  }
0xc8: {  	s30 =	sld [smem:$0x0];
	_ =	sdelay $0x2  }
0xc9: {  	s31 =	sshll.u32 s1, $0xD;
	s1 =	sshrl.u32 s1, $0x2  }
0xca: {  	s4 =	sand.u32 $0x4000, s31;
	s1 =	sadd.s32 s1, s30  }
0xcb: {  	s0 =	sor.u32 s4, s0;
	s1 =	sshll.u32 s1, $0x11  }
0xcc: {  	s0 =	sor.u32 s1, s0  }
0xcd: {  	s0 =	sadd.s32 $0x8F2B, s0  }
0xce: {  	[sflag:s0] =	ssyncadd.remote.s32 $0x1  }
0xcf: {  	_ =	sfence.sel $0xFFFF  }
0xd0: {  	[dreg:$0x0] =	wrdreg $0xFFFFFFFF;
	(pc) =	sbr.abs _section_cstart, $3  }
0xd1: {  	[dreg:$0x1] =	wrdreg $0xFFFFFFFF  }
0xd2: {  	_ =	task.clear_ibuf [dreg:s22], $0x2FFFF;
	_ =	strace $0x9FFFFFFF  }
0xd3: {  	(tm) =	ssettm $0x7FFFFFFF  }
tec
execute0_lowered:
.L_overlay_start_1:
0x0: {  	(tag) =	ssettag $0x1  }
0x1: {  	s5 =	rddreg [dreg:$0x0]  }
0x2: {  	s8 =	rddreg [dreg:$0x1]  }
0x3: {  	s2 =	rddreg [dreg:$0x2]  }
0x4: {  	s3 =	rddreg [dreg:$0x3];
	s4 =	srdreg.scid  }
0x5: {  	s0 =	rddreg [dreg:$0x4];
	s1 =	stileid.u32;
	s16 =	simm.s32 $0x80  }
0x6: {  	s17 =	simm.s32 $0x3000;
	s18 =	simm.s32 $0x7000;
	s19 =	simm.s32 $0x1  }
0x7: {  	s20 =	simm.s32 $0x2;
	s21 =	simm.s32 $0x2C00;
	s22 =	simm.s32 $0x2C80  }
0x8: {  	s23 =	simm.s32 $0x0;
	s6 =	sand.u32 $0x1, s4;
	s4 =	simm.s32 $0x0  }
0x9: {  	s7 =	smul.u32 $0x13C00, s1;
	s31 =	sshll.u32 s1, $0x6;
	s9 =	sshll.u32 s6, $0x4  }
0xa: {  	[smem:$0x7FF] =	sst s4;
	s10 =	smul.u32 $0x13C000, s6;
	s6 =	ssub.s32 $0x2, s6  }
0xb: {  	s9 =	sor.u32 s1, s9;
	_ =	strace $0x8000004D;
	s11 =	sshrl.u32 s7, $0x3  }
0xc: {  	s13 =	sshrl.u32 s6, $0x1;
	s14 =	sadd.s32 s7, s2;
	s15 =	sadd.s32 s7, s3  }
0xd: {  	s9 =	smul.u32 $0x300, s9;
	s11 =	sadd.s32 s11, s5;
	s10 =	sadd.s32 s7, s10  }
0xe: {  	s13 =	ssub.s32 s6, s13;
	s6 =	sor.u32 $0x1C03, s31;
	s10 =	sshrl.u32 s10, $0x3  }
0xf: {  	s7 =	sadd.s32 $0x154A00, s11;
	s12 =	sadd.s32 s9, s5;
	s10 =	sadd.s32 s10, s5  }
0x10: {  	s5 =	sadd.s32 $0x2800, s11;
	s8 =	sadd.s32 s8, s9;
	s11 =	smax.u32 s13, $0x1  }
0x11: {  	s13 =	simm.s32 $0x3;
	s9 =	sadd.s32 $0x14EA00, s12;
	s10 =	sadd.s32 $0x17C200, s10  }
0x12: {  	s12 =	sshrl.u32 s14, $0x3;
	s14 =	sshrl.u32 s15, $0x3;
	s15 =	simm.s32 $0x1800  }
.LBB2_1:
0x13: {  	[spmem:s12], [sflag:s6] =	dma.local [hbm:s5], $0x2780  }
0x14: {  	_ =	swait.ge [sflag:s13], $0x2780  }
0x15: {  	[sflag:s13] =	ssyncset.done $0x0  }
0x16: {  	[sflag:s13] =	ssyncadd.s32 $0xFFFFD880  }
0x17: {  	[spmem:s14], [sflag:s6] =	dma.local [hbm:s7], $0x2780  }
0x18: {  	_ =	swait.ge [sflag:s13], $0x2780  }
0x19: {  	[sflag:s13] =	ssyncset.done $0x0  }
0x1a: {  	[sflag:s13] =	ssyncadd.s32 $0xFFFFD880  }
0x1b: {  	[tilespmem:s4], [sflag:$0x3] =	stream.linear.gather [hbm4b:s8+s4], $0x1500, $0x38;
	[tilespmem:$0xD780] =	vst v63  }
0x1c: {  	_ =	swait.ge [sflag:s13], $0x1500  }
0x1d: {  	[sflag:s13] =	ssyncset.done $0x0  }
0x1e: {  	[sflag:s13] =	ssyncadd.s32 $0xFFFFEB00  }
0x1f: {  	[tilespmem:s15], [sflag:$0x3] =	stream.linear.gather [hbm4b:s9+s4], $0x1500, $0x38;
	[tilespmem:$0xD780] =	vst v63  }
0x20: {  	_ =	swait.ge [sflag:s13], $0x1500  }
0x21: {  	[sflag:s13] =	ssyncset.done $0x0  }
0x22: {  	[sflag:s13] =	ssyncadd.s32 $0xFFFFEB00  }
0x23: {  	[bflag:$0x0] =	sbarrier.arrive $0xFFFF  }
0x24: {  	[tilespmem:s17], [sflag:$0x1] =	stream.indirect.gather [spmem:s3], $0x8, s4, s16, $0xb8;
	[tilespmem:$0xD780] =	vst v63  }
0x25: {  	_ = 	snop  }
0x26: {  	[tilespmem:s18], [sflag:$0x2] =	stream.indirect.gather [spmem:s3], $0x8, s16, s16, $0xb8;
	[tilespmem:$0xD780] =	vst v63  }
0x27: {  	_ =	swait.ge [sflag:s19], $0x400  }
0x28: {  	[sflag:s19] =	ssyncset.done $0x0  }
0x29: {  	s24 =	simm.s32 $0x1800;
	[sflag:s19] =	ssyncadd.s32 $0xFFFFFC00  }
0x2a: {  	[spmem:s2] =	stream.indirect.scatter.add.f32 [tilespmem:s17], [sflag:$0x3], $0x8, s24, s16, $0xb8;
	[tilespmem:$0xD780] =	vst v63  }
0x2b: {  	_ =	swait.ge [sflag:s13], $0x400  }
0x2c: {  	[sflag:s13] =	ssyncset.done $0x0  }
0x2d: {  	s30 =	simm.s32 $0x100;
	[sflag:s13] =	ssyncadd.s32 $0xFFFFFC00  }
0x2e: {  	[tilespmem:s17], [sflag:$0x1] =	stream.indirect.gather [spmem:s3], $0x8, s30, s16, $0xb8;
	[tilespmem:$0xD780] =	vst v63  }
0x2f: {  	_ =	swait.ge [sflag:s20], $0x400  }
0x30: {  	[sflag:s20] =	ssyncset.done $0x0  }
0x31: {  	s31 =	simm.s32 $0x1880;
	[sflag:s20] =	ssyncadd.s32 $0xFFFFFC00  }
0x32: {  	[spmem:s2] =	stream.indirect.scatter.add.f32 [tilespmem:s18], [sflag:$0x3], $0x8, s31, s16, $0xb8;
	[tilespmem:$0xD780] =	vst v63  }
0x33: {  	_ =	swait.ge [sflag:s13], $0x400  }
0x34: {  	[sflag:s13] =	ssyncset.done $0x0  }
0x35: {  	s25 =	simm.s32 $0x180;
	s24 =	simm.s32 $0x400;
	[sflag:s13] =	ssyncadd.s32 $0xFFFFFC00  }
.LBB2_2:
0x36: {  	[tilespmem:s18], [sflag:$0x2] =	stream.indirect.gather [spmem:s3], $0x8, s25, s16, $0xb8;
	[tilespmem:$0xD780] =	vst v63  }
0x37: {  	s25 =	smov.u32 s24  }
0x38: {  	p0 =	sne.s32 s24, $0x4C00;
	s24 =	sadd.s32 $0x400, s24;
	_ =	swait.ge [sflag:s19], $0x400  }
0x39: {  	s25 =	sshra.s32 s25, $0x2;
	[sflag:s19] =	ssyncset.done $0x0  }
0x3a: {  	s26 =	sadd.s32 $0x1800, s25;
	[sflag:s19] =	ssyncadd.s32 $0xFFFFFC00  }
0x3b: {  	[spmem:s2] =	stream.indirect.scatter.add.f32 [tilespmem:s17], [sflag:$0x3], $0x8, s26, s16, $0xb8;
	[tilespmem:$0xD780] =	vst v63  }
0x3c: {  	_ =	swait.ge [sflag:s13], $0x400  }
0x3d: {  	[sflag:s13] =	ssyncset.done $0x0  }
0x3e: {  	s26 =	sadd.s32 $0x100, s25;
	[sflag:s13] =	ssyncadd.s32 $0xFFFFFC00  }
0x3f: {  	[tilespmem:s17], [sflag:$0x1] =	stream.indirect.gather [spmem:s3], $0x8, s26, s16, $0xb8;
	[tilespmem:$0xD780] =	vst v63  }
0x40: {  	_ =	swait.ge [sflag:s20], $0x400  }
0x41: {  	[sflag:s20] =	ssyncset.done $0x0  }
.Ltmp0:
0x42: {  	s26 =	sadd.s32 $0x1880, s25;
	[sflag:s20] =	ssyncadd.s32 $0xFFFFFC00;
	(pc) =	sbr.rel @p0 .LBB2_2-.Ltmp0, $4  }
0x43: {  	[spmem:s2] =	stream.indirect.scatter.add.f32 [tilespmem:s18], [sflag:$0x3], $0x8, s26, s16, $0xb8;
	[tilespmem:$0xD780] =	vst v63  }
0x44: {  	_ =	swait.ge [sflag:s13], $0x400  }
0x45: {  	[sflag:s13] =	ssyncset.done $0x0  }
0x46: {  	s25 =	sadd.s32 $0x180, s25;
	[sflag:s13] =	ssyncadd.s32 $0xFFFFFC00  }
0x47: {  	[tilespmem:s18], [sflag:$0x2] =	stream.indirect.gather [spmem:s3], $0x8, s25, s16, $0xb8;
	[tilespmem:$0xD780] =	vst v63  }
0x48: {  	_ =	swait.ge [sflag:s19], $0x400  }
0x49: {  	[sflag:s19] =	ssyncset.done $0x0  }
0x4a: {  	[sflag:s19] =	ssyncadd.s32 $0xFFFFFC00  }
0x4b: {  	[spmem:s2] =	stream.indirect.scatter.add.f32 [tilespmem:s17], [sflag:$0x3], $0x8, s21, s16, $0xb8;
	[tilespmem:$0xD780] =	vst v63  }
0x4c: {  	_ =	swait.ge [sflag:s13], $0x400  }
0x4d: {  	[sflag:s13] =	ssyncset.done $0x0  }
0x4e: {  	[sflag:s13] =	ssyncadd.s32 $0xFFFFFC00  }
0x4f: {  	_ =	swait.ge [sflag:s20], $0x400  }
0x50: {  	[sflag:s20] =	ssyncset.done $0x0  }
0x51: {  	[sflag:s20] =	ssyncadd.s32 $0xFFFFFC00  }
0x52: {  	[spmem:s2] =	stream.indirect.scatter.add.f32 [tilespmem:s18], [sflag:$0x3], $0x8, s22, s16, $0xb8;
	[tilespmem:$0xD780] =	vst v63  }
0x53: {  	_ =	swait.ge [sflag:s13], $0x400  }
0x54: {  	s23 =	sadd.s32 $0x1, s23;
	[sflag:s13] =	ssyncset.done $0x0  }
0x55: {  	p0 =	sne.s32 s23, s11;
	[sflag:s13] =	ssyncadd.s32 $0xFFFFFC00  }
.Ltmp1:
0x56: {  	[bflag:$0x0] =	sbarrier.arrive $0xFFFF;
	(pc) =	sbr.rel @p0 .LBB2_1-.Ltmp1, $4  }
0x57: {  	[hbm:s10], [sflag:s6] =	dma.local [spmem:s12], $0x2780  }
0x58: {  	_ =	swait.ge [sflag:s13], $0x2780  }
0x59: {  	[sflag:s13] =	ssyncset.done $0x0  }
0x5a: {  	[sflag:s13] =	ssyncadd.s32 $0xFFFFD880  }
0x5b: {  	_ =	sfence.sel $0x180000  }
0x5c: {  	[bflag:$0x0] =	sbarrier.arrive $0xFFFF  }
0x5d: {  	p0 =	sne.s32 s1, $0x0;
	_ =	strace $0x9000004D  }
0x5e: {  	s0 =	sadd.s32 @!p0 $0x100000, s0;
	[bflag:$0x2] =	sbarrier.arrive $0xFFFF  }
0x5f: {  	[sflag:s0] =	ssyncadd.tile.s32 @!p0 $0x1;
	_ =	shalt  }
.Lfunc_end2:
_tile_overlayer_lowered:
.L_overlay_start_2:
0x60: {  	(tag) =	ssettag $0x2  }
0x61: {  	s0 =	rddreg [dreg:$0x0];
	s2 =	stileid.u32  }
0x62: {  	s1 =	rddreg [dreg:$0x1];
	p0 =	sne.s32 s2, $0x0  }
0x63: {  	s3 =	rddreg [dreg:$0x2];
	[bflag:$0x3] =	sbarrier.arrive $0xFFFF;
	s2 =	simm.s32 @!p0 $0x1C03  }
0x64: {  	[timem:s3], [sflag:s2] =	dma.local @!p0 [hbm:s0], s1  }
0x65: {  	s0 =	simm.s32 @!p0 $0x3  }
0x66: {  	_ =	swait.ge @!p0 [sflag:s0], s1  }
0x67: {  	s1 =	ssub.s32 @!p0 $0x0, s1;
	[sflag:s0] =	ssyncset.done @!p0 $0x0  }
0x68: {  	[sflag:s0] =	ssyncadd.s32 @!p0 s1  }
0x69: {  	[bflag:$0x3] =	sbarrier.arrive $0xFFFF  }
0x6a: {  	_ =	shalt  }

// kernel: kernel.18.cloned.1.call-start
scs
__scs_entry_jumppad:
0x0: {  	(pc) =	sbr.rel $0x88, $3  }
0x1: {  	(tag) =	ssettag $0x0;
	lr =	simm.s32 $0x1  }
0x2: {  	[smem:$0x3F98] =	sst lr;
	_ =	strace $0xD0000000  }
0x3: {  	_ = 	snop  }
0x4: {  	_ = 	snop  }
0x5: {  	_ = 	snop  }
0x6: {  	_ = 	snop  }
0x7: {  	_ = 	snop  }
__scs_overlays_trampoline_lowered:
0x8: {  	[smem:$0x3FA7] =	sst s0  }
0x9: {  	[smem:$0x3FA8] =	sst s1  }
0xa: {  	[smem:$0x3FA9] =	sst s2  }
0xb: {  	[smem:$0x3FAA] =	sst s3  }
0xc: {  	[smem:$0x3FAB] =	sst s4  }
0xd: {  	[smem:$0x3FAC] =	sst s5  }
0xe: {  	[smem:$0x3FAD] =	sst s6  }
0xf: {  	[smem:$0x3FAE] =	sst s7  }
0x10: {  	[smem:$0x3FAF] =	sst s8  }
0x11: {  	[smem:$0x3FB0] =	sst s9;
	s0 =	simm.s32 @!p0 $0x0  }
0x12: {  	s1 =	sld [smem:$0x3F96];
	s0 =	simm.s32 @p0 $0x1  }
0x13: {  	[smem:$0x3FB1] =	sst s0;
	s0 =	simm.s32 @!p1 $0x0  }
0x14: {  	s2 =	sld [smem:$0x3F95];
	s0 =	simm.s32 @p1 $0x1  }
0x15: {  	[smem:$0x3FB2] =	sst s0;
	s0 =	simm.s32 @!p2 $0x0  }
0x16: {  	s3 =	sld [smem:$0x3FDB];
	s0 =	simm.s32 @p2 $0x1  }
0x17: {  	s4 =	simm.s32 $0x1BF5;
	[smem:$0x3FB4] =	sst s0  }
0x18: {  	s0 =	sld [smem:$0x3F97];
	_ =	swait.ge [sflag:s4], $0x0  }
0x19: {  	s7 =	sld [smem:$0x3F98]  }
0x1a: {  	s8 =	sadd.s32 $0xFFFFE003, lr  }
0x1b: {  	s9 =	sadd.s32 $0xFFFFFEF7, lr;
	s5 =	simm.s32 $0xFFFFFFFF;
	p2 =	slt.u32 s8, $0xFFFFF086  }
0x1c: {  	p1 =	slt.u32 s9, $0xF7A;
	s5 =	simm.s32 @!p2 $0x0  }
0x1d: {  	s5 =	simm.s32 @p1 $0x1;
	p0 =	seq.s32 s7, s2  }
0x1e: {  	s7 =	smul.u32 @!p0 $0xF7A, s2;
	p2 =	seq.s32 @!p0 s5, $0x0  }
0x1f: {  	s9 =	smul.u32 $0xF7A, s1;
	s8 =	simm.s32 @!p0 $0x1BF5;
	p2 =	por !p2, p0  }
0x20: {  	[sflag:s8] =	ssyncset.s32 @!p0 $0xFFFFF086;
	s6 =	sadd.s32 @!p0 s3, s7;
	s7 =	simm.s32 @!p0 $0x108  }
0x21: {  	s3 =	sadd.s32 s3, s9;
	s6 =	sadd.s32 @!p0 $0x88, s6;
	s7 =	simm.s32 @p2 $0x1082  }
0x22: {  	[simem:s7], [sflag:s8] =	dma.local @!p0 [hbm:s6], $0xF7A  }
0x23: {  	s9 =	sor.u32 $0xD0000000, s2;
	s6 =	simm.s32 $0x108;
	_ =	swait.ge @!p0 [sflag:s8], $0x0  }
0x24: {  	s3 =	sadd.s32 $0x88, s3;
	s6 =	simm.s32 @!p1 $0x1082;
	[sflag:s4] =	ssyncset.s32 $0xFFFFF086  }
0x25: {  	[simem:s6], [sflag:s4] =	dma.local [hbm:s3], $0xF7A  }
0x26: {  	[smem:$0x3F98] =	sst s1;
	(tag) =	ssettag s2;
	_ =	strace s9  }
0x27: {  	s1 =	sld [smem:$0x3FA8]  }
0x28: {  	s2 =	sld [smem:$0x3FA9]  }
0x29: {  	s4 =	sld [smem:$0x3FAB]  }
0x2a: {  	p0 =	seq.s32 s5, $0x0;
	s5 =	sld [smem:$0x3FAC]  }
0x2b: {  	s6 =	sld [smem:$0x3FAD]  }
0x2c: {  	s7 =	sld [smem:$0x3FAE]  }
0x2d: {  	s3 =	simm.s32 $0x108;
	s8 =	sld [smem:$0x3FAF]  }
0x2e: {  	s3 =	simm.s32 @!p0 $0x1082;
	s9 =	sld [smem:$0x3FB0]  }
0x2f: {  	lr =	sadd.s32 s0, s3;
	s0 =	sld [smem:$0x3FA7]  }
0x30: {  	s3 =	sld [smem:$0x3FAA]  }
0x31: {  	[smem:$0x3FB3] =	sst s10  }
0x32: {  	s10 =	sld [smem:$0x3FB1];
	_ =	sdelay $0x3  }
0x33: {  	p0 =	seq.s32 s10, $0x1;
	s10 =	sld [smem:$0x3FB3];
	_ =	sdelay $0x3  }
0x34: {  	[smem:$0x3FB3] =	sst s10  }
0x35: {  	s10 =	sld [smem:$0x3FB2];
	_ =	sdelay $0x3  }
0x36: {  	p1 =	seq.s32 s10, $0x1;
	s10 =	sld [smem:$0x3FB3];
	_ =	sdelay $0x3  }
0x37: {  	[smem:$0x3FB3] =	sst s10  }
0x38: {  	s10 =	sld [smem:$0x3FB4]  }
0x39: {  	_ = 	snop;
	(pc) =	sbr.ind lr, $3  }
0x3a: {  	_ = 	snop  }
0x3b: {  	_ = 	snop  }
0x3c: {  	p2 =	seq.s32 s10, $0x1;
	s10 =	sld [smem:$0x3FB3]  }
0x3d: {  	_ =	shalt  }
0x3e: {  	_ =	shalt  }
0x3f: {  	_ =	shalt  }
0x40: {  	_ =	shalt  }
0x41: {  	_ =	shalt  }
0x42: {  	_ =	shalt  }
0x43: {  	_ =	shalt  }
0x44: {  	_ =	shalt  }
0x45: {  	_ =	shalt  }
0x46: {  	_ =	shalt  }
0x47: {  	_ =	shalt  }
0x48: {  	_ =	shalt  }
0x49: {  	_ =	shalt  }
0x4a: {  	_ =	shalt  }
0x4b: {  	_ =	shalt  }
0x4c: {  	_ =	shalt  }
0x4d: {  	_ =	shalt  }
0x4e: {  	_ =	shalt  }
0x4f: {  	_ =	shalt  }
0x50: {  	_ =	shalt  }
0x51: {  	_ =	shalt  }
0x52: {  	_ =	shalt  }
0x53: {  	_ =	shalt  }
0x54: {  	_ =	shalt  }
0x55: {  	_ =	shalt  }
0x56: {  	_ =	shalt  }
0x57: {  	_ =	shalt  }
0x58: {  	_ =	shalt  }
0x59: {  	_ =	shalt  }
0x5a: {  	_ =	shalt  }
0x5b: {  	_ =	shalt  }
0x5c: {  	_ =	shalt  }
0x5d: {  	_ =	shalt  }
0x5e: {  	_ =	shalt  }
0x5f: {  	_ =	shalt  }
0x60: {  	_ =	shalt  }
0x61: {  	_ =	shalt  }
0x62: {  	_ =	shalt  }
0x63: {  	_ =	shalt  }
0x64: {  	_ =	shalt  }
0x65: {  	_ =	shalt  }
0x66: {  	_ =	shalt  }
0x67: {  	_ =	shalt  }
0x68: {  	_ =	shalt  }
0x69: {  	_ =	shalt  }
0x6a: {  	_ =	shalt  }
0x6b: {  	_ =	shalt  }
0x6c: {  	_ =	shalt  }
0x6d: {  	_ =	shalt  }
0x6e: {  	_ =	shalt  }
0x6f: {  	_ =	shalt  }
0x70: {  	_ =	shalt  }
0x71: {  	_ =	shalt  }
0x72: {  	_ =	shalt  }
0x73: {  	_ =	shalt  }
0x74: {  	_ =	shalt  }
0x75: {  	_ =	shalt  }
0x76: {  	_ =	shalt  }
0x77: {  	_ =	shalt  }
0x78: {  	_ =	shalt  }
0x79: {  	_ =	shalt  }
0x7a: {  	_ =	shalt  }
0x7b: {  	_ =	shalt  }
0x7c: {  	_ =	shalt  }
0x7d: {  	_ =	shalt  }
0x7e: {  	_ =	shalt  }
0x7f: {  	_ =	shalt  }
0x80: {  	_ =	shalt  }
0x81: {  	_ =	shalt  }
0x82: {  	_ =	shalt  }
0x83: {  	_ =	shalt  }
0x84: {  	_ =	shalt  }
0x85: {  	_ =	shalt  }
0x86: {  	_ =	shalt  }
0x87: {  	_ =	shalt  }
.Lfunc_end0:
.L_simem_size_0:
called_computation.2_lowered:
.L_overlay_start_0:
0x88: {  	s2 =	sld [smem:$0x3FD9]  }
0x89: {  	s3 =	sld [smem:$0x3FFE];
	_ =	sdelay $0x1  }
0x8a: {  	s1 =	srdreg.scid  }
0x8b: {  	s0 =	sand.u32 $0x1, s1  }
0x8c: {  	s16 =	sshll.u32 s0, $0xA;
	s2 =	sadd.s32 s3, s2  }
0x8d: {  	s2 =	sadd.s32 s2, s16  }
0x8e: {  	[smem:$0x3FBF] =	sst s2  }
0x8f: {  	_ = 	snop  }
0x90: {  	(tm) =	ssettm $0x1  }
0x91: {  	s17 =	sld [smem:$0x3FFB];
	_ =	sdelay $0x3  }
0x92: {  	_ =	strace s17  }
0x93: {  	s2 =	sld [smem:$0x3FFC];
	_ =	sdelay $0x3  }
0x94: {  	_ =	strace s2  }
0x95: {  	s2 =	sld [smem:$0x3FFD];
	_ =	sdelay $0x3  }
0x96: {  	_ =	strace s2  }
0x97: {  	_ =	strace $0x8FFFFFFF  }
0x98: {  	s18 =	sld [smem:$0x3FDB];
	_ =	sdelay $0x1  }
0x99: {  	s19 =	simm.s32 $_scs_section_size  }
0x9a: {  	s4 =	simm.s32 $_size__tile_overlayer_lowered;
	s5 =	simm.s32 $_tile_overlayer_lowered  }
0x9b: {  	s22 =	simm.s32 $0x1BFF;
	s21 =	sshll.u32 s5, $0x1;
	s2 =	sadd.s32 s19, s18  }
0x9c: {  	s6 =	simm.s32 $0x0;
	s20 =	sshll.u32 s4, $0x1;
	s4 =	sadd.s32 s21, s2  }
0x9d: {  	[timem:s6], [sflag:s22] =	dma.local [hbm:s4], s20  }
0x9e: {  	_ =	swait.ge [sflag:s22], s20  }
0x9f: {  	s3 =	ssub.s32 $0x0, s20;
	[sflag:s22] =	ssyncset.done $0x0  }
0xa0: {  	[sflag:s22] =	ssyncadd.s32 s3;
	_ =	sdelay $0x1  }
0xa1: {  	s23 =	simm.s32 $0x1B8B  }
0xa2: {  	_ =	swait.ge [sflag:s23], $0x1  }
0xa3: {  	[sflag:s23] =	ssyncset.done $0x0  }
0xa4: {  	s25 =	simm.s32 $0x1B8E;
	s24 =	sld [smem:$0x3FFE];
	[sflag:s23] =	ssyncadd.s32 $0xFFFFFFFF  }
0xa5: {  	s26 =	simm.s32 $execute0_lowered;
	[smem:$0x3FD2] =	sst s25  }
0xa6: {  	s4 =	sshll.u32 s26, $0x1;
	_ =	strace $0x80000049;
	[dreg:$0x1] =	wrdreg $0xFFFFFFFF  }
0xa7: {  	s28 =	simm.s32 $_size_execute0_lowered;
	s2 =	sadd.s32 s2, s4;
	[dreg:$0x0] =	wrdreg $0x0  }
0xa8: {  	s4 =	sshll.u32 s28, $0x1;
	[dreg:$0x2] =	wrdreg s2  }
0xa9: {  	[dreg:$0x3] =	wrdreg s4  }
0xaa: {  	[dreg:$0x4] =	wrdreg $0xC0  }
0xab: {  	_ =	task [dreg:s6], $0x5FFFF  }
0xac: {  	[dreg:$0x1] =	wrdreg $0xFFFFFFFF  }
0xad: {  	[dreg:$0x0] =	wrdreg $0x60  }
0xae: {  	[dreg:$0x2] =	wrdreg s24  }
0xaf: {  	[dreg:$0x3] =	wrdreg $0xAE000  }
0xb0: {  	[dreg:$0x4] =	wrdreg $0xA  }
0xb1: {  	_ =	task.clear_ibuf [dreg:s6], $0x5FFFF;
	_ =	strace $0x90000049  }
0xb2: {  	s29 =	simm.s32 $0xA;
	_ =	strace $0x8000004B  }
0xb3: {  	_ =	swait.ge [sflag:s29], $0x1  }
0xb4: {  	[sflag:s29] =	ssyncadd.s32 $0xFFFFFFFF  }
0xb5: {  	_ =	strace $0x9000004B  }
0xb6: {  	_ =	sfence  }
0xb7: {  	s30 =	sld [smem:$0x0];
	_ =	sdelay $0x2  }
0xb8: {  	s31 =	sshll.u32 s1, $0xD;
	s1 =	sshrl.u32 s1, $0x2  }
0xb9: {  	s3 =	sand.u32 $0x4000, s31;
	s1 =	sadd.s32 s1, s30  }
0xba: {  	s0 =	sor.u32 s3, s0;
	s1 =	sshll.u32 s1, $0x11  }
0xbb: {  	s0 =	sor.u32 s1, s0  }
0xbc: {  	s0 =	sadd.s32 $0x8F2B, s0  }
0xbd: {  	[sflag:s0] =	ssyncadd.remote.s32 $0x1  }
0xbe: {  	_ =	sfence.sel $0xFFFF  }
0xbf: {  	[dreg:$0x0] =	wrdreg $0xFFFFFFFF;
	(pc) =	sbr.abs _section_cstart, $3  }
0xc0: {  	[dreg:$0x1] =	wrdreg $0xFFFFFFFF  }
0xc1: {  	_ =	task.clear_ibuf [dreg:s6], $0x2FFFF;
	_ =	strace $0x9FFFFFFF  }
0xc2: {  	(tm) =	ssettm $0x7FFFFFFF  }
0xc3: {  	_ =	shalt  }
tec
execute0_lowered:
.L_overlay_start_1:
0x0: {  	(tag) =	ssettag $0x1  }
0x1: {  	s0 =	srdreg.scid;
	s5 =	rddreg [dreg:$0x0]  }
0x2: {  	s11 =	stileid.u32;
	s2 =	rddreg [dreg:$0x1];
	s3 =	simm.s32 $0x0  }
0x3: {  	s15 =	simm.s32 $0x100;
	s16 =	simm.s32 $0x1;
	s17 =	simm.s32 $0x80  }
0x4: {  	s18 =	simm.s32 $0x2E00;
	s19 =	simm.s32 $0x6E00;
	s21 =	simm.s32 $0x2  }
0x5: {  	s22 =	simm.s32 $0x3;
	s23 =	simm.s32 $0x4;
	s24 =	simm.s32 $0x5  }
0x6: {  	s30 =	simm.s32 $0x2B00;
	s31 =	simm.s32 $0x2B80;
	s6 =	smul.u32 $0x580, s11  }
0x7: {  	s0 =	sand.u32 $0x1, s0;
	[smem:$0x7FF] =	sst s3;
	s7 =	smul.u32 $0x13C00, s11  }
0x8: {  	s4 =	sadd.s32 $0x8A000, s5;
	s25 =	smul.u32 $0x4F000, s11;
	s29 =	sshll.u32 s11, $0x6  }
0x9: {  	s1 =	sshll.u32 s0, $0x4;
	_ =	strace $0x8000004A;
	s8 =	smul.u32 $0x13C000, s0  }
0xa: {  	s0 =	ssub.s32 $0x2, s0;
	s12 =	sor.u32 $0x1C07, s29;
	s1 =	sor.u32 s11, s1  }
0xb: {  	s6 =	sadd.s32 s6, s5;
	s9 =	sshrl.u32 s7, $0x3;
	s26 =	sshrl.u32 s0, $0x1  }
0xc: {  	s28 =	sshrl.u32 s25, $0x2;
	s11 =	simm.s32 $0x7;
	s25 =	simm.s32 $0x6  }
0xd: {  	s1 =	smul.u32 $0x580, s1;
	s7 =	sadd.s32 s7, s8;
	s9 =	sadd.s32 s9, s5  }
0xe: {  	s0 =	ssub.s32 s0, s26;
	s13 =	sadd.s32 s28, s2;
	s26 =	simm.s32 $0x180  }
0xf: {  	s7 =	sshrl.u32 s7, $0x3;
	s13 =	sshrl.u32 s13, $0x3;
	s1 =	sadd.s32 s1, s5  }
0x10: {  	s10 =	sadd.s32 s7, s5;
	s5 =	sadd.s32 $0x79800, s6;
	s6 =	sadd.s32 $0xD8200, s9  }
0x11: {  	s9 =	smax.u32 s0, $0x1;
	s7 =	sadd.s32 $0x7F000, s1;
	s8 =	sadd.s32 $0xFFA00, s10  }
0x12: {  	s1 =	simm.s32 $0x0;
	s14 =	sadd.s32 $0x20, s7;
	s20 =	sadd.s32 $0x40, s7  }
.LBB2_1:
0x13: {  	s0 =	simm.s32 $0x200  }
0x14: {  	[tilespmem:s0], [sflag:$0x7] =	stream.linear.gather [hbm4b:s5+s3], $0x2A00, $0x38;
	[tilespmem:$0x1EA00] =	vst v63  }
0x15: {  	_ =	swait.ge [sflag:s11], $0x2A00  }
0x16: {  	[sflag:s11] =	ssyncset.done $0x0  }
0x17: {  	[sflag:s11] =	ssyncadd.s32 $0xFFFFD600  }
0x18: {  	[spmem:s13], [sflag:s12] =	dma.local [hbm:s6], $0x2780  }
0x19: {  	_ =	swait.ge [sflag:s11], $0x2780  }
0x1a: {  	[sflag:s11] =	ssyncset.done $0x0  }
0x1b: {  	[sflag:s11] =	ssyncadd.s32 $0xFFFFD880  }
0x1c: {  	[bflag:$0x0] =	sbarrier.arrive $0xFFFF  }
0x1d: {  	[tilespmem:s3], [sflag:$0x1] =	stream.linear.gather [hbm4b:s7+s3], $0x100, $0x38;
	[tilespmem:$0x1EA00] =	vst v63  }
0x1e: {  	_ = 	snop  }
0x1f: {  	[tilespmem:s15], [sflag:$0x2] =	stream.linear.gather [hbm4b:s14+s3], $0x100, $0x38;
	[tilespmem:$0x1EA00] =	vst v63  }
0x20: {  	_ =	swait.ge [sflag:s16], $0x100  }
0x21: {  	[sflag:s16] =	ssyncset.done $0x0  }
0x22: {  	[sflag:s16] =	ssyncadd.s32 $0xFFFFFF00  }
0x23: {  	[tilespmem:s18], [sflag:$0x3] =	stream.indirect.gather [hbm4b:s4+s17], $0x80, s3, s17, $0xb8;
	[tilespmem:$0x1EA00] =	vst v63  }
0x24: {  	_ = 	snop  }
0x25: {  	[tilespmem:s19], [sflag:$0x4] =	stream.indirect.gather [hbm4b:s4+s17], $0x80, s17, s17, $0xb8;
	[tilespmem:$0x1EA00] =	vst v63  }
0x26: {  	_ =	swait.ge [sflag:s21], $0x100  }
0x27: {  	[sflag:s21] =	ssyncset.done $0x0  }
0x28: {  	[sflag:s21] =	ssyncadd.s32 $0xFFFFFF00  }
0x29: {  	_ =	swait.ge [sflag:s22], $0x4000  }
0x2a: {  	[sflag:s22] =	ssyncset.done $0x0  }
0x2b: {  	s10 =	simm.s32 $0x200;
	[sflag:s22] =	ssyncadd.s32 $0xFFFFC000  }
0x2c: {  	[spmem:s2] =	stream.indirect.scatter.add.f32 [tilespmem:s18], [sflag:$0x5], $0x80, s10, s17, $0xb8;
	[tilespmem:$0x1EA00] =	vst v63  }
0x2d: {  	_ =	swait.ge [sflag:s23], $0x4000  }
0x2e: {  	[sflag:s23] =	ssyncset.done $0x0  }
0x2f: {  	s29 =	simm.s32 $0x280;
	[sflag:s23] =	ssyncadd.s32 $0xFFFFC000  }
0x30: {  	[spmem:s2] =	stream.indirect.scatter.add.f32 [tilespmem:s19], [sflag:$0x6], $0x80, s29, s17, $0xb8;
	[tilespmem:$0x1EA00] =	vst v63  }
0x31: {  	_ =	swait.ge [sflag:s24], $0x4000  }
0x32: {  	[sflag:s24] =	ssyncset.done $0x0  }
0x33: {  	[sflag:s24] =	ssyncadd.s32 $0xFFFFC000  }
0x34: {  	[tilespmem:s18], [sflag:$0x3] =	stream.indirect.gather [hbm4b:s4+s17], $0x80, s15, s17, $0xb8;
	[tilespmem:$0x1EA00] =	vst v63  }
0x35: {  	_ =	swait.ge [sflag:s25], $0x4000  }
0x36: {  	[sflag:s25] =	ssyncset.done $0x0  }
0x37: {  	[sflag:s25] =	ssyncadd.s32 $0xFFFFC000  }
0x38: {  	[tilespmem:s19], [sflag:$0x4] =	stream.indirect.gather [hbm4b:s4+s17], $0x80, s26, s17, $0xb8;
	[tilespmem:$0x1EA00] =	vst v63  }
0x39: {  	_ = 	snop  }
0x3a: {  	[tilespmem:s3], [sflag:$0x1] =	stream.linear.gather [hbm4b:s20+s3], $0x100, $0x38;
	[tilespmem:$0x1EA00] =	vst v63  }
0x3b: {  	_ =	swait.ge [sflag:s16], $0x100  }
0x3c: {  	[sflag:s16] =	ssyncset.done $0x0  }
0x3d: {  	[sflag:s16] =	ssyncadd.s32 $0xFFFFFF00  }
0x3e: {  	_ =	swait.ge [sflag:s22], $0x4000  }
0x3f: {  	[sflag:s22] =	ssyncset.done $0x0  }
0x40: {  	s10 =	simm.s32 $0x300;
	[sflag:s22] =	ssyncadd.s32 $0xFFFFC000  }
0x41: {  	[spmem:s2] =	stream.indirect.scatter.add.f32 [tilespmem:s18], [sflag:$0x5], $0x80, s10, s17, $0xb8;
	[tilespmem:$0x1EA00] =	vst v63  }
0x42: {  	_ =	swait.ge [sflag:s23], $0x4000  }
0x43: {  	[sflag:s23] =	ssyncset.done $0x0  }
0x44: {  	s29 =	simm.s32 $0x380;
	[sflag:s23] =	ssyncadd.s32 $0xFFFFC000  }
0x45: {  	[spmem:s2] =	stream.indirect.scatter.add.f32 [tilespmem:s19], [sflag:$0x6], $0x80, s29, s17, $0xb8;
	[tilespmem:$0x1EA00] =	vst v63  }
0x46: {  	_ =	swait.ge [sflag:s24], $0x4000  }
0x47: {  	[sflag:s24] =	ssyncset.done $0x0  }
0x48: {  	[sflag:s24] =	ssyncadd.s32 $0xFFFFC000  }
0x49: {  	[tilespmem:s18], [sflag:$0x3] =	stream.indirect.gather [hbm4b:s4+s17], $0x80, s3, s17, $0xb8;
	[tilespmem:$0x1EA00] =	vst v63  }
0x4a: {  	_ =	swait.ge [sflag:s25], $0x4000  }
0x4b: {  	s28 =	sadd.s32 $0x20, s20;
	[sflag:s25] =	ssyncset.done $0x0  }
0x4c: {  	s0 =	simm.s32 $0x800;
	s10 =	sadd.s32 $0x40, s20;
	[sflag:s25] =	ssyncadd.s32 $0xFFFFC000  }
0x4d: {  	[tilespmem:s19], [sflag:$0x4] =	stream.indirect.gather [hbm4b:s4+s17], $0x80, s17, s17, $0xb8;
	[tilespmem:$0x1EA00] =	vst v63  }
.LBB2_2:
0x4e: {  	[tilespmem:s15], [sflag:$0x2] =	stream.linear.gather [hbm4b:s28+s3], $0x100, $0x38;
	[tilespmem:$0x1EA00] =	vst v63  }
0x4f: {  	s28 =	smov.u32 s0  }
0x50: {  	p0 =	sne.s32 s0, $0x9800;
	s0 =	sadd.s32 $0x800, s0;
	_ =	swait.ge [sflag:s21], $0x100  }
0x51: {  	[sflag:s21] =	ssyncset.done $0x0  }
0x52: {  	[sflag:s21] =	ssyncadd.s32 $0xFFFFFF00  }
0x53: {  	_ =	swait.ge [sflag:s22], $0x4000  }
0x54: {  	s28 =	sshra.s32 s28, $0x2;
	[sflag:s22] =	ssyncset.done $0x0  }
0x55: {  	s29 =	sadd.s32 $0x200, s28;
	[sflag:s22] =	ssyncadd.s32 $0xFFFFC000  }
0x56: {  	[spmem:s2] =	stream.indirect.scatter.add.f32 [tilespmem:s18], [sflag:$0x5], $0x80, s29, s17, $0xb8;
	[tilespmem:$0x1EA00] =	vst v63  }
0x57: {  	_ =	swait.ge [sflag:s23], $0x4000  }
0x58: {  	[sflag:s23] =	ssyncset.done $0x0  }
0x59: {  	s29 =	sadd.s32 $0x280, s28;
	[sflag:s23] =	ssyncadd.s32 $0xFFFFC000  }
0x5a: {  	[spmem:s2] =	stream.indirect.scatter.add.f32 [tilespmem:s19], [sflag:$0x6], $0x80, s29, s17, $0xb8;
	[tilespmem:$0x1EA00] =	vst v63  }
0x5b: {  	_ =	swait.ge [sflag:s24], $0x4000  }
0x5c: {  	[sflag:s24] =	ssyncset.done $0x0  }
0x5d: {  	[sflag:s24] =	ssyncadd.s32 $0xFFFFC000  }
0x5e: {  	[tilespmem:s18], [sflag:$0x3] =	stream.indirect.gather [hbm4b:s4+s17], $0x80, s15, s17, $0xb8;
	[tilespmem:$0x1EA00] =	vst v63  }
0x5f: {  	_ =	swait.ge [sflag:s25], $0x4000  }
0x60: {  	[sflag:s25] =	ssyncset.done $0x0  }
0x61: {  	[sflag:s25] =	ssyncadd.s32 $0xFFFFC000  }
0x62: {  	[tilespmem:s19], [sflag:$0x4] =	stream.indirect.gather [hbm4b:s4+s17], $0x80, s26, s17, $0xb8;
	[tilespmem:$0x1EA00] =	vst v63  }
0x63: {  	_ = 	snop  }
0x64: {  	[tilespmem:s3], [sflag:$0x1] =	stream.linear.gather [hbm4b:s10+s3], $0x100, $0x38;
	[tilespmem:$0x1EA00] =	vst v63  }
0x65: {  	_ =	swait.ge [sflag:s16], $0x100  }
0x66: {  	[sflag:s16] =	ssyncset.done $0x0  }
0x67: {  	[sflag:s16] =	ssyncadd.s32 $0xFFFFFF00  }
0x68: {  	_ =	swait.ge [sflag:s22], $0x4000  }
0x69: {  	[sflag:s22] =	ssyncset.done $0x0  }
0x6a: {  	s29 =	sadd.s32 $0x300, s28;
	[sflag:s22] =	ssyncadd.s32 $0xFFFFC000  }
0x6b: {  	[spmem:s2] =	stream.indirect.scatter.add.f32 [tilespmem:s18], [sflag:$0x5], $0x80, s29, s17, $0xb8;
	[tilespmem:$0x1EA00] =	vst v63  }
0x6c: {  	_ =	swait.ge [sflag:s23], $0x4000  }
0x6d: {  	[sflag:s23] =	ssyncset.done $0x0  }
0x6e: {  	s28 =	sadd.s32 $0x380, s28;
	[sflag:s23] =	ssyncadd.s32 $0xFFFFC000  }
0x6f: {  	[spmem:s2] =	stream.indirect.scatter.add.f32 [tilespmem:s19], [sflag:$0x6], $0x80, s28, s17, $0xb8;
	[tilespmem:$0x1EA00] =	vst v63  }
0x70: {  	_ =	swait.ge [sflag:s24], $0x4000  }
0x71: {  	[sflag:s24] =	ssyncset.done $0x0  }
0x72: {  	[sflag:s24] =	ssyncadd.s32 $0xFFFFC000  }
0x73: {  	[tilespmem:s18], [sflag:$0x3] =	stream.indirect.gather [hbm4b:s4+s17], $0x80, s3, s17, $0xb8;
	[tilespmem:$0x1EA00] =	vst v63  }
.Ltmp0:
0x74: {  	_ =	swait.ge [sflag:s25], $0x4000;
	(pc) =	sbr.rel @p0 .LBB2_2-.Ltmp0, $4  }
0x75: {  	[sflag:s25] =	ssyncset.done $0x0  }
0x76: {  	[sflag:s25] =	ssyncadd.s32 $0xFFFFC000  }
0x77: {  	[tilespmem:s19], [sflag:$0x4] =	stream.indirect.gather [hbm4b:s4+s17], $0x80, s17, s17, $0xb8;
	[tilespmem:$0x1EA00] =	vst v63  }
0x78: {  	s28 =	sadd.s32 $0x20, s10;
	s10 =	sadd.s32 $0x40, s10  }
0x79: {  	[tilespmem:s15], [sflag:$0x2] =	stream.linear.gather [hbm4b:s28+s3], $0x100, $0x38;
	[tilespmem:$0x1EA00] =	vst v63  }
0x7a: {  	_ =	swait.ge [sflag:s21], $0x100  }
0x7b: {  	[sflag:s21] =	ssyncset.done $0x0  }
0x7c: {  	[sflag:s21] =	ssyncadd.s32 $0xFFFFFF00  }
0x7d: {  	_ =	swait.ge [sflag:s22], $0x4000  }
0x7e: {  	[sflag:s22] =	ssyncset.done $0x0  }
0x7f: {  	s0 =	simm.s32 $0x2A00;
	[sflag:s22] =	ssyncadd.s32 $0xFFFFC000  }
0x80: {  	[spmem:s2] =	stream.indirect.scatter.add.f32 [tilespmem:s18], [sflag:$0x5], $0x80, s0, s17, $0xb8;
	[tilespmem:$0x1EA00] =	vst v63  }
0x81: {  	_ =	swait.ge [sflag:s23], $0x4000  }
0x82: {  	[sflag:s23] =	ssyncset.done $0x0  }
0x83: {  	s29 =	simm.s32 $0x2A80;
	[sflag:s23] =	ssyncadd.s32 $0xFFFFC000  }
0x84: {  	[spmem:s2] =	stream.indirect.scatter.add.f32 [tilespmem:s19], [sflag:$0x6], $0x80, s29, s17, $0xb8;
	[tilespmem:$0x1EA00] =	vst v63  }
0x85: {  	_ =	swait.ge [sflag:s24], $0x4000  }
0x86: {  	[sflag:s24] =	ssyncset.done $0x0  }
0x87: {  	[sflag:s24] =	ssyncadd.s32 $0xFFFFC000  }
0x88: {  	[tilespmem:s18], [sflag:$0x3] =	stream.indirect.gather [hbm4b:s4+s17], $0x80, s15, s17, $0xb8;
	[tilespmem:$0x1EA00] =	vst v63  }
0x89: {  	_ =	swait.ge [sflag:s25], $0x4000  }
0x8a: {  	[sflag:s25] =	ssyncset.done $0x0  }
0x8b: {  	[sflag:s25] =	ssyncadd.s32 $0xFFFFC000  }
0x8c: {  	[tilespmem:s19], [sflag:$0x4] =	stream.indirect.gather [hbm4b:s4+s17], $0x80, s26, s17, $0xb8;
	[tilespmem:$0x1EA00] =	vst v63  }
0x8d: {  	_ =	swait.ge [sflag:s22], $0x4000  }
0x8e: {  	[sflag:s22] =	ssyncset.done $0x0  }
0x8f: {  	[sflag:s22] =	ssyncadd.s32 $0xFFFFC000  }
0x90: {  	[spmem:s2] =	stream.indirect.scatter.add.f32 [tilespmem:s18], [sflag:$0x5], $0x80, s30, s17, $0xb8;
	[tilespmem:$0x1EA00] =	vst v63  }
0x91: {  	_ =	swait.ge [sflag:s23], $0x4000  }
0x92: {  	[sflag:s23] =	ssyncset.done $0x0  }
0x93: {  	[sflag:s23] =	ssyncadd.s32 $0xFFFFC000  }
0x94: {  	[spmem:s2] =	stream.indirect.scatter.add.f32 [tilespmem:s19], [sflag:$0x6], $0x80, s31, s17, $0xb8;
	[tilespmem:$0x1EA00] =	vst v63  }
0x95: {  	_ =	swait.ge [sflag:s24], $0x4000  }
0x96: {  	[sflag:s24] =	ssyncset.done $0x0  }
0x97: {  	[sflag:s24] =	ssyncadd.s32 $0xFFFFC000  }
0x98: {  	_ =	swait.ge [sflag:s25], $0x4000  }
0x99: {  	[sflag:s25] =	ssyncset.done $0x0  }
0x9a: {  	s1 =	sadd.s32 $0x1, s1;
	[sflag:s25] =	ssyncadd.s32 $0xFFFFC000  }
0x9b: {  	p0 =	sne.s32 s1, s9;
	[bflag:$0x0] =	sbarrier.arrive $0xFFFF  }
0x9c: {  	[hbm:s8], [sflag:s12] =	dma.local [spmem:s13], $0x2780  }
.Ltmp1:
0x9d: {  	_ =	swait.ge [sflag:s11], $0x2780;
	(pc) =	sbr.rel @p0 .LBB2_1-.Ltmp1, $3  }
0x9e: {  	[sflag:s11] =	ssyncset.done $0x0  }
0x9f: {  	[sflag:s11] =	ssyncadd.s32 $0xFFFFD880  }
0xa0: {  	[bflag:$0x0] =	sbarrier.arrive $0xFFFF;
	_ =	sdelay $0x1  }
0xa1: {  	_ =	sfence.sel $0x180000  }
0xa2: {  	[bflag:$0x0] =	sbarrier.arrive $0xFFFF  }
0xa3: {  	_ =	strace $0x9000004A  }
0xa4: {  	s0 =	stileid.u32;
	[bflag:$0x2] =	sbarrier.arrive $0xFFFF  }
0xa5: {  	p0 =	sne.s32 s0, $0x0;
	s0 =	rddreg [dreg:$0x2]  }
0xa6: {  	s0 =	sadd.s32 @!p0 $0x100000, s0  }
0xa7: {  	[sflag:s0] =	ssyncadd.tile.s32 @!p0 $0x1;
	_ =	shalt  }
.Lfunc_end2:
_tile_overlayer_lowered:
.L_overlay_start_2:
0xa8: {  	(tag) =	ssettag $0x2  }
0xa9: {  	s0 =	rddreg [dreg:$0x0];
	s2 =	stileid.u32  }
0xaa: {  	s1 =	rddreg [dreg:$0x1];
	p0 =	sne.s32 s2, $0x0  }
0xab: {  	s3 =	rddreg [dreg:$0x2];
	[bflag:$0x3] =	sbarrier.arrive $0xFFFF;
	s2 =	simm.s32 @!p0 $0x1C07  }
0xac: {  	[timem:s3], [sflag:s2] =	dma.local @!p0 [hbm:s0], s1  }
0xad: {  	s0 =	simm.s32 @!p0 $0x7  }
0xae: {  	_ =	swait.ge @!p0 [sflag:s0], s1  }
0xaf: {  	s1 =	ssub.s32 @!p0 $0x0, s1;
	[sflag:s0] =	ssyncset.done @!p0 $0x0  }
0xb0: {  	[sflag:s0] =	ssyncadd.s32 @!p0 s1  }
0xb1: {  	[bflag:$0x3] =	sbarrier.arrive $0xFFFF  }
0xb2: {  	_ =	shalt  }

// kernel: kernel.21.cloned.1.call-start
scs
__scs_entry_jumppad:
0x0: {  	(pc) =	sbr.rel $0x88, $3  }
0x1: {  	(tag) =	ssettag $0x0;
	lr =	simm.s32 $0x1  }
0x2: {  	[smem:$0x3F98] =	sst lr;
	_ =	strace $0xD0000000  }
0x3: {  	_ = 	snop  }
0x4: {  	_ = 	snop  }
0x5: {  	_ = 	snop  }
0x6: {  	_ = 	snop  }
0x7: {  	_ = 	snop  }
__scs_overlays_trampoline_lowered:
0x8: {  	[smem:$0x3FA7] =	sst s0  }
0x9: {  	[smem:$0x3FA8] =	sst s1  }
0xa: {  	[smem:$0x3FA9] =	sst s2  }
0xb: {  	[smem:$0x3FAA] =	sst s3  }
0xc: {  	[smem:$0x3FAB] =	sst s4  }
0xd: {  	[smem:$0x3FAC] =	sst s5  }
0xe: {  	[smem:$0x3FAD] =	sst s6  }
0xf: {  	[smem:$0x3FAE] =	sst s7  }
0x10: {  	[smem:$0x3FAF] =	sst s8  }
0x11: {  	[smem:$0x3FB0] =	sst s9;
	s0 =	simm.s32 @!p0 $0x0  }
0x12: {  	s1 =	sld [smem:$0x3F96];
	s0 =	simm.s32 @p0 $0x1  }
0x13: {  	[smem:$0x3FB1] =	sst s0;
	s0 =	simm.s32 @!p1 $0x0  }
0x14: {  	s2 =	sld [smem:$0x3F95];
	s0 =	simm.s32 @p1 $0x1  }
0x15: {  	[smem:$0x3FB2] =	sst s0;
	s0 =	simm.s32 @!p2 $0x0  }
0x16: {  	s3 =	sld [smem:$0x3FDB];
	s0 =	simm.s32 @p2 $0x1  }
0x17: {  	s4 =	simm.s32 $0x1BF5;
	[smem:$0x3FB4] =	sst s0  }
0x18: {  	s0 =	sld [smem:$0x3F97];
	_ =	swait.ge [sflag:s4], $0x0  }
0x19: {  	s7 =	sld [smem:$0x3F98]  }
0x1a: {  	s8 =	sadd.s32 $0xFFFFE003, lr  }
0x1b: {  	s9 =	sadd.s32 $0xFFFFFEF7, lr;
	s5 =	simm.s32 $0xFFFFFFFF;
	p2 =	slt.u32 s8, $0xFFFFF086  }
0x1c: {  	p1 =	slt.u32 s9, $0xF7A;
	s5 =	simm.s32 @!p2 $0x0  }
0x1d: {  	s5 =	simm.s32 @p1 $0x1;
	p0 =	seq.s32 s7, s2  }
0x1e: {  	s7 =	smul.u32 @!p0 $0xF7A, s2;
	p2 =	seq.s32 @!p0 s5, $0x0  }
0x1f: {  	s9 =	smul.u32 $0xF7A, s1;
	s8 =	simm.s32 @!p0 $0x1BF5;
	p2 =	por !p2, p0  }
0x20: {  	[sflag:s8] =	ssyncset.s32 @!p0 $0xFFFFF086;
	s6 =	sadd.s32 @!p0 s3, s7;
	s7 =	simm.s32 @!p0 $0x108  }
0x21: {  	s3 =	sadd.s32 s3, s9;
	s6 =	sadd.s32 @!p0 $0x88, s6;
	s7 =	simm.s32 @p2 $0x1082  }
0x22: {  	[simem:s7], [sflag:s8] =	dma.local @!p0 [hbm:s6], $0xF7A  }
0x23: {  	s9 =	sor.u32 $0xD0000000, s2;
	s6 =	simm.s32 $0x108;
	_ =	swait.ge @!p0 [sflag:s8], $0x0  }
0x24: {  	s3 =	sadd.s32 $0x88, s3;
	s6 =	simm.s32 @!p1 $0x1082;
	[sflag:s4] =	ssyncset.s32 $0xFFFFF086  }
0x25: {  	[simem:s6], [sflag:s4] =	dma.local [hbm:s3], $0xF7A  }
0x26: {  	[smem:$0x3F98] =	sst s1;
	(tag) =	ssettag s2;
	_ =	strace s9  }
0x27: {  	s1 =	sld [smem:$0x3FA8]  }
0x28: {  	s2 =	sld [smem:$0x3FA9]  }
0x29: {  	s4 =	sld [smem:$0x3FAB]  }
0x2a: {  	p0 =	seq.s32 s5, $0x0;
	s5 =	sld [smem:$0x3FAC]  }
0x2b: {  	s6 =	sld [smem:$0x3FAD]  }
0x2c: {  	s7 =	sld [smem:$0x3FAE]  }
0x2d: {  	s3 =	simm.s32 $0x108;
	s8 =	sld [smem:$0x3FAF]  }
0x2e: {  	s3 =	simm.s32 @!p0 $0x1082;
	s9 =	sld [smem:$0x3FB0]  }
0x2f: {  	lr =	sadd.s32 s0, s3;
	s0 =	sld [smem:$0x3FA7]  }
0x30: {  	s3 =	sld [smem:$0x3FAA]  }
0x31: {  	[smem:$0x3FB3] =	sst s10  }
0x32: {  	s10 =	sld [smem:$0x3FB1];
	_ =	sdelay $0x3  }
0x33: {  	p0 =	seq.s32 s10, $0x1;
	s10 =	sld [smem:$0x3FB3];
	_ =	sdelay $0x3  }
0x34: {  	[smem:$0x3FB3] =	sst s10  }
0x35: {  	s10 =	sld [smem:$0x3FB2];
	_ =	sdelay $0x3  }
0x36: {  	p1 =	seq.s32 s10, $0x1;
	s10 =	sld [smem:$0x3FB3];
	_ =	sdelay $0x3  }
0x37: {  	[smem:$0x3FB3] =	sst s10  }
0x38: {  	s10 =	sld [smem:$0x3FB4]  }
0x39: {  	_ = 	snop;
	(pc) =	sbr.ind lr, $3  }
0x3a: {  	_ = 	snop  }
0x3b: {  	_ = 	snop  }
0x3c: {  	p2 =	seq.s32 s10, $0x1;
	s10 =	sld [smem:$0x3FB3]  }
0x3d: {  	_ =	shalt  }
0x3e: {  	_ =	shalt  }
0x3f: {  	_ =	shalt  }
0x40: {  	_ =	shalt  }
0x41: {  	_ =	shalt  }
0x42: {  	_ =	shalt  }
0x43: {  	_ =	shalt  }
0x44: {  	_ =	shalt  }
0x45: {  	_ =	shalt  }
0x46: {  	_ =	shalt  }
0x47: {  	_ =	shalt  }
0x48: {  	_ =	shalt  }
0x49: {  	_ =	shalt  }
0x4a: {  	_ =	shalt  }
0x4b: {  	_ =	shalt  }
0x4c: {  	_ =	shalt  }
0x4d: {  	_ =	shalt  }
0x4e: {  	_ =	shalt  }
0x4f: {  	_ =	shalt  }
0x50: {  	_ =	shalt  }
0x51: {  	_ =	shalt  }
0x52: {  	_ =	shalt  }
0x53: {  	_ =	shalt  }
0x54: {  	_ =	shalt  }
0x55: {  	_ =	shalt  }
0x56: {  	_ =	shalt  }
0x57: {  	_ =	shalt  }
0x58: {  	_ =	shalt  }
0x59: {  	_ =	shalt  }
0x5a: {  	_ =	shalt  }
0x5b: {  	_ =	shalt  }
0x5c: {  	_ =	shalt  }
0x5d: {  	_ =	shalt  }
0x5e: {  	_ =	shalt  }
0x5f: {  	_ =	shalt  }
0x60: {  	_ =	shalt  }
0x61: {  	_ =	shalt  }
0x62: {  	_ =	shalt  }
0x63: {  	_ =	shalt  }
0x64: {  	_ =	shalt  }
0x65: {  	_ =	shalt  }
0x66: {  	_ =	shalt  }
0x67: {  	_ =	shalt  }
0x68: {  	_ =	shalt  }
0x69: {  	_ =	shalt  }
0x6a: {  	_ =	shalt  }
0x6b: {  	_ =	shalt  }
0x6c: {  	_ =	shalt  }
0x6d: {  	_ =	shalt  }
0x6e: {  	_ =	shalt  }
0x6f: {  	_ =	shalt  }
0x70: {  	_ =	shalt  }
0x71: {  	_ =	shalt  }
0x72: {  	_ =	shalt  }
0x73: {  	_ =	shalt  }
0x74: {  	_ =	shalt  }
0x75: {  	_ =	shalt  }
0x76: {  	_ =	shalt  }
0x77: {  	_ =	shalt  }
0x78: {  	_ =	shalt  }
0x79: {  	_ =	shalt  }
0x7a: {  	_ =	shalt  }
0x7b: {  	_ =	shalt  }
0x7c: {  	_ =	shalt  }
0x7d: {  	_ =	shalt  }
0x7e: {  	_ =	shalt  }
0x7f: {  	_ =	shalt  }
0x80: {  	_ =	shalt  }
0x81: {  	_ =	shalt  }
0x82: {  	_ =	shalt  }
0x83: {  	_ =	shalt  }
0x84: {  	_ =	shalt  }
0x85: {  	_ =	shalt  }
0x86: {  	_ =	shalt  }
0x87: {  	_ =	shalt  }
.Lfunc_end0:
.L_simem_size_0:
called_computation.3_lowered:
.L_overlay_start_0:
0x88: {  	s2 =	sld [smem:$0x3FD9]  }
0x89: {  	s3 =	sld [smem:$0x3FFE];
	_ =	sdelay $0x1  }
0x8a: {  	s1 =	srdreg.scid  }
0x8b: {  	s0 =	sand.u32 $0x1, s1  }
0x8c: {  	s16 =	sshll.u32 s0, $0xA;
	s2 =	sadd.s32 s3, s2  }
0x8d: {  	s2 =	sadd.s32 s2, s16  }
0x8e: {  	[smem:$0x3FBF] =	sst s2  }
0x8f: {  	_ = 	snop  }
0x90: {  	(tm) =	ssettm $0x1  }
0x91: {  	s17 =	sld [smem:$0x3FFB];
	_ =	sdelay $0x3  }
0x92: {  	_ =	strace s17  }
0x93: {  	s2 =	sld [smem:$0x3FFC];
	_ =	sdelay $0x3  }
0x94: {  	_ =	strace s2  }
0x95: {  	s2 =	sld [smem:$0x3FFD];
	_ =	sdelay $0x3  }
0x96: {  	_ =	strace s2  }
0x97: {  	_ =	strace $0x8FFFFFFF  }
0x98: {  	s18 =	sld [smem:$0x3FDB];
	_ =	sdelay $0x1  }
0x99: {  	s19 =	simm.s32 $_scs_section_size  }
0x9a: {  	s4 =	simm.s32 $_size__tile_overlayer_lowered;
	s5 =	simm.s32 $_tile_overlayer_lowered  }
0x9b: {  	s22 =	simm.s32 $0x1BFF;
	s21 =	sshll.u32 s5, $0x1;
	s2 =	sadd.s32 s19, s18  }
0x9c: {  	s6 =	simm.s32 $0x0;
	s20 =	sshll.u32 s4, $0x1;
	s4 =	sadd.s32 s21, s2  }
0x9d: {  	[timem:s6], [sflag:s22] =	dma.local [hbm:s4], s20  }
0x9e: {  	_ =	swait.ge [sflag:s22], s20  }
0x9f: {  	s3 =	ssub.s32 $0x0, s20;
	[sflag:s22] =	ssyncset.done $0x0  }
0xa0: {  	[sflag:s22] =	ssyncadd.s32 s3;
	_ =	sdelay $0x1  }
0xa1: {  	s23 =	simm.s32 $0x1B8B  }
0xa2: {  	_ =	swait.ge [sflag:s23], $0x1  }
0xa3: {  	[sflag:s23] =	ssyncset.done $0x0  }
0xa4: {  	s25 =	simm.s32 $0x1B8E;
	s24 =	sld [smem:$0x3FFE];
	[sflag:s23] =	ssyncadd.s32 $0xFFFFFFFF  }
0xa5: {  	s26 =	simm.s32 $execute0_lowered;
	[smem:$0x3FD2] =	sst s25  }
0xa6: {  	s4 =	sshll.u32 s26, $0x1;
	_ =	strace $0x8000004F;
	[dreg:$0x1] =	wrdreg $0xFFFFFFFF  }
0xa7: {  	s28 =	simm.s32 $_size_execute0_lowered;
	s2 =	sadd.s32 s2, s4;
	[dreg:$0x0] =	wrdreg $0x0  }
0xa8: {  	s4 =	sshll.u32 s28, $0x1;
	[dreg:$0x2] =	wrdreg s2  }
0xa9: {  	[dreg:$0x3] =	wrdreg s4  }
0xaa: {  	[dreg:$0x4] =	wrdreg $0xC0  }
0xab: {  	_ =	task [dreg:s6], $0x5FFFF  }
0xac: {  	[dreg:$0x1] =	wrdreg $0xFFFFFFFF  }
0xad: {  	[dreg:$0x0] =	wrdreg $0x60  }
0xae: {  	[dreg:$0x2] =	wrdreg s24  }
0xaf: {  	[dreg:$0x3] =	wrdreg $0xAE000  }
0xb0: {  	[dreg:$0x4] =	wrdreg $0x9  }
0xb1: {  	_ =	task.clear_ibuf [dreg:s6], $0x5FFFF;
	_ =	strace $0x9000004F  }
0xb2: {  	s29 =	simm.s32 $0x9;
	_ =	strace $0x80000051  }
0xb3: {  	_ =	swait.ge [sflag:s29], $0x1  }
0xb4: {  	[sflag:s29] =	ssyncadd.s32 $0xFFFFFFFF  }
0xb5: {  	_ =	strace $0x90000051  }
0xb6: {  	_ =	sfence  }
0xb7: {  	s30 =	sld [smem:$0x0];
	_ =	sdelay $0x2  }
0xb8: {  	s31 =	sshll.u32 s1, $0xD;
	s1 =	sshrl.u32 s1, $0x2  }
0xb9: {  	s3 =	sand.u32 $0x4000, s31;
	s1 =	sadd.s32 s1, s30  }
0xba: {  	s0 =	sor.u32 s3, s0;
	s1 =	sshll.u32 s1, $0x11  }
0xbb: {  	s0 =	sor.u32 s1, s0  }
0xbc: {  	s0 =	sadd.s32 $0x8F2B, s0  }
0xbd: {  	[sflag:s0] =	ssyncadd.remote.s32 $0x1  }
0xbe: {  	_ =	sfence.sel $0xFFFF  }
0xbf: {  	[dreg:$0x0] =	wrdreg $0xFFFFFFFF;
	(pc) =	sbr.abs _section_cstart, $3  }
0xc0: {  	[dreg:$0x1] =	wrdreg $0xFFFFFFFF  }
0xc1: {  	_ =	task.clear_ibuf [dreg:s6], $0x2FFFF;
	_ =	strace $0x9FFFFFFF  }
0xc2: {  	(tm) =	ssettm $0x7FFFFFFF  }
0xc3: {  	_ =	shalt  }
tec
execute0_lowered:
.L_overlay_start_1:
0x0: {  	(tag) =	ssettag $0x1  }
0x1: {  	s0 =	rddreg [dreg:$0x0]  }
0x2: {  	s1 =	rddreg [dreg:$0x1]  }
0x3: {  	s3 =	simm.s32 $0x0;
	s14 =	stileid.u32;
	s7 =	srdreg.scid  }
0x4: {  	s17 =	simm.s32 $0x100;
	s18 =	simm.s32 $0x1;
	s28 =	simm.s32 $0x6  }
0x5: {  	s29 =	simm.s32 $0x180;
	s30 =	simm.s32 $0x2A00;
	s31 =	simm.s32 $0x2A80  }
0x6: {  	[smem:$0x7FF] =	sst s3;
	s4 =	sadd.s32 $0x1E1200, s0;
	s2 =	smul.u32 $0x13C00, s14  }
0x7: {  	s5 =	sadd.s32 $0x1CB200, s0;
	s6 =	smul.u32 $0x580, s14;
	s7 =	sand.u32 $0x1, s7  }
0x8: {  	s9 =	smul.u32 $0x4F000, s14;
	s26 =	sshll.u32 s14, $0x6;
	_ =	strace $0x80000050  }
0x9: {  	s10 =	ssub.s32 $0x2, s7;
	s19 =	sshll.u32 s7, $0x5;
	s20 =	smul.u32 $0x278000, s7  }
0xa: {  	s7 =	sshllo.u32 s7, $0x1;
	s8 =	sshrl.u32 s2, $0x3;
	s6 =	sadd.s32 s6, s0  }
0xb: {  	s11 =	sshrl.u32 s10, $0x1;
	s9 =	sshrl.u32 s9, $0x2;
	s21 =	sor.u32 s14, s19  }
0xc: {  	s13 =	sshll.u32 s7, $0x4;
	s7 =	smul.u32 $0x13C000, s7;
	s19 =	simm.s32 $0x80  }
0xd: {  	s8 =	sadd.s32 s8, s0;
	s0 =	sadd.s32 $0x27D600, s0;
	s10 =	ssub.s32 s10, s11  }
0xe: {  	s6 =	sadd.s32 $0x79800, s6;
	s12 =	sadd.s32 s9, s1;
	s22 =	smul.u32 $0x580, s21  }
0xf: {  	s23 =	sor.u32 s14, s13;
	s9 =	sadd.s32 s2, s20;
	s13 =	simm.s32 $0x7  }
0x10: {  	s14 =	sor.u32 $0x1C07, s26;
	s20 =	simm.s32 $0x2E00;
	s21 =	simm.s32 $0x6E00  }
0x11: {  	s26 =	simm.s32 $0x5;
	[dreg:$0x3] =	wrdreg s6;
	s6 =	sadd.s32 $0xD8200, s8  }
0x12: {  	s11 =	smul.u32 $0x580, s23;
	s2 =	sadd.s32 s2, s7;
	s24 =	sshrl.u32 s9, $0x3  }
0x13: {  	s25 =	smax.u32 s10, $0x1;
	s15 =	sshrl.u32 s12, $0x3;
	s23 =	simm.s32 $0x2  }
0x14: {  	s12 =	simm.s32 $0x0;
	s7 =	sadd.s32 s5, s22;
	s2 =	sshrl.u32 s2, $0x3  }
0x15: {  	s8 =	sadd.s32 s0, s24;
	[dreg:$0x6] =	wrdreg s25;
	s24 =	simm.s32 $0x3  }
0x16: {  	s25 =	simm.s32 $0x4;
	[dreg:$0x4] =	wrdreg s8;
	s9 =	sadd.s32 s5, s11  }
0x17: {  	s0 =	sadd.s32 s0, s2;
	s16 =	sadd.s32 $0x20, s7;
	s22 =	sadd.s32 $0x40, s7  }
0x18: {  	s2 =	simm.s32 $0x2B80;
	[dreg:$0x5] =	wrdreg s0;
	s0 =	simm.s32 $0x2B00  }
.LBB2_1:
0x19: {  	s5 =	rddreg [dreg:$0x3];
	s8 =	simm.s32 $0x200  }
0x1a: {  	[tilespmem:s8], [sflag:$0x7] =	stream.linear.gather [hbm4b:s5+s3], $0x2A00, $0x38;
	[tilespmem:$0x1EA00] =	vst v63  }
0x1b: {  	_ =	swait.ge [sflag:s13], $0x2A00  }
0x1c: {  	[sflag:s13] =	ssyncset.done $0x0  }
0x1d: {  	[sflag:s13] =	ssyncadd.s32 $0xFFFFD600  }
0x1e: {  	[spmem:s15], [sflag:s14] =	dma.local [hbm:s6], $0x2780  }
0x1f: {  	_ =	swait.ge [sflag:s13], $0x2780  }
0x20: {  	[sflag:s13] =	ssyncset.done $0x0  }
0x21: {  	[sflag:s13] =	ssyncadd.s32 $0xFFFFD880  }
0x22: {  	[bflag:$0x0] =	sbarrier.arrive $0xFFFF  }
0x23: {  	[tilespmem:s3], [sflag:$0x1] =	stream.linear.gather [hbm4b:s7+s3], $0x100, $0x38;
	[tilespmem:$0x1EA00] =	vst v63  }
0x24: {  	_ = 	snop  }
0x25: {  	[tilespmem:s17], [sflag:$0x2] =	stream.linear.gather [hbm4b:s16+s3], $0x100, $0x38;
	[tilespmem:$0x1EA00] =	vst v63  }
0x26: {  	_ =	swait.ge [sflag:s18], $0x100  }
0x27: {  	[sflag:s18] =	ssyncset.done $0x0  }
0x28: {  	[sflag:s18] =	ssyncadd.s32 $0xFFFFFF00  }
0x29: {  	[tilespmem:s20], [sflag:$0x3] =	stream.indirect.gather [hbm4b:s4+s19], $0x80, s3, s19, $0xb8;
	[tilespmem:$0x1EA00] =	vst v63  }
0x2a: {  	_ = 	snop  }
0x2b: {  	[tilespmem:s21], [sflag:$0x4] =	stream.indirect.gather [hbm4b:s4+s19], $0x80, s19, s19, $0xb8;
	[tilespmem:$0x1EA00] =	vst v63  }
0x2c: {  	_ =	swait.ge [sflag:s23], $0x100  }
0x2d: {  	[sflag:s23] =	ssyncset.done $0x0  }
0x2e: {  	[sflag:s23] =	ssyncadd.s32 $0xFFFFFF00  }
0x2f: {  	_ =	swait.ge [sflag:s24], $0x4000  }
0x30: {  	[sflag:s24] =	ssyncset.done $0x0  }
0x31: {  	s11 =	simm.s32 $0x200;
	[sflag:s24] =	ssyncadd.s32 $0xFFFFC000  }
0x32: {  	[spmem:s1] =	stream.indirect.scatter.add.f32 [tilespmem:s20], [sflag:$0x5], $0x80, s11, s19, $0xb8;
	[tilespmem:$0x1EA00] =	vst v63  }
0x33: {  	_ =	swait.ge [sflag:s25], $0x4000  }
0x34: {  	[sflag:s25] =	ssyncset.done $0x0  }
0x35: {  	s8 =	simm.s32 $0x280;
	[sflag:s25] =	ssyncadd.s32 $0xFFFFC000  }
0x36: {  	[spmem:s1] =	stream.indirect.scatter.add.f32 [tilespmem:s21], [sflag:$0x6], $0x80, s8, s19, $0xb8;
	[tilespmem:$0x1EA00] =	vst v63  }
0x37: {  	_ =	swait.ge [sflag:s26], $0x4000  }
0x38: {  	[sflag:s26] =	ssyncset.done $0x0  }
0x39: {  	[sflag:s26] =	ssyncadd.s32 $0xFFFFC000  }
0x3a: {  	[tilespmem:s20], [sflag:$0x3] =	stream.indirect.gather [hbm4b:s4+s19], $0x80, s17, s19, $0xb8;
	[tilespmem:$0x1EA00] =	vst v63  }
0x3b: {  	_ =	swait.ge [sflag:s28], $0x4000  }
0x3c: {  	[sflag:s28] =	ssyncset.done $0x0  }
0x3d: {  	[sflag:s28] =	ssyncadd.s32 $0xFFFFC000  }
0x3e: {  	[tilespmem:s21], [sflag:$0x4] =	stream.indirect.gather [hbm4b:s4+s19], $0x80, s29, s19, $0xb8;
	[tilespmem:$0x1EA00] =	vst v63  }
0x3f: {  	_ = 	snop  }
0x40: {  	[tilespmem:s3], [sflag:$0x1] =	stream.linear.gather [hbm4b:s22+s3], $0x100, $0x38;
	[tilespmem:$0x1EA00] =	vst v63  }
0x41: {  	_ =	swait.ge [sflag:s18], $0x100  }
0x42: {  	[sflag:s18] =	ssyncset.done $0x0  }
0x43: {  	[sflag:s18] =	ssyncadd.s32 $0xFFFFFF00  }
0x44: {  	_ =	swait.ge [sflag:s24], $0x4000  }
0x45: {  	[sflag:s24] =	ssyncset.done $0x0  }
0x46: {  	s10 =	simm.s32 $0x300;
	[sflag:s24] =	ssyncadd.s32 $0xFFFFC000  }
0x47: {  	[spmem:s1] =	stream.indirect.scatter.add.f32 [tilespmem:s20], [sflag:$0x5], $0x80, s10, s19, $0xb8;
	[tilespmem:$0x1EA00] =	vst v63  }
0x48: {  	_ =	swait.ge [sflag:s25], $0x4000  }
0x49: {  	[sflag:s25] =	ssyncset.done $0x0  }
0x4a: {  	s11 =	simm.s32 $0x380;
	[sflag:s25] =	ssyncadd.s32 $0xFFFFC000  }
0x4b: {  	[spmem:s1] =	stream.indirect.scatter.add.f32 [tilespmem:s21], [sflag:$0x6], $0x80, s11, s19, $0xb8;
	[tilespmem:$0x1EA00] =	vst v63  }
0x4c: {  	_ =	swait.ge [sflag:s26], $0x4000  }
0x4d: {  	[sflag:s26] =	ssyncset.done $0x0  }
0x4e: {  	[sflag:s26] =	ssyncadd.s32 $0xFFFFC000  }
0x4f: {  	[tilespmem:s20], [sflag:$0x3] =	stream.indirect.gather [hbm4b:s4+s19], $0x80, s3, s19, $0xb8;
	[tilespmem:$0x1EA00] =	vst v63  }
0x50: {  	_ =	swait.ge [sflag:s28], $0x4000  }
0x51: {  	s5 =	simm.s32 $0x800;
	[sflag:s28] =	ssyncset.done $0x0  }
0x52: {  	s8 =	sadd.s32 $0x40, s22;
	s10 =	sadd.s32 $0x20, s22;
	[sflag:s28] =	ssyncadd.s32 $0xFFFFC000  }
0x53: {  	[tilespmem:s21], [sflag:$0x4] =	stream.indirect.gather [hbm4b:s4+s19], $0x80, s19, s19, $0xb8;
	[tilespmem:$0x1EA00] =	vst v63  }
.LBB2_2:
0x54: {  	[tilespmem:s17], [sflag:$0x2] =	stream.linear.gather [hbm4b:s10+s3], $0x100, $0x38;
	[tilespmem:$0x1EA00] =	vst v63  }
0x55: {  	s10 =	smov.u32 s5  }
0x56: {  	p0 =	sne.s32 s5, $0x9800;
	s5 =	sadd.s32 $0x800, s5;
	_ =	swait.ge [sflag:s23], $0x100  }
0x57: {  	[sflag:s23] =	ssyncset.done $0x0  }
0x58: {  	[sflag:s23] =	ssyncadd.s32 $0xFFFFFF00  }
0x59: {  	_ =	swait.ge [sflag:s24], $0x4000  }
0x5a: {  	s10 =	sshra.s32 s10, $0x2;
	[sflag:s24] =	ssyncset.done $0x0  }
0x5b: {  	s11 =	sadd.s32 $0x200, s10;
	[sflag:s24] =	ssyncadd.s32 $0xFFFFC000  }
0x5c: {  	[spmem:s1] =	stream.indirect.scatter.add.f32 [tilespmem:s20], [sflag:$0x5], $0x80, s11, s19, $0xb8;
	[tilespmem:$0x1EA00] =	vst v63  }
0x5d: {  	_ =	swait.ge [sflag:s25], $0x4000  }
0x5e: {  	[sflag:s25] =	ssyncset.done $0x0  }
0x5f: {  	s11 =	sadd.s32 $0x280, s10;
	[sflag:s25] =	ssyncadd.s32 $0xFFFFC000  }
0x60: {  	[spmem:s1] =	stream.indirect.scatter.add.f32 [tilespmem:s21], [sflag:$0x6], $0x80, s11, s19, $0xb8;
	[tilespmem:$0x1EA00] =	vst v63  }
0x61: {  	_ =	swait.ge [sflag:s26], $0x4000  }
0x62: {  	[sflag:s26] =	ssyncset.done $0x0  }
0x63: {  	[sflag:s26] =	ssyncadd.s32 $0xFFFFC000  }
0x64: {  	[tilespmem:s20], [sflag:$0x3] =	stream.indirect.gather [hbm4b:s4+s19], $0x80, s17, s19, $0xb8;
	[tilespmem:$0x1EA00] =	vst v63  }
0x65: {  	_ =	swait.ge [sflag:s28], $0x4000  }
0x66: {  	[sflag:s28] =	ssyncset.done $0x0  }
0x67: {  	[sflag:s28] =	ssyncadd.s32 $0xFFFFC000  }
0x68: {  	[tilespmem:s21], [sflag:$0x4] =	stream.indirect.gather [hbm4b:s4+s19], $0x80, s29, s19, $0xb8;
	[tilespmem:$0x1EA00] =	vst v63  }
0x69: {  	_ = 	snop  }
0x6a: {  	[tilespmem:s3], [sflag:$0x1] =	stream.linear.gather [hbm4b:s8+s3], $0x100, $0x38;
	[tilespmem:$0x1EA00] =	vst v63  }
0x6b: {  	_ =	swait.ge [sflag:s18], $0x100  }
0x6c: {  	[sflag:s18] =	ssyncset.done $0x0  }
0x6d: {  	[sflag:s18] =	ssyncadd.s32 $0xFFFFFF00  }
0x6e: {  	_ =	swait.ge [sflag:s24], $0x4000  }
0x6f: {  	[sflag:s24] =	ssyncset.done $0x0  }
0x70: {  	s11 =	sadd.s32 $0x300, s10;
	[sflag:s24] =	ssyncadd.s32 $0xFFFFC000  }
0x71: {  	[spmem:s1] =	stream.indirect.scatter.add.f32 [tilespmem:s20], [sflag:$0x5], $0x80, s11, s19, $0xb8;
	[tilespmem:$0x1EA00] =	vst v63  }
0x72: {  	_ =	swait.ge [sflag:s25], $0x4000  }
0x73: {  	[sflag:s25] =	ssyncset.done $0x0  }
0x74: {  	s10 =	sadd.s32 $0x380, s10;
	[sflag:s25] =	ssyncadd.s32 $0xFFFFC000  }
0x75: {  	[spmem:s1] =	stream.indirect.scatter.add.f32 [tilespmem:s21], [sflag:$0x6], $0x80, s10, s19, $0xb8;
	[tilespmem:$0x1EA00] =	vst v63  }
0x76: {  	_ =	swait.ge [sflag:s26], $0x4000  }
0x77: {  	[sflag:s26] =	ssyncset.done $0x0  }
0x78: {  	[sflag:s26] =	ssyncadd.s32 $0xFFFFC000  }
0x79: {  	[tilespmem:s20], [sflag:$0x3] =	stream.indirect.gather [hbm4b:s4+s19], $0x80, s3, s19, $0xb8;
	[tilespmem:$0x1EA00] =	vst v63  }
.Ltmp0:
0x7a: {  	_ =	swait.ge [sflag:s28], $0x4000;
	(pc) =	sbr.rel @p0 .LBB2_2-.Ltmp0, $4  }
0x7b: {  	[sflag:s28] =	ssyncset.done $0x0  }
0x7c: {  	[sflag:s28] =	ssyncadd.s32 $0xFFFFC000  }
0x7d: {  	[tilespmem:s21], [sflag:$0x4] =	stream.indirect.gather [hbm4b:s4+s19], $0x80, s19, s19, $0xb8;
	[tilespmem:$0x1EA00] =	vst v63  }
0x7e: {  	s10 =	sadd.s32 $0x20, s8;
	s8 =	sadd.s32 $0x40, s8  }
0x7f: {  	[tilespmem:s17], [sflag:$0x2] =	stream.linear.gather [hbm4b:s10+s3], $0x100, $0x38;
	[tilespmem:$0x1EA00] =	vst v63  }
0x80: {  	_ =	swait.ge [sflag:s23], $0x100  }
0x81: {  	[sflag:s23] =	ssyncset.done $0x0  }
0x82: {  	[sflag:s23] =	ssyncadd.s32 $0xFFFFFF00  }
0x83: {  	_ =	swait.ge [sflag:s24], $0x4000  }
0x84: {  	[sflag:s24] =	ssyncset.done $0x0  }
0x85: {  	[sflag:s24] =	ssyncadd.s32 $0xFFFFC000  }
0x86: {  	[spmem:s1] =	stream.indirect.scatter.add.f32 [tilespmem:s20], [sflag:$0x5], $0x80, s30, s19, $0xb8;
	[tilespmem:$0x1EA00] =	vst v63  }
0x87: {  	_ =	swait.ge [sflag:s25], $0x4000  }
0x88: {  	[sflag:s25] =	ssyncset.done $0x0  }
0x89: {  	[sflag:s25] =	ssyncadd.s32 $0xFFFFC000  }
0x8a: {  	[spmem:s1] =	stream.indirect.scatter.add.f32 [tilespmem:s21], [sflag:$0x6], $0x80, s31, s19, $0xb8;
	[tilespmem:$0x1EA00] =	vst v63  }
0x8b: {  	_ =	swait.ge [sflag:s26], $0x4000  }
0x8c: {  	[sflag:s26] =	ssyncset.done $0x0  }
0x8d: {  	[sflag:s26] =	ssyncadd.s32 $0xFFFFC000  }
0x8e: {  	[tilespmem:s20], [sflag:$0x3] =	stream.indirect.gather [hbm4b:s4+s19], $0x80, s17, s19, $0xb8;
	[tilespmem:$0x1EA00] =	vst v63  }
0x8f: {  	_ =	swait.ge [sflag:s28], $0x4000  }
0x90: {  	[sflag:s28] =	ssyncset.done $0x0  }
0x91: {  	[sflag:s28] =	ssyncadd.s32 $0xFFFFC000  }
0x92: {  	[tilespmem:s21], [sflag:$0x4] =	stream.indirect.gather [hbm4b:s4+s19], $0x80, s29, s19, $0xb8;
	[tilespmem:$0x1EA00] =	vst v63  }
0x93: {  	_ =	swait.ge [sflag:s24], $0x4000  }
0x94: {  	[sflag:s24] =	ssyncset.done $0x0  }
0x95: {  	[sflag:s24] =	ssyncadd.s32 $0xFFFFC000  }
0x96: {  	[spmem:s1] =	stream.indirect.scatter.add.f32 [tilespmem:s20], [sflag:$0x5], $0x80, s0, s19, $0xb8;
	[tilespmem:$0x1EA00] =	vst v63  }
0x97: {  	_ =	swait.ge [sflag:s25], $0x4000  }
0x98: {  	[sflag:s25] =	ssyncset.done $0x0  }
0x99: {  	[sflag:s25] =	ssyncadd.s32 $0xFFFFC000  }
0x9a: {  	[spmem:s1] =	stream.indirect.scatter.add.f32 [tilespmem:s21], [sflag:$0x6], $0x80, s2, s19, $0xb8;
	[tilespmem:$0x1EA00] =	vst v63  }
0x9b: {  	_ =	swait.ge [sflag:s26], $0x4000  }
0x9c: {  	[sflag:s26] =	ssyncset.done $0x0  }
0x9d: {  	[sflag:s26] =	ssyncadd.s32 $0xFFFFC000  }
0x9e: {  	_ =	swait.ge [sflag:s28], $0x4000  }
0x9f: {  	[sflag:s28] =	ssyncset.done $0x0  }
0xa0: {  	[sflag:s28] =	ssyncadd.s32 $0xFFFFC000  }
0xa1: {  	[bflag:$0x0] =	sbarrier.arrive $0xFFFF  }
0xa2: {  	s5 =	rddreg [dreg:$0x4]  }
0xa3: {  	[hbm:s5], [sflag:s14] =	dma.local [spmem:s15], $0x2780  }
0xa4: {  	_ =	swait.ge [sflag:s13], $0x2780  }
0xa5: {  	[sflag:s13] =	ssyncset.done $0x0  }
0xa6: {  	[sflag:s13] =	ssyncadd.s32 $0xFFFFD880  }
0xa7: {  	[bflag:$0x0] =	sbarrier.arrive $0xFFFF  }
0xa8: {  	[spmem:s15], [sflag:s14] =	dma.local [hbm:s6], $0x2780  }
0xa9: {  	_ =	swait.ge [sflag:s13], $0x2780  }
0xaa: {  	[sflag:s13] =	ssyncset.done $0x0  }
0xab: {  	[sflag:s13] =	ssyncadd.s32 $0xFFFFD880  }
0xac: {  	s10 =	simm.s32 $0x0;
	[bflag:$0x0] =	sbarrier.arrive $0xFFFF  }
0xad: {  	[tilespmem:s10], [sflag:$0x1] =	stream.linear.gather [hbm4b:s9+s10], $0x100, $0x38;
	[tilespmem:$0x1EA00] =	vst v63  }
0xae: {  	s8 =	sadd.s32 $0x20, s9  }
0xaf: {  	[tilespmem:s17], [sflag:$0x2] =	stream.linear.gather [hbm4b:s8+s10], $0x100, $0x38;
	[tilespmem:$0x1EA00] =	vst v63  }
0xb0: {  	_ =	swait.ge [sflag:s18], $0x100  }
0xb1: {  	[sflag:s18] =	ssyncset.done $0x0  }
0xb2: {  	[sflag:s18] =	ssyncadd.s32 $0xFFFFFF00  }
0xb3: {  	[tilespmem:s20], [sflag:$0x3] =	stream.indirect.gather [hbm4b:s4+s19], $0x80, s10, s19, $0xb8;
	[tilespmem:$0x1EA00] =	vst v63  }
0xb4: {  	_ = 	snop  }
0xb5: {  	[tilespmem:s21], [sflag:$0x4] =	stream.indirect.gather [hbm4b:s4+s19], $0x80, s19, s19, $0xb8;
	[tilespmem:$0x1EA00] =	vst v63  }
0xb6: {  	_ =	swait.ge [sflag:s23], $0x100  }
0xb7: {  	[sflag:s23] =	ssyncset.done $0x0  }
0xb8: {  	[sflag:s23] =	ssyncadd.s32 $0xFFFFFF00  }
0xb9: {  	_ =	swait.ge [sflag:s24], $0x4000  }
0xba: {  	[sflag:s24] =	ssyncset.done $0x0  }
0xbb: {  	s11 =	simm.s32 $0x200;
	[sflag:s24] =	ssyncadd.s32 $0xFFFFC000  }
0xbc: {  	[spmem:s1] =	stream.indirect.scatter.add.f32 [tilespmem:s20], [sflag:$0x5], $0x80, s11, s19, $0xb8;
	[tilespmem:$0x1EA00] =	vst v63  }
0xbd: {  	_ =	swait.ge [sflag:s25], $0x4000  }
0xbe: {  	[sflag:s25] =	ssyncset.done $0x0  }
0xbf: {  	s8 =	simm.s32 $0x280;
	[sflag:s25] =	ssyncadd.s32 $0xFFFFC000  }
0xc0: {  	[spmem:s1] =	stream.indirect.scatter.add.f32 [tilespmem:s21], [sflag:$0x6], $0x80, s8, s19, $0xb8;
	[tilespmem:$0x1EA00] =	vst v63  }
0xc1: {  	_ =	swait.ge [sflag:s26], $0x4000  }
0xc2: {  	[sflag:s26] =	ssyncset.done $0x0  }
0xc3: {  	[sflag:s26] =	ssyncadd.s32 $0xFFFFC000  }
0xc4: {  	[tilespmem:s20], [sflag:$0x3] =	stream.indirect.gather [hbm4b:s4+s19], $0x80, s17, s19, $0xb8;
	[tilespmem:$0x1EA00] =	vst v63  }
0xc5: {  	_ =	swait.ge [sflag:s28], $0x4000  }
0xc6: {  	[sflag:s28] =	ssyncset.done $0x0  }
0xc7: {  	[sflag:s28] =	ssyncadd.s32 $0xFFFFC000  }
0xc8: {  	[tilespmem:s21], [sflag:$0x4] =	stream.indirect.gather [hbm4b:s4+s19], $0x80, s29, s19, $0xb8;
	[tilespmem:$0x1EA00] =	vst v63  }
0xc9: {  	s8 =	sadd.s32 $0x40, s9  }
0xca: {  	[tilespmem:s3], [sflag:$0x1] =	stream.linear.gather [hbm4b:s8+s3], $0x100, $0x38;
	[tilespmem:$0x1EA00] =	vst v63  }
0xcb: {  	_ =	swait.ge [sflag:s18], $0x100  }
0xcc: {  	[sflag:s18] =	ssyncset.done $0x0  }
0xcd: {  	[sflag:s18] =	ssyncadd.s32 $0xFFFFFF00  }
0xce: {  	_ =	swait.ge [sflag:s24], $0x4000  }
0xcf: {  	[sflag:s24] =	ssyncset.done $0x0  }
0xd0: {  	s10 =	simm.s32 $0x300;
	[sflag:s24] =	ssyncadd.s32 $0xFFFFC000  }
0xd1: {  	[spmem:s1] =	stream.indirect.scatter.add.f32 [tilespmem:s20], [sflag:$0x5], $0x80, s10, s19, $0xb8;
	[tilespmem:$0x1EA00] =	vst v63  }
0xd2: {  	_ =	swait.ge [sflag:s25], $0x4000  }
0xd3: {  	[sflag:s25] =	ssyncset.done $0x0  }
0xd4: {  	s11 =	simm.s32 $0x380;
	[sflag:s25] =	ssyncadd.s32 $0xFFFFC000  }
0xd5: {  	[spmem:s1] =	stream.indirect.scatter.add.f32 [tilespmem:s21], [sflag:$0x6], $0x80, s11, s19, $0xb8;
	[tilespmem:$0x1EA00] =	vst v63  }
0xd6: {  	_ =	swait.ge [sflag:s26], $0x4000  }
0xd7: {  	[sflag:s26] =	ssyncset.done $0x0  }
0xd8: {  	[sflag:s26] =	ssyncadd.s32 $0xFFFFC000  }
0xd9: {  	[tilespmem:s20], [sflag:$0x3] =	stream.indirect.gather [hbm4b:s4+s19], $0x80, s3, s19, $0xb8;
	[tilespmem:$0x1EA00] =	vst v63  }
0xda: {  	_ =	swait.ge [sflag:s28], $0x4000  }
0xdb: {  	s5 =	simm.s32 $0x800;
	[sflag:s28] =	ssyncset.done $0x0  }
0xdc: {  	s10 =	sadd.s32 $0x20, s8;
	s8 =	sadd.s32 $0x40, s8;
	[sflag:s28] =	ssyncadd.s32 $0xFFFFC000  }
0xdd: {  	[tilespmem:s21], [sflag:$0x4] =	stream.indirect.gather [hbm4b:s4+s19], $0x80, s19, s19, $0xb8;
	[tilespmem:$0x1EA00] =	vst v63  }
.LBB2_4:
0xde: {  	[tilespmem:s17], [sflag:$0x2] =	stream.linear.gather [hbm4b:s10+s3], $0x100, $0x38;
	[tilespmem:$0x1EA00] =	vst v63  }
0xdf: {  	s10 =	smov.u32 s5  }
0xe0: {  	p0 =	sne.s32 s5, $0x9800;
	s5 =	sadd.s32 $0x800, s5;
	_ =	swait.ge [sflag:s23], $0x100  }
0xe1: {  	[sflag:s23] =	ssyncset.done $0x0  }
0xe2: {  	[sflag:s23] =	ssyncadd.s32 $0xFFFFFF00  }
0xe3: {  	_ =	swait.ge [sflag:s24], $0x4000  }
0xe4: {  	s10 =	sshra.s32 s10, $0x2;
	[sflag:s24] =	ssyncset.done $0x0  }
0xe5: {  	s11 =	sadd.s32 $0x200, s10;
	[sflag:s24] =	ssyncadd.s32 $0xFFFFC000  }
0xe6: {  	[spmem:s1] =	stream.indirect.scatter.add.f32 [tilespmem:s20], [sflag:$0x5], $0x80, s11, s19, $0xb8;
	[tilespmem:$0x1EA00] =	vst v63  }
0xe7: {  	_ =	swait.ge [sflag:s25], $0x4000  }
0xe8: {  	[sflag:s25] =	ssyncset.done $0x0  }
0xe9: {  	s11 =	sadd.s32 $0x280, s10;
	[sflag:s25] =	ssyncadd.s32 $0xFFFFC000  }
0xea: {  	[spmem:s1] =	stream.indirect.scatter.add.f32 [tilespmem:s21], [sflag:$0x6], $0x80, s11, s19, $0xb8;
	[tilespmem:$0x1EA00] =	vst v63  }
0xeb: {  	_ =	swait.ge [sflag:s26], $0x4000  }
0xec: {  	[sflag:s26] =	ssyncset.done $0x0  }
0xed: {  	[sflag:s26] =	ssyncadd.s32 $0xFFFFC000  }
0xee: {  	[tilespmem:s20], [sflag:$0x3] =	stream.indirect.gather [hbm4b:s4+s19], $0x80, s17, s19, $0xb8;
	[tilespmem:$0x1EA00] =	vst v63  }
0xef: {  	_ =	swait.ge [sflag:s28], $0x4000  }
0xf0: {  	[sflag:s28] =	ssyncset.done $0x0  }
0xf1: {  	[sflag:s28] =	ssyncadd.s32 $0xFFFFC000  }
0xf2: {  	[tilespmem:s21], [sflag:$0x4] =	stream.indirect.gather [hbm4b:s4+s19], $0x80, s29, s19, $0xb8;
	[tilespmem:$0x1EA00] =	vst v63  }
0xf3: {  	_ = 	snop  }
0xf4: {  	[tilespmem:s3], [sflag:$0x1] =	stream.linear.gather [hbm4b:s8+s3], $0x100, $0x38;
	[tilespmem:$0x1EA00] =	vst v63  }
0xf5: {  	_ =	swait.ge [sflag:s18], $0x100  }
0xf6: {  	[sflag:s18] =	ssyncset.done $0x0  }
0xf7: {  	[sflag:s18] =	ssyncadd.s32 $0xFFFFFF00  }
0xf8: {  	_ =	swait.ge [sflag:s24], $0x4000  }
0xf9: {  	[sflag:s24] =	ssyncset.done $0x0  }
0xfa: {  	s11 =	sadd.s32 $0x300, s10;
	[sflag:s24] =	ssyncadd.s32 $0xFFFFC000  }
0xfb: {  	[spmem:s1] =	stream.indirect.scatter.add.f32 [tilespmem:s20], [sflag:$0x5], $0x80, s11, s19, $0xb8;
	[tilespmem:$0x1EA00] =	vst v63  }
0xfc: {  	_ =	swait.ge [sflag:s25], $0x4000  }
0xfd: {  	[sflag:s25] =	ssyncset.done $0x0  }
0xfe: {  	s10 =	sadd.s32 $0x380, s10;
	[sflag:s25] =	ssyncadd.s32 $0xFFFFC000  }
0xff: {  	[spmem:s1] =	stream.indirect.scatter.add.f32 [tilespmem:s21], [sflag:$0x6], $0x80, s10, s19, $0xb8;
	[tilespmem:$0x1EA00] =	vst v63  }
0x100: {  	_ =	swait.ge [sflag:s26], $0x4000  }
0x101: {  	[sflag:s26] =	ssyncset.done $0x0  }
0x102: {  	[sflag:s26] =	ssyncadd.s32 $0xFFFFC000  }
0x103: {  	[tilespmem:s20], [sflag:$0x3] =	stream.indirect.gather [hbm4b:s4+s19], $0x80, s3, s19, $0xb8;
	[tilespmem:$0x1EA00] =	vst v63  }
.Ltmp1:
0x104: {  	_ =	swait.ge [sflag:s28], $0x4000;
	(pc) =	sbr.rel @p0 .LBB2_4-.Ltmp1, $4  }
0x105: {  	[sflag:s28] =	ssyncset.done $0x0  }
0x106: {  	[sflag:s28] =	ssyncadd.s32 $0xFFFFC000  }
0x107: {  	[tilespmem:s21], [sflag:$0x4] =	stream.indirect.gather [hbm4b:s4+s19], $0x80, s19, s19, $0xb8;
	[tilespmem:$0x1EA00] =	vst v63  }
0x108: {  	s10 =	sadd.s32 $0x20, s8;
	s8 =	sadd.s32 $0x40, s8  }
0x109: {  	[tilespmem:s17], [sflag:$0x2] =	stream.linear.gather [hbm4b:s10+s3], $0x100, $0x38;
	[tilespmem:$0x1EA00] =	vst v63  }
0x10a: {  	_ =	swait.ge [sflag:s23], $0x100  }
0x10b: {  	[sflag:s23] =	ssyncset.done $0x0  }
0x10c: {  	[sflag:s23] =	ssyncadd.s32 $0xFFFFFF00  }
0x10d: {  	_ =	swait.ge [sflag:s24], $0x4000  }
0x10e: {  	[sflag:s24] =	ssyncset.done $0x0  }
0x10f: {  	[sflag:s24] =	ssyncadd.s32 $0xFFFFC000  }
0x110: {  	[spmem:s1] =	stream.indirect.scatter.add.f32 [tilespmem:s20], [sflag:$0x5], $0x80, s30, s19, $0xb8;
	[tilespmem:$0x1EA00] =	vst v63  }
0x111: {  	_ =	swait.ge [sflag:s25], $0x4000  }
0x112: {  	[sflag:s25] =	ssyncset.done $0x0  }
0x113: {  	[sflag:s25] =	ssyncadd.s32 $0xFFFFC000  }
0x114: {  	[spmem:s1] =	stream.indirect.scatter.add.f32 [tilespmem:s21], [sflag:$0x6], $0x80, s31, s19, $0xb8;
	[tilespmem:$0x1EA00] =	vst v63  }
0x115: {  	_ =	swait.ge [sflag:s26], $0x4000  }
0x116: {  	[sflag:s26] =	ssyncset.done $0x0  }
0x117: {  	[sflag:s26] =	ssyncadd.s32 $0xFFFFC000  }
0x118: {  	[tilespmem:s20], [sflag:$0x3] =	stream.indirect.gather [hbm4b:s4+s19], $0x80, s17, s19, $0xb8;
	[tilespmem:$0x1EA00] =	vst v63  }
0x119: {  	_ =	swait.ge [sflag:s28], $0x4000  }
0x11a: {  	[sflag:s28] =	ssyncset.done $0x0  }
0x11b: {  	[sflag:s28] =	ssyncadd.s32 $0xFFFFC000  }
0x11c: {  	[tilespmem:s21], [sflag:$0x4] =	stream.indirect.gather [hbm4b:s4+s19], $0x80, s29, s19, $0xb8;
	[tilespmem:$0x1EA00] =	vst v63  }
0x11d: {  	_ =	swait.ge [sflag:s24], $0x4000  }
0x11e: {  	[sflag:s24] =	ssyncset.done $0x0  }
0x11f: {  	[sflag:s24] =	ssyncadd.s32 $0xFFFFC000  }
0x120: {  	[spmem:s1] =	stream.indirect.scatter.add.f32 [tilespmem:s20], [sflag:$0x5], $0x80, s0, s19, $0xb8;
	[tilespmem:$0x1EA00] =	vst v63  }
0x121: {  	_ =	swait.ge [sflag:s25], $0x4000  }
0x122: {  	[sflag:s25] =	ssyncset.done $0x0  }
0x123: {  	[sflag:s25] =	ssyncadd.s32 $0xFFFFC000  }
0x124: {  	[spmem:s1] =	stream.indirect.scatter.add.f32 [tilespmem:s21], [sflag:$0x6], $0x80, s2, s19, $0xb8;
	[tilespmem:$0x1EA00] =	vst v63  }
0x125: {  	_ =	swait.ge [sflag:s26], $0x4000  }
0x126: {  	[sflag:s26] =	ssyncset.done $0x0  }
0x127: {  	[sflag:s26] =	ssyncadd.s32 $0xFFFFC000  }
0x128: {  	_ =	swait.ge [sflag:s28], $0x4000  }
0x129: {  	[sflag:s28] =	ssyncset.done $0x0  }
0x12a: {  	[sflag:s28] =	ssyncadd.s32 $0xFFFFC000  }
0x12b: {  	[bflag:$0x0] =	sbarrier.arrive $0xFFFF  }
0x12c: {  	s5 =	rddreg [dreg:$0x5]  }
0x12d: {  	[hbm:s5], [sflag:s14] =	dma.local [spmem:s15], $0x2780  }
0x12e: {  	_ =	swait.ge [sflag:s13], $0x2780  }
0x12f: {  	s12 =	sadd.s32 $0x1, s12;
	s11 =	rddreg [dreg:$0x6]  }
0x130: {  	p0 =	sne.s32 s12, s11  }
.Ltmp2:
0x131: {  	_ = 	snop;
	(pc) =	sbr.rel @p0 .LBB2_1-.Ltmp2, $3  }
0x132: {  	[sflag:s13] =	ssyncset.done $0x0  }
0x133: {  	[sflag:s13] =	ssyncadd.s32 $0xFFFFD880  }
0x134: {  	[bflag:$0x0] =	sbarrier.arrive $0xFFFF;
	_ =	sdelay $0x1  }
0x135: {  	_ =	sfence.sel $0x180000  }
0x136: {  	[bflag:$0x0] =	sbarrier.arrive $0xFFFF  }
0x137: {  	_ =	strace $0x90000050  }
0x138: {  	s0 =	stileid.u32;
	[bflag:$0x2] =	sbarrier.arrive $0xFFFF  }
0x139: {  	p0 =	sne.s32 s0, $0x0;
	s0 =	rddreg [dreg:$0x2]  }
0x13a: {  	s0 =	sadd.s32 @!p0 $0x100000, s0  }
0x13b: {  	[sflag:s0] =	ssyncadd.tile.s32 @!p0 $0x1;
	_ =	shalt  }
.Lfunc_end2:
_tile_overlayer_lowered:
.L_overlay_start_2:
0x13c: {  	(tag) =	ssettag $0x2  }
0x13d: {  	s0 =	rddreg [dreg:$0x0];
	s2 =	stileid.u32  }
0x13e: {  	s1 =	rddreg [dreg:$0x1];
	p0 =	sne.s32 s2, $0x0  }
0x13f: {  	s3 =	rddreg [dreg:$0x2];
	[bflag:$0x3] =	sbarrier.arrive $0xFFFF;
	s2 =	simm.s32 @!p0 $0x1C07  }
0x140: {  	[timem:s3], [sflag:s2] =	dma.local @!p0 [hbm:s0], s1  }
0x141: {  	s0 =	simm.s32 @!p0 $0x7  }
0x142: {  	_ =	swait.ge @!p0 [sflag:s0], s1  }
0x143: {  	s1 =	ssub.s32 @!p0 $0x0, s1;
	[sflag:s0] =	ssyncset.done @!p0 $0x0  }
0x144: {  	[sflag:s0] =	ssyncadd.s32 @!p0 s1  }
0x145: {  	[bflag:$0x3] =	sbarrier.arrive $0xFFFF  }
0x146: {  	_ =	shalt  }

// kernel: kernel.24.cloned.1.call-start
scs
__scs_entry_jumppad:
0x0: {  	(pc) =	sbr.rel $0x88, $3  }
0x1: {  	(tag) =	ssettag $0x0;
	lr =	simm.s32 $0x1  }
0x2: {  	[smem:$0x3F98] =	sst lr;
	_ =	strace $0xD0000000  }
0x3: {  	_ = 	snop  }
0x4: {  	_ = 	snop  }
0x5: {  	_ = 	snop  }
0x6: {  	_ = 	snop  }
0x7: {  	_ = 	snop  }
__scs_overlays_trampoline_lowered:
0x8: {  	[smem:$0x3FA7] =	sst s0  }
0x9: {  	[smem:$0x3FA8] =	sst s1  }
0xa: {  	[smem:$0x3FA9] =	sst s2  }
0xb: {  	[smem:$0x3FAA] =	sst s3  }
0xc: {  	[smem:$0x3FAB] =	sst s4  }
0xd: {  	[smem:$0x3FAC] =	sst s5  }
0xe: {  	[smem:$0x3FAD] =	sst s6  }
0xf: {  	[smem:$0x3FAE] =	sst s7  }
0x10: {  	[smem:$0x3FAF] =	sst s8  }
0x11: {  	[smem:$0x3FB0] =	sst s9;
	s0 =	simm.s32 @!p0 $0x0  }
0x12: {  	s1 =	sld [smem:$0x3F96];
	s0 =	simm.s32 @p0 $0x1  }
0x13: {  	[smem:$0x3FB1] =	sst s0;
	s0 =	simm.s32 @!p1 $0x0  }
0x14: {  	s2 =	sld [smem:$0x3F95];
	s0 =	simm.s32 @p1 $0x1  }
0x15: {  	[smem:$0x3FB2] =	sst s0;
	s0 =	simm.s32 @!p2 $0x0  }
0x16: {  	s3 =	sld [smem:$0x3FDB];
	s0 =	simm.s32 @p2 $0x1  }
0x17: {  	s4 =	simm.s32 $0x1BF5;
	[smem:$0x3FB4] =	sst s0  }
0x18: {  	s0 =	sld [smem:$0x3F97];
	_ =	swait.ge [sflag:s4], $0x0  }
0x19: {  	s7 =	sld [smem:$0x3F98]  }
0x1a: {  	s8 =	sadd.s32 $0xFFFFE003, lr  }
0x1b: {  	s9 =	sadd.s32 $0xFFFFFEF7, lr;
	s5 =	simm.s32 $0xFFFFFFFF;
	p2 =	slt.u32 s8, $0xFFFFF086  }
0x1c: {  	p1 =	slt.u32 s9, $0xF7A;
	s5 =	simm.s32 @!p2 $0x0  }
0x1d: {  	s5 =	simm.s32 @p1 $0x1;
	p0 =	seq.s32 s7, s2  }
0x1e: {  	s7 =	smul.u32 @!p0 $0xF7A, s2;
	p2 =	seq.s32 @!p0 s5, $0x0  }
0x1f: {  	s9 =	smul.u32 $0xF7A, s1;
	s8 =	simm.s32 @!p0 $0x1BF5;
	p2 =	por !p2, p0  }
0x20: {  	[sflag:s8] =	ssyncset.s32 @!p0 $0xFFFFF086;
	s6 =	sadd.s32 @!p0 s3, s7;
	s7 =	simm.s32 @!p0 $0x108  }
0x21: {  	s3 =	sadd.s32 s3, s9;
	s6 =	sadd.s32 @!p0 $0x88, s6;
	s7 =	simm.s32 @p2 $0x1082  }
0x22: {  	[simem:s7], [sflag:s8] =	dma.local @!p0 [hbm:s6], $0xF7A  }
0x23: {  	s9 =	sor.u32 $0xD0000000, s2;
	s6 =	simm.s32 $0x108;
	_ =	swait.ge @!p0 [sflag:s8], $0x0  }
0x24: {  	s3 =	sadd.s32 $0x88, s3;
	s6 =	simm.s32 @!p1 $0x1082;
	[sflag:s4] =	ssyncset.s32 $0xFFFFF086  }
0x25: {  	[simem:s6], [sflag:s4] =	dma.local [hbm:s3], $0xF7A  }
0x26: {  	[smem:$0x3F98] =	sst s1;
	(tag) =	ssettag s2;
	_ =	strace s9  }
0x27: {  	s1 =	sld [smem:$0x3FA8]  }
0x28: {  	s2 =	sld [smem:$0x3FA9]  }
0x29: {  	s4 =	sld [smem:$0x3FAB]  }
0x2a: {  	p0 =	seq.s32 s5, $0x0;
	s5 =	sld [smem:$0x3FAC]  }
0x2b: {  	s6 =	sld [smem:$0x3FAD]  }
0x2c: {  	s7 =	sld [smem:$0x3FAE]  }
0x2d: {  	s3 =	simm.s32 $0x108;
	s8 =	sld [smem:$0x3FAF]  }
0x2e: {  	s3 =	simm.s32 @!p0 $0x1082;
	s9 =	sld [smem:$0x3FB0]  }
0x2f: {  	lr =	sadd.s32 s0, s3;
	s0 =	sld [smem:$0x3FA7]  }
0x30: {  	s3 =	sld [smem:$0x3FAA]  }
0x31: {  	[smem:$0x3FB3] =	sst s10  }
0x32: {  	s10 =	sld [smem:$0x3FB1];
	_ =	sdelay $0x3  }
0x33: {  	p0 =	seq.s32 s10, $0x1;
	s10 =	sld [smem:$0x3FB3];
	_ =	sdelay $0x3  }
0x34: {  	[smem:$0x3FB3] =	sst s10  }
0x35: {  	s10 =	sld [smem:$0x3FB2];
	_ =	sdelay $0x3  }
0x36: {  	p1 =	seq.s32 s10, $0x1;
	s10 =	sld [smem:$0x3FB3];
	_ =	sdelay $0x3  }
0x37: {  	[smem:$0x3FB3] =	sst s10  }
0x38: {  	s10 =	sld [smem:$0x3FB4]  }
0x39: {  	_ = 	snop;
	(pc) =	sbr.ind lr, $3  }
0x3a: {  	_ = 	snop  }
0x3b: {  	_ = 	snop  }
0x3c: {  	p2 =	seq.s32 s10, $0x1;
	s10 =	sld [smem:$0x3FB3]  }
0x3d: {  	_ =	shalt  }
0x3e: {  	_ =	shalt  }
0x3f: {  	_ =	shalt  }
0x40: {  	_ =	shalt  }
0x41: {  	_ =	shalt  }
0x42: {  	_ =	shalt  }
0x43: {  	_ =	shalt  }
0x44: {  	_ =	shalt  }
0x45: {  	_ =	shalt  }
0x46: {  	_ =	shalt  }
0x47: {  	_ =	shalt  }
0x48: {  	_ =	shalt  }
0x49: {  	_ =	shalt  }
0x4a: {  	_ =	shalt  }
0x4b: {  	_ =	shalt  }
0x4c: {  	_ =	shalt  }
0x4d: {  	_ =	shalt  }
0x4e: {  	_ =	shalt  }
0x4f: {  	_ =	shalt  }
0x50: {  	_ =	shalt  }
0x51: {  	_ =	shalt  }
0x52: {  	_ =	shalt  }
0x53: {  	_ =	shalt  }
0x54: {  	_ =	shalt  }
0x55: {  	_ =	shalt  }
0x56: {  	_ =	shalt  }
0x57: {  	_ =	shalt  }
0x58: {  	_ =	shalt  }
0x59: {  	_ =	shalt  }
0x5a: {  	_ =	shalt  }
0x5b: {  	_ =	shalt  }
0x5c: {  	_ =	shalt  }
0x5d: {  	_ =	shalt  }
0x5e: {  	_ =	shalt  }
0x5f: {  	_ =	shalt  }
0x60: {  	_ =	shalt  }
0x61: {  	_ =	shalt  }
0x62: {  	_ =	shalt  }
0x63: {  	_ =	shalt  }
0x64: {  	_ =	shalt  }
0x65: {  	_ =	shalt  }
0x66: {  	_ =	shalt  }
0x67: {  	_ =	shalt  }
0x68: {  	_ =	shalt  }
0x69: {  	_ =	shalt  }
0x6a: {  	_ =	shalt  }
0x6b: {  	_ =	shalt  }
0x6c: {  	_ =	shalt  }
0x6d: {  	_ =	shalt  }
0x6e: {  	_ =	shalt  }
0x6f: {  	_ =	shalt  }
0x70: {  	_ =	shalt  }
0x71: {  	_ =	shalt  }
0x72: {  	_ =	shalt  }
0x73: {  	_ =	shalt  }
0x74: {  	_ =	shalt  }
0x75: {  	_ =	shalt  }
0x76: {  	_ =	shalt  }
0x77: {  	_ =	shalt  }
0x78: {  	_ =	shalt  }
0x79: {  	_ =	shalt  }
0x7a: {  	_ =	shalt  }
0x7b: {  	_ =	shalt  }
0x7c: {  	_ =	shalt  }
0x7d: {  	_ =	shalt  }
0x7e: {  	_ =	shalt  }
0x7f: {  	_ =	shalt  }
0x80: {  	_ =	shalt  }
0x81: {  	_ =	shalt  }
0x82: {  	_ =	shalt  }
0x83: {  	_ =	shalt  }
0x84: {  	_ =	shalt  }
0x85: {  	_ =	shalt  }
0x86: {  	_ =	shalt  }
0x87: {  	_ =	shalt  }
.Lfunc_end0:
.L_simem_size_0:
called_computation.4_lowered:
.L_overlay_start_0:
0x88: {  	s2 =	sld [smem:$0x3FD9]  }
0x89: {  	s3 =	sld [smem:$0x3FFE];
	_ =	sdelay $0x1  }
0x8a: {  	s1 =	srdreg.scid  }
0x8b: {  	s0 =	sand.u32 $0x1, s1  }
0x8c: {  	s17 =	sshll.u32 s0, $0xA;
	s2 =	sadd.s32 s3, s2  }
0x8d: {  	s2 =	sadd.s32 s2, s17  }
0x8e: {  	[smem:$0x3FBF] =	sst s2  }
0x8f: {  	_ = 	snop  }
0x90: {  	s2 =	sld [smem:$0x3FD0];
	(tm) =	ssettm $0x1  }
0x91: {  	s18 =	sld [smem:$0x3FFB];
	_ =	sdelay $0x3  }
0x92: {  	_ =	strace s18  }
0x93: {  	s3 =	sld [smem:$0x3FFC];
	_ =	sdelay $0x3  }
0x94: {  	_ =	strace s3  }
0x95: {  	s3 =	sld [smem:$0x3FFD];
	_ =	sdelay $0x3  }
0x96: {  	_ =	strace s3  }
0x97: {  	_ =	strace $0x8FFFFFFF  }
0x98: {  	s19 =	sld [smem:$0x3FDB];
	_ =	sdelay $0x1  }
0x99: {  	s4 =	simm.s32 $_scs_section_size  }
0x9a: {  	s5 =	simm.s32 $_size__tile_overlayer_lowered;
	s6 =	simm.s32 $_tile_overlayer_lowered  }
0x9b: {  	s22 =	simm.s32 $0x1BFF;
	s21 =	sshll.u32 s6, $0x1;
	s3 =	sadd.s32 s4, s19  }
0x9c: {  	s7 =	simm.s32 $0x0;
	s20 =	sshll.u32 s5, $0x1;
	s5 =	sadd.s32 s21, s3  }
0x9d: {  	[timem:s7], [sflag:s22] =	dma.local [hbm:s5], s20  }
0x9e: {  	_ =	swait.ge [sflag:s22], s20  }
0x9f: {  	s4 =	ssub.s32 $0x0, s20;
	[sflag:s22] =	ssyncset.done $0x0  }
0xa0: {  	[sflag:s22] =	ssyncadd.s32 s4;
	_ =	sdelay $0x1  }
0xa1: {  	s23 =	simm.s32 $0x1B8B  }
0xa2: {  	_ =	swait.ge [sflag:s23], $0x1  }
0xa3: {  	[sflag:s23] =	ssyncset.done $0x0  }
0xa4: {  	s25 =	simm.s32 $0x1B8E;
	s24 =	sld [smem:$0x3FFE];
	[sflag:s23] =	ssyncadd.s32 $0xFFFFFFFF  }
0xa5: {  	s26 =	simm.s32 $execute0_lowered;
	[smem:$0x3FD2] =	sst s25  }
0xa6: {  	s5 =	sshll.u32 s26, $0x1;
	_ =	strace $0x80000052;
	[dreg:$0x1] =	wrdreg $0xFFFFFFFF  }
0xa7: {  	s28 =	simm.s32 $_size_execute0_lowered;
	s3 =	sadd.s32 s3, s5;
	[dreg:$0x0] =	wrdreg $0x0  }
0xa8: {  	s5 =	sshll.u32 s28, $0x1;
	[dreg:$0x2] =	wrdreg s3  }
0xa9: {  	[dreg:$0x3] =	wrdreg s5  }
0xaa: {  	[dreg:$0x4] =	wrdreg $0xC0  }
0xab: {  	_ =	task [dreg:s7], $0x5FFFF  }
0xac: {  	[dreg:$0x1] =	wrdreg $0xFFFFFFFF  }
0xad: {  	[dreg:$0x0] =	wrdreg $0x60  }
0xae: {  	[dreg:$0x2] =	wrdreg s24  }
0xaf: {  	[dreg:$0x3] =	wrdreg s2  }
0xb0: {  	[dreg:$0x4] =	wrdreg $0x9A000  }
0xb1: {  	[dreg:$0x5] =	wrdreg $0x9  }
0xb2: {  	_ =	task.clear_ibuf [dreg:s7], $0x6FFFF;
	_ =	strace $0x90000052  }
0xb3: {  	s29 =	simm.s32 $0x9;
	_ =	strace $0x80000054  }
0xb4: {  	_ =	swait.ge [sflag:s29], $0x1  }
0xb5: {  	[sflag:s29] =	ssyncadd.s32 $0xFFFFFFFF  }
0xb6: {  	_ =	strace $0x90000054  }
0xb7: {  	_ =	sfence  }
0xb8: {  	s30 =	sld [smem:$0x0];
	_ =	sdelay $0x2  }
0xb9: {  	s31 =	sshll.u32 s1, $0xD;
	s1 =	sshrl.u32 s1, $0x2  }
0xba: {  	s3 =	sand.u32 $0x4000, s31;
	s1 =	sadd.s32 s1, s30  }
0xbb: {  	s0 =	sor.u32 s3, s0;
	s1 =	sshll.u32 s1, $0x11  }
0xbc: {  	s0 =	sor.u32 s1, s0  }
0xbd: {  	s0 =	sadd.s32 $0x8F2B, s0  }
0xbe: {  	[sflag:s0] =	ssyncadd.remote.s32 $0x1  }
0xbf: {  	_ =	sfence.sel $0xFFFF  }
0xc0: {  	[dreg:$0x0] =	wrdreg $0xFFFFFFFF;
	(pc) =	sbr.abs _section_cstart, $3  }
0xc1: {  	[dreg:$0x1] =	wrdreg $0xFFFFFFFF  }
0xc2: {  	_ =	task.clear_ibuf [dreg:s7], $0x2FFFF;
	_ =	strace $0x9FFFFFFF  }
0xc3: {  	(tm) =	ssettm $0x7FFFFFFF  }
tec
execute0_lowered:
.L_overlay_start_1:
0x0: {  	(tag) =	ssettag $0x1  }
0x1: {  	s0 =	srdreg.scid  }
0x2: {  	s1 =	rddreg [dreg:$0x0];
	s11 =	stileid.u32  }
0x3: {  	s7 =	rddreg [dreg:$0x1];
	s15 =	simm.s32 $0x100;
	s16 =	simm.s32 $0x1  }
0x4: {  	s17 =	simm.s32 $0x80;
	s18 =	simm.s32 $0x1A00;
	s19 =	simm.s32 $0x5A00  }
0x5: {  	s21 =	simm.s32 $0x2;
	s22 =	simm.s32 $0x3;
	s23 =	simm.s32 $0x4  }
0x6: {  	s24 =	simm.s32 $0x5;
	s25 =	simm.s32 $0x6;
	s26 =	simm.s32 $0x180  }
0x7: {  	s0 =	sand.u32 $0x1, s0;
	s5 =	smul.u32 $0x13C00, s11;
	s4 =	sadd.s32 $0xFFA00, s1  }
0x8: {  	s28 =	smul.u32 $0x4F000, s11;
	s31 =	sshll.u32 s11, $0x6;
	s2 =	sshll.u32 s0, $0x4  }
0x9: {  	s6 =	smul.u32 $0x13C000, s0;
	s0 =	ssub.s32 $0x2, s0;
	s12 =	sor.u32 $0x1C07, s31  }
0xa: {  	s3 =	sor.u32 s11, s2;
	s2 =	rddreg [dreg:$0x2];
	s10 =	sshrl.u32 s5, $0x3  }
0xb: {  	s29 =	sshrl.u32 s0, $0x1;
	s11 =	simm.s32 $0x7;
	s8 =	smul.u32 $0x300, s3  }
0xc: {  	s3 =	simm.s32 $0x0;
	s5 =	sadd.s32 s5, s6;
	s10 =	sadd.s32 s10, s1  }
0xd: {  	s0 =	ssub.s32 s0, s29;
	s6 =	sshrl.u32 s28, $0x2;
	[smem:$0x7FF] =	sst s3  }
0xe: {  	s5 =	sshrl.u32 s5, $0x3;
	s13 =	sadd.s32 s6, s2;
	s6 =	sadd.s32 $0xD8200, s10  }
0xf: {  	s10 =	simm.s32 $0x0;
	_ =	strace $0x80000053;
	s9 =	sadd.s32 s8, s1  }
0x10: {  	s1 =	sadd.s32 s5, s1;
	s7 =	sadd.s32 s7, s8;
	s13 =	sshrl.u32 s13, $0x3  }
0x11: {  	s5 =	sadd.s32 $0x14EA00, s9;
	s8 =	sadd.s32 $0x2800, s1;
	s9 =	smax.u32 s0, $0x1  }
0x12: {  	s14 =	sadd.s32 $0x20, s7;
	s30 =	sadd.s32 $0x60, s7;
	s0 =	simm.s32 $0x1680  }
.LBB2_1:
0x13: {  	s1 =	simm.s32 $0x200  }
0x14: {  	[tilespmem:s1], [sflag:$0x7] =	stream.linear.gather [hbm4b:s5+s3], $0x1500, $0x38;
	[tilespmem:$0x1D600] =	vst v63  }
0x15: {  	_ =	swait.ge [sflag:s11], $0x1500  }
0x16: {  	[sflag:s11] =	ssyncset.done $0x0  }
0x17: {  	[sflag:s11] =	ssyncadd.s32 $0xFFFFEB00  }
0x18: {  	[spmem:s13], [sflag:s12] =	dma.local [hbm:s6], $0x2780  }
0x19: {  	_ =	swait.ge [sflag:s11], $0x2780  }
0x1a: {  	[sflag:s11] =	ssyncset.done $0x0  }
0x1b: {  	[sflag:s11] =	ssyncadd.s32 $0xFFFFD880  }
0x1c: {  	[bflag:$0x0] =	sbarrier.arrive $0xFFFF  }
0x1d: {  	[tilespmem:s3], [sflag:$0x1] =	stream.linear.gather [hbm4b:s7+s3], $0x100, $0x38;
	[tilespmem:$0x1D600] =	vst v63  }
0x1e: {  	_ = 	snop  }
0x1f: {  	[tilespmem:s15], [sflag:$0x2] =	stream.linear.gather [hbm4b:s14+s3], $0x100, $0x38;
	[tilespmem:$0x1D600] =	vst v63  }
0x20: {  	_ =	swait.ge [sflag:s16], $0x100  }
0x21: {  	[sflag:s16] =	ssyncset.done $0x0  }
0x22: {  	[sflag:s16] =	ssyncadd.s32 $0xFFFFFF00  }
0x23: {  	[tilespmem:s18], [sflag:$0x3] =	stream.indirect.gather [hbm4b:s4+s17], $0x80, s3, s17, $0xb8;
	[tilespmem:$0x1D600] =	vst v63  }
0x24: {  	_ = 	snop  }
0x25: {  	[tilespmem:s19], [sflag:$0x4] =	stream.indirect.gather [hbm4b:s4+s17], $0x80, s17, s17, $0xb8;
	[tilespmem:$0x1D600] =	vst v63  }
0x26: {  	_ =	swait.ge [sflag:s21], $0x100  }
0x27: {  	[sflag:s21] =	ssyncset.done $0x0  }
0x28: {  	[sflag:s21] =	ssyncadd.s32 $0xFFFFFF00  }
0x29: {  	_ =	swait.ge [sflag:s22], $0x4000  }
0x2a: {  	[sflag:s22] =	ssyncset.done $0x0  }
0x2b: {  	s20 =	simm.s32 $0x200;
	[sflag:s22] =	ssyncadd.s32 $0xFFFFC000  }
0x2c: {  	[spmem:s2] =	stream.indirect.scatter.add.f32 [tilespmem:s18], [sflag:$0x5], $0x80, s20, s17, $0xb8;
	[tilespmem:$0x1D600] =	vst v63  }
0x2d: {  	_ =	swait.ge [sflag:s23], $0x4000  }
0x2e: {  	[sflag:s23] =	ssyncset.done $0x0  }
0x2f: {  	s1 =	simm.s32 $0x280;
	[sflag:s23] =	ssyncadd.s32 $0xFFFFC000  }
0x30: {  	[spmem:s2] =	stream.indirect.scatter.add.f32 [tilespmem:s19], [sflag:$0x6], $0x80, s1, s17, $0xb8;
	[tilespmem:$0x1D600] =	vst v63  }
0x31: {  	_ =	swait.ge [sflag:s24], $0x4000  }
0x32: {  	[sflag:s24] =	ssyncset.done $0x0  }
0x33: {  	[sflag:s24] =	ssyncadd.s32 $0xFFFFC000  }
0x34: {  	[tilespmem:s18], [sflag:$0x3] =	stream.indirect.gather [hbm4b:s4+s17], $0x80, s15, s17, $0xb8;
	[tilespmem:$0x1D600] =	vst v63  }
0x35: {  	_ =	swait.ge [sflag:s25], $0x4000  }
0x36: {  	[sflag:s25] =	ssyncset.done $0x0  }
0x37: {  	[sflag:s25] =	ssyncadd.s32 $0xFFFFC000  }
0x38: {  	[tilespmem:s19], [sflag:$0x4] =	stream.indirect.gather [hbm4b:s4+s17], $0x80, s26, s17, $0xb8;
	[tilespmem:$0x1D600] =	vst v63  }
0x39: {  	s31 =	sadd.s32 $0xFFFFFFE0, s30  }
0x3a: {  	[tilespmem:s3], [sflag:$0x1] =	stream.linear.gather [hbm4b:s31+s3], $0x100, $0x38;
	[tilespmem:$0x1D600] =	vst v63  }
0x3b: {  	_ =	swait.ge [sflag:s16], $0x100  }
0x3c: {  	[sflag:s16] =	ssyncset.done $0x0  }
0x3d: {  	[sflag:s16] =	ssyncadd.s32 $0xFFFFFF00  }
0x3e: {  	_ =	swait.ge [sflag:s22], $0x4000  }
0x3f: {  	[sflag:s22] =	ssyncset.done $0x0  }
0x40: {  	s1 =	simm.s32 $0x300;
	[sflag:s22] =	ssyncadd.s32 $0xFFFFC000  }
0x41: {  	[spmem:s2] =	stream.indirect.scatter.add.f32 [tilespmem:s18], [sflag:$0x5], $0x80, s1, s17, $0xb8;
	[tilespmem:$0x1D600] =	vst v63  }
0x42: {  	_ =	swait.ge [sflag:s23], $0x4000  }
0x43: {  	[sflag:s23] =	ssyncset.done $0x0  }
0x44: {  	s31 =	simm.s32 $0x380;
	[sflag:s23] =	ssyncadd.s32 $0xFFFFC000  }
0x45: {  	[spmem:s2] =	stream.indirect.scatter.add.f32 [tilespmem:s19], [sflag:$0x6], $0x80, s31, s17, $0xb8;
	[tilespmem:$0x1D600] =	vst v63  }
0x46: {  	_ =	swait.ge [sflag:s24], $0x4000  }
0x47: {  	[sflag:s24] =	ssyncset.done $0x0  }
0x48: {  	[sflag:s24] =	ssyncadd.s32 $0xFFFFC000  }
0x49: {  	[tilespmem:s18], [sflag:$0x3] =	stream.indirect.gather [hbm4b:s4+s17], $0x80, s3, s17, $0xb8;
	[tilespmem:$0x1D600] =	vst v63  }
0x4a: {  	_ =	swait.ge [sflag:s25], $0x4000  }
0x4b: {  	s28 =	simm.s32 $0x800;
	[sflag:s25] =	ssyncset.done $0x0  }
0x4c: {  	s29 =	sadd.s32 $0x40, s30;
	s20 =	smov.u32 s30;
	[sflag:s25] =	ssyncadd.s32 $0xFFFFC000  }
0x4d: {  	[tilespmem:s19], [sflag:$0x4] =	stream.indirect.gather [hbm4b:s4+s17], $0x80, s17, s17, $0xb8;
	[tilespmem:$0x1D600] =	vst v63  }
.LBB2_2:
0x4e: {  	[tilespmem:s15], [sflag:$0x2] =	stream.linear.gather [hbm4b:s20+s3], $0x100, $0x38;
	[tilespmem:$0x1D600] =	vst v63  }
0x4f: {  	s31 =	smov.u32 s28;
	s20 =	smov.u32 s29  }
0x50: {  	p0 =	sne.s32 s28, $0x4000;
	s28 =	sadd.s32 $0x800, s28;
	_ =	swait.ge [sflag:s21], $0x100  }
0x51: {  	[sflag:s21] =	ssyncset.done $0x0  }
0x52: {  	[sflag:s21] =	ssyncadd.s32 $0xFFFFFF00  }
0x53: {  	_ =	swait.ge [sflag:s22], $0x4000  }
0x54: {  	s31 =	sshra.s32 s31, $0x2;
	[sflag:s22] =	ssyncset.done $0x0  }
0x55: {  	s1 =	sadd.s32 $0x200, s31;
	[sflag:s22] =	ssyncadd.s32 $0xFFFFC000  }
0x56: {  	[spmem:s2] =	stream.indirect.scatter.add.f32 [tilespmem:s18], [sflag:$0x5], $0x80, s1, s17, $0xb8;
	[tilespmem:$0x1D600] =	vst v63  }
0x57: {  	_ =	swait.ge [sflag:s23], $0x4000  }
0x58: {  	[sflag:s23] =	ssyncset.done $0x0  }
0x59: {  	s1 =	sadd.s32 $0x280, s31;
	[sflag:s23] =	ssyncadd.s32 $0xFFFFC000  }
0x5a: {  	[spmem:s2] =	stream.indirect.scatter.add.f32 [tilespmem:s19], [sflag:$0x6], $0x80, s1, s17, $0xb8;
	[tilespmem:$0x1D600] =	vst v63  }
0x5b: {  	_ =	swait.ge [sflag:s24], $0x4000  }
0x5c: {  	[sflag:s24] =	ssyncset.done $0x0  }
0x5d: {  	[sflag:s24] =	ssyncadd.s32 $0xFFFFC000  }
0x5e: {  	[tilespmem:s18], [sflag:$0x3] =	stream.indirect.gather [hbm4b:s4+s17], $0x80, s15, s17, $0xb8;
	[tilespmem:$0x1D600] =	vst v63  }
0x5f: {  	_ =	swait.ge [sflag:s25], $0x4000  }
0x60: {  	[sflag:s25] =	ssyncset.done $0x0  }
0x61: {  	[sflag:s25] =	ssyncadd.s32 $0xFFFFC000  }
0x62: {  	[tilespmem:s19], [sflag:$0x4] =	stream.indirect.gather [hbm4b:s4+s17], $0x80, s26, s17, $0xb8;
	[tilespmem:$0x1D600] =	vst v63  }
0x63: {  	s1 =	sadd.s32 $0xFFFFFFE0, s29  }
0x64: {  	[tilespmem:s3], [sflag:$0x1] =	stream.linear.gather [hbm4b:s1+s3], $0x100, $0x38;
	[tilespmem:$0x1D600] =	vst v63  }
0x65: {  	_ =	swait.ge [sflag:s16], $0x100  }
0x66: {  	[sflag:s16] =	ssyncset.done $0x0  }
0x67: {  	[sflag:s16] =	ssyncadd.s32 $0xFFFFFF00  }
0x68: {  	_ =	swait.ge [sflag:s22], $0x4000  }
0x69: {  	[sflag:s22] =	ssyncset.done $0x0  }
0x6a: {  	s1 =	sadd.s32 $0x300, s31;
	[sflag:s22] =	ssyncadd.s32 $0xFFFFC000  }
0x6b: {  	[spmem:s2] =	stream.indirect.scatter.add.f32 [tilespmem:s18], [sflag:$0x5], $0x80, s1, s17, $0xb8;
	[tilespmem:$0x1D600] =	vst v63  }
0x6c: {  	_ =	swait.ge [sflag:s23], $0x4000  }
0x6d: {  	[sflag:s23] =	ssyncset.done $0x0  }
0x6e: {  	s1 =	sadd.s32 $0x380, s31;
	[sflag:s23] =	ssyncadd.s32 $0xFFFFC000  }
0x6f: {  	[spmem:s2] =	stream.indirect.scatter.add.f32 [tilespmem:s19], [sflag:$0x6], $0x80, s1, s17, $0xb8;
	[tilespmem:$0x1D600] =	vst v63  }
0x70: {  	_ =	swait.ge [sflag:s24], $0x4000  }
0x71: {  	[sflag:s24] =	ssyncset.done $0x0  }
0x72: {  	[sflag:s24] =	ssyncadd.s32 $0xFFFFC000  }
0x73: {  	[tilespmem:s18], [sflag:$0x3] =	stream.indirect.gather [hbm4b:s4+s17], $0x80, s3, s17, $0xb8;
	[tilespmem:$0x1D600] =	vst v63  }
.Ltmp0:
0x74: {  	_ =	swait.ge [sflag:s25], $0x4000;
	(pc) =	sbr.rel @p0 .LBB2_2-.Ltmp0, $4  }
0x75: {  	[sflag:s25] =	ssyncset.done $0x0  }
0x76: {  	[sflag:s25] =	ssyncadd.s32 $0xFFFFC000  }
0x77: {  	[tilespmem:s19], [sflag:$0x4] =	stream.indirect.gather [hbm4b:s4+s17], $0x80, s17, s17, $0xb8;
	[tilespmem:$0x1D600] =	vst v63  }
0x78: {  	s29 =	sadd.s32 $0x40, s29  }
0x79: {  	[tilespmem:s15], [sflag:$0x2] =	stream.linear.gather [hbm4b:s20+s3], $0x100, $0x38;
	[tilespmem:$0x1D600] =	vst v63  }
0x7a: {  	_ =	swait.ge [sflag:s21], $0x100  }
0x7b: {  	[sflag:s21] =	ssyncset.done $0x0  }
0x7c: {  	[sflag:s21] =	ssyncadd.s32 $0xFFFFFF00  }
0x7d: {  	_ =	swait.ge [sflag:s22], $0x4000  }
0x7e: {  	[sflag:s22] =	ssyncset.done $0x0  }
0x7f: {  	s1 =	simm.s32 $0x1400;
	[sflag:s22] =	ssyncadd.s32 $0xFFFFC000  }
0x80: {  	[spmem:s2] =	stream.indirect.scatter.add.f32 [tilespmem:s18], [sflag:$0x5], $0x80, s1, s17, $0xb8;
	[tilespmem:$0x1D600] =	vst v63  }
0x81: {  	_ =	swait.ge [sflag:s23], $0x4000  }
0x82: {  	[sflag:s23] =	ssyncset.done $0x0  }
0x83: {  	s31 =	simm.s32 $0x1480;
	[sflag:s23] =	ssyncadd.s32 $0xFFFFC000  }
0x84: {  	[spmem:s2] =	stream.indirect.scatter.add.f32 [tilespmem:s19], [sflag:$0x6], $0x80, s31, s17, $0xb8;
	[tilespmem:$0x1D600] =	vst v63  }
0x85: {  	_ =	swait.ge [sflag:s24], $0x4000  }
0x86: {  	[sflag:s24] =	ssyncset.done $0x0  }
0x87: {  	[sflag:s24] =	ssyncadd.s32 $0xFFFFC000  }
0x88: {  	[tilespmem:s18], [sflag:$0x3] =	stream.indirect.gather [hbm4b:s4+s17], $0x80, s15, s17, $0xb8;
	[tilespmem:$0x1D600] =	vst v63  }
0x89: {  	_ =	swait.ge [sflag:s25], $0x4000  }
0x8a: {  	[sflag:s25] =	ssyncset.done $0x0  }
0x8b: {  	[sflag:s25] =	ssyncadd.s32 $0xFFFFC000  }
0x8c: {  	[tilespmem:s19], [sflag:$0x4] =	stream.indirect.gather [hbm4b:s4+s17], $0x80, s26, s17, $0xb8;
	[tilespmem:$0x1D600] =	vst v63  }
0x8d: {  	s20 =	sadd.s32 $0x280, s7  }
0x8e: {  	[tilespmem:s3], [sflag:$0x1] =	stream.linear.gather [hbm4b:s20+s3], $0x100, $0x38;
	[tilespmem:$0x1D600] =	vst v63  }
0x8f: {  	_ =	swait.ge [sflag:s16], $0x100  }
0x90: {  	[sflag:s16] =	ssyncset.done $0x0  }
0x91: {  	[sflag:s16] =	ssyncadd.s32 $0xFFFFFF00  }
0x92: {  	_ =	swait.ge [sflag:s22], $0x4000  }
0x93: {  	[sflag:s22] =	ssyncset.done $0x0  }
0x94: {  	s28 =	simm.s32 $0x1500;
	[sflag:s22] =	ssyncadd.s32 $0xFFFFC000  }
0x95: {  	[spmem:s2] =	stream.indirect.scatter.add.f32 [tilespmem:s18], [sflag:$0x5], $0x80, s28, s17, $0xb8;
	[tilespmem:$0x1D600] =	vst v63  }
0x96: {  	_ =	swait.ge [sflag:s23], $0x4000  }
0x97: {  	[sflag:s23] =	ssyncset.done $0x0  }
0x98: {  	s29 =	simm.s32 $0x1580;
	[sflag:s23] =	ssyncadd.s32 $0xFFFFC000  }
0x99: {  	[spmem:s2] =	stream.indirect.scatter.add.f32 [tilespmem:s19], [sflag:$0x6], $0x80, s29, s17, $0xb8;
	[tilespmem:$0x1D600] =	vst v63  }
0x9a: {  	_ =	swait.ge [sflag:s24], $0x4000  }
0x9b: {  	[sflag:s24] =	ssyncset.done $0x0  }
0x9c: {  	[sflag:s24] =	ssyncadd.s32 $0xFFFFC000  }
0x9d: {  	[tilespmem:s18], [sflag:$0x3] =	stream.indirect.gather [hbm4b:s4+s17], $0x80, s3, s17, $0xb8;
	[tilespmem:$0x1D600] =	vst v63  }
0x9e: {  	_ =	swait.ge [sflag:s25], $0x4000  }
0x9f: {  	[sflag:s25] =	ssyncset.done $0x0  }
0xa0: {  	[sflag:s25] =	ssyncadd.s32 $0xFFFFC000  }
0xa1: {  	[tilespmem:s19], [sflag:$0x4] =	stream.indirect.gather [hbm4b:s4+s17], $0x80, s17, s17, $0xb8;
	[tilespmem:$0x1D600] =	vst v63  }
0xa2: {  	_ =	swait.ge [sflag:s22], $0x4000  }
0xa3: {  	[sflag:s22] =	ssyncset.done $0x0  }
0xa4: {  	s31 =	simm.s32 $0x1600;
	[sflag:s22] =	ssyncadd.s32 $0xFFFFC000  }
0xa5: {  	[spmem:s2] =	stream.indirect.scatter.add.f32 [tilespmem:s18], [sflag:$0x5], $0x80, s31, s17, $0xb8;
	[tilespmem:$0x1D600] =	vst v63  }
0xa6: {  	_ =	swait.ge [sflag:s23], $0x4000  }
0xa7: {  	[sflag:s23] =	ssyncset.done $0x0  }
0xa8: {  	[sflag:s23] =	ssyncadd.s32 $0xFFFFC000  }
0xa9: {  	[spmem:s2] =	stream.indirect.scatter.add.f32 [tilespmem:s19], [sflag:$0x6], $0x80, s0, s17, $0xb8;
	[tilespmem:$0x1D600] =	vst v63  }
0xaa: {  	_ =	swait.ge [sflag:s24], $0x4000  }
0xab: {  	[sflag:s24] =	ssyncset.done $0x0  }
0xac: {  	[sflag:s24] =	ssyncadd.s32 $0xFFFFC000  }
0xad: {  	_ =	swait.ge [sflag:s25], $0x4000  }
0xae: {  	s10 =	sadd.s32 $0x1, s10;
	[sflag:s25] =	ssyncset.done $0x0  }
0xaf: {  	p0 =	sne.s32 s10, s9;
	[sflag:s25] =	ssyncadd.s32 $0xFFFFC000  }
.Ltmp1:
0xb0: {  	[bflag:$0x0] =	sbarrier.arrive $0xFFFF;
	(pc) =	sbr.rel @p0 .LBB2_1-.Ltmp1, $4  }
0xb1: {  	[hbm:s8], [sflag:s12] =	dma.local [spmem:s13], $0x2780  }
0xb2: {  	_ =	swait.ge [sflag:s11], $0x2780  }
0xb3: {  	[sflag:s11] =	ssyncset.done $0x0  }
0xb4: {  	[sflag:s11] =	ssyncadd.s32 $0xFFFFD880  }
0xb5: {  	_ =	sfence.sel $0x180000  }
0xb6: {  	[bflag:$0x0] =	sbarrier.arrive $0xFFFF  }
0xb7: {  	_ =	strace $0x90000053  }
0xb8: {  	s0 =	stileid.u32;
	[bflag:$0x2] =	sbarrier.arrive $0xFFFF  }
0xb9: {  	p0 =	sne.s32 s0, $0x0;
	s0 =	rddreg [dreg:$0x3]  }
0xba: {  	s0 =	sadd.s32 @!p0 $0x100000, s0  }
0xbb: {  	[sflag:s0] =	ssyncadd.tile.s32 @!p0 $0x1;
	_ =	shalt  }
.Lfunc_end2:
_tile_overlayer_lowered:
.L_overlay_start_2:
0xbc: {  	(tag) =	ssettag $0x2  }
0xbd: {  	s0 =	rddreg [dreg:$0x0];
	s2 =	stileid.u32  }
0xbe: {  	s1 =	rddreg [dreg:$0x1];
	p0 =	sne.s32 s2, $0x0  }
0xbf: {  	s3 =	rddreg [dreg:$0x2];
	[bflag:$0x3] =	sbarrier.arrive $0xFFFF;
	s2 =	simm.s32 @!p0 $0x1C07  }
0xc0: {  	[timem:s3], [sflag:s2] =	dma.local @!p0 [hbm:s0], s1  }
0xc1: {  	s0 =	simm.s32 @!p0 $0x7  }
0xc2: {  	_ =	swait.ge @!p0 [sflag:s0], s1  }
0xc3: {  	s1 =	ssub.s32 @!p0 $0x0, s1;
	[sflag:s0] =	ssyncset.done @!p0 $0x0  }
0xc4: {  	[sflag:s0] =	ssyncadd.s32 @!p0 s1  }
0xc5: {  	[bflag:$0x3] =	sbarrier.arrive $0xFFFF  }
0xc6: {  	_ =	shalt  }

</sc_bundles>
